<compile_context>
chip_gen: v7x
topology: tpu7x:2x2x1
jax: 0.10.2.dev20260603
libtpu: 0.0.44.dev20260713+nightly
codegen_flags: <defaults>
</compile_context>

<pallas_src>
import functools

import jax
import jax.numpy as jnp
from jax import lax
from jax.experimental import pallas as pl
from jax.experimental.pallas import tpu as pltpu
from jax.experimental.pallas import tpu_sc as plsc

_ALPHA = 1.0
_BETA = 1.0
_LAMB = 1e-4
_K = 16
_TAU = 0.1
_EPS = 0.05
_DELTA = 0.01
_SINK = 50

_B = 128
_D = 128
_U = 32
_TN = 2000
_NSTEP = 50
_NROW = 100000



def _dot(a, b, dims):
    return lax.dot_general(a, b, (dims, ((), ())),
                           preferred_element_type=jnp.float32)


def _eye(n, dtype=jnp.float32):
    r = lax.broadcasted_iota(jnp.int32, (n, n), 0)
    c = lax.broadcasted_iota(jnp.int32, (n, n), 1)
    return (r == c).astype(dtype)


def _transpose(a):
    n = a.shape[0]
    return _dot(a, _eye(n), ((0,), (0,)))


def _t_intsplit(a):
    c2 = jnp.floor(a * (1.0 / 65536.0))
    r = a - c2 * 65536.0
    c1 = jnp.floor(r * (1.0 / 256.0))
    c0 = r - c1 * 256.0
    return (_transpose(c0) + 256.0 * _transpose(c1)
            + 65536.0 * _transpose(c2))


def _t_f32(a):
    hi = a.astype(jnp.bfloat16).astype(jnp.float32)
    r1 = a - hi
    mid = r1.astype(jnp.bfloat16).astype(jnp.float32)
    lo = r1 - mid
    return _transpose(hi) + _transpose(mid) + _transpose(lo)



def _stage_a_body(praw_ref, wraw_ref, qi_ref, q_ref, w_ref, b_ref, x_ref,
                  post_ref, union_ref, invp_ref, invq_ref,
                  s_ref, sx_ref, t0_ref, prew_ref,
                  t0_scr, t0t_scr, s_scr, sx_scr, topv_scr, topi_scr, d_scr):
    step = pl.program_id(0)

    @pl.when(step == 0)
    def _init():
        t0 = _dot(q_ref[...], w_ref[...], ((1,), (1,))) + b_ref[...]
        t0_scr[...] = t0
        t0t_scr[...] = _transpose(t0)
        s_scr[...] = jnp.zeros_like(s_scr)
        sx_scr[...] = jnp.zeros_like(sx_scr)
        topv_scr[...] = jnp.full_like(topv_scr, jnp.inf)
        topi_scr[...] = jnp.zeros_like(topi_scr)

    x = x_ref[...]
    s_scr[...] += _dot(x, x, ((0,), (0,)))
    sx_scr[...] += jnp.sum(x, axis=0, keepdims=True)

    xn = jnp.sum(x * x, axis=1, keepdims=True)
    d_scr[...] = xn - 2.0 * _dot(x, t0t_scr[...], ((1,), (0,)))

    base = jnp.float32(step * _TN)
    slot = lax.broadcasted_iota(jnp.int32, (_K, _B), 0)
    big_f = jnp.float32(3e38)

    def cond(carry):
        return carry

    def body(carry):
        lane = (lax.broadcasted_iota(jnp.int32, (_TN, _B), 0)
                .astype(jnp.float32) + base)
        d = d_scr[...]
        topv = topv_scr[...]
        topi = topi_scr[...]
        minv = jnp.min(d, axis=0, keepdims=True)
        mini = jnp.min(jnp.where(d == minv, lane, big_f),
                       axis=0, keepdims=True)
        d_scr[...] = jnp.where(lane == mini, jnp.inf, d)
        beats = (topv < minv) | ((topv == minv) & (topi < mini))
        p = jnp.sum(beats.astype(jnp.int32), axis=0, keepdims=True)
        sv = jnp.concatenate([topv[:1], topv[:-1]], axis=0)
        si = jnp.concatenate([topi[:1], topi[:-1]], axis=0)
        bm = jnp.broadcast_to(minv, (_K, _B))
        bi = jnp.broadcast_to(mini, (_K, _B))
        topv_scr[...] = jnp.where(slot < p, topv,
                                  jnp.where(slot == p, bm, sv))
        topi_scr[...] = jnp.where(slot < p, topi,
                                  jnp.where(slot == p, bi, si))
        return jnp.any(p < _K)

    lax.while_loop(cond, body, jnp.bool_(True))

    @pl.when(step == _NSTEP - 1)
    def _finish():
        off = lax.rem(qi_ref[...], jnp.int32(8)) * _K
        coli = lax.broadcasted_iota(jnp.int32, (_B, _D), 1)
        pre_v, pre_w = [], []
        for j in range(_K):
            mask = coli == (off + j)
            pre_v.append(jnp.sum(jnp.where(mask, praw_ref[...], 0),
                                 axis=1, keepdims=True))
            pre_w.append(jnp.sum(jnp.where(mask, wraw_ref[...], 0.0),
                                 axis=1, keepdims=True))
        prew_ref[...] = jnp.concatenate(pre_w, axis=1)
        pre_bk = jnp.concatenate(pre_v, axis=1).astype(jnp.float32)
        pre_vals = _t_intsplit(pre_bk)

        cat = jnp.concatenate([pre_vals, topi_scr[...]], axis=0)
        ci = cat[:, None, :]
        cj = cat[None, :, :]
        ii = lax.broadcasted_iota(jnp.int32, (_U, _U, _B), 0)
        jj = lax.broadcasted_iota(jnp.int32, (_U, _U, _B), 1)
        eq = ci == cj
        dup_before = jnp.any(eq & (jj < ii), axis=1)
        first = jnp.logical_not(dup_before)
        less = cj < ci
        rank = jnp.sum((first[None, :, :] & less).astype(jnp.int32), axis=1)
        rank_f = rank.astype(jnp.float32)
        m = jnp.sum(first.astype(jnp.float32), axis=0, keepdims=True)
        minval = jnp.min(cat, axis=0, keepdims=True)
        rr = lax.broadcasted_iota(jnp.int32, (_U, _U, _B), 1)
        sel = first[:, None, :] & (rank[:, None, :] == rr)
        union0 = jnp.sum(jnp.where(sel, ci, 0.0), axis=0)
        r1 = (lax.broadcasted_iota(jnp.int32, (_U, _B), 0)
              .astype(jnp.float32))
        union_t = jnp.where(r1 < m, union0,
                            jnp.broadcast_to(minval, (_U, _B)))
        half = jnp.float32(0.5)
        union_ref[...] = (_t_intsplit(union_t) + half).astype(jnp.int32)
        post_ref[...] = (_t_intsplit(topi_scr[...]) + half).astype(jnp.int32)
        invp_ref[...] = (_transpose(rank_f[:_K]) + half).astype(jnp.int32)
        invq_ref[...] = (_transpose(rank_f[_K:]) + half).astype(jnp.int32)
        s_ref[...] = s_scr[...]
        sx_ref[...] = sx_scr[...]
        t0_ref[...] = t0_scr[...]


def _stage_a(praw, wraw, qi2, q_batch, X, W, b2):
    out_shapes = (
        jax.ShapeDtypeStruct((_B, _K), jnp.int32),
        jax.ShapeDtypeStruct((_B, _U), jnp.int32),
        jax.ShapeDtypeStruct((_B, _K), jnp.int32),
        jax.ShapeDtypeStruct((_B, _K), jnp.int32),
        jax.ShapeDtypeStruct((_D, _D), jnp.float32),
        jax.ShapeDtypeStruct((1, _D), jnp.float32),
        jax.ShapeDtypeStruct((_B, _D), jnp.float32),
        jax.ShapeDtypeStruct((_B, _K), jnp.float32),
    )
    whole = lambda shape: pl.BlockSpec(shape, lambda i: (0, 0))
    return pl.pallas_call(
        _stage_a_body,
        grid=(_NSTEP,),
        in_specs=[
            whole((_B, _D)),
            whole((_B, _D)),
            whole((_B, 1)),
            whole((_B, _D)),
            whole((_D, _D)),
            whole((1, _D)),
            pl.BlockSpec((_TN, _D), lambda i: (i, 0)),
        ],
        out_specs=tuple(whole(s.shape) for s in out_shapes),
        out_shape=out_shapes,
        scratch_shapes=[
            pltpu.VMEM((_B, _D), jnp.float32),
            pltpu.VMEM((_D, _B), jnp.float32),
            pltpu.VMEM((_D, _D), jnp.float32),
            pltpu.VMEM((1, _D), jnp.float32),
            pltpu.VMEM((_K, _B), jnp.float32),
            pltpu.VMEM((_K, _B), jnp.float32),
            pltpu.VMEM((_TN, _B), jnp.float32),
        ],
    )(praw, wraw, qi2, q_batch, W, b2, X)



def _sc_gather_pre(q_indices, pidx_view, pw_view):
    info = plsc.get_sparse_core_info()
    nc, ns = info.num_cores, info.num_subcores
    workers = 8
    rows = _B // workers

    mesh = plsc.VectorSubcoreMesh(core_axis_name="c", subcore_axis_name="s")

    @functools.partial(
        pl.kernel, mesh=mesh,
        out_type=(jax.ShapeDtypeStruct((_B, _D), jnp.int32),
                  jax.ShapeDtypeStruct((_B, _D), jnp.float32)),
        scratch_types=[
            pltpu.VMEM((rows,), jnp.int32),
            pltpu.VMEM((rows,), jnp.int32),
            pltpu.VMEM((rows, _D), jnp.int32),
            pltpu.VMEM((rows, _D), jnp.float32),
            pltpu.SemaphoreType.DMA,
        ],
    )
    def k(qi_hbm, pidx_hbm, pw_hbm, oi_hbm, ow_hbm,
          idx_v, idxb_v, ri_v, rw_v, sem):
        wid = lax.axis_index("s") * nc + lax.axis_index("c")

        @pl.when(wid < workers)
        def _():
            base = wid * rows
            pltpu.sync_copy(qi_hbm.at[pl.ds(base, rows)], idx_v)
            idxb_v[...] = lax.div(idx_v[...], jnp.int32(8))
            pltpu.async_copy(pidx_hbm.at[idxb_v], ri_v, sem).wait()
            pltpu.async_copy(pw_hbm.at[idxb_v], rw_v, sem).wait()
            pltpu.sync_copy(ri_v, oi_hbm.at[pl.ds(base, rows)])
            pltpu.sync_copy(rw_v, ow_hbm.at[pl.ds(base, rows)])

    return k(q_indices, pidx_view, pw_view)


def _sc_gather_rows(X, idx_all):
    info = plsc.get_sparse_core_info()
    nc, ns = info.num_cores, info.num_subcores
    nw = nc * ns
    total = idx_all.shape[0]
    per_w = total // nw
    chunk = per_w // 2

    mesh = plsc.VectorSubcoreMesh(core_axis_name="c", subcore_axis_name="s")

    @functools.partial(
        pl.kernel, mesh=mesh,
        out_type=jax.ShapeDtypeStruct((total, _D), jnp.float32),
        scratch_types=[
            pltpu.VMEM((chunk,), jnp.int32),
            pltpu.VMEM((chunk,), jnp.int32),
            pltpu.VMEM((chunk, _D), jnp.float32),
            pltpu.VMEM((chunk, _D), jnp.float32),
            pltpu.SemaphoreType.DMA,
            pltpu.SemaphoreType.DMA,
        ],
    )
    def k(x_hbm, idx_hbm, out_hbm, ia_v, ib_v, ra_v, rb_v, sa, sb):
        wid = lax.axis_index("s") * nc + lax.axis_index("c")
        base = wid * per_w
        pltpu.sync_copy(idx_hbm.at[pl.ds(base, chunk)], ia_v)
        pltpu.sync_copy(idx_hbm.at[pl.ds(base + chunk, chunk)], ib_v)
        ca = pltpu.async_copy(x_hbm.at[ia_v], ra_v, sa)
        cb = pltpu.async_copy(x_hbm.at[ib_v], rb_v, sb)
        ca.wait()
        pltpu.sync_copy(ra_v, out_hbm.at[pl.ds(base, chunk)])
        cb.wait()
        pltpu.sync_copy(rb_v, out_hbm.at[pl.ds(base + chunk, chunk)])

    return k(X, idx_all)



def _dot_hi(a, b):
    return lax.dot_general(a, b, ((((1,), (0,))), ((), ())),
                           preferred_element_type=jnp.float32,
                           precision=lax.Precision.HIGHEST)


def _ns_sqrt(a, iters):
    eye = _eye(_D)
    c = jnp.sqrt(jnp.sum(a * a))
    y0 = a / c

    y, z = y0, eye
    for _ in range(iters):
        t = 1.5 * eye - 0.5 * _dot_hi(z, y)
        y, z = _dot_hi(y, t), _dot_hi(t, z)
    return y * jnp.sqrt(c)


def _stage_c_body(t0_ref, s_ref, sx_ref, xnb_ref, sup_ref, prew_ref,
                  invp_ref, invq_ref, w_ref, b_ref,
                  tot_ref, dist_ref, knn_ref,
                  c_scr, km_scr, supt_scr):
    f32 = jnp.float32
    eye = _eye(_D)

    n = jnp.float32(_NROW)
    mu_x = sx_ref[...] / n
    sigx = (s_ref[...] - n * _dot(mu_x, mu_x, ((0,), (0,)))) / (n - 1.0)
    trx = jnp.sum(sigx * eye)
    sigx = sigx + (trx / _D * _DELTA) * eye
    sigx = (sigx + _t_f32(sigx)) * 0.5

    t0 = t0_ref[...]
    mu_t = jnp.sum(t0, axis=0, keepdims=True) / _B
    tc = t0 - mu_t
    sigt = _dot(tc, tc, ((0,), (0,))) / (_B - 1.0)
    trt = jnp.sum(sigt * eye)
    sigt = sigt + (trt / _D * _DELTA) * eye
    sigt = (sigt + _t_f32(sigt)) * 0.5

    term_mean = jnp.sum((mu_t - mu_x) ** 2)
    sqrt_t = _ns_sqrt(sigt, 30)
    m_mat = _dot(_dot(sqrt_t, sigx, ((1,), (0,))), sqrt_t, ((1,), (0,)))
    m_mat = (m_mat + _t_f32(m_mat)) * 0.5
    sqrt_m = _ns_sqrt(m_mat, 34)
    term_cov = (jnp.sum(sigx * eye) + jnp.sum(sigt * eye)
                - 2.0 * jnp.sum(sqrt_m * eye))
    loss_dist = term_mean + jnp.maximum(term_cov, 0.0)

    xnb = xnb_ref[...]
    diff = t0[:, None, :] - xnb
    l2 = jnp.sum(diff * diff, axis=-1)
    logits = -l2 / _TAU
    logits = logits - jnp.max(logits, axis=1, keepdims=True)
    e = jnp.exp(logits)
    post_w = e / jnp.sum(e, axis=1, keepdims=True)
    post_w = jnp.clip(post_w, 1e-8, None)
    post_w = post_w / jnp.sum(post_w, axis=1, keepdims=True)

    pre_w = jnp.clip(prew_ref[...], 1e-8, None)
    pre_w = pre_w / jnp.sum(pre_w, axis=1, keepdims=True)

    ip = invp_ref[...]
    kk1 = lax.broadcasted_iota(jnp.int32, (_B, _K, _K), 1)
    kk2 = lax.broadcasted_iota(jnp.int32, (_B, _K, _K), 2)
    eq_p = ip[:, :, None] == ip[:, None, :]
    dup_after = jnp.any(eq_p & (kk2 > kk1), axis=2)
    is_last = jnp.logical_not(dup_after)

    r_i = lax.broadcasted_iota(jnp.int32, (_B, _K, _U), 2)
    sel_p = (ip[:, :, None] == r_i) & is_last[:, :, None]
    p_br = jnp.sum(jnp.where(sel_p, pre_w[:, :, None], 0.0), axis=1)
    iq = invq_ref[...]
    sel_q = iq[:, :, None] == r_i
    q_br = jnp.sum(jnp.where(sel_q, post_w[:, :, None], 0.0), axis=1)

    p_t = _t_f32(p_br)
    q_t = _t_f32(q_br)

    for u in range(_U):
        supt_scr[u] = _t_f32(sup_ref[:, u, :])
    sup_t = supt_scr[...]
    for u in range(_U):
        dfu = sup_t - sup_t[u][None]
        c_scr[u] = jnp.sum(dfu * dfu, axis=1)

    cmat = c_scr[...]

    cbits = lax.bitcast_convert_type(cmat, jnp.int32)

    def os_bits(k_target):
        def bbody(_, lohi):
            lo, hi = lohi
            mid = lo + lax.div(hi - lo, 2)
            cnt = jnp.sum((cbits <= mid[None, None, :]).astype(jnp.int32),
                          axis=(0, 1))
            ge = cnt >= k_target
            return (jnp.where(ge, lo, mid + 1), jnp.where(ge, mid, hi))
        lo = jnp.zeros((_B,), jnp.int32)
        hi = jnp.full((_B,), 2139095040, jnp.int32)
        lo, hi = lax.fori_loop(0, 31, bbody, (lo, hi))
        return lo

    o1 = lax.bitcast_convert_type(os_bits(512), f32)
    o2 = lax.bitcast_convert_type(os_bits(513), f32)
    med = (o1 + o2) * 0.5
    cn = cmat / (med[None, None, :] + 1e-8)
    km_scr[...] = jnp.exp(-cn / _EPS)

    km = km_scr[...]

    def sbody(_, uv):
        uu, vv = uv
        kv = jnp.sum(km * vv[None, :, :], axis=1)
        uu = p_t / (kv + 1e-16)
        ku = jnp.sum(km * uu[:, None, :], axis=0)
        vv = q_t / (ku + 1e-16)
        return (uu, vv)

    ones_ub = jnp.ones((_U, _B), f32)
    uu, vv = lax.fori_loop(0, _SINK, sbody, (ones_ub, ones_ub))

    w2 = jnp.sum(uu[:, None, :] * km * cn * vv[None, :, :], axis=(0, 1))
    loss_knn = jnp.sum(w2) / _B

    loss_reg = (jnp.sum(w_ref[...] ** 2) + jnp.sum(b_ref[...] ** 2)) * 0.5
    total = _ALPHA * loss_dist + _BETA * loss_knn + _LAMB * loss_reg

    tot_ref[...] = jnp.broadcast_to(total, (1, 1))
    dist_ref[...] = jnp.broadcast_to(loss_dist, (1, 1))
    knn_ref[...] = jnp.broadcast_to(loss_knn, (1, 1))


def _stage_c(t0, s, sx, xnb, sup, pre_w_b, inv_pre, inv_post, W, b2):
    out_shapes = tuple(jax.ShapeDtypeStruct((1, 1), jnp.float32)
                       for _ in range(3))
    return pl.pallas_call(
        _stage_c_body,
        out_shape=out_shapes,
        scratch_shapes=[
            pltpu.VMEM((_U, _U, _B), jnp.float32),
            pltpu.VMEM((_U, _U, _B), jnp.float32),
            pltpu.VMEM((_U, _D, _B), jnp.float32),
        ],
    )(t0, s, sx, xnb, sup, pre_w_b, inv_pre, inv_post, W, b2)



def kernel(q_batch, q_indices, X, pre_indices, pre_weights, W, b):
    b2 = b.reshape(1, _D)
    praw, wraw = _sc_gather_pre(q_indices,
                                pre_indices.reshape(-1, _D),
                                pre_weights.reshape(-1, _D))
    post, union, inv_pre, inv_post, s_acc, sx, t0, pre_w_b = _stage_a(
        praw, wraw, q_indices.reshape(_B, 1), q_batch, X, W, b2)
    idx_all = jnp.concatenate([post.reshape(-1), union.reshape(-1)])
    rows = _sc_gather_rows(X, idx_all)
    xnb = rows[:_B * _K].reshape(_B, _K, _D)
    sup = rows[_B * _K:].reshape(_B, _U, _D)
    tot, dist, knn = _stage_c(t0, s_acc, sx, xnb, sup, pre_w_b,
                              inv_pre, inv_post, W, b2)
    return tot[0, 0], dist[0, 0], knn[0, 0]

# --- scband reference (transcript-rebuilt; emitter-appended) ---
"""Pipeline reference for scband-custom-loss-45603962748995 (READ-ONLY COPY).

The authoritative reference and input builder live on the scoring server;
editing this copy changes nothing except your own understanding.
"""

import jax, jax.numpy as jnp
import numpy as np

ALPHA = 1.0
BETA = 1.0
LAMB = 1e-4
K = 16
TAU = 0.1
EPS = 0.05
DELTA = 0.01
SINK_ITERS = 50


def matrix_sqrt(A):
    w, v = jnp.linalg.eigh(A)
    w = jnp.clip(w, 0.0, None)
    return (v * jnp.sqrt(w)[None, :]) @ v.T


def sinkhorn(p, q, C, eps, n_iter=SINK_ITERS):
    Km = jnp.exp(-C / eps)
    u = jnp.ones_like(p)
    v = jnp.ones_like(q)
    for _ in range(n_iter):
        u = p / (Km @ v + 1e-16)
        v = q / (Km.T @ u + 1e-16)
    return u[:, None] * Km * v[None, :]


def setup_inputs(seed: int = 0):
    key = jax.random.key(seed)
    ks = jax.random.split(key, 7)
    B, N, D, Q = 128, 100000, 128, 4096
    q_batch = jax.random.normal(ks[0], (B, D), dtype=jnp.float32)
    q_indices = jax.random.randint(ks[1], (B,), 0, Q)
    X = jax.random.normal(ks[2], (N, D), dtype=jnp.float32)
    pre_indices = jax.random.randint(ks[3], (Q, K), 0, N)
    pre_weights = jax.random.uniform(ks[4], (Q, K), dtype=jnp.float32)
    W = jax.random.normal(ks[5], (D, D), dtype=jnp.float32) / np.sqrt(D)
    b = jax.random.normal(ks[6], (D,), dtype=jnp.float32) * 0.01
    return {"q_batch": q_batch, "q_indices": q_indices, "X": X,
            "pre_indices": pre_indices, "pre_weights": pre_weights,
            "W": W, "b": b}


def _knn_search(T, X, k):
    d2 = (jnp.sum(T ** 2, axis=1)[:, None]
          + jnp.sum(X ** 2, axis=1)[None, :]
          - 2.0 * T @ X.T)
    _, idx = jax.lax.top_k(-d2, k)
    return idx


def _build_unions(pre_b, post_b):
    U = 2 * K

    def one(pre_i, post_i):
        cat = jnp.concatenate([pre_i, post_i])
        order = jnp.argsort(cat)
        s = cat[order]
        is_new = jnp.concatenate([jnp.ones((1,), dtype=bool), s[1:] != s[:-1]])
        ranks = jnp.cumsum(is_new.astype(s.dtype)) - 1
        m = ranks[-1] + 1
        u = jnp.zeros((U,), dtype=s.dtype).at[ranks].set(s)
        union_i = jnp.where(jnp.arange(U) < m, u, s[0])
        inv = jnp.zeros((U,), dtype=s.dtype).at[order].set(ranks)
        return union_i, inv[:K], inv[K:]

    union, inv_pre, inv_post = jax.vmap(one)(pre_b, post_b)
    return union, inv_pre, inv_post


def _forward(q_batch, X, pre_w_batch, W, b, post_idx, union, inv_pre, inv_post):
    T = q_batch @ W.T + b
    # --- distribution alignment (2-Wasserstein / Bures) ---
    mu_X = jnp.mean(X, axis=0)
    Xc = X - mu_X
    Sigma_X = Xc.T @ Xc / (X.shape[0] - 1)
    D = Sigma_X.shape[0]
    Sigma_X = Sigma_X + (jnp.trace(Sigma_X) / D * DELTA) * jnp.eye(D, dtype=X.dtype)
    Sigma_X = (Sigma_X + Sigma_X.T) / 2.0
    mu_t = jnp.mean(T, axis=0)
    Tc = T - mu_t
    cov_t = Tc.T @ Tc / (T.shape[0] - 1)
    cov_t = cov_t + (jnp.trace(cov_t) / D * max(DELTA, 1e-4)) * jnp.eye(D, dtype=X.dtype)
    Sigma_t = (cov_t + cov_t.T) / 2.0
    term_mean = jnp.sum((mu_t - mu_X) ** 2)
    sqrt_St = matrix_sqrt(Sigma_t)
    M = sqrt_St @ Sigma_X @ sqrt_St
    M = (M + M.T) / 2.0
    term_cov = jnp.trace(Sigma_X + Sigma_t - 2.0 * matrix_sqrt(M))
    loss_dist = term_mean + jnp.clip(term_cov, 0.0, None)
    # --- kNN consistency (entropic OT between pre/post neighbor dists) ---
    X_nb = X[post_idx]
    l2 = jnp.sum((T[:, None, :] - X_nb) ** 2, axis=-1)
    post_w = jax.nn.softmax(-l2 / TAU, axis=1)
    pre_w = jnp.clip(pre_w_batch, 1e-8, None)
    pre_w = pre_w / jnp.sum(pre_w, axis=1, keepdims=True)
    post_w = jnp.clip(post_w, 1e-8, None)
    post_w = post_w / jnp.sum(post_w, axis=1, keepdims=True)

    def item(union_i, ip_i, iq_i, pw_i, qw_i):
        sup = X[union_i]
        C = jnp.sum((sup[:, None, :] - sup[None, :, :]) ** 2, axis=-1)
        C = C / (jnp.median(C) + 1e-8)
        p = jnp.zeros(union_i.shape[0], dtype=T.dtype).at[ip_i].set(pw_i)
        q = jnp.zeros(union_i.shape[0], dtype=T.dtype).at[iq_i].set(qw_i)
        plan = sinkhorn(p, q, C, EPS)
        return jnp.sum(plan * C)

    w2 = jax.vmap(item)(union, inv_pre, inv_post, pre_w, post_w)
    loss_knn = jnp.mean(w2)
    loss_reg = (jnp.sum(W ** 2) + jnp.sum(b ** 2)) / 2.0
    total = ALPHA * loss_dist + BETA * loss_knn + LAMB * loss_reg
    return total, loss_dist, loss_knn


def reference(q_batch, q_indices, X, pre_indices, pre_weights, W, b):
    T0 = q_batch @ W.T + b
    post_idx = _knn_search(T0, X, K)
    pre_idx_b = pre_indices[q_indices]
    union, inv_pre, inv_post = _build_unions(pre_idx_b, post_idx)
    pre_w_b = pre_weights[q_indices]
    return _forward(q_batch, X, pre_w_b, W, b, post_idx, union, inv_pre, inv_post)

if __name__ == "__main__":
    import jax
    _d = setup_inputs()
    print(jax.jit(kernel)(*tuple(_d.values())))

</pallas_src>

<mosaic_0001>
#map = affine_map<(d0, d1) -> (0)>
#map1 = affine_map<(d0, d1) -> (0, 0)>
module attributes {stable_mosaic.version = 14 : i64} {
  func.func @k(%arg0: i32, %arg1: i32, %arg2: memref<128xi32, #tpu.memory_space<hbm>>, %arg3: memref<512x128xi32, #tpu.memory_space<hbm>>, %arg4: memref<512x128xf32, #tpu.memory_space<hbm>>, %arg5: memref<128x128xi32, #tpu.memory_space<hbm>>, %arg6: memref<128x128xf32, #tpu.memory_space<hbm>>, %arg7: memref<16xi32, #tpu.memory_space<vmem>>, %arg8: memref<16xi32, #tpu.memory_space<vmem>>, %arg9: memref<16x128xi32, #tpu.memory_space<vmem>>, %arg10: memref<16x128xf32, #tpu.memory_space<vmem>>, %arg11: memref<!tpu.dma_semaphore, #tpu.memory_space<semaphore_mem>>) attributes {dimension_semantics = [#tpu.dimension_semantics<core_parallel>, #tpu.dimension_semantics<subcore_parallel>], iteration_bounds = array<i64: 2, 16>, scalar_prefetch = 0 : i64, scratch_operands = 5 : i64, tpu.core_type = #tpu.core_type<sc_vector_subcore>, window_params = [{transform_indices = #map}, {transform_indices = #map1}, {transform_indices = #map1}, {transform_indices = #map1}, {transform_indices = #map1}]} {
    %mul3A = arith.constant 2 : i32
    %mul3A_0 = arith.muli %arg1, %mul3A : i32
    %add3A = arith.addi %mul3A_0, %arg0 : i32
    %lt3A = arith.constant 8 : i32
    %lt3A_1 = arith.cmpi slt, %add3A, %lt3A : i32
    %convert_element_type3A = arith.extui %lt3A_1 : i1 to i32
    %cond3A = arith.constant 0 : i32
    %cond3A_2 = arith.cmpi ne, %convert_element_type3A, %cond3A : i32
    scf.if %cond3A_2 {
      %mul3A_3 = arith.constant 16 : i32
      %mul3A_4 = arith.muli %add3A, %mul3A_3 : i32
      "tpu.region"() ({
        %run_scoped3A = tpu.sem_alloc : memref<!tpu.dma_semaphore, #tpu.memory_space<semaphore_mem>>
        %dma_start3A_22 = tpu.memref_slice %arg2[%mul3A_4] : memref<128xi32, #tpu.memory_space<hbm>> -> memref<16xi32, #tpu.memory_space<hbm>>
        %dma_start3A_23 = tpu.memref_slice %arg2[%mul3A_4] : memref<128xi32, #tpu.memory_space<hbm>> -> memref<16xi32, #tpu.memory_space<hbm>>
        tpu.enqueue_dma source(%dma_start3A_23 : memref<16xi32, #tpu.memory_space<hbm>>) target(%arg7 : memref<16xi32, #tpu.memory_space<vmem>>) target_semaphore(%run_scoped3A : memref<!tpu.dma_semaphore, #tpu.memory_space<semaphore_mem>>)
        %dma_wait3A_24 = tpu.memref_slice %arg2[%mul3A_4] : memref<128xi32, #tpu.memory_space<hbm>> -> memref<16xi32, #tpu.memory_space<hbm>>
        %dma_wait3A_25 = tpu.memref_slice %arg2[%mul3A_4] : memref<128xi32, #tpu.memory_space<hbm>> -> memref<16xi32, #tpu.memory_space<hbm>>
        tpu.wait_dma2 semaphore(%run_scoped3A : memref<!tpu.dma_semaphore, #tpu.memory_space<semaphore_mem>>) src(%dma_wait3A_25 : memref<16xi32, #tpu.memory_space<hbm>>) dst(%arg7 : memref<16xi32, #tpu.memory_space<vmem>>)
        tpu.yield
      }) : () -> ()
      %get3A = arith.constant 0 : index
      %get3A_5 = tpu.vector_load %arg7[%get3A] {strides = array<i32>} : memref<16xi32, #tpu.memory_space<vmem>>, vector<16xi32>,
      %get3A_6 = vector.shape_cast %get3A_5 : vector<16xi32> to vector<16xi32>
      %div3A = arith.constant 8 : i32
      %div3A_7 = vector.broadcast %div3A : i32 to vector<16xi32>
      %div3A_8 = arith.divsi %get3A_6, %div3A_7 : vector<16xi32>
      %swap3A = arith.constant 0 : index
      %swap3A_9 = tpu.vector_load %arg8[%swap3A] {strides = array<i32>} : memref<16xi32, #tpu.memory_space<vmem>>, vector<16xi32>,
      %swap3A_10 = vector.shape_cast %swap3A_9 : vector<16xi32> to vector<16xi32>
      %swap3A_11 = vector.shape_cast %div3A_8 : vector<16xi32> to vector<16xi32>
      tpu.vector_store %arg8[%swap3A], %swap3A_11 {strides = array<i32>} : memref<16xi32, #tpu.memory_space<vmem>>, vector<16xi32>,
      %dma_start3A = arith.constant 0 : i32
      %dma_start3A_12 = arith.constant 0 : i32
      %dma_start3A_13 = tpu.memref_slice %arg3[%dma_start3A, %dma_start3A_12] : memref<512x128xi32, #tpu.memory_space<hbm>> -> memref<512x128xi32, #tpu.memory_space<hbm>>
      tpu.enqueue_indirect_dma source(%dma_start3A_13 : memref<512x128xi32, #tpu.memory_space<hbm>>) target(%arg9 : memref<16x128xi32, #tpu.memory_space<vmem>>) offsets(%arg8 : memref<16xi32, #tpu.memory_space<vmem>>) semaphore(%arg11 : memref<!tpu.dma_semaphore, #tpu.memory_space<semaphore_mem>>)
      %dma_wait3A = arith.constant 0 : i32
      %dma_wait3A_14 = arith.constant 0 : i32
      %dma_wait3A_15 = tpu.memref_slice %arg3[%dma_wait3A, %dma_wait3A_14] : memref<512x128xi32, #tpu.memory_space<hbm>> -> memref<512x128xi32, #tpu.memory_space<hbm>>
      tpu.wait_indirect_dma semaphore(%arg11 : memref<!tpu.dma_semaphore, #tpu.memory_space<semaphore_mem>>) src(%dma_wait3A_15 : memref<512x128xi32, #tpu.memory_space<hbm>>) dst(%arg9 : memref<16x128xi32, #tpu.memory_space<vmem>>)
      %dma_start3A_16 = arith.constant 0 : i32
      %dma_start3A_17 = arith.constant 0 : i32
      %dma_start3A_18 = tpu.memref_slice %arg4[%dma_start3A_16, %dma_start3A_17] : memref<512x128xf32, #tpu.memory_space<hbm>> -> memref<512x128xf32, #tpu.memory_space<hbm>>
      tpu.enqueue_indirect_dma source(%dma_start3A_18 : memref<512x128xf32, #tpu.memory_space<hbm>>) target(%arg10 : memref<16x128xf32, #tpu.memory_space<vmem>>) offsets(%arg8 : memref<16xi32, #tpu.memory_space<vmem>>) semaphore(%arg11 : memref<!tpu.dma_semaphore, #tpu.memory_space<semaphore_mem>>)
      %dma_wait3A_19 = arith.constant 0 : i32
      %dma_wait3A_20 = arith.constant 0 : i32
      %dma_wait3A_21 = tpu.memref_slice %arg4[%dma_wait3A_19, %dma_wait3A_20] : memref<512x128xf32, #tpu.memory_space<hbm>> -> memref<512x128xf32, #tpu.memory_space<hbm>>
      tpu.wait_indirect_dma semaphore(%arg11 : memref<!tpu.dma_semaphore, #tpu.memory_space<semaphore_mem>>) src(%dma_wait3A_21 : memref<512x128xf32, #tpu.memory_space<hbm>>) dst(%arg10 : memref<16x128xf32, #tpu.memory_space<vmem>>)
      "tpu.region"() ({
        %run_scoped3A = tpu.sem_alloc : memref<!tpu.dma_semaphore, #tpu.memory_space<semaphore_mem>>
        %dma_start3A_22 = arith.constant 0 : i32
        %dma_start3A_23 = tpu.memref_slice %arg5[%mul3A_4, %dma_start3A_22] : memref<128x128xi32, #tpu.memory_space<hbm>> -> memref<16x128xi32, #tpu.memory_space<hbm>>
        %dma_start3A_24 = arith.constant 0 : i32
        %dma_start3A_25 = tpu.memref_slice %arg5[%mul3A_4, %dma_start3A_24] : memref<128x128xi32, #tpu.memory_space<hbm>> -> memref<16x128xi32, #tpu.memory_space<hbm>>
        tpu.enqueue_dma source(%arg9 : memref<16x128xi32, #tpu.memory_space<vmem>>) target(%dma_start3A_25 : memref<16x128xi32, #tpu.memory_space<hbm>>) target_semaphore(%run_scoped3A : memref<!tpu.dma_semaphore, #tpu.memory_space<semaphore_mem>>)
        %dma_wait3A_26 = arith.constant 0 : i32
        %dma_wait3A_27 = tpu.memref_slice %arg5[%mul3A_4, %dma_wait3A_26] : memref<128x128xi32, #tpu.memory_space<hbm>> -> memref<16x128xi32, #tpu.memory_space<hbm>>
        %dma_wait3A_28 = arith.constant 0 : i32
        %dma_wait3A_29 = tpu.memref_slice %arg5[%mul3A_4, %dma_wait3A_28] : memref<128x128xi32, #tpu.memory_space<hbm>> -> memref<16x128xi32, #tpu.memory_space<hbm>>
        tpu.wait_dma2 semaphore(%run_scoped3A : memref<!tpu.dma_semaphore, #tpu.memory_space<semaphore_mem>>) src(%arg9 : memref<16x128xi32, #tpu.memory_space<vmem>>) dst(%dma_wait3A_29 : memref<16x128xi32, #tpu.memory_space<hbm>>)
        tpu.yield
      }) : () -> ()
      "tpu.region"() ({
        %run_scoped3A = tpu.sem_alloc : memref<!tpu.dma_semaphore, #tpu.memory_space<semaphore_mem>>
        %dma_start3A_22 = arith.constant 0 : i32
        %dma_start3A_23 = tpu.memref_slice %arg6[%mul3A_4, %dma_start3A_22] : memref<128x128xf32, #tpu.memory_space<hbm>> -> memref<16x128xf32, #tpu.memory_space<hbm>>
        %dma_start3A_24 = arith.constant 0 : i32
        %dma_start3A_25 = tpu.memref_slice %arg6[%mul3A_4, %dma_start3A_24] : memref<128x128xf32, #tpu.memory_space<hbm>> -> memref<16x128xf32, #tpu.memory_space<hbm>>
        tpu.enqueue_dma source(%arg10 : memref<16x128xf32, #tpu.memory_space<vmem>>) target(%dma_start3A_25 : memref<16x128xf32, #tpu.memory_space<hbm>>) target_semaphore(%run_scoped3A : memref<!tpu.dma_semaphore, #tpu.memory_space<semaphore_mem>>)
        %dma_wait3A_26 = arith.constant 0 : i32
        %dma_wait3A_27 = tpu.memref_slice %arg6[%mul3A_4, %dma_wait3A_26] : memref<128x128xf32, #tpu.memory_space<hbm>> -> memref<16x128xf32, #tpu.memory_space<hbm>>
        %dma_wait3A_28 = arith.constant 0 : i32
        %dma_wait3A_29 = tpu.memref_slice %arg6[%mul3A_4, %dma_wait3A_28] : memref<128x128xf32, #tpu.memory_space<hbm>> -> memref<16x128xf32, #tpu.memory_space<hbm>>
        tpu.wait_dma2 semaphore(%run_scoped3A : memref<!tpu.dma_semaphore, #tpu.memory_space<semaphore_mem>>) src(%arg10 : memref<16x128xf32, #tpu.memory_space<vmem>>) dst(%dma_wait3A_29 : memref<16x128xf32, #tpu.memory_space<hbm>>)
        tpu.yield
      }) : () -> ()
    } else {
    }
    return
  }
}

#map = affine_map<(d0, d1) -> (0, 0)>
#map1 = affine_map<(d0, d1) -> (0)>
module attributes {stable_mosaic.version = 14 : i64} {
  func.func @k(%arg0: i32, %arg1: i32, %arg2: memref<100000x128xf32, #tpu.memory_space<hbm>>, %arg3: memref<6144xi32, #tpu.memory_space<hbm>>, %arg4: memref<6144x128xf32, #tpu.memory_space<hbm>>, %arg5: memref<96xi32, #tpu.memory_space<vmem>>, %arg6: memref<96xi32, #tpu.memory_space<vmem>>, %arg7: memref<96x128xf32, #tpu.memory_space<vmem>>, %arg8: memref<96x128xf32, #tpu.memory_space<vmem>>, %arg9: memref<!tpu.dma_semaphore, #tpu.memory_space<semaphore_mem>>, %arg10: memref<!tpu.dma_semaphore, #tpu.memory_space<semaphore_mem>>) attributes {dimension_semantics = [#tpu.dimension_semantics<core_parallel>, #tpu.dimension_semantics<subcore_parallel>], iteration_bounds = array<i64: 2, 16>, scalar_prefetch = 0 : i64, scratch_operands = 6 : i64, tpu.core_type = #tpu.core_type<sc_vector_subcore>, window_params = [{transform_indices = #map}, {transform_indices = #map1}, {transform_indices = #map}]} {
    %mul3A = arith.constant 2 : i32
    %mul3A_0 = arith.muli %arg1, %mul3A : i32
    %add3A = arith.addi %mul3A_0, %arg0 : i32
    %mul3A_1 = arith.constant 192 : i32
    %mul3A_2 = arith.muli %add3A, %mul3A_1 : i32
    "tpu.region"() ({
      %run_scoped3A = tpu.sem_alloc : memref<!tpu.dma_semaphore, #tpu.memory_space<semaphore_mem>>
      %dma_start3A_17 = tpu.memref_slice %arg3[%mul3A_2] : memref<6144xi32, #tpu.memory_space<hbm>> -> memref<96xi32, #tpu.memory_space<hbm>>
      %dma_start3A_18 = tpu.memref_slice %arg3[%mul3A_2] : memref<6144xi32, #tpu.memory_space<hbm>> -> memref<96xi32, #tpu.memory_space<hbm>>
      tpu.enqueue_dma source(%dma_start3A_18 : memref<96xi32, #tpu.memory_space<hbm>>) target(%arg5 : memref<96xi32, #tpu.memory_space<vmem>>) target_semaphore(%run_scoped3A : memref<!tpu.dma_semaphore, #tpu.memory_space<semaphore_mem>>)
      %dma_wait3A_19 = tpu.memref_slice %arg3[%mul3A_2] : memref<6144xi32, #tpu.memory_space<hbm>> -> memref<96xi32, #tpu.memory_space<hbm>>
      %dma_wait3A_20 = tpu.memref_slice %arg3[%mul3A_2] : memref<6144xi32, #tpu.memory_space<hbm>> -> memref<96xi32, #tpu.memory_space<hbm>>
      tpu.wait_dma2 semaphore(%run_scoped3A : memref<!tpu.dma_semaphore, #tpu.memory_space<semaphore_mem>>) src(%dma_wait3A_20 : memref<96xi32, #tpu.memory_space<hbm>>) dst(%arg5 : memref<96xi32, #tpu.memory_space<vmem>>)
      tpu.yield
    }) : () -> ()
    %add3A_3 = arith.constant 96 : i32
    %add3A_4 = arith.addi %mul3A_2, %add3A_3 : i32
    "tpu.region"() ({
      %run_scoped3A = tpu.sem_alloc : memref<!tpu.dma_semaphore, #tpu.memory_space<semaphore_mem>>
      %dma_start3A_17 = tpu.memref_slice %arg3[%add3A_4] : memref<6144xi32, #tpu.memory_space<hbm>> -> memref<96xi32, #tpu.memory_space<hbm>>
      %dma_start3A_18 = tpu.memref_slice %arg3[%add3A_4] : memref<6144xi32, #tpu.memory_space<hbm>> -> memref<96xi32, #tpu.memory_space<hbm>>
      tpu.enqueue_dma source(%dma_start3A_18 : memref<96xi32, #tpu.memory_space<hbm>>) target(%arg6 : memref<96xi32, #tpu.memory_space<vmem>>) target_semaphore(%run_scoped3A : memref<!tpu.dma_semaphore, #tpu.memory_space<semaphore_mem>>)
      %dma_wait3A_19 = tpu.memref_slice %arg3[%add3A_4] : memref<6144xi32, #tpu.memory_space<hbm>> -> memref<96xi32, #tpu.memory_space<hbm>>
      %dma_wait3A_20 = tpu.memref_slice %arg3[%add3A_4] : memref<6144xi32, #tpu.memory_space<hbm>> -> memref<96xi32, #tpu.memory_space<hbm>>
      tpu.wait_dma2 semaphore(%run_scoped3A : memref<!tpu.dma_semaphore, #tpu.memory_space<semaphore_mem>>) src(%dma_wait3A_20 : memref<96xi32, #tpu.memory_space<hbm>>) dst(%arg6 : memref<96xi32, #tpu.memory_space<vmem>>)
      tpu.yield
    }) : () -> ()
    %dma_start3A = arith.constant 0 : i32
    %dma_start3A_5 = arith.constant 0 : i32
    %dma_start3A_6 = tpu.memref_slice %arg2[%dma_start3A, %dma_start3A_5] : memref<100000x128xf32, #tpu.memory_space<hbm>> -> memref<100000x128xf32, #tpu.memory_space<hbm>>
    tpu.enqueue_indirect_dma source(%dma_start3A_6 : memref<100000x128xf32, #tpu.memory_space<hbm>>) target(%arg7 : memref<96x128xf32, #tpu.memory_space<vmem>>) offsets(%arg5 : memref<96xi32, #tpu.memory_space<vmem>>) semaphore(%arg9 : memref<!tpu.dma_semaphore, #tpu.memory_space<semaphore_mem>>)
    %dma_start3A_7 = arith.constant 0 : i32
    %dma_start3A_8 = arith.constant 0 : i32
    %dma_start3A_9 = tpu.memref_slice %arg2[%dma_start3A_7, %dma_start3A_8] : memref<100000x128xf32, #tpu.memory_space<hbm>> -> memref<100000x128xf32, #tpu.memory_space<hbm>>
    tpu.enqueue_indirect_dma source(%dma_start3A_9 : memref<100000x128xf32, #tpu.memory_space<hbm>>) target(%arg8 : memref<96x128xf32, #tpu.memory_space<vmem>>) offsets(%arg6 : memref<96xi32, #tpu.memory_space<vmem>>) semaphore(%arg10 : memref<!tpu.dma_semaphore, #tpu.memory_space<semaphore_mem>>)
    %dma_wait3A = arith.constant 0 : i32
    %dma_wait3A_10 = arith.constant 0 : i32
    %dma_wait3A_11 = tpu.memref_slice %arg2[%dma_wait3A, %dma_wait3A_10] : memref<100000x128xf32, #tpu.memory_space<hbm>> -> memref<100000x128xf32, #tpu.memory_space<hbm>>
    tpu.wait_indirect_dma semaphore(%arg9 : memref<!tpu.dma_semaphore, #tpu.memory_space<semaphore_mem>>) src(%dma_wait3A_11 : memref<100000x128xf32, #tpu.memory_space<hbm>>) dst(%arg7 : memref<96x128xf32, #tpu.memory_space<vmem>>)
    "tpu.region"() ({
      %run_scoped3A = tpu.sem_alloc : memref<!tpu.dma_semaphore, #tpu.memory_space<semaphore_mem>>
      %dma_start3A_17 = arith.constant 0 : i32
      %dma_start3A_18 = tpu.memref_slice %arg4[%mul3A_2, %dma_start3A_17] : memref<6144x128xf32, #tpu.memory_space<hbm>> -> memref<96x128xf32, #tpu.memory_space<hbm>>
      %dma_start3A_19 = arith.constant 0 : i32
      %dma_start3A_20 = tpu.memref_slice %arg4[%mul3A_2, %dma_start3A_19] : memref<6144x128xf32, #tpu.memory_space<hbm>> -> memref<96x128xf32, #tpu.memory_space<hbm>>
      tpu.enqueue_dma source(%arg7 : memref<96x128xf32, #tpu.memory_space<vmem>>) target(%dma_start3A_20 : memref<96x128xf32, #tpu.memory_space<hbm>>) target_semaphore(%run_scoped3A : memref<!tpu.dma_semaphore, #tpu.memory_space<semaphore_mem>>)
      %dma_wait3A_21 = arith.constant 0 : i32
      %dma_wait3A_22 = tpu.memref_slice %arg4[%mul3A_2, %dma_wait3A_21] : memref<6144x128xf32, #tpu.memory_space<hbm>> -> memref<96x128xf32, #tpu.memory_space<hbm>>
      %dma_wait3A_23 = arith.constant 0 : i32
      %dma_wait3A_24 = tpu.memref_slice %arg4[%mul3A_2, %dma_wait3A_23] : memref<6144x128xf32, #tpu.memory_space<hbm>> -> memref<96x128xf32, #tpu.memory_space<hbm>>
      tpu.wait_dma2 semaphore(%run_scoped3A : memref<!tpu.dma_semaphore, #tpu.memory_space<semaphore_mem>>) src(%arg7 : memref<96x128xf32, #tpu.memory_space<vmem>>) dst(%dma_wait3A_24 : memref<96x128xf32, #tpu.memory_space<hbm>>)
      tpu.yield
    }) : () -> ()
    %dma_wait3A_12 = arith.constant 0 : i32
    %dma_wait3A_13 = arith.constant 0 : i32
    %dma_wait3A_14 = tpu.memref_slice %arg2[%dma_wait3A_12, %dma_wait3A_13] : memref<100000x128xf32, #tpu.memory_space<hbm>> -> memref<100000x128xf32, #tpu.memory_space<hbm>>
    tpu.wait_indirect_dma semaphore(%arg10 : memref<!tpu.dma_semaphore, #tpu.memory_space<semaphore_mem>>) src(%dma_wait3A_14 : memref<100000x128xf32, #tpu.memory_space<hbm>>) dst(%arg8 : memref<96x128xf32, #tpu.memory_space<vmem>>)
    %add3A_15 = arith.constant 96 : i32
    %add3A_16 = arith.addi %mul3A_2, %add3A_15 : i32
    "tpu.region"() ({
      %run_scoped3A = tpu.sem_alloc : memref<!tpu.dma_semaphore, #tpu.memory_space<semaphore_mem>>
      %dma_start3A_17 = arith.constant 0 : i32
      %dma_start3A_18 = tpu.memref_slice %arg4[%add3A_16, %dma_start3A_17] : memref<6144x128xf32, #tpu.memory_space<hbm>> -> memref<96x128xf32, #tpu.memory_space<hbm>>
      %dma_start3A_19 = arith.constant 0 : i32
      %dma_start3A_20 = tpu.memref_slice %arg4[%add3A_16, %dma_start3A_19] : memref<6144x128xf32, #tpu.memory_space<hbm>> -> memref<96x128xf32, #tpu.memory_space<hbm>>
      tpu.enqueue_dma source(%arg8 : memref<96x128xf32, #tpu.memory_space<vmem>>) target(%dma_start3A_20 : memref<96x128xf32, #tpu.memory_space<hbm>>) target_semaphore(%run_scoped3A : memref<!tpu.dma_semaphore, #tpu.memory_space<semaphore_mem>>)
      %dma_wait3A_21 = arith.constant 0 : i32
      %dma_wait3A_22 = tpu.memref_slice %arg4[%add3A_16, %dma_wait3A_21] : memref<6144x128xf32, #tpu.memory_space<hbm>> -> memref<96x128xf32, #tpu.memory_space<hbm>>
      %dma_wait3A_23 = arith.constant 0 : i32
      %dma_wait3A_24 = tpu.memref_slice %arg4[%add3A_16, %dma_wait3A_23] : memref<6144x128xf32, #tpu.memory_space<hbm>> -> memref<96x128xf32, #tpu.memory_space<hbm>>
      tpu.wait_dma2 semaphore(%run_scoped3A : memref<!tpu.dma_semaphore, #tpu.memory_space<semaphore_mem>>) src(%arg8 : memref<96x128xf32, #tpu.memory_space<vmem>>) dst(%dma_wait3A_24 : memref<96x128xf32, #tpu.memory_space<hbm>>)
      tpu.yield
    }) : () -> ()
    return
  }
}

module attributes {stable_mosaic.version = 14 : i64} {
  func.func @_stage_a_body(%arg0: i32, %arg1: memref<128x128xi32, #tpu.memory_space<vmem>>, %arg2: memref<128x128xf32, #tpu.memory_space<vmem>>, %arg3: memref<128x1xi32, #tpu.memory_space<vmem>>, %arg4: memref<128x128xf32, #tpu.memory_space<vmem>>, %arg5: memref<128x128xf32, #tpu.memory_space<vmem>>, %arg6: memref<1x128xf32, #tpu.memory_space<vmem>>, %arg7: memref<2000x128xf32, #tpu.memory_space<vmem>>, %arg8: memref<128x16xi32, #tpu.memory_space<vmem>>, %arg9: memref<128x32xi32, #tpu.memory_space<vmem>>, %arg10: memref<128x16xi32, #tpu.memory_space<vmem>>, %arg11: memref<128x16xi32, #tpu.memory_space<vmem>>, %arg12: memref<128x128xf32, #tpu.memory_space<vmem>>, %arg13: memref<1x128xf32, #tpu.memory_space<vmem>>, %arg14: memref<128x128xf32, #tpu.memory_space<vmem>>, %arg15: memref<128x16xf32, #tpu.memory_space<vmem>>, %arg16: memref<128x128xf32, #tpu.memory_space<vmem>>, %arg17: memref<128x128xf32, #tpu.memory_space<vmem>>, %arg18: memref<128x128xf32, #tpu.memory_space<vmem>>, %arg19: memref<1x128xf32, #tpu.memory_space<vmem>>, %arg20: memref<16x128xf32, #tpu.memory_space<vmem>>, %arg21: memref<16x128xf32, #tpu.memory_space<vmem>>, %arg22: memref<2000x128xf32, #tpu.memory_space<vmem>>) attributes {dimension_semantics = [#tpu.dimension_semantics<arbitrary>], iteration_bounds = array<i64: 50>, scalar_prefetch = 0 : i64, scratch_operands = 7 : i64, tpu.core_type = #tpu.core_type<tc>, window_params = [{pipeline_mode = #tpu.pipeline_mode<synchronous>, transform_indices = @transform_0, window_bounds = array<i64: 128, 128>}, {pipeline_mode = #tpu.pipeline_mode<synchronous>, transform_indices = @transform_1, window_bounds = array<i64: 128, 128>}, {pipeline_mode = #tpu.pipeline_mode<synchronous>, transform_indices = @transform_2, window_bounds = array<i64: 128, 1>}, {pipeline_mode = #tpu.pipeline_mode<synchronous>, transform_indices = @transform_3, window_bounds = array<i64: 128, 128>}, {pipeline_mode = #tpu.pipeline_mode<synchronous>, transform_indices = @transform_4, window_bounds = array<i64: 128, 128>}, {pipeline_mode = #tpu.pipeline_mode<synchronous>, transform_indices = @transform_5, window_bounds = array<i64: 1, 128>}, {transform_indices = @transform_6, window_bounds = array<i64: 2000, 128>}, {pipeline_mode = #tpu.pipeline_mode<synchronous>, transform_indices = @transform_7, window_bounds = array<i64: 128, 16>}, {pipeline_mode = #tpu.pipeline_mode<synchronous>, transform_indices = @transform_8, window_bounds = array<i64: 128, 32>}, {pipeline_mode = #tpu.pipeline_mode<synchronous>, transform_indices = @transform_9, window_bounds = array<i64: 128, 16>}, {pipeline_mode = #tpu.pipeline_mode<synchronous>, transform_indices = @transform_10, window_bounds = array<i64: 128, 16>}, {pipeline_mode = #tpu.pipeline_mode<synchronous>, transform_indices = @transform_11, window_bounds = array<i64: 128, 128>}, {pipeline_mode = #tpu.pipeline_mode<synchronous>, transform_indices = @transform_12, window_bounds = array<i64: 1, 128>}, {pipeline_mode = #tpu.pipeline_mode<synchronous>, transform_indices = @transform_13, window_bounds = array<i64: 128, 128>}, {pipeline_mode = #tpu.pipeline_mode<synchronous>, transform_indices = @transform_14, window_bounds = array<i64: 128, 16>}]} {
    %eq3A = arith.constant 0 : i32
    %eq3A_0 = arith.cmpi eq, %arg0, %eq3A : i32
    %convert_element_type3A = arith.extui %eq3A_0 : i1 to i32
    %cond3A = arith.constant 0 : i32
    %cond3A_1 = arith.cmpi ne, %convert_element_type3A, %cond3A : i32
    scf.if %cond3A_1 {
      %get3A_43 = arith.constant 0 : index
      %get3A_44 = arith.constant 0 : index
      %get3A_45 = vector.load %arg4[%get3A_43, %get3A_44] : memref<128x128xf32, #tpu.memory_space<vmem>>, vector<128x128xf32>
      %get3A_46 = arith.constant 0 : index
      %get3A_47 = arith.constant 0 : index
      %get3A_48 = vector.load %arg5[%get3A_46, %get3A_47] : memref<128x128xf32, #tpu.memory_space<vmem>>, vector<128x128xf32>
      %dot_general3A_49 = arith.constant dense<0.000000e+00> : vector<128x128xf32>
      %dot_general3A_50 = tpu.matmul %get3A_45, %get3A_48, %dot_general3A_49 {dimension_numbers = #tpu.dot_dimension_numbers<[1], [1], [0], [0], [0, 0, 1, 0], [], []>, transpose_lhs_hint = false} : vector<128x128xf32>, vector<128x128xf32>, vector<128x128xf32> -> vector<128x128xf32>
      %get3A_51 = arith.constant 0 : index
      %get3A_52 = arith.constant 0 : index
      %get3A_53 = vector.load %arg6[%get3A_51, %get3A_52] : memref<1x128xf32, #tpu.memory_space<vmem>>, vector<1x128xf32>
      %add3A_54 = vector.broadcast %get3A_53 : vector<1x128xf32> to vector<128x128xf32>
      %add3A_55 = arith.addf %dot_general3A_50, %add3A_54 : vector<128x128xf32>
      %swap3A_56 = arith.constant 0 : index
      %swap3A_57 = arith.constant 0 : index
      %swap3A_58 = vector.load %arg16[%swap3A_56, %swap3A_57] : memref<128x128xf32, #tpu.memory_space<vmem>>, vector<128x128xf32>
      tpu.vector_store %arg16[%swap3A_56, %swap3A_57], %add3A_55 {strides = array<i32>} : memref<128x128xf32, #tpu.memory_space<vmem>>, vector<128x128xf32>,
      %iota3A_59 = tpu.iota {dimensions = array<i32: 0>} : vector<128x128xi32>
      %iota3A_60 = tpu.iota {dimensions = array<i32: 1>} : vector<128x128xi32>
      %eq3A_61 = arith.cmpi eq, %iota3A_59, %iota3A_60 : vector<128x128xi32>
      %convert_element_type3A_62 = arith.extui %eq3A_61 : vector<128x128xi1> to vector<128x128xi32>
      %convert_element_type3A_63 = arith.sitofp %convert_element_type3A_62 : vector<128x128xi32> to vector<128x128xf32>
      %dot_general3A_64 = arith.constant dense<0.000000e+00> : vector<128x128xf32>
      %dot_general3A_65 = tpu.matmul %add3A_55, %convert_element_type3A_63, %dot_general3A_64 {dimension_numbers = #tpu.dot_dimension_numbers<[0], [0], [1], [1], [0, 1, 1, 1], [], []>, transpose_lhs_hint = false} : vector<128x128xf32>, vector<128x128xf32>, vector<128x128xf32> -> vector<128x128xf32>
      %swap3A_66 = arith.constant 0 : index
      %swap3A_67 = arith.constant 0 : index
      %swap3A_68 = vector.load %arg17[%swap3A_66, %swap3A_67] : memref<128x128xf32, #tpu.memory_space<vmem>>, vector<128x128xf32>
      tpu.vector_store %arg17[%swap3A_66, %swap3A_67], %dot_general3A_65 {strides = array<i32>} : memref<128x128xf32, #tpu.memory_space<vmem>>, vector<128x128xf32>,
      %broadcast_in_dim3A_69 = arith.constant 0.000000e+00 : f32
      %broadcast_in_dim3A_70 = vector.broadcast %broadcast_in_dim3A_69 : f32 to vector<128x128xf32>
      %swap3A_71 = arith.constant 0 : index
      %swap3A_72 = arith.constant 0 : index
      %swap3A_73 = vector.load %arg18[%swap3A_71, %swap3A_72] : memref<128x128xf32, #tpu.memory_space<vmem>>, vector<128x128xf32>
      tpu.vector_store %arg18[%swap3A_71, %swap3A_72], %broadcast_in_dim3A_70 {strides = array<i32>} : memref<128x128xf32, #tpu.memory_space<vmem>>, vector<128x128xf32>,
      %broadcast_in_dim3A_74 = arith.constant 0.000000e+00 : f32
      %broadcast_in_dim3A_75 = vector.broadcast %broadcast_in_dim3A_74 : f32 to vector<1x128xf32>
      %swap3A_76 = arith.constant 0 : index
      %swap3A_77 = arith.constant 0 : index
      %swap3A_78 = vector.load %arg19[%swap3A_76, %swap3A_77] : memref<1x128xf32, #tpu.memory_space<vmem>>, vector<1x128xf32>
      tpu.vector_store %arg19[%swap3A_76, %swap3A_77], %broadcast_in_dim3A_75 {strides = array<i32>} : memref<1x128xf32, #tpu.memory_space<vmem>>, vector<1x128xf32>,
      %broadcast_in_dim3A_79 = arith.constant 0x7F800000 : f32
      %broadcast_in_dim3A_80 = vector.broadcast %broadcast_in_dim3A_79 : f32 to vector<16x128xf32>
      %swap3A_81 = arith.constant 0 : index
      %swap3A_82 = arith.constant 0 : index
      %swap3A_83 = vector.load %arg20[%swap3A_81, %swap3A_82] : memref<16x128xf32, #tpu.memory_space<vmem>>, vector<16x128xf32>
      tpu.vector_store %arg20[%swap3A_81, %swap3A_82], %broadcast_in_dim3A_80 {strides = array<i32>} : memref<16x128xf32, #tpu.memory_space<vmem>>, vector<16x128xf32>,
      %broadcast_in_dim3A_84 = arith.constant 0.000000e+00 : f32
      %broadcast_in_dim3A_85 = vector.broadcast %broadcast_in_dim3A_84 : f32 to vector<16x128xf32>
      %swap3A_86 = arith.constant 0 : index
      %swap3A_87 = arith.constant 0 : index
      %swap3A_88 = vector.load %arg21[%swap3A_86, %swap3A_87] : memref<16x128xf32, #tpu.memory_space<vmem>>, vector<16x128xf32>
      tpu.vector_store %arg21[%swap3A_86, %swap3A_87], %broadcast_in_dim3A_85 {strides = array<i32>} : memref<16x128xf32, #tpu.memory_space<vmem>>, vector<16x128xf32>,
    } else {
    }
    %get3A = arith.constant 0 : index
    %get3A_2 = arith.constant 0 : index
    %get3A_3 = vector.load %arg7[%get3A, %get3A_2] : memref<2000x128xf32, #tpu.memory_space<vmem>>, vector<2000x128xf32>
    %get3A_4 = arith.constant 0 : index
    %get3A_5 = arith.constant 0 : index
    %get3A_6 = vector.load %arg18[%get3A_4, %get3A_5] : memref<128x128xf32, #tpu.memory_space<vmem>>, vector<128x128xf32>
    %dot_general3A = arith.constant dense<0.000000e+00> : vector<128x128xf32>
    %dot_general3A_7 = tpu.matmul %get3A_3, %get3A_3, %dot_general3A {dimension_numbers = #tpu.dot_dimension_numbers<[0], [0], [1], [1], [0, 1, 1, 1], [], []>, transpose_lhs_hint = false} : vector<2000x128xf32>, vector<2000x128xf32>, vector<128x128xf32> -> vector<128x128xf32>
    %add3A = arith.addf %get3A_6, %dot_general3A_7 : vector<128x128xf32>
    %swap3A = arith.constant 0 : index
    %swap3A_8 = arith.constant 0 : index
    %swap3A_9 = vector.load %arg18[%swap3A, %swap3A_8] : memref<128x128xf32, #tpu.memory_space<vmem>>, vector<128x128xf32>
    tpu.vector_store %arg18[%swap3A, %swap3A_8], %add3A {strides = array<i32>} : memref<128x128xf32, #tpu.memory_space<vmem>>, vector<128x128xf32>,
    %get3A_10 = arith.constant 0 : index
    %get3A_11 = arith.constant 0 : index
    %get3A_12 = vector.load %arg19[%get3A_10, %get3A_11] : memref<1x128xf32, #tpu.memory_space<vmem>>, vector<1x128xf32>
    %reduce_sum3A = arith.constant dense<0.000000e+00> : vector<128xf32>
    %reduce_sum3A_13 = vector.multi_reduction <add>, %get3A_3, %reduce_sum3A [0] : vector<2000x128xf32> to vector<128xf32>
    %broadcast_in_dim3A = vector.shape_cast %reduce_sum3A_13 : vector<128xf32> to vector<1x128xf32>
    %add3A_14 = arith.addf %get3A_12, %broadcast_in_dim3A : vector<1x128xf32>
    %swap3A_15 = arith.constant 0 : index
    %swap3A_16 = arith.constant 0 : index
    %swap3A_17 = vector.load %arg19[%swap3A_15, %swap3A_16] : memref<1x128xf32, #tpu.memory_space<vmem>>, vector<1x128xf32>
    tpu.vector_store %arg19[%swap3A_15, %swap3A_16], %add3A_14 {strides = array<i32>} : memref<1x128xf32, #tpu.memory_space<vmem>>, vector<1x128xf32>,
    %mul3A = arith.mulf %get3A_3, %get3A_3 : vector<2000x128xf32>
    %reduce_sum3A_18 = arith.constant dense<0.000000e+00> : vector<2000xf32>
    %reduce_sum3A_19 = vector.multi_reduction <add>, %mul3A, %reduce_sum3A_18 [1] : vector<2000x128xf32> to vector<2000xf32>
    %broadcast_in_dim3A_20 = vector.shape_cast %reduce_sum3A_19 : vector<2000xf32> to vector<2000x1xf32>
    %get3A_21 = arith.constant 0 : index
    %get3A_22 = arith.constant 0 : index
    %get3A_23 = vector.load %arg17[%get3A_21, %get3A_22] : memref<128x128xf32, #tpu.memory_space<vmem>>, vector<128x128xf32>
    %dot_general3A_24 = arith.constant dense<0.000000e+00> : vector<2000x128xf32>
    %dot_general3A_25 = tpu.matmul %get3A_3, %get3A_23, %dot_general3A_24 {dimension_numbers = #tpu.dot_dimension_numbers<[1], [0], [0], [1], [0, 0, 1, 1], [], []>, transpose_lhs_hint = false} : vector<2000x128xf32>, vector<128x128xf32>, vector<2000x128xf32> -> vector<2000x128xf32>
    %mul3A_26 = arith.constant 2.000000e+00 : f32
    %mul3A_27 = vector.broadcast %mul3A_26 : f32 to vector<2000x128xf32>
    %mul3A_28 = arith.mulf %mul3A_27, %dot_general3A_25 : vector<2000x128xf32>
    %sub3A = vector.broadcast %broadcast_in_dim3A_20 : vector<2000x1xf32> to vector<2000x128xf32>
    %sub3A_29 = arith.subf %sub3A, %mul3A_28 : vector<2000x128xf32>
    %swap3A_30 = arith.constant 0 : index
    %swap3A_31 = arith.constant 0 : index
    %swap3A_32 = vector.load %arg22[%swap3A_30, %swap3A_31] : memref<2000x128xf32, #tpu.memory_space<vmem>>, vector<2000x128xf32>
    tpu.vector_store %arg22[%swap3A_30, %swap3A_31], %sub3A_29 {strides = array<i32>} : memref<2000x128xf32, #tpu.memory_space<vmem>>, vector<2000x128xf32>,
    %mul3A_33 = arith.constant 2000 : i32
    %mul3A_34 = arith.muli %arg0, %mul3A_33 : i32
    %convert_element_type3A_35 = arith.sitofp %mul3A_34 : i32 to f32
    %iota3A = tpu.iota {dimensions = array<i32: 0>} : vector<16x128xi32>
    %while3A = arith.constant 3.000000e+38 : f32
    %while3A_36 = arith.constant true
    %while3A_37 = scf.while (%while3A_43 = %while3A_36) : (i1) -> i1 {
      scf.condition(%while3A_43) %while3A_43 : i1
    } do {
    ^bb0(%while3A_43: i1):
      %iota3A_44 = tpu.iota {dimensions = array<i32: 0>} : vector<2000x128xi32>
      %convert_element_type3A_45 = arith.sitofp %iota3A_44 : vector<2000x128xi32> to vector<2000x128xf32>
      %add3A_46 = vector.broadcast %convert_element_type3A_35 : f32 to vector<2000x128xf32>
      %add3A_47 = arith.addf %convert_element_type3A_45, %add3A_46 : vector<2000x128xf32>
      %get3A_48 = arith.constant 0 : index
      %get3A_49 = arith.constant 0 : index
      %get3A_50 = vector.load %arg22[%get3A_48, %get3A_49] : memref<2000x128xf32, #tpu.memory_space<vmem>>, vector<2000x128xf32>
      %get3A_51 = arith.constant 0 : index
      %get3A_52 = arith.constant 0 : index
      %get3A_53 = vector.load %arg20[%get3A_51, %get3A_52] : memref<16x128xf32, #tpu.memory_space<vmem>>, vector<16x128xf32>
      %get3A_54 = arith.constant 0 : index
      %get3A_55 = arith.constant 0 : index
      %get3A_56 = vector.load %arg21[%get3A_54, %get3A_55] : memref<16x128xf32, #tpu.memory_space<vmem>>, vector<16x128xf32>
      %reduce_min3A = arith.constant dense<0x7F800000> : vector<128xf32>
      %reduce_min3A_57 = vector.multi_reduction <minimumf>, %get3A_50, %reduce_min3A [0] : vector<2000x128xf32> to vector<128xf32>
      %broadcast_in_dim3A_58 = vector.shape_cast %reduce_min3A_57 : vector<128xf32> to vector<1x128xf32>
      %eq3A_59 = vector.broadcast %broadcast_in_dim3A_58 : vector<1x128xf32> to vector<2000x128xf32>
      %eq3A_60 = arith.cmpf oeq, %get3A_50, %eq3A_59 : vector<2000x128xf32>
      %broadcast_in_dim3A_61 = vector.broadcast %while3A : f32 to vector<2000x128xf32>
      %select_n3A = arith.select %eq3A_60, %add3A_47, %broadcast_in_dim3A_61 : vector<2000x128xi1>, vector<2000x128xf32>
      %reduce_min3A_62 = arith.constant dense<0x7F800000> : vector<128xf32>
      %reduce_min3A_63 = vector.multi_reduction <minimumf>, %select_n3A, %reduce_min3A_62 [0] : vector<2000x128xf32> to vector<128xf32>
      %broadcast_in_dim3A_64 = vector.shape_cast %reduce_min3A_63 : vector<128xf32> to vector<1x128xf32>
      %eq3A_65 = vector.broadcast %broadcast_in_dim3A_64 : vector<1x128xf32> to vector<2000x128xf32>
      %eq3A_66 = arith.cmpf oeq, %add3A_47, %eq3A_65 : vector<2000x128xf32>
      %jit3A = arith.constant 0x7F800000 : f32
      %broadcast_in_dim3A_67 = vector.broadcast %jit3A : f32 to vector<2000x128xf32>
      %select_n3A_68 = arith.select %eq3A_66, %broadcast_in_dim3A_67, %get3A_50 : vector<2000x128xi1>, vector<2000x128xf32>
      %swap3A_69 = arith.constant 0 : index
      %swap3A_70 = arith.constant 0 : index
      %swap3A_71 = vector.load %arg22[%swap3A_69, %swap3A_70] : memref<2000x128xf32, #tpu.memory_space<vmem>>, vector<2000x128xf32>
      tpu.vector_store %arg22[%swap3A_69, %swap3A_70], %select_n3A_68 {strides = array<i32>} : memref<2000x128xf32, #tpu.memory_space<vmem>>, vector<2000x128xf32>,
      %lt3A = vector.broadcast %broadcast_in_dim3A_58 : vector<1x128xf32> to vector<16x128xf32>
      %lt3A_72 = arith.cmpf olt, %get3A_53, %lt3A : vector<16x128xf32>
      %eq3A_73 = vector.broadcast %broadcast_in_dim3A_58 : vector<1x128xf32> to vector<16x128xf32>
      %eq3A_74 = arith.cmpf oeq, %get3A_53, %eq3A_73 : vector<16x128xf32>
      %lt3A_75 = vector.broadcast %broadcast_in_dim3A_64 : vector<1x128xf32> to vector<16x128xf32>
      %lt3A_76 = arith.cmpf olt, %get3A_56, %lt3A_75 : vector<16x128xf32>
      %and3A = arith.andi %eq3A_74, %lt3A_76 : vector<16x128xi1>
      %or3A = arith.ori %lt3A_72, %and3A : vector<16x128xi1>
      %convert_element_type3A_77 = arith.extui %or3A : vector<16x128xi1> to vector<16x128xi32>
      %reduce_sum3A_78 = arith.constant dense<0> : vector<128xi32>
      %reduce_sum3A_79 = vector.multi_reduction <add>, %convert_element_type3A_77, %reduce_sum3A_78 [0] : vector<16x128xi32> to vector<128xi32>
      %broadcast_in_dim3A_80 = vector.shape_cast %reduce_sum3A_79 : vector<128xi32> to vector<1x128xi32>
      %slice3A = vector.extract_strided_slice %get3A_53 {offsets = [0, 0], sizes = [1, 128], strides = [1, 1]} : vector<16x128xf32> to vector<1x128xf32>
      %slice3A_81 = vector.extract_strided_slice %get3A_53 {offsets = [0, 0], sizes = [15, 128], strides = [1, 1]} : vector<16x128xf32> to vector<15x128xf32>
      %concatenate3A = tpu.concatenate %slice3A, %slice3A_81 in 0 : vector<1x128xf32>, vector<15x128xf32> -> vector<16x128xf32>
      %slice3A_82 = vector.extract_strided_slice %get3A_56 {offsets = [0, 0], sizes = [1, 128], strides = [1, 1]} : vector<16x128xf32> to vector<1x128xf32>
      %slice3A_83 = vector.extract_strided_slice %get3A_56 {offsets = [0, 0], sizes = [15, 128], strides = [1, 1]} : vector<16x128xf32> to vector<15x128xf32>
      %concatenate3A_84 = tpu.concatenate %slice3A_82, %slice3A_83 in 0 : vector<1x128xf32>, vector<15x128xf32> -> vector<16x128xf32>
      %broadcast_in_dim3A_85 = vector.shape_cast %broadcast_in_dim3A_58 : vector<1x128xf32> to vector<1x128xf32>
      %broadcast_in_dim3A_86 = vector.broadcast %broadcast_in_dim3A_85 : vector<1x128xf32> to vector<16x128xf32>
      %broadcast_in_dim3A_87 = vector.shape_cast %broadcast_in_dim3A_64 : vector<1x128xf32> to vector<1x128xf32>
      %broadcast_in_dim3A_88 = vector.broadcast %broadcast_in_dim3A_87 : vector<1x128xf32> to vector<16x128xf32>
      %lt3A_89 = vector.broadcast %broadcast_in_dim3A_80 : vector<1x128xi32> to vector<16x128xi32>
      %lt3A_90 = arith.cmpi slt, %iota3A, %lt3A_89 : vector<16x128xi32>
      %eq3A_91 = vector.broadcast %broadcast_in_dim3A_80 : vector<1x128xi32> to vector<16x128xi32>
      %eq3A_92 = arith.cmpi eq, %iota3A, %eq3A_91 : vector<16x128xi32>
      %select_n3A_93 = arith.select %eq3A_92, %broadcast_in_dim3A_86, %concatenate3A : vector<16x128xi1>, vector<16x128xf32>
      %select_n3A_94 = arith.select %lt3A_90, %get3A_53, %select_n3A_93 : vector<16x128xi1>, vector<16x128xf32>
      %swap3A_95 = arith.constant 0 : index
      %swap3A_96 = arith.constant 0 : index
      %swap3A_97 = vector.load %arg20[%swap3A_95, %swap3A_96] : memref<16x128xf32, #tpu.memory_space<vmem>>, vector<16x128xf32>
      tpu.vector_store %arg20[%swap3A_95, %swap3A_96], %select_n3A_94 {strides = array<i32>} : memref<16x128xf32, #tpu.memory_space<vmem>>, vector<16x128xf32>,
      %lt3A_98 = vector.broadcast %broadcast_in_dim3A_80 : vector<1x128xi32> to vector<16x128xi32>
      %lt3A_99 = arith.cmpi slt, %iota3A, %lt3A_98 : vector<16x128xi32>
      %eq3A_100 = vector.broadcast %broadcast_in_dim3A_80 : vector<1x128xi32> to vector<16x128xi32>
      %eq3A_101 = arith.cmpi eq, %iota3A, %eq3A_100 : vector<16x128xi32>
      %select_n3A_102 = arith.select %eq3A_101, %broadcast_in_dim3A_88, %concatenate3A_84 : vector<16x128xi1>, vector<16x128xf32>
      %select_n3A_103 = arith.select %lt3A_99, %get3A_56, %select_n3A_102 : vector<16x128xi1>, vector<16x128xf32>
      %swap3A_104 = arith.constant 0 : index
      %swap3A_105 = arith.constant 0 : index
      %swap3A_106 = vector.load %arg21[%swap3A_104, %swap3A_105] : memref<16x128xf32, #tpu.memory_space<vmem>>, vector<16x128xf32>
      tpu.vector_store %arg21[%swap3A_104, %swap3A_105], %select_n3A_103 {strides = array<i32>} : memref<16x128xf32, #tpu.memory_space<vmem>>, vector<16x128xf32>,
      %lt3A_107 = arith.constant 16 : i32
      %lt3A_108 = vector.broadcast %lt3A_107 : i32 to vector<1x128xi32>
      %lt3A_109 = arith.cmpi slt, %broadcast_in_dim3A_80, %lt3A_108 : vector<1x128xi32>
      %reduce_or3A = arith.constant 1.000000e+00 : f32
      %reduce_or3A_110 = arith.constant 0.000000e+00 : f32
      %reduce_or3A_111 = vector.broadcast %reduce_or3A : f32 to vector<1x128xf32>
      %reduce_or3A_112 = vector.broadcast %reduce_or3A_110 : f32 to vector<1x128xf32>
      %reduce_or3A_113 = arith.select %lt3A_109, %reduce_or3A_111, %reduce_or3A_112 : vector<1x128xi1>, vector<1x128xf32>
      %reduce_or3A_114 = vector.shape_cast %reduce_or3A_113 : vector<1x128xf32> to vector<1x1x128xf32>
      %reduce_or3A_115 = arith.constant dense<0xFF800000> : vector<1xf32>
      %reduce_or3A_116 = vector.multi_reduction <maximumf>, %reduce_or3A_114, %reduce_or3A_115 [1, 2] : vector<1x1x128xf32> to vector<1xf32>
      %reduce_or3A_117 = vector.shape_cast %reduce_or3A_116 : vector<1xf32> to vector<1x1x1xf32>
      %reduce_or3A_118 = vector.extract %reduce_or3A_117[0, 0, 0] : f32 from vector<1x1x1xf32>
      %reduce_or3A_119 = arith.constant 0.000000e+00 : f32
      %reduce_or3A_120 = arith.cmpf ogt, %reduce_or3A_118, %reduce_or3A_119 : f32
      scf.yield %reduce_or3A_120 : i1
    }
    %eq3A_38 = arith.constant 49 : i32
    %eq3A_39 = arith.cmpi eq, %arg0, %eq3A_38 : i32
    %convert_element_type3A_40 = arith.extui %eq3A_39 : i1 to i32
    %cond3A_41 = arith.constant 0 : i32
    %cond3A_42 = arith.cmpi ne, %convert_element_type3A_40, %cond3A_41 : i32
    scf.if %cond3A_42 {
      %get3A_43 = arith.constant 0 : index
      %get3A_44 = arith.constant 0 : index
      %get3A_45 = vector.load %arg3[%get3A_43, %get3A_44] : memref<128x1xi32, #tpu.memory_space<vmem>>, vector<128x1xi32>
      %rem3A = arith.constant 8 : i32
      %rem3A_46 = vector.broadcast %rem3A : i32 to vector<128x1xi32>
      %rem3A_47 = arith.remsi %get3A_45, %rem3A_46 : vector<128x1xi32>
      %mul3A_48 = arith.constant 16 : i32
      %mul3A_49 = vector.broadcast %mul3A_48 : i32 to vector<128x1xi32>
      %mul3A_50 = arith.muli %rem3A_47, %mul3A_49 : vector<128x1xi32>
      %iota3A_51 = tpu.iota {dimensions = array<i32: 1>} : vector<128x128xi32>
      %add3A_52 = arith.constant 0 : i32
      %add3A_53 = vector.broadcast %add3A_52 : i32 to vector<128x1xi32>
      %add3A_54 = arith.addi %mul3A_50, %add3A_53 : vector<128x1xi32>
      %eq3A_55 = vector.broadcast %add3A_54 : vector<128x1xi32> to vector<128x128xi32>
      %eq3A_56 = arith.cmpi eq, %iota3A_51, %eq3A_55 : vector<128x128xi32>
      %get3A_57 = arith.constant 0 : index
      %get3A_58 = arith.constant 0 : index
      %get3A_59 = vector.load %arg1[%get3A_57, %get3A_58] : memref<128x128xi32, #tpu.memory_space<vmem>>, vector<128x128xi32>
      %jit3A = arith.constant 0 : i32
      %broadcast_in_dim3A_60 = vector.broadcast %jit3A : i32 to vector<128x128xi32>
      %select_n3A = arith.select %eq3A_56, %get3A_59, %broadcast_in_dim3A_60 : vector<128x128xi1>, vector<128x128xi32>
      %reduce_sum3A_61 = arith.constant dense<0> : vector<128xi32>
      %reduce_sum3A_62 = vector.multi_reduction <add>, %select_n3A, %reduce_sum3A_61 [1] : vector<128x128xi32> to vector<128xi32>
      %broadcast_in_dim3A_63 = vector.shape_cast %reduce_sum3A_62 : vector<128xi32> to vector<128x1xi32>
      %get3A_64 = arith.constant 0 : index
      %get3A_65 = arith.constant 0 : index
      %get3A_66 = vector.load %arg2[%get3A_64, %get3A_65] : memref<128x128xf32, #tpu.memory_space<vmem>>, vector<128x128xf32>
      %jit3A_67 = arith.constant 0.000000e+00 : f32
      %broadcast_in_dim3A_68 = vector.broadcast %jit3A_67 : f32 to vector<128x128xf32>
      %select_n3A_69 = arith.select %eq3A_56, %get3A_66, %broadcast_in_dim3A_68 : vector<128x128xi1>, vector<128x128xf32>
      %reduce_sum3A_70 = arith.constant dense<0.000000e+00> : vector<128xf32>
      %reduce_sum3A_71 = vector.multi_reduction <add>, %select_n3A_69, %reduce_sum3A_70 [1] : vector<128x128xf32> to vector<128xf32>
      %broadcast_in_dim3A_72 = vector.shape_cast %reduce_sum3A_71 : vector<128xf32> to vector<128x1xf32>
      %add3A_73 = arith.constant 1 : i32
      %add3A_74 = vector.broadcast %add3A_73 : i32 to vector<128x1xi32>
      %add3A_75 = arith.addi %mul3A_50, %add3A_74 : vector<128x1xi32>
      %eq3A_76 = vector.broadcast %add3A_75 : vector<128x1xi32> to vector<128x128xi32>
      %eq3A_77 = arith.cmpi eq, %iota3A_51, %eq3A_76 : vector<128x128xi32>
      %get3A_78 = arith.constant 0 : index
      %get3A_79 = arith.constant 0 : index
      %get3A_80 = vector.load %arg1[%get3A_78, %get3A_79] : memref<128x128xi32, #tpu.memory_space<vmem>>, vector<128x128xi32>
      %jit3A_81 = arith.constant 0 : i32
      %broadcast_in_dim3A_82 = vector.broadcast %jit3A_81 : i32 to vector<128x128xi32>
      %select_n3A_83 = arith.select %eq3A_77, %get3A_80, %broadcast_in_dim3A_82 : vector<128x128xi1>, vector<128x128xi32>
      %reduce_sum3A_84 = arith.constant dense<0> : vector<128xi32>
      %reduce_sum3A_85 = vector.multi_reduction <add>, %select_n3A_83, %reduce_sum3A_84 [1] : vector<128x128xi32> to vector<128xi32>
      %broadcast_in_dim3A_86 = vector.shape_cast %reduce_sum3A_85 : vector<128xi32> to vector<128x1xi32>
      %get3A_87 = arith.constant 0 : index
      %get3A_88 = arith.constant 0 : index
      %get3A_89 = vector.load %arg2[%get3A_87, %get3A_88] : memref<128x128xf32, #tpu.memory_space<vmem>>, vector<128x128xf32>
      %jit3A_90 = arith.constant 0.000000e+00 : f32
      %broadcast_in_dim3A_91 = vector.broadcast %jit3A_90 : f32 to vector<128x128xf32>
      %select_n3A_92 = arith.select %eq3A_77, %get3A_89, %broadcast_in_dim3A_91 : vector<128x128xi1>, vector<128x128xf32>
      %reduce_sum3A_93 = arith.constant dense<0.000000e+00> : vector<128xf32>
      %reduce_sum3A_94 = vector.multi_reduction <add>, %select_n3A_92, %reduce_sum3A_93 [1] : vector<128x128xf32> to vector<128xf32>
      %broadcast_in_dim3A_95 = vector.shape_cast %reduce_sum3A_94 : vector<128xf32> to vector<128x1xf32>
      %add3A_96 = arith.constant 2 : i32
      %add3A_97 = vector.broadcast %add3A_96 : i32 to vector<128x1xi32>
      %add3A_98 = arith.addi %mul3A_50, %add3A_97 : vector<128x1xi32>
      %eq3A_99 = vector.broadcast %add3A_98 : vector<128x1xi32> to vector<128x128xi32>
      %eq3A_100 = arith.cmpi eq, %iota3A_51, %eq3A_99 : vector<128x128xi32>
      %get3A_101 = arith.constant 0 : index
      %get3A_102 = arith.constant 0 : index
      %get3A_103 = vector.load %arg1[%get3A_101, %get3A_102] : memref<128x128xi32, #tpu.memory_space<vmem>>, vector<128x128xi32>
      %jit3A_104 = arith.constant 0 : i32
      %broadcast_in_dim3A_105 = vector.broadcast %jit3A_104 : i32 to vector<128x128xi32>
      %select_n3A_106 = arith.select %eq3A_100, %get3A_103, %broadcast_in_dim3A_105 : vector<128x128xi1>, vector<128x128xi32>
      %reduce_sum3A_107 = arith.constant dense<0> : vector<128xi32>
      %reduce_sum3A_108 = vector.multi_reduction <add>, %select_n3A_106, %reduce_sum3A_107 [1] : vector<128x128xi32> to vector<128xi32>
      %broadcast_in_dim3A_109 = vector.shape_cast %reduce_sum3A_108 : vector<128xi32> to vector<128x1xi32>
      %get3A_110 = arith.constant 0 : index
      %get3A_111 = arith.constant 0 : index
      %get3A_112 = vector.load %arg2[%get3A_110, %get3A_111] : memref<128x128xf32, #tpu.memory_space<vmem>>, vector<128x128xf32>
      %jit3A_113 = arith.constant 0.000000e+00 : f32
      %broadcast_in_dim3A_114 = vector.broadcast %jit3A_113 : f32 to vector<128x128xf32>
      %select_n3A_115 = arith.select %eq3A_100, %get3A_112, %broadcast_in_dim3A_114 : vector<128x128xi1>, vector<128x128xf32>
      %reduce_sum3A_116 = arith.constant dense<0.000000e+00> : vector<128xf32>
      %reduce_sum3A_117 = vector.multi_reduction <add>, %select_n3A_115, %reduce_sum3A_116 [1] : vector<128x128xf32> to vector<128xf32>
      %broadcast_in_dim3A_118 = vector.shape_cast %reduce_sum3A_117 : vector<128xf32> to vector<128x1xf32>
      %add3A_119 = arith.constant 3 : i32
      %add3A_120 = vector.broadcast %add3A_119 : i32 to vector<128x1xi32>
      %add3A_121 = arith.addi %mul3A_50, %add3A_120 : vector<128x1xi32>
      %eq3A_122 = vector.broadcast %add3A_121 : vector<128x1xi32> to vector<128x128xi32>
      %eq3A_123 = arith.cmpi eq, %iota3A_51, %eq3A_122 : vector<128x128xi32>
      %get3A_124 = arith.constant 0 : index
      %get3A_125 = arith.constant 0 : index
      %get3A_126 = vector.load %arg1[%get3A_124, %get3A_125] : memref<128x128xi32, #tpu.memory_space<vmem>>, vector<128x128xi32>
      %jit3A_127 = arith.constant 0 : i32
      %broadcast_in_dim3A_128 = vector.broadcast %jit3A_127 : i32 to vector<128x128xi32>
      %select_n3A_129 = arith.select %eq3A_123, %get3A_126, %broadcast_in_dim3A_128 : vector<128x128xi1>, vector<128x128xi32>
      %reduce_sum3A_130 = arith.constant dense<0> : vector<128xi32>
      %reduce_sum3A_131 = vector.multi_reduction <add>, %select_n3A_129, %reduce_sum3A_130 [1] : vector<128x128xi32> to vector<128xi32>
      %broadcast_in_dim3A_132 = vector.shape_cast %reduce_sum3A_131 : vector<128xi32> to vector<128x1xi32>
      %get3A_133 = arith.constant 0 : index
      %get3A_134 = arith.constant 0 : index
      %get3A_135 = vector.load %arg2[%get3A_133, %get3A_134] : memref<128x128xf32, #tpu.memory_space<vmem>>, vector<128x128xf32>
      %jit3A_136 = arith.constant 0.000000e+00 : f32
      %broadcast_in_dim3A_137 = vector.broadcast %jit3A_136 : f32 to vector<128x128xf32>
      %select_n3A_138 = arith.select %eq3A_123, %get3A_135, %broadcast_in_dim3A_137 : vector<128x128xi1>, vector<128x128xf32>
      %reduce_sum3A_139 = arith.constant dense<0.000000e+00> : vector<128xf32>
      %reduce_sum3A_140 = vector.multi_reduction <add>, %select_n3A_138, %reduce_sum3A_139 [1] : vector<128x128xf32> to vector<128xf32>
      %broadcast_in_dim3A_141 = vector.shape_cast %reduce_sum3A_140 : vector<128xf32> to vector<128x1xf32>
      %add3A_142 = arith.constant 4 : i32
      %add3A_143 = vector.broadcast %add3A_142 : i32 to vector<128x1xi32>
      %add3A_144 = arith.addi %mul3A_50, %add3A_143 : vector<128x1xi32>
      %eq3A_145 = vector.broadcast %add3A_144 : vector<128x1xi32> to vector<128x128xi32>
      %eq3A_146 = arith.cmpi eq, %iota3A_51, %eq3A_145 : vector<128x128xi32>
      %get3A_147 = arith.constant 0 : index
      %get3A_148 = arith.constant 0 : index
      %get3A_149 = vector.load %arg1[%get3A_147, %get3A_148] : memref<128x128xi32, #tpu.memory_space<vmem>>, vector<128x128xi32>
      %jit3A_150 = arith.constant 0 : i32
      %broadcast_in_dim3A_151 = vector.broadcast %jit3A_150 : i32 to vector<128x128xi32>
      %select_n3A_152 = arith.select %eq3A_146, %get3A_149, %broadcast_in_dim3A_151 : vector<128x128xi1>, vector<128x128xi32>
      %reduce_sum3A_153 = arith.constant dense<0> : vector<128xi32>
      %reduce_sum3A_154 = vector.multi_reduction <add>, %select_n3A_152, %reduce_sum3A_153 [1] : vector<128x128xi32> to vector<128xi32>
      %broadcast_in_dim3A_155 = vector.shape_cast %reduce_sum3A_154 : vector<128xi32> to vector<128x1xi32>
      %get3A_156 = arith.constant 0 : index
      %get3A_157 = arith.constant 0 : index
      %get3A_158 = vector.load %arg2[%get3A_156, %get3A_157] : memref<128x128xf32, #tpu.memory_space<vmem>>, vector<128x128xf32>
      %jit3A_159 = arith.constant 0.000000e+00 : f32
      %broadcast_in_dim3A_160 = vector.broadcast %jit3A_159 : f32 to vector<128x128xf32>
      %select_n3A_161 = arith.select %eq3A_146, %get3A_158, %broadcast_in_dim3A_160 : vector<128x128xi1>, vector<128x128xf32>
      %reduce_sum3A_162 = arith.constant dense<0.000000e+00> : vector<128xf32>
      %reduce_sum3A_163 = vector.multi_reduction <add>, %select_n3A_161, %reduce_sum3A_162 [1] : vector<128x128xf32> to vector<128xf32>
      %broadcast_in_dim3A_164 = vector.shape_cast %reduce_sum3A_163 : vector<128xf32> to vector<128x1xf32>
      %add3A_165 = arith.constant 5 : i32
      %add3A_166 = vector.broadcast %add3A_165 : i32 to vector<128x1xi32>
      %add3A_167 = arith.addi %mul3A_50, %add3A_166 : vector<128x1xi32>
      %eq3A_168 = vector.broadcast %add3A_167 : vector<128x1xi32> to vector<128x128xi32>
      %eq3A_169 = arith.cmpi eq, %iota3A_51, %eq3A_168 : vector<128x128xi32>
      %get3A_170 = arith.constant 0 : index
      %get3A_171 = arith.constant 0 : index
      %get3A_172 = vector.load %arg1[%get3A_170, %get3A_171] : memref<128x128xi32, #tpu.memory_space<vmem>>, vector<128x128xi32>
      %jit3A_173 = arith.constant 0 : i32
      %broadcast_in_dim3A_174 = vector.broadcast %jit3A_173 : i32 to vector<128x128xi32>
      %select_n3A_175 = arith.select %eq3A_169, %get3A_172, %broadcast_in_dim3A_174 : vector<128x128xi1>, vector<128x128xi32>
      %reduce_sum3A_176 = arith.constant dense<0> : vector<128xi32>
      %reduce_sum3A_177 = vector.multi_reduction <add>, %select_n3A_175, %reduce_sum3A_176 [1] : vector<128x128xi32> to vector<128xi32>
      %broadcast_in_dim3A_178 = vector.shape_cast %reduce_sum3A_177 : vector<128xi32> to vector<128x1xi32>
      %get3A_179 = arith.constant 0 : index
      %get3A_180 = arith.constant 0 : index
      %get3A_181 = vector.load %arg2[%get3A_179, %get3A_180] : memref<128x128xf32, #tpu.memory_space<vmem>>, vector<128x128xf32>
      %jit3A_182 = arith.constant 0.000000e+00 : f32
      %broadcast_in_dim3A_183 = vector.broadcast %jit3A_182 : f32 to vector<128x128xf32>
      %select_n3A_184 = arith.select %eq3A_169, %get3A_181, %broadcast_in_dim3A_183 : vector<128x128xi1>, vector<128x128xf32>
      %reduce_sum3A_185 = arith.constant dense<0.000000e+00> : vector<128xf32>
      %reduce_sum3A_186 = vector.multi_reduction <add>, %select_n3A_184, %reduce_sum3A_185 [1] : vector<128x128xf32> to vector<128xf32>
      %broadcast_in_dim3A_187 = vector.shape_cast %reduce_sum3A_186 : vector<128xf32> to vector<128x1xf32>
      %add3A_188 = arith.constant 6 : i32
      %add3A_189 = vector.broadcast %add3A_188 : i32 to vector<128x1xi32>
      %add3A_190 = arith.addi %mul3A_50, %add3A_189 : vector<128x1xi32>
      %eq3A_191 = vector.broadcast %add3A_190 : vector<128x1xi32> to vector<128x128xi32>
      %eq3A_192 = arith.cmpi eq, %iota3A_51, %eq3A_191 : vector<128x128xi32>
      %get3A_193 = arith.constant 0 : index
      %get3A_194 = arith.constant 0 : index
      %get3A_195 = vector.load %arg1[%get3A_193, %get3A_194] : memref<128x128xi32, #tpu.memory_space<vmem>>, vector<128x128xi32>
      %jit3A_196 = arith.constant 0 : i32
      %broadcast_in_dim3A_197 = vector.broadcast %jit3A_196 : i32 to vector<128x128xi32>
      %select_n3A_198 = arith.select %eq3A_192, %get3A_195, %broadcast_in_dim3A_197 : vector<128x128xi1>, vector<128x128xi32>
      %reduce_sum3A_199 = arith.constant dense<0> : vector<128xi32>
      %reduce_sum3A_200 = vector.multi_reduction <add>, %select_n3A_198, %reduce_sum3A_199 [1] : vector<128x128xi32> to vector<128xi32>
      %broadcast_in_dim3A_201 = vector.shape_cast %reduce_sum3A_200 : vector<128xi32> to vector<128x1xi32>
      %get3A_202 = arith.constant 0 : index
      %get3A_203 = arith.constant 0 : index
      %get3A_204 = vector.load %arg2[%get3A_202, %get3A_203] : memref<128x128xf32, #tpu.memory_space<vmem>>, vector<128x128xf32>
      %jit3A_205 = arith.constant 0.000000e+00 : f32
      %broadcast_in_dim3A_206 = vector.broadcast %jit3A_205 : f32 to vector<128x128xf32>
      %select_n3A_207 = arith.select %eq3A_192, %get3A_204, %broadcast_in_dim3A_206 : vector<128x128xi1>, vector<128x128xf32>
      %reduce_sum3A_208 = arith.constant dense<0.000000e+00> : vector<128xf32>
      %reduce_sum3A_209 = vector.multi_reduction <add>, %select_n3A_207, %reduce_sum3A_208 [1] : vector<128x128xf32> to vector<128xf32>
      %broadcast_in_dim3A_210 = vector.shape_cast %reduce_sum3A_209 : vector<128xf32> to vector<128x1xf32>
      %add3A_211 = arith.constant 7 : i32
      %add3A_212 = vector.broadcast %add3A_211 : i32 to vector<128x1xi32>
      %add3A_213 = arith.addi %mul3A_50, %add3A_212 : vector<128x1xi32>
      %eq3A_214 = vector.broadcast %add3A_213 : vector<128x1xi32> to vector<128x128xi32>
      %eq3A_215 = arith.cmpi eq, %iota3A_51, %eq3A_214 : vector<128x128xi32>
      %get3A_216 = arith.constant 0 : index
      %get3A_217 = arith.constant 0 : index
      %get3A_218 = vector.load %arg1[%get3A_216, %get3A_217] : memref<128x128xi32, #tpu.memory_space<vmem>>, vector<128x128xi32>
      %jit3A_219 = arith.constant 0 : i32
      %broadcast_in_dim3A_220 = vector.broadcast %jit3A_219 : i32 to vector<128x128xi32>
      %select_n3A_221 = arith.select %eq3A_215, %get3A_218, %broadcast_in_dim3A_220 : vector<128x128xi1>, vector<128x128xi32>
      %reduce_sum3A_222 = arith.constant dense<0> : vector<128xi32>
      %reduce_sum3A_223 = vector.multi_reduction <add>, %select_n3A_221, %reduce_sum3A_222 [1] : vector<128x128xi32> to vector<128xi32>
      %broadcast_in_dim3A_224 = vector.shape_cast %reduce_sum3A_223 : vector<128xi32> to vector<128x1xi32>
      %get3A_225 = arith.constant 0 : index
      %get3A_226 = arith.constant 0 : index
      %get3A_227 = vector.load %arg2[%get3A_225, %get3A_226] : memref<128x128xf32, #tpu.memory_space<vmem>>, vector<128x128xf32>
      %jit3A_228 = arith.constant 0.000000e+00 : f32
      %broadcast_in_dim3A_229 = vector.broadcast %jit3A_228 : f32 to vector<128x128xf32>
      %select_n3A_230 = arith.select %eq3A_215, %get3A_227, %broadcast_in_dim3A_229 : vector<128x128xi1>, vector<128x128xf32>
      %reduce_sum3A_231 = arith.constant dense<0.000000e+00> : vector<128xf32>
      %reduce_sum3A_232 = vector.multi_reduction <add>, %select_n3A_230, %reduce_sum3A_231 [1] : vector<128x128xf32> to vector<128xf32>
      %broadcast_in_dim3A_233 = vector.shape_cast %reduce_sum3A_232 : vector<128xf32> to vector<128x1xf32>
      %add3A_234 = arith.constant 8 : i32
      %add3A_235 = vector.broadcast %add3A_234 : i32 to vector<128x1xi32>
      %add3A_236 = arith.addi %mul3A_50, %add3A_235 : vector<128x1xi32>
      %eq3A_237 = vector.broadcast %add3A_236 : vector<128x1xi32> to vector<128x128xi32>
      %eq3A_238 = arith.cmpi eq, %iota3A_51, %eq3A_237 : vector<128x128xi32>
      %get3A_239 = arith.constant 0 : index
      %get3A_240 = arith.constant 0 : index
      %get3A_241 = vector.load %arg1[%get3A_239, %get3A_240] : memref<128x128xi32, #tpu.memory_space<vmem>>, vector<128x128xi32>
      %jit3A_242 = arith.constant 0 : i32
      %broadcast_in_dim3A_243 = vector.broadcast %jit3A_242 : i32 to vector<128x128xi32>
      %select_n3A_244 = arith.select %eq3A_238, %get3A_241, %broadcast_in_dim3A_243 : vector<128x128xi1>, vector<128x128xi32>
      %reduce_sum3A_245 = arith.constant dense<0> : vector<128xi32>
      %reduce_sum3A_246 = vector.multi_reduction <add>, %select_n3A_244, %reduce_sum3A_245 [1] : vector<128x128xi32> to vector<128xi32>
      %broadcast_in_dim3A_247 = vector.shape_cast %reduce_sum3A_246 : vector<128xi32> to vector<128x1xi32>
      %get3A_248 = arith.constant 0 : index
      %get3A_249 = arith.constant 0 : index
      %get3A_250 = vector.load %arg2[%get3A_248, %get3A_249] : memref<128x128xf32, #tpu.memory_space<vmem>>, vector<128x128xf32>
      %jit3A_251 = arith.constant 0.000000e+00 : f32
      %broadcast_in_dim3A_252 = vector.broadcast %jit3A_251 : f32 to vector<128x128xf32>
      %select_n3A_253 = arith.select %eq3A_238, %get3A_250, %broadcast_in_dim3A_252 : vector<128x128xi1>, vector<128x128xf32>
      %reduce_sum3A_254 = arith.constant dense<0.000000e+00> : vector<128xf32>
      %reduce_sum3A_255 = vector.multi_reduction <add>, %select_n3A_253, %reduce_sum3A_254 [1] : vector<128x128xf32> to vector<128xf32>
      %broadcast_in_dim3A_256 = vector.shape_cast %reduce_sum3A_255 : vector<128xf32> to vector<128x1xf32>
      %add3A_257 = arith.constant 9 : i32
      %add3A_258 = vector.broadcast %add3A_257 : i32 to vector<128x1xi32>
      %add3A_259 = arith.addi %mul3A_50, %add3A_258 : vector<128x1xi32>
      %eq3A_260 = vector.broadcast %add3A_259 : vector<128x1xi32> to vector<128x128xi32>
      %eq3A_261 = arith.cmpi eq, %iota3A_51, %eq3A_260 : vector<128x128xi32>
      %get3A_262 = arith.constant 0 : index
      %get3A_263 = arith.constant 0 : index
      %get3A_264 = vector.load %arg1[%get3A_262, %get3A_263] : memref<128x128xi32, #tpu.memory_space<vmem>>, vector<128x128xi32>
      %jit3A_265 = arith.constant 0 : i32
      %broadcast_in_dim3A_266 = vector.broadcast %jit3A_265 : i32 to vector<128x128xi32>
      %select_n3A_267 = arith.select %eq3A_261, %get3A_264, %broadcast_in_dim3A_266 : vector<128x128xi1>, vector<128x128xi32>
      %reduce_sum3A_268 = arith.constant dense<0> : vector<128xi32>
      %reduce_sum3A_269 = vector.multi_reduction <add>, %select_n3A_267, %reduce_sum3A_268 [1] : vector<128x128xi32> to vector<128xi32>
      %broadcast_in_dim3A_270 = vector.shape_cast %reduce_sum3A_269 : vector<128xi32> to vector<128x1xi32>
      %get3A_271 = arith.constant 0 : index
      %get3A_272 = arith.constant 0 : index
      %get3A_273 = vector.load %arg2[%get3A_271, %get3A_272] : memref<128x128xf32, #tpu.memory_space<vmem>>, vector<128x128xf32>
      %jit3A_274 = arith.constant 0.000000e+00 : f32
      %broadcast_in_dim3A_275 = vector.broadcast %jit3A_274 : f32 to vector<128x128xf32>
      %select_n3A_276 = arith.select %eq3A_261, %get3A_273, %broadcast_in_dim3A_275 : vector<128x128xi1>, vector<128x128xf32>
      %reduce_sum3A_277 = arith.constant dense<0.000000e+00> : vector<128xf32>
      %reduce_sum3A_278 = vector.multi_reduction <add>, %select_n3A_276, %reduce_sum3A_277 [1] : vector<128x128xf32> to vector<128xf32>
      %broadcast_in_dim3A_279 = vector.shape_cast %reduce_sum3A_278 : vector<128xf32> to vector<128x1xf32>
      %add3A_280 = arith.constant 10 : i32
      %add3A_281 = vector.broadcast %add3A_280 : i32 to vector<128x1xi32>
      %add3A_282 = arith.addi %mul3A_50, %add3A_281 : vector<128x1xi32>
      %eq3A_283 = vector.broadcast %add3A_282 : vector<128x1xi32> to vector<128x128xi32>
      %eq3A_284 = arith.cmpi eq, %iota3A_51, %eq3A_283 : vector<128x128xi32>
      %get3A_285 = arith.constant 0 : index
      %get3A_286 = arith.constant 0 : index
      %get3A_287 = vector.load %arg1[%get3A_285, %get3A_286] : memref<128x128xi32, #tpu.memory_space<vmem>>, vector<128x128xi32>
      %jit3A_288 = arith.constant 0 : i32
      %broadcast_in_dim3A_289 = vector.broadcast %jit3A_288 : i32 to vector<128x128xi32>
      %select_n3A_290 = arith.select %eq3A_284, %get3A_287, %broadcast_in_dim3A_289 : vector<128x128xi1>, vector<128x128xi32>
      %reduce_sum3A_291 = arith.constant dense<0> : vector<128xi32>
      %reduce_sum3A_292 = vector.multi_reduction <add>, %select_n3A_290, %reduce_sum3A_291 [1] : vector<128x128xi32> to vector<128xi32>
      %broadcast_in_dim3A_293 = vector.shape_cast %reduce_sum3A_292 : vector<128xi32> to vector<128x1xi32>
      %get3A_294 = arith.constant 0 : index
      %get3A_295 = arith.constant 0 : index
      %get3A_296 = vector.load %arg2[%get3A_294, %get3A_295] : memref<128x128xf32, #tpu.memory_space<vmem>>, vector<128x128xf32>
      %jit3A_297 = arith.constant 0.000000e+00 : f32
      %broadcast_in_dim3A_298 = vector.broadcast %jit3A_297 : f32 to vector<128x128xf32>
      %select_n3A_299 = arith.select %eq3A_284, %get3A_296, %broadcast_in_dim3A_298 : vector<128x128xi1>, vector<128x128xf32>
      %reduce_sum3A_300 = arith.constant dense<0.000000e+00> : vector<128xf32>
      %reduce_sum3A_301 = vector.multi_reduction <add>, %select_n3A_299, %reduce_sum3A_300 [1] : vector<128x128xf32> to vector<128xf32>
      %broadcast_in_dim3A_302 = vector.shape_cast %reduce_sum3A_301 : vector<128xf32> to vector<128x1xf32>
      %add3A_303 = arith.constant 11 : i32
      %add3A_304 = vector.broadcast %add3A_303 : i32 to vector<128x1xi32>
      %add3A_305 = arith.addi %mul3A_50, %add3A_304 : vector<128x1xi32>
      %eq3A_306 = vector.broadcast %add3A_305 : vector<128x1xi32> to vector<128x128xi32>
      %eq3A_307 = arith.cmpi eq, %iota3A_51, %eq3A_306 : vector<128x128xi32>
      %get3A_308 = arith.constant 0 : index
      %get3A_309 = arith.constant 0 : index
      %get3A_310 = vector.load %arg1[%get3A_308, %get3A_309] : memref<128x128xi32, #tpu.memory_space<vmem>>, vector<128x128xi32>
      %jit3A_311 = arith.constant 0 : i32
      %broadcast_in_dim3A_312 = vector.broadcast %jit3A_311 : i32 to vector<128x128xi32>
      %select_n3A_313 = arith.select %eq3A_307, %get3A_310, %broadcast_in_dim3A_312 : vector<128x128xi1>, vector<128x128xi32>
      %reduce_sum3A_314 = arith.constant dense<0> : vector<128xi32>
      %reduce_sum3A_315 = vector.multi_reduction <add>, %select_n3A_313, %reduce_sum3A_314 [1] : vector<128x128xi32> to vector<128xi32>
      %broadcast_in_dim3A_316 = vector.shape_cast %reduce_sum3A_315 : vector<128xi32> to vector<128x1xi32>
      %get3A_317 = arith.constant 0 : index
      %get3A_318 = arith.constant 0 : index
      %get3A_319 = vector.load %arg2[%get3A_317, %get3A_318] : memref<128x128xf32, #tpu.memory_space<vmem>>, vector<128x128xf32>
      %jit3A_320 = arith.constant 0.000000e+00 : f32
      %broadcast_in_dim3A_321 = vector.broadcast %jit3A_320 : f32 to vector<128x128xf32>
      %select_n3A_322 = arith.select %eq3A_307, %get3A_319, %broadcast_in_dim3A_321 : vector<128x128xi1>, vector<128x128xf32>
      %reduce_sum3A_323 = arith.constant dense<0.000000e+00> : vector<128xf32>
      %reduce_sum3A_324 = vector.multi_reduction <add>, %select_n3A_322, %reduce_sum3A_323 [1] : vector<128x128xf32> to vector<128xf32>
      %broadcast_in_dim3A_325 = vector.shape_cast %reduce_sum3A_324 : vector<128xf32> to vector<128x1xf32>
      %add3A_326 = arith.constant 12 : i32
      %add3A_327 = vector.broadcast %add3A_326 : i32 to vector<128x1xi32>
      %add3A_328 = arith.addi %mul3A_50, %add3A_327 : vector<128x1xi32>
      %eq3A_329 = vector.broadcast %add3A_328 : vector<128x1xi32> to vector<128x128xi32>
      %eq3A_330 = arith.cmpi eq, %iota3A_51, %eq3A_329 : vector<128x128xi32>
      %get3A_331 = arith.constant 0 : index
      %get3A_332 = arith.constant 0 : index
      %get3A_333 = vector.load %arg1[%get3A_331, %get3A_332] : memref<128x128xi32, #tpu.memory_space<vmem>>, vector<128x128xi32>
      %jit3A_334 = arith.constant 0 : i32
      %broadcast_in_dim3A_335 = vector.broadcast %jit3A_334 : i32 to vector<128x128xi32>
      %select_n3A_336 = arith.select %eq3A_330, %get3A_333, %broadcast_in_dim3A_335 : vector<128x128xi1>, vector<128x128xi32>
      %reduce_sum3A_337 = arith.constant dense<0> : vector<128xi32>
      %reduce_sum3A_338 = vector.multi_reduction <add>, %select_n3A_336, %reduce_sum3A_337 [1] : vector<128x128xi32> to vector<128xi32>
      %broadcast_in_dim3A_339 = vector.shape_cast %reduce_sum3A_338 : vector<128xi32> to vector<128x1xi32>
      %get3A_340 = arith.constant 0 : index
      %get3A_341 = arith.constant 0 : index
      %get3A_342 = vector.load %arg2[%get3A_340, %get3A_341] : memref<128x128xf32, #tpu.memory_space<vmem>>, vector<128x128xf32>
      %jit3A_343 = arith.constant 0.000000e+00 : f32
      %broadcast_in_dim3A_344 = vector.broadcast %jit3A_343 : f32 to vector<128x128xf32>
      %select_n3A_345 = arith.select %eq3A_330, %get3A_342, %broadcast_in_dim3A_344 : vector<128x128xi1>, vector<128x128xf32>
      %reduce_sum3A_346 = arith.constant dense<0.000000e+00> : vector<128xf32>
      %reduce_sum3A_347 = vector.multi_reduction <add>, %select_n3A_345, %reduce_sum3A_346 [1] : vector<128x128xf32> to vector<128xf32>
      %broadcast_in_dim3A_348 = vector.shape_cast %reduce_sum3A_347 : vector<128xf32> to vector<128x1xf32>
      %add3A_349 = arith.constant 13 : i32
      %add3A_350 = vector.broadcast %add3A_349 : i32 to vector<128x1xi32>
      %add3A_351 = arith.addi %mul3A_50, %add3A_350 : vector<128x1xi32>
      %eq3A_352 = vector.broadcast %add3A_351 : vector<128x1xi32> to vector<128x128xi32>
      %eq3A_353 = arith.cmpi eq, %iota3A_51, %eq3A_352 : vector<128x128xi32>
      %get3A_354 = arith.constant 0 : index
      %get3A_355 = arith.constant 0 : index
      %get3A_356 = vector.load %arg1[%get3A_354, %get3A_355] : memref<128x128xi32, #tpu.memory_space<vmem>>, vector<128x128xi32>
      %jit3A_357 = arith.constant 0 : i32
      %broadcast_in_dim3A_358 = vector.broadcast %jit3A_357 : i32 to vector<128x128xi32>
      %select_n3A_359 = arith.select %eq3A_353, %get3A_356, %broadcast_in_dim3A_358 : vector<128x128xi1>, vector<128x128xi32>
      %reduce_sum3A_360 = arith.constant dense<0> : vector<128xi32>
      %reduce_sum3A_361 = vector.multi_reduction <add>, %select_n3A_359, %reduce_sum3A_360 [1] : vector<128x128xi32> to vector<128xi32>
      %broadcast_in_dim3A_362 = vector.shape_cast %reduce_sum3A_361 : vector<128xi32> to vector<128x1xi32>
      %get3A_363 = arith.constant 0 : index
      %get3A_364 = arith.constant 0 : index
      %get3A_365 = vector.load %arg2[%get3A_363, %get3A_364] : memref<128x128xf32, #tpu.memory_space<vmem>>, vector<128x128xf32>
      %jit3A_366 = arith.constant 0.000000e+00 : f32
      %broadcast_in_dim3A_367 = vector.broadcast %jit3A_366 : f32 to vector<128x128xf32>
      %select_n3A_368 = arith.select %eq3A_353, %get3A_365, %broadcast_in_dim3A_367 : vector<128x128xi1>, vector<128x128xf32>
      %reduce_sum3A_369 = arith.constant dense<0.000000e+00> : vector<128xf32>
      %reduce_sum3A_370 = vector.multi_reduction <add>, %select_n3A_368, %reduce_sum3A_369 [1] : vector<128x128xf32> to vector<128xf32>
      %broadcast_in_dim3A_371 = vector.shape_cast %reduce_sum3A_370 : vector<128xf32> to vector<128x1xf32>
      %add3A_372 = arith.constant 14 : i32
      %add3A_373 = vector.broadcast %add3A_372 : i32 to vector<128x1xi32>
      %add3A_374 = arith.addi %mul3A_50, %add3A_373 : vector<128x1xi32>
      %eq3A_375 = vector.broadcast %add3A_374 : vector<128x1xi32> to vector<128x128xi32>
      %eq3A_376 = arith.cmpi eq, %iota3A_51, %eq3A_375 : vector<128x128xi32>
      %get3A_377 = arith.constant 0 : index
      %get3A_378 = arith.constant 0 : index
      %get3A_379 = vector.load %arg1[%get3A_377, %get3A_378] : memref<128x128xi32, #tpu.memory_space<vmem>>, vector<128x128xi32>
      %jit3A_380 = arith.constant 0 : i32
      %broadcast_in_dim3A_381 = vector.broadcast %jit3A_380 : i32 to vector<128x128xi32>
      %select_n3A_382 = arith.select %eq3A_376, %get3A_379, %broadcast_in_dim3A_381 : vector<128x128xi1>, vector<128x128xi32>
      %reduce_sum3A_383 = arith.constant dense<0> : vector<128xi32>
      %reduce_sum3A_384 = vector.multi_reduction <add>, %select_n3A_382, %reduce_sum3A_383 [1] : vector<128x128xi32> to vector<128xi32>
      %broadcast_in_dim3A_385 = vector.shape_cast %reduce_sum3A_384 : vector<128xi32> to vector<128x1xi32>
      %get3A_386 = arith.constant 0 : index
      %get3A_387 = arith.constant 0 : index
      %get3A_388 = vector.load %arg2[%get3A_386, %get3A_387] : memref<128x128xf32, #tpu.memory_space<vmem>>, vector<128x128xf32>
      %jit3A_389 = arith.constant 0.000000e+00 : f32
      %broadcast_in_dim3A_390 = vector.broadcast %jit3A_389 : f32 to vector<128x128xf32>
      %select_n3A_391 = arith.select %eq3A_376, %get3A_388, %broadcast_in_dim3A_390 : vector<128x128xi1>, vector<128x128xf32>
      %reduce_sum3A_392 = arith.constant dense<0.000000e+00> : vector<128xf32>
      %reduce_sum3A_393 = vector.multi_reduction <add>, %select_n3A_391, %reduce_sum3A_392 [1] : vector<128x128xf32> to vector<128xf32>
      %broadcast_in_dim3A_394 = vector.shape_cast %reduce_sum3A_393 : vector<128xf32> to vector<128x1xf32>
      %add3A_395 = arith.constant 15 : i32
      %add3A_396 = vector.broadcast %add3A_395 : i32 to vector<128x1xi32>
      %add3A_397 = arith.addi %mul3A_50, %add3A_396 : vector<128x1xi32>
      %eq3A_398 = vector.broadcast %add3A_397 : vector<128x1xi32> to vector<128x128xi32>
      %eq3A_399 = arith.cmpi eq, %iota3A_51, %eq3A_398 : vector<128x128xi32>
      %get3A_400 = arith.constant 0 : index
      %get3A_401 = arith.constant 0 : index
      %get3A_402 = vector.load %arg1[%get3A_400, %get3A_401] : memref<128x128xi32, #tpu.memory_space<vmem>>, vector<128x128xi32>
      %jit3A_403 = arith.constant 0 : i32
      %broadcast_in_dim3A_404 = vector.broadcast %jit3A_403 : i32 to vector<128x128xi32>
      %select_n3A_405 = arith.select %eq3A_399, %get3A_402, %broadcast_in_dim3A_404 : vector<128x128xi1>, vector<128x128xi32>
      %reduce_sum3A_406 = arith.constant dense<0> : vector<128xi32>
      %reduce_sum3A_407 = vector.multi_reduction <add>, %select_n3A_405, %reduce_sum3A_406 [1] : vector<128x128xi32> to vector<128xi32>
      %broadcast_in_dim3A_408 = vector.shape_cast %reduce_sum3A_407 : vector<128xi32> to vector<128x1xi32>
      %get3A_409 = arith.constant 0 : index
      %get3A_410 = arith.constant 0 : index
      %get3A_411 = vector.load %arg2[%get3A_409, %get3A_410] : memref<128x128xf32, #tpu.memory_space<vmem>>, vector<128x128xf32>
      %jit3A_412 = arith.constant 0.000000e+00 : f32
      %broadcast_in_dim3A_413 = vector.broadcast %jit3A_412 : f32 to vector<128x128xf32>
      %select_n3A_414 = arith.select %eq3A_399, %get3A_411, %broadcast_in_dim3A_413 : vector<128x128xi1>, vector<128x128xf32>
      %reduce_sum3A_415 = arith.constant dense<0.000000e+00> : vector<128xf32>
      %reduce_sum3A_416 = vector.multi_reduction <add>, %select_n3A_414, %reduce_sum3A_415 [1] : vector<128x128xf32> to vector<128xf32>
      %broadcast_in_dim3A_417 = vector.shape_cast %reduce_sum3A_416 : vector<128xf32> to vector<128x1xf32>
      %concatenate3A = tpu.concatenate %broadcast_in_dim3A_72, %broadcast_in_dim3A_95, %broadcast_in_dim3A_118, %broadcast_in_dim3A_141, %broadcast_in_dim3A_164, %broadcast_in_dim3A_187, %broadcast_in_dim3A_210, %broadcast_in_dim3A_233, %broadcast_in_dim3A_256, %broadcast_in_dim3A_279, %broadcast_in_dim3A_302, %broadcast_in_dim3A_325, %broadcast_in_dim3A_348, %broadcast_in_dim3A_371, %broadcast_in_dim3A_394, %broadcast_in_dim3A_417 in 1 : vector<128x1xf32>, vector<128x1xf32>, vector<128x1xf32>, vector<128x1xf32>, vector<128x1xf32>, vector<128x1xf32>, vector<128x1xf32>, vector<128x1xf32>, vector<128x1xf32>, vector<128x1xf32>, vector<128x1xf32>, vector<128x1xf32>, vector<128x1xf32>, vector<128x1xf32>, vector<128x1xf32>, vector<128x1xf32> -> vector<128x16xf32>
      %swap3A_418 = arith.constant 0 : index
      %swap3A_419 = arith.constant 0 : index
      %swap3A_420 = vector.load %arg15[%swap3A_418, %swap3A_419] : memref<128x16xf32, #tpu.memory_space<vmem>>, vector<128x16xf32>
      tpu.vector_store %arg15[%swap3A_418, %swap3A_419], %concatenate3A {strides = array<i32>} : memref<128x16xf32, #tpu.memory_space<vmem>>, vector<128x16xf32>,
      %concatenate3A_421 = tpu.concatenate %broadcast_in_dim3A_63, %broadcast_in_dim3A_86, %broadcast_in_dim3A_109, %broadcast_in_dim3A_132, %broadcast_in_dim3A_155, %broadcast_in_dim3A_178, %broadcast_in_dim3A_201, %broadcast_in_dim3A_224, %broadcast_in_dim3A_247, %broadcast_in_dim3A_270, %broadcast_in_dim3A_293, %broadcast_in_dim3A_316, %broadcast_in_dim3A_339, %broadcast_in_dim3A_362, %broadcast_in_dim3A_385, %broadcast_in_dim3A_408 in 1 : vector<128x1xi32>, vector<128x1xi32>, vector<128x1xi32>, vector<128x1xi32>, vector<128x1xi32>, vector<128x1xi32>, vector<128x1xi32>, vector<128x1xi32>, vector<128x1xi32>, vector<128x1xi32>, vector<128x1xi32>, vector<128x1xi32>, vector<128x1xi32>, vector<128x1xi32>, vector<128x1xi32>, vector<128x1xi32> -> vector<128x16xi32>
      %convert_element_type3A_422 = arith.sitofp %concatenate3A_421 : vector<128x16xi32> to vector<128x16xf32>
      %mul3A_423 = arith.constant 1.52587891E-5 : f32
      %mul3A_424 = vector.broadcast %mul3A_423 : f32 to vector<128x16xf32>
      %mul3A_425 = arith.mulf %convert_element_type3A_422, %mul3A_424 : vector<128x16xf32>
      %floor3A = math.floor %mul3A_425 : vector<128x16xf32>
      %mul3A_426 = arith.constant 6.553600e+04 : f32
      %mul3A_427 = vector.broadcast %mul3A_426 : f32 to vector<128x16xf32>
      %mul3A_428 = arith.mulf %floor3A, %mul3A_427 : vector<128x16xf32>
      %sub3A_429 = arith.subf %convert_element_type3A_422, %mul3A_428 : vector<128x16xf32>
      %mul3A_430 = arith.constant 3.906250e-03 : f32
      %mul3A_431 = vector.broadcast %mul3A_430 : f32 to vector<128x16xf32>
      %mul3A_432 = arith.mulf %sub3A_429, %mul3A_431 : vector<128x16xf32>
      %floor3A_433 = math.floor %mul3A_432 : vector<128x16xf32>
      %mul3A_434 = arith.constant 2.560000e+02 : f32
      %mul3A_435 = vector.broadcast %mul3A_434 : f32 to vector<128x16xf32>
      %mul3A_436 = arith.mulf %floor3A_433, %mul3A_435 : vector<128x16xf32>
      %sub3A_437 = arith.subf %sub3A_429, %mul3A_436 : vector<128x16xf32>
      %iota3A_438 = tpu.iota {dimensions = array<i32: 0>} : vector<128x128xi32>
      %iota3A_439 = tpu.iota {dimensions = array<i32: 1>} : vector<128x128xi32>
      %eq3A_440 = arith.cmpi eq, %iota3A_438, %iota3A_439 : vector<128x128xi32>
      %convert_element_type3A_441 = arith.extui %eq3A_440 : vector<128x128xi1> to vector<128x128xi32>
      %convert_element_type3A_442 = arith.sitofp %convert_element_type3A_441 : vector<128x128xi32> to vector<128x128xf32>
      %dot_general3A_443 = arith.constant dense<0.000000e+00> : vector<16x128xf32>
      %dot_general3A_444 = tpu.matmul %sub3A_437, %convert_element_type3A_442, %dot_general3A_443 {dimension_numbers = #tpu.dot_dimension_numbers<[0], [0], [1], [1], [0, 1, 1, 1], [], []>, transpose_lhs_hint = false} : vector<128x16xf32>, vector<128x128xf32>, vector<16x128xf32> -> vector<16x128xf32>
      %iota3A_445 = tpu.iota {dimensions = array<i32: 0>} : vector<128x128xi32>
      %iota3A_446 = tpu.iota {dimensions = array<i32: 1>} : vector<128x128xi32>
      %eq3A_447 = arith.cmpi eq, %iota3A_445, %iota3A_446 : vector<128x128xi32>
      %convert_element_type3A_448 = arith.extui %eq3A_447 : vector<128x128xi1> to vector<128x128xi32>
      %convert_element_type3A_449 = arith.sitofp %convert_element_type3A_448 : vector<128x128xi32> to vector<128x128xf32>
      %dot_general3A_450 = arith.constant dense<0.000000e+00> : vector<16x128xf32>
      %dot_general3A_451 = tpu.matmul %floor3A_433, %convert_element_type3A_449, %dot_general3A_450 {dimension_numbers = #tpu.dot_dimension_numbers<[0], [0], [1], [1], [0, 1, 1, 1], [], []>, transpose_lhs_hint = false} : vector<128x16xf32>, vector<128x128xf32>, vector<16x128xf32> -> vector<16x128xf32>
      %mul3A_452 = arith.constant 2.560000e+02 : f32
      %mul3A_453 = vector.broadcast %mul3A_452 : f32 to vector<16x128xf32>
      %mul3A_454 = arith.mulf %mul3A_453, %dot_general3A_451 : vector<16x128xf32>
      %add3A_455 = arith.addf %dot_general3A_444, %mul3A_454 : vector<16x128xf32>
      %iota3A_456 = tpu.iota {dimensions = array<i32: 0>} : vector<128x128xi32>
      %iota3A_457 = tpu.iota {dimensions = array<i32: 1>} : vector<128x128xi32>
      %eq3A_458 = arith.cmpi eq, %iota3A_456, %iota3A_457 : vector<128x128xi32>
      %convert_element_type3A_459 = arith.extui %eq3A_458 : vector<128x128xi1> to vector<128x128xi32>
      %convert_element_type3A_460 = arith.sitofp %convert_element_type3A_459 : vector<128x128xi32> to vector<128x128xf32>
      %dot_general3A_461 = arith.constant dense<0.000000e+00> : vector<16x128xf32>
      %dot_general3A_462 = tpu.matmul %floor3A, %convert_element_type3A_460, %dot_general3A_461 {dimension_numbers = #tpu.dot_dimension_numbers<[0], [0], [1], [1], [0, 1, 1, 1], [], []>, transpose_lhs_hint = false} : vector<128x16xf32>, vector<128x128xf32>, vector<16x128xf32> -> vector<16x128xf32>
      %mul3A_463 = arith.constant 6.553600e+04 : f32
      %mul3A_464 = vector.broadcast %mul3A_463 : f32 to vector<16x128xf32>
      %mul3A_465 = arith.mulf %mul3A_464, %dot_general3A_462 : vector<16x128xf32>
      %add3A_466 = arith.addf %add3A_455, %mul3A_465 : vector<16x128xf32>
      %get3A_467 = arith.constant 0 : index
      %get3A_468 = arith.constant 0 : index
      %get3A_469 = vector.load %arg21[%get3A_467, %get3A_468] : memref<16x128xf32, #tpu.memory_space<vmem>>, vector<16x128xf32>
      %concatenate3A_470 = tpu.concatenate %add3A_466, %get3A_469 in 0 : vector<16x128xf32>, vector<16x128xf32> -> vector<32x128xf32>
      %broadcast_in_dim3A_471 = vector.shape_cast %concatenate3A_470 : vector<32x128xf32> to vector<32x1x128xf32>
      %broadcast_in_dim3A_472 = vector.shape_cast %concatenate3A_470 : vector<32x128xf32> to vector<1x32x128xf32>
      %iota3A_473 = tpu.iota {dimensions = array<i32: 0>} : vector<32x32x128xi32>
      %iota3A_474 = tpu.iota {dimensions = array<i32: 1>} : vector<32x32x128xi32>
      %eq3A_475 = vector.broadcast %broadcast_in_dim3A_471 : vector<32x1x128xf32> to vector<32x32x128xf32>
      %eq3A_476 = vector.broadcast %broadcast_in_dim3A_472 : vector<1x32x128xf32> to vector<32x32x128xf32>
      %eq3A_477 = arith.cmpf oeq, %eq3A_475, %eq3A_476 : vector<32x32x128xf32>
      %lt3A = arith.cmpi slt, %iota3A_474, %iota3A_473 : vector<32x32x128xi32>
      %and3A = arith.andi %eq3A_477, %lt3A : vector<32x32x128xi1>
      %reduce_or3A = arith.constant 1.000000e+00 : f32
      %reduce_or3A_478 = arith.constant 0.000000e+00 : f32
      %reduce_or3A_479 = vector.broadcast %reduce_or3A : f32 to vector<32x32x128xf32>
      %reduce_or3A_480 = vector.broadcast %reduce_or3A_478 : f32 to vector<32x32x128xf32>
      %reduce_or3A_481 = arith.select %and3A, %reduce_or3A_479, %reduce_or3A_480 : vector<32x32x128xi1>, vector<32x32x128xf32>
      %reduce_or3A_482 = arith.constant dense<0xFF800000> : vector<32x128xf32>
      %reduce_or3A_483 = vector.multi_reduction <maximumf>, %reduce_or3A_481, %reduce_or3A_482 [1] : vector<32x32x128xf32> to vector<32x128xf32>
      %reduce_or3A_484 = arith.constant 0.000000e+00 : f32
      %reduce_or3A_485 = vector.broadcast %reduce_or3A_484 : f32 to vector<32x128xf32>
      %reduce_or3A_486 = arith.cmpf ogt, %reduce_or3A_483, %reduce_or3A_485 : vector<32x128xf32>
      %not3A = arith.constant dense<true> : vector<32x128xi1>
      %not3A_487 = arith.xori %reduce_or3A_486, %not3A : vector<32x128xi1>
      %lt3A_488 = vector.broadcast %broadcast_in_dim3A_472 : vector<1x32x128xf32> to vector<32x32x128xf32>
      %lt3A_489 = vector.broadcast %broadcast_in_dim3A_471 : vector<32x1x128xf32> to vector<32x32x128xf32>
      %lt3A_490 = arith.cmpf olt, %lt3A_488, %lt3A_489 : vector<32x32x128xf32>
      %broadcast_in_dim3A_491 = vector.shape_cast %not3A_487 : vector<32x128xi1> to vector<1x32x128xi1>
      %and3A_492 = vector.broadcast %broadcast_in_dim3A_491 : vector<1x32x128xi1> to vector<32x32x128xi1>
      %and3A_493 = arith.andi %and3A_492, %lt3A_490 : vector<32x32x128xi1>
      %convert_element_type3A_494 = arith.extui %and3A_493 : vector<32x32x128xi1> to vector<32x32x128xi32>
      %reduce_sum3A_495 = arith.constant dense<0> : vector<32x128xi32>
      %reduce_sum3A_496 = vector.multi_reduction <add>, %convert_element_type3A_494, %reduce_sum3A_495 [1] : vector<32x32x128xi32> to vector<32x128xi32>
      %convert_element_type3A_497 = arith.sitofp %reduce_sum3A_496 : vector<32x128xi32> to vector<32x128xf32>
      %convert_element_type3A_498 = arith.extui %not3A_487 : vector<32x128xi1> to vector<32x128xi32>
      %convert_element_type3A_499 = arith.sitofp %convert_element_type3A_498 : vector<32x128xi32> to vector<32x128xf32>
      %reduce_sum3A_500 = arith.constant dense<0.000000e+00> : vector<128xf32>
      %reduce_sum3A_501 = vector.multi_reduction <add>, %convert_element_type3A_499, %reduce_sum3A_500 [0] : vector<32x128xf32> to vector<128xf32>
      %broadcast_in_dim3A_502 = vector.shape_cast %reduce_sum3A_501 : vector<128xf32> to vector<1x128xf32>
      %reduce_min3A = arith.constant dense<0x7F800000> : vector<128xf32>
      %reduce_min3A_503 = vector.multi_reduction <minimumf>, %concatenate3A_470, %reduce_min3A [0] : vector<32x128xf32> to vector<128xf32>
      %broadcast_in_dim3A_504 = vector.shape_cast %reduce_min3A_503 : vector<128xf32> to vector<1x128xf32>
      %iota3A_505 = tpu.iota {dimensions = array<i32: 1>} : vector<32x32x128xi32>
      %broadcast_in_dim3A_506 = vector.shape_cast %not3A_487 : vector<32x128xi1> to vector<32x1x128xi1>
      %broadcast_in_dim3A_507 = vector.shape_cast %reduce_sum3A_496 : vector<32x128xi32> to vector<32x1x128xi32>
      %eq3A_508 = vector.broadcast %broadcast_in_dim3A_507 : vector<32x1x128xi32> to vector<32x32x128xi32>
      %eq3A_509 = arith.cmpi eq, %eq3A_508, %iota3A_505 : vector<32x32x128xi32>
      %and3A_510 = vector.broadcast %broadcast_in_dim3A_506 : vector<32x1x128xi1> to vector<32x32x128xi1>
      %and3A_511 = arith.andi %and3A_510, %eq3A_509 : vector<32x32x128xi1>
      %jit3A_512 = arith.constant 0.000000e+00 : f32
      %broadcast_in_dim3A_513 = vector.shape_cast %broadcast_in_dim3A_471 : vector<32x1x128xf32> to vector<32x1x128xf32>
      %broadcast_in_dim3A_514 = vector.broadcast %broadcast_in_dim3A_513 : vector<32x1x128xf32> to vector<32x32x128xf32>
      %broadcast_in_dim3A_515 = vector.broadcast %jit3A_512 : f32 to vector<32x32x128xf32>
      %select_n3A_516 = arith.select %and3A_511, %broadcast_in_dim3A_514, %broadcast_in_dim3A_515 : vector<32x32x128xi1>, vector<32x32x128xf32>
      %reduce_sum3A_517 = arith.constant dense<0.000000e+00> : vector<32x128xf32>
      %reduce_sum3A_518 = vector.multi_reduction <add>, %select_n3A_516, %reduce_sum3A_517 [0] : vector<32x32x128xf32> to vector<32x128xf32>
      %iota3A_519 = tpu.iota {dimensions = array<i32: 0>} : vector<32x128xi32>
      %convert_element_type3A_520 = arith.sitofp %iota3A_519 : vector<32x128xi32> to vector<32x128xf32>
      %lt3A_521 = vector.broadcast %broadcast_in_dim3A_502 : vector<1x128xf32> to vector<32x128xf32>
      %lt3A_522 = arith.cmpf olt, %convert_element_type3A_520, %lt3A_521 : vector<32x128xf32>
      %broadcast_in_dim3A_523 = vector.shape_cast %broadcast_in_dim3A_504 : vector<1x128xf32> to vector<1x128xf32>
      %broadcast_in_dim3A_524 = vector.broadcast %broadcast_in_dim3A_523 : vector<1x128xf32> to vector<32x128xf32>
      %select_n3A_525 = arith.select %lt3A_522, %reduce_sum3A_518, %broadcast_in_dim3A_524 : vector<32x128xi1>, vector<32x128xf32>
      %mul3A_526 = arith.constant 1.52587891E-5 : f32
      %mul3A_527 = vector.broadcast %mul3A_526 : f32 to vector<32x128xf32>
      %mul3A_528 = arith.mulf %select_n3A_525, %mul3A_527 : vector<32x128xf32>
      %floor3A_529 = math.floor %mul3A_528 : vector<32x128xf32>
      %mul3A_530 = arith.constant 6.553600e+04 : f32
      %mul3A_531 = vector.broadcast %mul3A_530 : f32 to vector<32x128xf32>
      %mul3A_532 = arith.mulf %floor3A_529, %mul3A_531 : vector<32x128xf32>
      %sub3A_533 = arith.subf %select_n3A_525, %mul3A_532 : vector<32x128xf32>
      %mul3A_534 = arith.constant 3.906250e-03 : f32
      %mul3A_535 = vector.broadcast %mul3A_534 : f32 to vector<32x128xf32>
      %mul3A_536 = arith.mulf %sub3A_533, %mul3A_535 : vector<32x128xf32>
      %floor3A_537 = math.floor %mul3A_536 : vector<32x128xf32>
      %mul3A_538 = arith.constant 2.560000e+02 : f32
      %mul3A_539 = vector.broadcast %mul3A_538 : f32 to vector<32x128xf32>
      %mul3A_540 = arith.mulf %floor3A_537, %mul3A_539 : vector<32x128xf32>
      %sub3A_541 = arith.subf %sub3A_533, %mul3A_540 : vector<32x128xf32>
      %iota3A_542 = tpu.iota {dimensions = array<i32: 0>} : vector<32x32xi32>
      %iota3A_543 = tpu.iota {dimensions = array<i32: 1>} : vector<32x32xi32>
      %eq3A_544 = arith.cmpi eq, %iota3A_542, %iota3A_543 : vector<32x32xi32>
      %convert_element_type3A_545 = arith.extui %eq3A_544 : vector<32x32xi1> to vector<32x32xi32>
      %convert_element_type3A_546 = arith.sitofp %convert_element_type3A_545 : vector<32x32xi32> to vector<32x32xf32>
      %dot_general3A_547 = arith.constant dense<0.000000e+00> : vector<128x32xf32>
      %dot_general3A_548 = tpu.matmul %sub3A_541, %convert_element_type3A_546, %dot_general3A_547 {dimension_numbers = #tpu.dot_dimension_numbers<[0], [0], [1], [1], [0, 1, 1, 1], [], []>, transpose_lhs_hint = false} : vector<32x128xf32>, vector<32x32xf32>, vector<128x32xf32> -> vector<128x32xf32>
      %iota3A_549 = tpu.iota {dimensions = array<i32: 0>} : vector<32x32xi32>
      %iota3A_550 = tpu.iota {dimensions = array<i32: 1>} : vector<32x32xi32>
      %eq3A_551 = arith.cmpi eq, %iota3A_549, %iota3A_550 : vector<32x32xi32>
      %convert_element_type3A_552 = arith.extui %eq3A_551 : vector<32x32xi1> to vector<32x32xi32>
      %convert_element_type3A_553 = arith.sitofp %convert_element_type3A_552 : vector<32x32xi32> to vector<32x32xf32>
      %dot_general3A_554 = arith.constant dense<0.000000e+00> : vector<128x32xf32>
      %dot_general3A_555 = tpu.matmul %floor3A_537, %convert_element_type3A_553, %dot_general3A_554 {dimension_numbers = #tpu.dot_dimension_numbers<[0], [0], [1], [1], [0, 1, 1, 1], [], []>, transpose_lhs_hint = false} : vector<32x128xf32>, vector<32x32xf32>, vector<128x32xf32> -> vector<128x32xf32>
      %mul3A_556 = arith.constant 2.560000e+02 : f32
      %mul3A_557 = vector.broadcast %mul3A_556 : f32 to vector<128x32xf32>
      %mul3A_558 = arith.mulf %mul3A_557, %dot_general3A_555 : vector<128x32xf32>
      %add3A_559 = arith.addf %dot_general3A_548, %mul3A_558 : vector<128x32xf32>
      %iota3A_560 = tpu.iota {dimensions = array<i32: 0>} : vector<32x32xi32>
      %iota3A_561 = tpu.iota {dimensions = array<i32: 1>} : vector<32x32xi32>
      %eq3A_562 = arith.cmpi eq, %iota3A_560, %iota3A_561 : vector<32x32xi32>
      %convert_element_type3A_563 = arith.extui %eq3A_562 : vector<32x32xi1> to vector<32x32xi32>
      %convert_element_type3A_564 = arith.sitofp %convert_element_type3A_563 : vector<32x32xi32> to vector<32x32xf32>
      %dot_general3A_565 = arith.constant dense<0.000000e+00> : vector<128x32xf32>
      %dot_general3A_566 = tpu.matmul %floor3A_529, %convert_element_type3A_564, %dot_general3A_565 {dimension_numbers = #tpu.dot_dimension_numbers<[0], [0], [1], [1], [0, 1, 1, 1], [], []>, transpose_lhs_hint = false} : vector<32x128xf32>, vector<32x32xf32>, vector<128x32xf32> -> vector<128x32xf32>
      %mul3A_567 = arith.constant 6.553600e+04 : f32
      %mul3A_568 = vector.broadcast %mul3A_567 : f32 to vector<128x32xf32>
      %mul3A_569 = arith.mulf %mul3A_568, %dot_general3A_566 : vector<128x32xf32>
      %add3A_570 = arith.addf %add3A_559, %mul3A_569 : vector<128x32xf32>
      %add3A_571 = arith.constant 5.000000e-01 : f32
      %add3A_572 = vector.broadcast %add3A_571 : f32 to vector<128x32xf32>
      %add3A_573 = arith.addf %add3A_570, %add3A_572 : vector<128x32xf32>
      %convert_element_type3A_574 = arith.fptosi %add3A_573 : vector<128x32xf32> to vector<128x32xi32>
      %swap3A_575 = arith.constant 0 : index
      %swap3A_576 = arith.constant 0 : index
      %swap3A_577 = vector.load %arg9[%swap3A_575, %swap3A_576] : memref<128x32xi32, #tpu.memory_space<vmem>>, vector<128x32xi32>
      tpu.vector_store %arg9[%swap3A_575, %swap3A_576], %convert_element_type3A_574 {strides = array<i32>} : memref<128x32xi32, #tpu.memory_space<vmem>>, vector<128x32xi32>,
      %get3A_578 = arith.constant 0 : index
      %get3A_579 = arith.constant 0 : index
      %get3A_580 = vector.load %arg21[%get3A_578, %get3A_579] : memref<16x128xf32, #tpu.memory_space<vmem>>, vector<16x128xf32>
      %mul3A_581 = arith.constant 1.52587891E-5 : f32
      %mul3A_582 = vector.broadcast %mul3A_581 : f32 to vector<16x128xf32>
      %mul3A_583 = arith.mulf %get3A_580, %mul3A_582 : vector<16x128xf32>
      %floor3A_584 = math.floor %mul3A_583 : vector<16x128xf32>
      %mul3A_585 = arith.constant 6.553600e+04 : f32
      %mul3A_586 = vector.broadcast %mul3A_585 : f32 to vector<16x128xf32>
      %mul3A_587 = arith.mulf %floor3A_584, %mul3A_586 : vector<16x128xf32>
      %sub3A_588 = arith.subf %get3A_580, %mul3A_587 : vector<16x128xf32>
      %mul3A_589 = arith.constant 3.906250e-03 : f32
      %mul3A_590 = vector.broadcast %mul3A_589 : f32 to vector<16x128xf32>
      %mul3A_591 = arith.mulf %sub3A_588, %mul3A_590 : vector<16x128xf32>
      %floor3A_592 = math.floor %mul3A_591 : vector<16x128xf32>
      %mul3A_593 = arith.constant 2.560000e+02 : f32
      %mul3A_594 = vector.broadcast %mul3A_593 : f32 to vector<16x128xf32>
      %mul3A_595 = arith.mulf %floor3A_592, %mul3A_594 : vector<16x128xf32>
      %sub3A_596 = arith.subf %sub3A_588, %mul3A_595 : vector<16x128xf32>
      %iota3A_597 = tpu.iota {dimensions = array<i32: 0>} : vector<16x16xi32>
      %iota3A_598 = tpu.iota {dimensions = array<i32: 1>} : vector<16x16xi32>
      %eq3A_599 = arith.cmpi eq, %iota3A_597, %iota3A_598 : vector<16x16xi32>
      %convert_element_type3A_600 = arith.extui %eq3A_599 : vector<16x16xi1> to vector<16x16xi32>
      %convert_element_type3A_601 = arith.sitofp %convert_element_type3A_600 : vector<16x16xi32> to vector<16x16xf32>
      %dot_general3A_602 = arith.constant dense<0.000000e+00> : vector<128x16xf32>
      %dot_general3A_603 = tpu.matmul %sub3A_596, %convert_element_type3A_601, %dot_general3A_602 {dimension_numbers = #tpu.dot_dimension_numbers<[0], [0], [1], [1], [0, 1, 1, 1], [], []>, transpose_lhs_hint = false} : vector<16x128xf32>, vector<16x16xf32>, vector<128x16xf32> -> vector<128x16xf32>
      %iota3A_604 = tpu.iota {dimensions = array<i32: 0>} : vector<16x16xi32>
      %iota3A_605 = tpu.iota {dimensions = array<i32: 1>} : vector<16x16xi32>
      %eq3A_606 = arith.cmpi eq, %iota3A_604, %iota3A_605 : vector<16x16xi32>
      %convert_element_type3A_607 = arith.extui %eq3A_606 : vector<16x16xi1> to vector<16x16xi32>
      %convert_element_type3A_608 = arith.sitofp %convert_element_type3A_607 : vector<16x16xi32> to vector<16x16xf32>
      %dot_general3A_609 = arith.constant dense<0.000000e+00> : vector<128x16xf32>
      %dot_general3A_610 = tpu.matmul %floor3A_592, %convert_element_type3A_608, %dot_general3A_609 {dimension_numbers = #tpu.dot_dimension_numbers<[0], [0], [1], [1], [0, 1, 1, 1], [], []>, transpose_lhs_hint = false} : vector<16x128xf32>, vector<16x16xf32>, vector<128x16xf32> -> vector<128x16xf32>
      %mul3A_611 = arith.constant 2.560000e+02 : f32
      %mul3A_612 = vector.broadcast %mul3A_611 : f32 to vector<128x16xf32>
      %mul3A_613 = arith.mulf %mul3A_612, %dot_general3A_610 : vector<128x16xf32>
      %add3A_614 = arith.addf %dot_general3A_603, %mul3A_613 : vector<128x16xf32>
      %iota3A_615 = tpu.iota {dimensions = array<i32: 0>} : vector<16x16xi32>
      %iota3A_616 = tpu.iota {dimensions = array<i32: 1>} : vector<16x16xi32>
      %eq3A_617 = arith.cmpi eq, %iota3A_615, %iota3A_616 : vector<16x16xi32>
      %convert_element_type3A_618 = arith.extui %eq3A_617 : vector<16x16xi1> to vector<16x16xi32>
      %convert_element_type3A_619 = arith.sitofp %convert_element_type3A_618 : vector<16x16xi32> to vector<16x16xf32>
      %dot_general3A_620 = arith.constant dense<0.000000e+00> : vector<128x16xf32>
      %dot_general3A_621 = tpu.matmul %floor3A_584, %convert_element_type3A_619, %dot_general3A_620 {dimension_numbers = #tpu.dot_dimension_numbers<[0], [0], [1], [1], [0, 1, 1, 1], [], []>, transpose_lhs_hint = false} : vector<16x128xf32>, vector<16x16xf32>, vector<128x16xf32> -> vector<128x16xf32>
      %mul3A_622 = arith.constant 6.553600e+04 : f32
      %mul3A_623 = vector.broadcast %mul3A_622 : f32 to vector<128x16xf32>
      %mul3A_624 = arith.mulf %mul3A_623, %dot_general3A_621 : vector<128x16xf32>
      %add3A_625 = arith.addf %add3A_614, %mul3A_624 : vector<128x16xf32>
      %add3A_626 = arith.constant 5.000000e-01 : f32
      %add3A_627 = vector.broadcast %add3A_626 : f32 to vector<128x16xf32>
      %add3A_628 = arith.addf %add3A_625, %add3A_627 : vector<128x16xf32>
      %convert_element_type3A_629 = arith.fptosi %add3A_628 : vector<128x16xf32> to vector<128x16xi32>
      %swap3A_630 = arith.constant 0 : index
      %swap3A_631 = arith.constant 0 : index
      %swap3A_632 = vector.load %arg8[%swap3A_630, %swap3A_631] : memref<128x16xi32, #tpu.memory_space<vmem>>, vector<128x16xi32>
      tpu.vector_store %arg8[%swap3A_630, %swap3A_631], %convert_element_type3A_629 {strides = array<i32>} : memref<128x16xi32, #tpu.memory_space<vmem>>, vector<128x16xi32>,
      %slice3A = vector.extract_strided_slice %convert_element_type3A_497 {offsets = [0, 0], sizes = [16, 128], strides = [1, 1]} : vector<32x128xf32> to vector<16x128xf32>
      %iota3A_633 = tpu.iota {dimensions = array<i32: 0>} : vector<16x16xi32>
      %iota3A_634 = tpu.iota {dimensions = array<i32: 1>} : vector<16x16xi32>
      %eq3A_635 = arith.cmpi eq, %iota3A_633, %iota3A_634 : vector<16x16xi32>
      %convert_element_type3A_636 = arith.extui %eq3A_635 : vector<16x16xi1> to vector<16x16xi32>
      %convert_element_type3A_637 = arith.sitofp %convert_element_type3A_636 : vector<16x16xi32> to vector<16x16xf32>
      %dot_general3A_638 = arith.constant dense<0.000000e+00> : vector<128x16xf32>
      %dot_general3A_639 = tpu.matmul %slice3A, %convert_element_type3A_637, %dot_general3A_638 {dimension_numbers = #tpu.dot_dimension_numbers<[0], [0], [1], [1], [0, 1, 1, 1], [], []>, transpose_lhs_hint = false} : vector<16x128xf32>, vector<16x16xf32>, vector<128x16xf32> -> vector<128x16xf32>
      %add3A_640 = arith.constant 5.000000e-01 : f32
      %add3A_641 = vector.broadcast %add3A_640 : f32 to vector<128x16xf32>
      %add3A_642 = arith.addf %dot_general3A_639, %add3A_641 : vector<128x16xf32>
      %convert_element_type3A_643 = arith.fptosi %add3A_642 : vector<128x16xf32> to vector<128x16xi32>
      %swap3A_644 = arith.constant 0 : index
      %swap3A_645 = arith.constant 0 : index
      %swap3A_646 = vector.load %arg10[%swap3A_644, %swap3A_645] : memref<128x16xi32, #tpu.memory_space<vmem>>, vector<128x16xi32>
      tpu.vector_store %arg10[%swap3A_644, %swap3A_645], %convert_element_type3A_643 {strides = array<i32>} : memref<128x16xi32, #tpu.memory_space<vmem>>, vector<128x16xi32>,
      %slice3A_647 = vector.extract_strided_slice %convert_element_type3A_497 {offsets = [16, 0], sizes = [16, 128], strides = [1, 1]} : vector<32x128xf32> to vector<16x128xf32>
      %iota3A_648 = tpu.iota {dimensions = array<i32: 0>} : vector<16x16xi32>
      %iota3A_649 = tpu.iota {dimensions = array<i32: 1>} : vector<16x16xi32>
      %eq3A_650 = arith.cmpi eq, %iota3A_648, %iota3A_649 : vector<16x16xi32>
      %convert_element_type3A_651 = arith.extui %eq3A_650 : vector<16x16xi1> to vector<16x16xi32>
      %convert_element_type3A_652 = arith.sitofp %convert_element_type3A_651 : vector<16x16xi32> to vector<16x16xf32>
      %dot_general3A_653 = arith.constant dense<0.000000e+00> : vector<128x16xf32>
      %dot_general3A_654 = tpu.matmul %slice3A_647, %convert_element_type3A_652, %dot_general3A_653 {dimension_numbers = #tpu.dot_dimension_numbers<[0], [0], [1], [1], [0, 1, 1, 1], [], []>, transpose_lhs_hint = false} : vector<16x128xf32>, vector<16x16xf32>, vector<128x16xf32> -> vector<128x16xf32>
      %add3A_655 = arith.constant 5.000000e-01 : f32
      %add3A_656 = vector.broadcast %add3A_655 : f32 to vector<128x16xf32>
      %add3A_657 = arith.addf %dot_general3A_654, %add3A_656 : vector<128x16xf32>
      %convert_element_type3A_658 = arith.fptosi %add3A_657 : vector<128x16xf32> to vector<128x16xi32>
      %swap3A_659 = arith.constant 0 : index
      %swap3A_660 = arith.constant 0 : index
      %swap3A_661 = vector.load %arg11[%swap3A_659, %swap3A_660] : memref<128x16xi32, #tpu.memory_space<vmem>>, vector<128x16xi32>
      tpu.vector_store %arg11[%swap3A_659, %swap3A_660], %convert_element_type3A_658 {strides = array<i32>} : memref<128x16xi32, #tpu.memory_space<vmem>>, vector<128x16xi32>,
      %get3A_662 = arith.constant 0 : index
      %get3A_663 = arith.constant 0 : index
      %get3A_664 = vector.load %arg18[%get3A_662, %get3A_663] : memref<128x128xf32, #tpu.memory_space<vmem>>, vector<128x128xf32>
      %swap3A_665 = arith.constant 0 : index
      %swap3A_666 = arith.constant 0 : index
      %swap3A_667 = vector.load %arg12[%swap3A_665, %swap3A_666] : memref<128x128xf32, #tpu.memory_space<vmem>>, vector<128x128xf32>
      tpu.vector_store %arg12[%swap3A_665, %swap3A_666], %get3A_664 {strides = array<i32>} : memref<128x128xf32, #tpu.memory_space<vmem>>, vector<128x128xf32>,
      %get3A_668 = arith.constant 0 : index
      %get3A_669 = arith.constant 0 : index
      %get3A_670 = vector.load %arg19[%get3A_668, %get3A_669] : memref<1x128xf32, #tpu.memory_space<vmem>>, vector<1x128xf32>
      %swap3A_671 = arith.constant 0 : index
      %swap3A_672 = arith.constant 0 : index
      %swap3A_673 = vector.load %arg13[%swap3A_671, %swap3A_672] : memref<1x128xf32, #tpu.memory_space<vmem>>, vector<1x128xf32>
      tpu.vector_store %arg13[%swap3A_671, %swap3A_672], %get3A_670 {strides = array<i32>} : memref<1x128xf32, #tpu.memory_space<vmem>>, vector<1x128xf32>,
      %get3A_674 = arith.constant 0 : index
      %get3A_675 = arith.constant 0 : index
      %get3A_676 = vector.load %arg16[%get3A_674, %get3A_675] : memref<128x128xf32, #tpu.memory_space<vmem>>, vector<128x128xf32>
      %swap3A_677 = arith.constant 0 : index
      %swap3A_678 = arith.constant 0 : index
      %swap3A_679 = vector.load %arg14[%swap3A_677, %swap3A_678] : memref<128x128xf32, #tpu.memory_space<vmem>>, vector<128x128xf32>
      tpu.vector_store %arg14[%swap3A_677, %swap3A_678], %get3A_676 {strides = array<i32>} : memref<128x128xf32, #tpu.memory_space<vmem>>, vector<128x128xf32>,
    } else {
    }
    return
  }
  func.func @transform_0(%arg0: i32) -> (i32, i32) {
    %c0_i32 = arith.constant 0 : i32
    %c0_i32_0 = arith.constant 0 : i32
    %c0_i32_1 = arith.constant 0 : i32
    return %c0_i32, %c0_i32_0 : i32, i32
  }
  func.func @transform_1(%arg0: i32) -> (i32, i32) {
    %c0_i32 = arith.constant 0 : i32
    %c0_i32_0 = arith.constant 0 : i32
    %c0_i32_1 = arith.constant 0 : i32
    return %c0_i32, %c0_i32_0 : i32, i32
  }
  func.func @transform_2(%arg0: i32) -> (i32, i32) {
    %c0_i32 = arith.constant 0 : i32
    %c0_i32_0 = arith.constant 0 : i32
    %c0_i32_1 = arith.constant 0 : i32
    return %c0_i32, %c0_i32_0 : i32, i32
  }
  func.func @transform_3(%arg0: i32) -> (i32, i32) {
    %c0_i32 = arith.constant 0 : i32
    %c0_i32_0 = arith.constant 0 : i32
    %c0_i32_1 = arith.constant 0 : i32
    return %c0_i32, %c0_i32_0 : i32, i32
  }
  func.func @transform_4(%arg0: i32) -> (i32, i32) {
    %c0_i32 = arith.constant 0 : i32
    %c0_i32_0 = arith.constant 0 : i32
    %c0_i32_1 = arith.constant 0 : i32
    return %c0_i32, %c0_i32_0 : i32, i32
  }
  func.func @transform_5(%arg0: i32) -> (i32, i32) {
    %c0_i32 = arith.constant 0 : i32
    %c0_i32_0 = arith.constant 0 : i32
    %c0_i32_1 = arith.constant 0 : i32
    return %c0_i32, %c0_i32_0 : i32, i32
  }
  func.func @transform_6(%arg0: i32) -> (i32, i32) {
    %c0_i32 = arith.constant 0 : i32
    %c0_i32_0 = arith.constant 0 : i32
    return %arg0, %c0_i32 : i32, i32
  }
  func.func @transform_7(%arg0: i32) -> (i32, i32) {
    %c0_i32 = arith.constant 0 : i32
    %c0_i32_0 = arith.constant 0 : i32
    %c0_i32_1 = arith.constant 0 : i32
    return %c0_i32, %c0_i32_0 : i32, i32
  }
  func.func @transform_8(%arg0: i32) -> (i32, i32) {
    %c0_i32 = arith.constant 0 : i32
    %c0_i32_0 = arith.constant 0 : i32
    %c0_i32_1 = arith.constant 0 : i32
    return %c0_i32, %c0_i32_0 : i32, i32
  }
  func.func @transform_9(%arg0: i32) -> (i32, i32) {
    %c0_i32 = arith.constant 0 : i32
    %c0_i32_0 = arith.constant 0 : i32
    %c0_i32_1 = arith.constant 0 : i32
    return %c0_i32, %c0_i32_0 : i32, i32
  }
  func.func @transform_10(%arg0: i32) -> (i32, i32) {
    %c0_i32 = arith.constant 0 : i32
    %c0_i32_0 = arith.constant 0 : i32
    %c0_i32_1 = arith.constant 0 : i32
    return %c0_i32, %c0_i32_0 : i32, i32
  }
  func.func @transform_11(%arg0: i32) -> (i32, i32) {
    %c0_i32 = arith.constant 0 : i32
    %c0_i32_0 = arith.constant 0 : i32
    %c0_i32_1 = arith.constant 0 : i32
    return %c0_i32, %c0_i32_0 : i32, i32
  }
  func.func @transform_12(%arg0: i32) -> (i32, i32) {
    %c0_i32 = arith.constant 0 : i32
    %c0_i32_0 = arith.constant 0 : i32
    %c0_i32_1 = arith.constant 0 : i32
    return %c0_i32, %c0_i32_0 : i32, i32
  }
  func.func @transform_13(%arg0: i32) -> (i32, i32) {
    %c0_i32 = arith.constant 0 : i32
    %c0_i32_0 = arith.constant 0 : i32
    %c0_i32_1 = arith.constant 0 : i32
    return %c0_i32, %c0_i32_0 : i32, i32
  }
  func.func @transform_14(%arg0: i32) -> (i32, i32) {
    %c0_i32 = arith.constant 0 : i32
    %c0_i32_0 = arith.constant 0 : i32
    %c0_i32_1 = arith.constant 0 : i32
    return %c0_i32, %c0_i32_0 : i32, i32
  }
}

module attributes {stable_mosaic.version = 14 : i64} {
  func.func @_stage_c_body(%arg0: memref<128x128xf32, #tpu.memory_space<vmem>>, %arg1: memref<128x128xf32, #tpu.memory_space<vmem>>, %arg2: memref<1x128xf32, #tpu.memory_space<vmem>>, %arg3: memref<128x16x128xf32, #tpu.memory_space<vmem>>, %arg4: memref<128x32x128xf32, #tpu.memory_space<vmem>>, %arg5: memref<128x16xf32, #tpu.memory_space<vmem>>, %arg6: memref<128x16xi32, #tpu.memory_space<vmem>>, %arg7: memref<128x16xi32, #tpu.memory_space<vmem>>, %arg8: memref<128x128xf32, #tpu.memory_space<vmem>>, %arg9: memref<1x128xf32, #tpu.memory_space<vmem>>, %arg10: memref<1x1xf32, #tpu.memory_space<vmem>>, %arg11: memref<1x1xf32, #tpu.memory_space<vmem>>, %arg12: memref<1x1xf32, #tpu.memory_space<vmem>>, %arg13: memref<32x32x128xf32, #tpu.memory_space<vmem>>, %arg14: memref<32x32x128xf32, #tpu.memory_space<vmem>>, %arg15: memref<32x128x128xf32, #tpu.memory_space<vmem>>) attributes {dimension_semantics = [], scalar_prefetch = 0 : i64, scratch_operands = 3 : i64, tpu.core_type = #tpu.core_type<tc>} {
    %iota3A = tpu.iota {dimensions = array<i32: 0>} : vector<128x128xi32>
    %iota3A_0 = tpu.iota {dimensions = array<i32: 1>} : vector<128x128xi32>
    %eq3A = arith.cmpi eq, %iota3A, %iota3A_0 : vector<128x128xi32>
    %convert_element_type3A = arith.extui %eq3A : vector<128x128xi1> to vector<128x128xi32>
    %convert_element_type3A_1 = arith.sitofp %convert_element_type3A : vector<128x128xi32> to vector<128x128xf32>
    %get3A = arith.constant 0 : index
    %get3A_2 = arith.constant 0 : index
    %get3A_3 = vector.load %arg2[%get3A, %get3A_2] : memref<1x128xf32, #tpu.memory_space<vmem>>, vector<1x128xf32>
    %div3A = arith.constant 1.000000e+05 : f32
    %div3A_4 = vector.broadcast %div3A : f32 to vector<1x128xf32>
    %div3A_5 = arith.divf %get3A_3, %div3A_4 : vector<1x128xf32>
    %get3A_6 = arith.constant 0 : index
    %get3A_7 = arith.constant 0 : index
    %get3A_8 = vector.load %arg1[%get3A_6, %get3A_7] : memref<128x128xf32, #tpu.memory_space<vmem>>, vector<128x128xf32>
    %dot_general3A = arith.constant dense<0.000000e+00> : vector<128x128xf32>
    %dot_general3A_9 = tpu.matmul %div3A_5, %div3A_5, %dot_general3A {dimension_numbers = #tpu.dot_dimension_numbers<[0], [0], [1], [1], [0, 1, 1, 1], [], []>, transpose_lhs_hint = false} : vector<1x128xf32>, vector<1x128xf32>, vector<128x128xf32> -> vector<128x128xf32>
    %mul3A = arith.constant 1.000000e+05 : f32
    %mul3A_10 = vector.broadcast %mul3A : f32 to vector<128x128xf32>
    %mul3A_11 = arith.mulf %mul3A_10, %dot_general3A_9 : vector<128x128xf32>
    %sub3A = arith.subf %get3A_8, %mul3A_11 : vector<128x128xf32>
    %sub3A_12 = arith.constant 1.000000e+05 : f32
    %sub3A_13 = arith.constant 1.000000e+00 : f32
    %sub3A_14 = arith.subf %sub3A_12, %sub3A_13 : f32
    %div3A_15 = vector.broadcast %sub3A_14 : f32 to vector<128x128xf32>
    %div3A_16 = arith.divf %sub3A, %div3A_15 : vector<128x128xf32>
    %mul3A_17 = arith.mulf %div3A_16, %convert_element_type3A_1 : vector<128x128xf32>
    %reduce_sum3A = vector.shape_cast %mul3A_17 : vector<128x128xf32> to vector<1x128x128xf32>
    %reduce_sum3A_18 = arith.constant dense<0.000000e+00> : vector<1xf32>
    %reduce_sum3A_19 = vector.multi_reduction <add>, %reduce_sum3A, %reduce_sum3A_18 [1, 2] : vector<1x128x128xf32> to vector<1xf32>
    %reduce_sum3A_20 = vector.shape_cast %reduce_sum3A_19 : vector<1xf32> to vector<1x1x1xf32>
    %reduce_sum3A_21 = vector.extract %reduce_sum3A_20[0, 0, 0] : f32 from vector<1x1x1xf32>
    %div3A_22 = arith.constant 1.280000e+02 : f32
    %div3A_23 = arith.divf %reduce_sum3A_21, %div3A_22 : f32
    %mul3A_24 = arith.constant 0.00999999977 : f32
    %mul3A_25 = arith.mulf %div3A_23, %mul3A_24 : f32
    %mul3A_26 = vector.broadcast %mul3A_25 : f32 to vector<128x128xf32>
    %mul3A_27 = arith.mulf %mul3A_26, %convert_element_type3A_1 : vector<128x128xf32>
    %add3A = arith.addf %div3A_16, %mul3A_27 : vector<128x128xf32>
    %convert_element_type3A_28 = arith.truncf %add3A : vector<128x128xf32> to vector<128x128xbf16>
    %convert_element_type3A_29 = arith.extf %convert_element_type3A_28 : vector<128x128xbf16> to vector<128x128xf32>
    %sub3A_30 = arith.subf %add3A, %convert_element_type3A_29 : vector<128x128xf32>
    %convert_element_type3A_31 = arith.truncf %sub3A_30 : vector<128x128xf32> to vector<128x128xbf16>
    %convert_element_type3A_32 = arith.extf %convert_element_type3A_31 : vector<128x128xbf16> to vector<128x128xf32>
    %sub3A_33 = arith.subf %sub3A_30, %convert_element_type3A_32 : vector<128x128xf32>
    %iota3A_34 = tpu.iota {dimensions = array<i32: 0>} : vector<128x128xi32>
    %iota3A_35 = tpu.iota {dimensions = array<i32: 1>} : vector<128x128xi32>
    %eq3A_36 = arith.cmpi eq, %iota3A_34, %iota3A_35 : vector<128x128xi32>
    %convert_element_type3A_37 = arith.extui %eq3A_36 : vector<128x128xi1> to vector<128x128xi32>
    %convert_element_type3A_38 = arith.sitofp %convert_element_type3A_37 : vector<128x128xi32> to vector<128x128xf32>
    %dot_general3A_39 = arith.constant dense<0.000000e+00> : vector<128x128xf32>
    %dot_general3A_40 = tpu.matmul %convert_element_type3A_29, %convert_element_type3A_38, %dot_general3A_39 {dimension_numbers = #tpu.dot_dimension_numbers<[0], [0], [1], [1], [0, 1, 1, 1], [], []>, transpose_lhs_hint = false} : vector<128x128xf32>, vector<128x128xf32>, vector<128x128xf32> -> vector<128x128xf32>
    %iota3A_41 = tpu.iota {dimensions = array<i32: 0>} : vector<128x128xi32>
    %iota3A_42 = tpu.iota {dimensions = array<i32: 1>} : vector<128x128xi32>
    %eq3A_43 = arith.cmpi eq, %iota3A_41, %iota3A_42 : vector<128x128xi32>
    %convert_element_type3A_44 = arith.extui %eq3A_43 : vector<128x128xi1> to vector<128x128xi32>
    %convert_element_type3A_45 = arith.sitofp %convert_element_type3A_44 : vector<128x128xi32> to vector<128x128xf32>
    %dot_general3A_46 = arith.constant dense<0.000000e+00> : vector<128x128xf32>
    %dot_general3A_47 = tpu.matmul %convert_element_type3A_32, %convert_element_type3A_45, %dot_general3A_46 {dimension_numbers = #tpu.dot_dimension_numbers<[0], [0], [1], [1], [0, 1, 1, 1], [], []>, transpose_lhs_hint = false} : vector<128x128xf32>, vector<128x128xf32>, vector<128x128xf32> -> vector<128x128xf32>
    %add3A_48 = arith.addf %dot_general3A_40, %dot_general3A_47 : vector<128x128xf32>
    %iota3A_49 = tpu.iota {dimensions = array<i32: 0>} : vector<128x128xi32>
    %iota3A_50 = tpu.iota {dimensions = array<i32: 1>} : vector<128x128xi32>
    %eq3A_51 = arith.cmpi eq, %iota3A_49, %iota3A_50 : vector<128x128xi32>
    %convert_element_type3A_52 = arith.extui %eq3A_51 : vector<128x128xi1> to vector<128x128xi32>
    %convert_element_type3A_53 = arith.sitofp %convert_element_type3A_52 : vector<128x128xi32> to vector<128x128xf32>
    %dot_general3A_54 = arith.constant dense<0.000000e+00> : vector<128x128xf32>
    %dot_general3A_55 = tpu.matmul %sub3A_33, %convert_element_type3A_53, %dot_general3A_54 {dimension_numbers = #tpu.dot_dimension_numbers<[0], [0], [1], [1], [0, 1, 1, 1], [], []>, transpose_lhs_hint = false} : vector<128x128xf32>, vector<128x128xf32>, vector<128x128xf32> -> vector<128x128xf32>
    %add3A_56 = arith.addf %add3A_48, %dot_general3A_55 : vector<128x128xf32>
    %add3A_57 = arith.addf %add3A, %add3A_56 : vector<128x128xf32>
    %mul3A_58 = arith.constant 5.000000e-01 : f32
    %mul3A_59 = vector.broadcast %mul3A_58 : f32 to vector<128x128xf32>
    %mul3A_60 = arith.mulf %add3A_57, %mul3A_59 : vector<128x128xf32>
    %get3A_61 = arith.constant 0 : index
    %get3A_62 = arith.constant 0 : index
    %get3A_63 = vector.load %arg0[%get3A_61, %get3A_62] : memref<128x128xf32, #tpu.memory_space<vmem>>, vector<128x128xf32>
    %reduce_sum3A_64 = arith.constant dense<0.000000e+00> : vector<128xf32>
    %reduce_sum3A_65 = vector.multi_reduction <add>, %get3A_63, %reduce_sum3A_64 [0] : vector<128x128xf32> to vector<128xf32>
    %broadcast_in_dim3A = vector.shape_cast %reduce_sum3A_65 : vector<128xf32> to vector<1x128xf32>
    %div3A_66 = arith.constant 1.280000e+02 : f32
    %div3A_67 = vector.broadcast %div3A_66 : f32 to vector<1x128xf32>
    %div3A_68 = arith.divf %broadcast_in_dim3A, %div3A_67 : vector<1x128xf32>
    %sub3A_69 = vector.broadcast %div3A_68 : vector<1x128xf32> to vector<128x128xf32>
    %sub3A_70 = arith.subf %get3A_63, %sub3A_69 : vector<128x128xf32>
    %dot_general3A_71 = arith.constant dense<0.000000e+00> : vector<128x128xf32>
    %dot_general3A_72 = tpu.matmul %sub3A_70, %sub3A_70, %dot_general3A_71 {dimension_numbers = #tpu.dot_dimension_numbers<[0], [0], [1], [1], [0, 1, 1, 1], [], []>, transpose_lhs_hint = false} : vector<128x128xf32>, vector<128x128xf32>, vector<128x128xf32> -> vector<128x128xf32>
    %div3A_73 = arith.constant 1.270000e+02 : f32
    %div3A_74 = vector.broadcast %div3A_73 : f32 to vector<128x128xf32>
    %div3A_75 = arith.divf %dot_general3A_72, %div3A_74 : vector<128x128xf32>
    %mul3A_76 = arith.mulf %div3A_75, %convert_element_type3A_1 : vector<128x128xf32>
    %reduce_sum3A_77 = vector.shape_cast %mul3A_76 : vector<128x128xf32> to vector<1x128x128xf32>
    %reduce_sum3A_78 = arith.constant dense<0.000000e+00> : vector<1xf32>
    %reduce_sum3A_79 = vector.multi_reduction <add>, %reduce_sum3A_77, %reduce_sum3A_78 [1, 2] : vector<1x128x128xf32> to vector<1xf32>
    %reduce_sum3A_80 = vector.shape_cast %reduce_sum3A_79 : vector<1xf32> to vector<1x1x1xf32>
    %reduce_sum3A_81 = vector.extract %reduce_sum3A_80[0, 0, 0] : f32 from vector<1x1x1xf32>
    %div3A_82 = arith.constant 1.280000e+02 : f32
    %div3A_83 = arith.divf %reduce_sum3A_81, %div3A_82 : f32
    %mul3A_84 = arith.constant 0.00999999977 : f32
    %mul3A_85 = arith.mulf %div3A_83, %mul3A_84 : f32
    %mul3A_86 = vector.broadcast %mul3A_85 : f32 to vector<128x128xf32>
    %mul3A_87 = arith.mulf %mul3A_86, %convert_element_type3A_1 : vector<128x128xf32>
    %add3A_88 = arith.addf %div3A_75, %mul3A_87 : vector<128x128xf32>
    %convert_element_type3A_89 = arith.truncf %add3A_88 : vector<128x128xf32> to vector<128x128xbf16>
    %convert_element_type3A_90 = arith.extf %convert_element_type3A_89 : vector<128x128xbf16> to vector<128x128xf32>
    %sub3A_91 = arith.subf %add3A_88, %convert_element_type3A_90 : vector<128x128xf32>
    %convert_element_type3A_92 = arith.truncf %sub3A_91 : vector<128x128xf32> to vector<128x128xbf16>
    %convert_element_type3A_93 = arith.extf %convert_element_type3A_92 : vector<128x128xbf16> to vector<128x128xf32>
    %sub3A_94 = arith.subf %sub3A_91, %convert_element_type3A_93 : vector<128x128xf32>
    %iota3A_95 = tpu.iota {dimensions = array<i32: 0>} : vector<128x128xi32>
    %iota3A_96 = tpu.iota {dimensions = array<i32: 1>} : vector<128x128xi32>
    %eq3A_97 = arith.cmpi eq, %iota3A_95, %iota3A_96 : vector<128x128xi32>
    %convert_element_type3A_98 = arith.extui %eq3A_97 : vector<128x128xi1> to vector<128x128xi32>
    %convert_element_type3A_99 = arith.sitofp %convert_element_type3A_98 : vector<128x128xi32> to vector<128x128xf32>
    %dot_general3A_100 = arith.constant dense<0.000000e+00> : vector<128x128xf32>
    %dot_general3A_101 = tpu.matmul %convert_element_type3A_90, %convert_element_type3A_99, %dot_general3A_100 {dimension_numbers = #tpu.dot_dimension_numbers<[0], [0], [1], [1], [0, 1, 1, 1], [], []>, transpose_lhs_hint = false} : vector<128x128xf32>, vector<128x128xf32>, vector<128x128xf32> -> vector<128x128xf32>
    %iota3A_102 = tpu.iota {dimensions = array<i32: 0>} : vector<128x128xi32>
    %iota3A_103 = tpu.iota {dimensions = array<i32: 1>} : vector<128x128xi32>
    %eq3A_104 = arith.cmpi eq, %iota3A_102, %iota3A_103 : vector<128x128xi32>
    %convert_element_type3A_105 = arith.extui %eq3A_104 : vector<128x128xi1> to vector<128x128xi32>
    %convert_element_type3A_106 = arith.sitofp %convert_element_type3A_105 : vector<128x128xi32> to vector<128x128xf32>
    %dot_general3A_107 = arith.constant dense<0.000000e+00> : vector<128x128xf32>
    %dot_general3A_108 = tpu.matmul %convert_element_type3A_93, %convert_element_type3A_106, %dot_general3A_107 {dimension_numbers = #tpu.dot_dimension_numbers<[0], [0], [1], [1], [0, 1, 1, 1], [], []>, transpose_lhs_hint = false} : vector<128x128xf32>, vector<128x128xf32>, vector<128x128xf32> -> vector<128x128xf32>
    %add3A_109 = arith.addf %dot_general3A_101, %dot_general3A_108 : vector<128x128xf32>
    %iota3A_110 = tpu.iota {dimensions = array<i32: 0>} : vector<128x128xi32>
    %iota3A_111 = tpu.iota {dimensions = array<i32: 1>} : vector<128x128xi32>
    %eq3A_112 = arith.cmpi eq, %iota3A_110, %iota3A_111 : vector<128x128xi32>
    %convert_element_type3A_113 = arith.extui %eq3A_112 : vector<128x128xi1> to vector<128x128xi32>
    %convert_element_type3A_114 = arith.sitofp %convert_element_type3A_113 : vector<128x128xi32> to vector<128x128xf32>
    %dot_general3A_115 = arith.constant dense<0.000000e+00> : vector<128x128xf32>
    %dot_general3A_116 = tpu.matmul %sub3A_94, %convert_element_type3A_114, %dot_general3A_115 {dimension_numbers = #tpu.dot_dimension_numbers<[0], [0], [1], [1], [0, 1, 1, 1], [], []>, transpose_lhs_hint = false} : vector<128x128xf32>, vector<128x128xf32>, vector<128x128xf32> -> vector<128x128xf32>
    %add3A_117 = arith.addf %add3A_109, %dot_general3A_116 : vector<128x128xf32>
    %add3A_118 = arith.addf %add3A_88, %add3A_117 : vector<128x128xf32>
    %mul3A_119 = arith.constant 5.000000e-01 : f32
    %mul3A_120 = vector.broadcast %mul3A_119 : f32 to vector<128x128xf32>
    %mul3A_121 = arith.mulf %add3A_118, %mul3A_120 : vector<128x128xf32>
    %sub3A_122 = arith.subf %div3A_68, %div3A_5 : vector<1x128xf32>
    %integer_pow3A = arith.mulf %sub3A_122, %sub3A_122 : vector<1x128xf32>
    %reduce_sum3A_123 = vector.shape_cast %integer_pow3A : vector<1x128xf32> to vector<1x1x128xf32>
    %reduce_sum3A_124 = arith.constant dense<0.000000e+00> : vector<1xf32>
    %reduce_sum3A_125 = vector.multi_reduction <add>, %reduce_sum3A_123, %reduce_sum3A_124 [1, 2] : vector<1x1x128xf32> to vector<1xf32>
    %reduce_sum3A_126 = vector.shape_cast %reduce_sum3A_125 : vector<1xf32> to vector<1x1x1xf32>
    %reduce_sum3A_127 = vector.extract %reduce_sum3A_126[0, 0, 0] : f32 from vector<1x1x1xf32>
    %iota3A_128 = tpu.iota {dimensions = array<i32: 0>} : vector<128x128xi32>
    %iota3A_129 = tpu.iota {dimensions = array<i32: 1>} : vector<128x128xi32>
    %eq3A_130 = arith.cmpi eq, %iota3A_128, %iota3A_129 : vector<128x128xi32>
    %convert_element_type3A_131 = arith.extui %eq3A_130 : vector<128x128xi1> to vector<128x128xi32>
    %convert_element_type3A_132 = arith.sitofp %convert_element_type3A_131 : vector<128x128xi32> to vector<128x128xf32>
    %mul3A_133 = arith.mulf %mul3A_121, %mul3A_121 : vector<128x128xf32>
    %reduce_sum3A_134 = vector.shape_cast %mul3A_133 : vector<128x128xf32> to vector<1x128x128xf32>
    %reduce_sum3A_135 = arith.constant dense<0.000000e+00> : vector<1xf32>
    %reduce_sum3A_136 = vector.multi_reduction <add>, %reduce_sum3A_134, %reduce_sum3A_135 [1, 2] : vector<1x128x128xf32> to vector<1xf32>
    %reduce_sum3A_137 = vector.shape_cast %reduce_sum3A_136 : vector<1xf32> to vector<1x1x1xf32>
    %reduce_sum3A_138 = vector.extract %reduce_sum3A_137[0, 0, 0] : f32 from vector<1x1x1xf32>
    %sqrt3A = math.sqrt %reduce_sum3A_138 : f32
    %div3A_139 = vector.broadcast %sqrt3A : f32 to vector<128x128xf32>
    %div3A_140 = arith.divf %mul3A_121, %div3A_139 : vector<128x128xf32>
    %mul3A_141 = arith.constant 1.500000e+00 : f32
    %mul3A_142 = vector.broadcast %mul3A_141 : f32 to vector<128x128xf32>
    %mul3A_143 = arith.mulf %mul3A_142, %convert_element_type3A_132 : vector<128x128xf32>
    %dot_general3A_144 = arith.constant dense<0.000000e+00> : vector<128x128xf32>
    %dot_general3A_145 = tpu.matmul %convert_element_type3A_132, %div3A_140, %dot_general3A_144 {dimension_numbers = #tpu.dot_dimension_numbers<[1], [0], [0], [1], [0, 0, 1, 1], [], []>, precision = #tpu.contract_precision<fp32>, transpose_lhs_hint = false} : vector<128x128xf32>, vector<128x128xf32>, vector<128x128xf32> -> vector<128x128xf32>
    %mul3A_146 = arith.constant 5.000000e-01 : f32
    %mul3A_147 = vector.broadcast %mul3A_146 : f32 to vector<128x128xf32>
    %mul3A_148 = arith.mulf %mul3A_147, %dot_general3A_145 : vector<128x128xf32>
    %sub3A_149 = arith.subf %mul3A_143, %mul3A_148 : vector<128x128xf32>
    %dot_general3A_150 = arith.constant dense<0.000000e+00> : vector<128x128xf32>
    %dot_general3A_151 = tpu.matmul %div3A_140, %sub3A_149, %dot_general3A_150 {dimension_numbers = #tpu.dot_dimension_numbers<[1], [0], [0], [1], [0, 0, 1, 1], [], []>, precision = #tpu.contract_precision<fp32>, transpose_lhs_hint = false} : vector<128x128xf32>, vector<128x128xf32>, vector<128x128xf32> -> vector<128x128xf32>
    %dot_general3A_152 = arith.constant dense<0.000000e+00> : vector<128x128xf32>
    %dot_general3A_153 = tpu.matmul %sub3A_149, %convert_element_type3A_132, %dot_general3A_152 {dimension_numbers = #tpu.dot_dimension_numbers<[1], [0], [0], [1], [0, 0, 1, 1], [], []>, precision = #tpu.contract_precision<fp32>, transpose_lhs_hint = false} : vector<128x128xf32>, vector<128x128xf32>, vector<128x128xf32> -> vector<128x128xf32>
    %mul3A_154 = arith.constant 1.500000e+00 : f32
    %mul3A_155 = vector.broadcast %mul3A_154 : f32 to vector<128x128xf32>
    %mul3A_156 = arith.mulf %mul3A_155, %convert_element_type3A_132 : vector<128x128xf32>
    %dot_general3A_157 = arith.constant dense<0.000000e+00> : vector<128x128xf32>
    %dot_general3A_158 = tpu.matmul %dot_general3A_153, %dot_general3A_151, %dot_general3A_157 {dimension_numbers = #tpu.dot_dimension_numbers<[1], [0], [0], [1], [0, 0, 1, 1], [], []>, precision = #tpu.contract_precision<fp32>, transpose_lhs_hint = false} : vector<128x128xf32>, vector<128x128xf32>, vector<128x128xf32> -> vector<128x128xf32>
    %mul3A_159 = arith.constant 5.000000e-01 : f32
    %mul3A_160 = vector.broadcast %mul3A_159 : f32 to vector<128x128xf32>
    %mul3A_161 = arith.mulf %mul3A_160, %dot_general3A_158 : vector<128x128xf32>
    %sub3A_162 = arith.subf %mul3A_156, %mul3A_161 : vector<128x128xf32>
    %dot_general3A_163 = arith.constant dense<0.000000e+00> : vector<128x128xf32>
    %dot_general3A_164 = tpu.matmul %dot_general3A_151, %sub3A_162, %dot_general3A_163 {dimension_numbers = #tpu.dot_dimension_numbers<[1], [0], [0], [1], [0, 0, 1, 1], [], []>, precision = #tpu.contract_precision<fp32>, transpose_lhs_hint = false} : vector<128x128xf32>, vector<128x128xf32>, vector<128x128xf32> -> vector<128x128xf32>
    %dot_general3A_165 = arith.constant dense<0.000000e+00> : vector<128x128xf32>
    %dot_general3A_166 = tpu.matmul %sub3A_162, %dot_general3A_153, %dot_general3A_165 {dimension_numbers = #tpu.dot_dimension_numbers<[1], [0], [0], [1], [0, 0, 1, 1], [], []>, precision = #tpu.contract_precision<fp32>, transpose_lhs_hint = false} : vector<128x128xf32>, vector<128x128xf32>, vector<128x128xf32> -> vector<128x128xf32>
    %mul3A_167 = arith.constant 1.500000e+00 : f32
    %mul3A_168 = vector.broadcast %mul3A_167 : f32 to vector<128x128xf32>
    %mul3A_169 = arith.mulf %mul3A_168, %convert_element_type3A_132 : vector<128x128xf32>
    %dot_general3A_170 = arith.constant dense<0.000000e+00> : vector<128x128xf32>
    %dot_general3A_171 = tpu.matmul %dot_general3A_166, %dot_general3A_164, %dot_general3A_170 {dimension_numbers = #tpu.dot_dimension_numbers<[1], [0], [0], [1], [0, 0, 1, 1], [], []>, precision = #tpu.contract_precision<fp32>, transpose_lhs_hint = false} : vector<128x128xf32>, vector<128x128xf32>, vector<128x128xf32> -> vector<128x128xf32>
    %mul3A_172 = arith.constant 5.000000e-01 : f32
    %mul3A_173 = vector.broadcast %mul3A_172 : f32 to vector<128x128xf32>
    %mul3A_174 = arith.mulf %mul3A_173, %dot_general3A_171 : vector<128x128xf32>
    %sub3A_175 = arith.subf %mul3A_169, %mul3A_174 : vector<128x128xf32>
    %dot_general3A_176 = arith.constant dense<0.000000e+00> : vector<128x128xf32>
    %dot_general3A_177 = tpu.matmul %dot_general3A_164, %sub3A_175, %dot_general3A_176 {dimension_numbers = #tpu.dot_dimension_numbers<[1], [0], [0], [1], [0, 0, 1, 1], [], []>, precision = #tpu.contract_precision<fp32>, transpose_lhs_hint = false} : vector<128x128xf32>, vector<128x128xf32>, vector<128x128xf32> -> vector<128x128xf32>
    %dot_general3A_178 = arith.constant dense<0.000000e+00> : vector<128x128xf32>
    %dot_general3A_179 = tpu.matmul %sub3A_175, %dot_general3A_166, %dot_general3A_178 {dimension_numbers = #tpu.dot_dimension_numbers<[1], [0], [0], [1], [0, 0, 1, 1], [], []>, precision = #tpu.contract_precision<fp32>, transpose_lhs_hint = false} : vector<128x128xf32>, vector<128x128xf32>, vector<128x128xf32> -> vector<128x128xf32>
    %mul3A_180 = arith.constant 1.500000e+00 : f32
    %mul3A_181 = vector.broadcast %mul3A_180 : f32 to vector<128x128xf32>
    %mul3A_182 = arith.mulf %mul3A_181, %convert_element_type3A_132 : vector<128x128xf32>
    %dot_general3A_183 = arith.constant dense<0.000000e+00> : vector<128x128xf32>
    %dot_general3A_184 = tpu.matmul %dot_general3A_179, %dot_general3A_177, %dot_general3A_183 {dimension_numbers = #tpu.dot_dimension_numbers<[1], [0], [0], [1], [0, 0, 1, 1], [], []>, precision = #tpu.contract_precision<fp32>, transpose_lhs_hint = false} : vector<128x128xf32>, vector<128x128xf32>, vector<128x128xf32> -> vector<128x128xf32>
    %mul3A_185 = arith.constant 5.000000e-01 : f32
    %mul3A_186 = vector.broadcast %mul3A_185 : f32 to vector<128x128xf32>
    %mul3A_187 = arith.mulf %mul3A_186, %dot_general3A_184 : vector<128x128xf32>
    %sub3A_188 = arith.subf %mul3A_182, %mul3A_187 : vector<128x128xf32>
    %dot_general3A_189 = arith.constant dense<0.000000e+00> : vector<128x128xf32>
    %dot_general3A_190 = tpu.matmul %dot_general3A_177, %sub3A_188, %dot_general3A_189 {dimension_numbers = #tpu.dot_dimension_numbers<[1], [0], [0], [1], [0, 0, 1, 1], [], []>, precision = #tpu.contract_precision<fp32>, transpose_lhs_hint = false} : vector<128x128xf32>, vector<128x128xf32>, vector<128x128xf32> -> vector<128x128xf32>
    %dot_general3A_191 = arith.constant dense<0.000000e+00> : vector<128x128xf32>
    %dot_general3A_192 = tpu.matmul %sub3A_188, %dot_general3A_179, %dot_general3A_191 {dimension_numbers = #tpu.dot_dimension_numbers<[1], [0], [0], [1], [0, 0, 1, 1], [], []>, precision = #tpu.contract_precision<fp32>, transpose_lhs_hint = false} : vector<128x128xf32>, vector<128x128xf32>, vector<128x128xf32> -> vector<128x128xf32>
    %mul3A_193 = arith.constant 1.500000e+00 : f32
    %mul3A_194 = vector.broadcast %mul3A_193 : f32 to vector<128x128xf32>
    %mul3A_195 = arith.mulf %mul3A_194, %convert_element_type3A_132 : vector<128x128xf32>
    %dot_general3A_196 = arith.constant dense<0.000000e+00> : vector<128x128xf32>
    %dot_general3A_197 = tpu.matmul %dot_general3A_192, %dot_general3A_190, %dot_general3A_196 {dimension_numbers = #tpu.dot_dimension_numbers<[1], [0], [0], [1], [0, 0, 1, 1], [], []>, precision = #tpu.contract_precision<fp32>, transpose_lhs_hint = false} : vector<128x128xf32>, vector<128x128xf32>, vector<128x128xf32> -> vector<128x128xf32>
    %mul3A_198 = arith.constant 5.000000e-01 : f32
    %mul3A_199 = vector.broadcast %mul3A_198 : f32 to vector<128x128xf32>
    %mul3A_200 = arith.mulf %mul3A_199, %dot_general3A_197 : vector<128x128xf32>
    %sub3A_201 = arith.subf %mul3A_195, %mul3A_200 : vector<128x128xf32>
    %dot_general3A_202 = arith.constant dense<0.000000e+00> : vector<128x128xf32>
    %dot_general3A_203 = tpu.matmul %dot_general3A_190, %sub3A_201, %dot_general3A_202 {dimension_numbers = #tpu.dot_dimension_numbers<[1], [0], [0], [1], [0, 0, 1, 1], [], []>, precision = #tpu.contract_precision<fp32>, transpose_lhs_hint = false} : vector<128x128xf32>, vector<128x128xf32>, vector<128x128xf32> -> vector<128x128xf32>
    %dot_general3A_204 = arith.constant dense<0.000000e+00> : vector<128x128xf32>
    %dot_general3A_205 = tpu.matmul %sub3A_201, %dot_general3A_192, %dot_general3A_204 {dimension_numbers = #tpu.dot_dimension_numbers<[1], [0], [0], [1], [0, 0, 1, 1], [], []>, precision = #tpu.contract_precision<fp32>, transpose_lhs_hint = false} : vector<128x128xf32>, vector<128x128xf32>, vector<128x128xf32> -> vector<128x128xf32>
    %mul3A_206 = arith.constant 1.500000e+00 : f32
    %mul3A_207 = vector.broadcast %mul3A_206 : f32 to vector<128x128xf32>
    %mul3A_208 = arith.mulf %mul3A_207, %convert_element_type3A_132 : vector<128x128xf32>
    %dot_general3A_209 = arith.constant dense<0.000000e+00> : vector<128x128xf32>
    %dot_general3A_210 = tpu.matmul %dot_general3A_205, %dot_general3A_203, %dot_general3A_209 {dimension_numbers = #tpu.dot_dimension_numbers<[1], [0], [0], [1], [0, 0, 1, 1], [], []>, precision = #tpu.contract_precision<fp32>, transpose_lhs_hint = false} : vector<128x128xf32>, vector<128x128xf32>, vector<128x128xf32> -> vector<128x128xf32>
    %mul3A_211 = arith.constant 5.000000e-01 : f32
    %mul3A_212 = vector.broadcast %mul3A_211 : f32 to vector<128x128xf32>
    %mul3A_213 = arith.mulf %mul3A_212, %dot_general3A_210 : vector<128x128xf32>
    %sub3A_214 = arith.subf %mul3A_208, %mul3A_213 : vector<128x128xf32>
    %dot_general3A_215 = arith.constant dense<0.000000e+00> : vector<128x128xf32>
    %dot_general3A_216 = tpu.matmul %dot_general3A_203, %sub3A_214, %dot_general3A_215 {dimension_numbers = #tpu.dot_dimension_numbers<[1], [0], [0], [1], [0, 0, 1, 1], [], []>, precision = #tpu.contract_precision<fp32>, transpose_lhs_hint = false} : vector<128x128xf32>, vector<128x128xf32>, vector<128x128xf32> -> vector<128x128xf32>
    %dot_general3A_217 = arith.constant dense<0.000000e+00> : vector<128x128xf32>
    %dot_general3A_218 = tpu.matmul %sub3A_214, %dot_general3A_205, %dot_general3A_217 {dimension_numbers = #tpu.dot_dimension_numbers<[1], [0], [0], [1], [0, 0, 1, 1], [], []>, precision = #tpu.contract_precision<fp32>, transpose_lhs_hint = false} : vector<128x128xf32>, vector<128x128xf32>, vector<128x128xf32> -> vector<128x128xf32>
    %mul3A_219 = arith.constant 1.500000e+00 : f32
    %mul3A_220 = vector.broadcast %mul3A_219 : f32 to vector<128x128xf32>
    %mul3A_221 = arith.mulf %mul3A_220, %convert_element_type3A_132 : vector<128x128xf32>
    %dot_general3A_222 = arith.constant dense<0.000000e+00> : vector<128x128xf32>
    %dot_general3A_223 = tpu.matmul %dot_general3A_218, %dot_general3A_216, %dot_general3A_222 {dimension_numbers = #tpu.dot_dimension_numbers<[1], [0], [0], [1], [0, 0, 1, 1], [], []>, precision = #tpu.contract_precision<fp32>, transpose_lhs_hint = false} : vector<128x128xf32>, vector<128x128xf32>, vector<128x128xf32> -> vector<128x128xf32>
    %mul3A_224 = arith.constant 5.000000e-01 : f32
    %mul3A_225 = vector.broadcast %mul3A_224 : f32 to vector<128x128xf32>
    %mul3A_226 = arith.mulf %mul3A_225, %dot_general3A_223 : vector<128x128xf32>
    %sub3A_227 = arith.subf %mul3A_221, %mul3A_226 : vector<128x128xf32>
    %dot_general3A_228 = arith.constant dense<0.000000e+00> : vector<128x128xf32>
    %dot_general3A_229 = tpu.matmul %dot_general3A_216, %sub3A_227, %dot_general3A_228 {dimension_numbers = #tpu.dot_dimension_numbers<[1], [0], [0], [1], [0, 0, 1, 1], [], []>, precision = #tpu.contract_precision<fp32>, transpose_lhs_hint = false} : vector<128x128xf32>, vector<128x128xf32>, vector<128x128xf32> -> vector<128x128xf32>
    %dot_general3A_230 = arith.constant dense<0.000000e+00> : vector<128x128xf32>
    %dot_general3A_231 = tpu.matmul %sub3A_227, %dot_general3A_218, %dot_general3A_230 {dimension_numbers = #tpu.dot_dimension_numbers<[1], [0], [0], [1], [0, 0, 1, 1], [], []>, precision = #tpu.contract_precision<fp32>, transpose_lhs_hint = false} : vector<128x128xf32>, vector<128x128xf32>, vector<128x128xf32> -> vector<128x128xf32>
    %mul3A_232 = arith.constant 1.500000e+00 : f32
    %mul3A_233 = vector.broadcast %mul3A_232 : f32 to vector<128x128xf32>
    %mul3A_234 = arith.mulf %mul3A_233, %convert_element_type3A_132 : vector<128x128xf32>
    %dot_general3A_235 = arith.constant dense<0.000000e+00> : vector<128x128xf32>
    %dot_general3A_236 = tpu.matmul %dot_general3A_231, %dot_general3A_229, %dot_general3A_235 {dimension_numbers = #tpu.dot_dimension_numbers<[1], [0], [0], [1], [0, 0, 1, 1], [], []>, precision = #tpu.contract_precision<fp32>, transpose_lhs_hint = false} : vector<128x128xf32>, vector<128x128xf32>, vector<128x128xf32> -> vector<128x128xf32>
    %mul3A_237 = arith.constant 5.000000e-01 : f32
    %mul3A_238 = vector.broadcast %mul3A_237 : f32 to vector<128x128xf32>
    %mul3A_239 = arith.mulf %mul3A_238, %dot_general3A_236 : vector<128x128xf32>
    %sub3A_240 = arith.subf %mul3A_234, %mul3A_239 : vector<128x128xf32>
    %dot_general3A_241 = arith.constant dense<0.000000e+00> : vector<128x128xf32>
    %dot_general3A_242 = tpu.matmul %dot_general3A_229, %sub3A_240, %dot_general3A_241 {dimension_numbers = #tpu.dot_dimension_numbers<[1], [0], [0], [1], [0, 0, 1, 1], [], []>, precision = #tpu.contract_precision<fp32>, transpose_lhs_hint = false} : vector<128x128xf32>, vector<128x128xf32>, vector<128x128xf32> -> vector<128x128xf32>
    %dot_general3A_243 = arith.constant dense<0.000000e+00> : vector<128x128xf32>
    %dot_general3A_244 = tpu.matmul %sub3A_240, %dot_general3A_231, %dot_general3A_243 {dimension_numbers = #tpu.dot_dimension_numbers<[1], [0], [0], [1], [0, 0, 1, 1], [], []>, precision = #tpu.contract_precision<fp32>, transpose_lhs_hint = false} : vector<128x128xf32>, vector<128x128xf32>, vector<128x128xf32> -> vector<128x128xf32>
    %mul3A_245 = arith.constant 1.500000e+00 : f32
    %mul3A_246 = vector.broadcast %mul3A_245 : f32 to vector<128x128xf32>
    %mul3A_247 = arith.mulf %mul3A_246, %convert_element_type3A_132 : vector<128x128xf32>
    %dot_general3A_248 = arith.constant dense<0.000000e+00> : vector<128x128xf32>
    %dot_general3A_249 = tpu.matmul %dot_general3A_244, %dot_general3A_242, %dot_general3A_248 {dimension_numbers = #tpu.dot_dimension_numbers<[1], [0], [0], [1], [0, 0, 1, 1], [], []>, precision = #tpu.contract_precision<fp32>, transpose_lhs_hint = false} : vector<128x128xf32>, vector<128x128xf32>, vector<128x128xf32> -> vector<128x128xf32>
    %mul3A_250 = arith.constant 5.000000e-01 : f32
    %mul3A_251 = vector.broadcast %mul3A_250 : f32 to vector<128x128xf32>
    %mul3A_252 = arith.mulf %mul3A_251, %dot_general3A_249 : vector<128x128xf32>
    %sub3A_253 = arith.subf %mul3A_247, %mul3A_252 : vector<128x128xf32>
    %dot_general3A_254 = arith.constant dense<0.000000e+00> : vector<128x128xf32>
    %dot_general3A_255 = tpu.matmul %dot_general3A_242, %sub3A_253, %dot_general3A_254 {dimension_numbers = #tpu.dot_dimension_numbers<[1], [0], [0], [1], [0, 0, 1, 1], [], []>, precision = #tpu.contract_precision<fp32>, transpose_lhs_hint = false} : vector<128x128xf32>, vector<128x128xf32>, vector<128x128xf32> -> vector<128x128xf32>
    %dot_general3A_256 = arith.constant dense<0.000000e+00> : vector<128x128xf32>
    %dot_general3A_257 = tpu.matmul %sub3A_253, %dot_general3A_244, %dot_general3A_256 {dimension_numbers = #tpu.dot_dimension_numbers<[1], [0], [0], [1], [0, 0, 1, 1], [], []>, precision = #tpu.contract_precision<fp32>, transpose_lhs_hint = false} : vector<128x128xf32>, vector<128x128xf32>, vector<128x128xf32> -> vector<128x128xf32>
    %mul3A_258 = arith.constant 1.500000e+00 : f32
    %mul3A_259 = vector.broadcast %mul3A_258 : f32 to vector<128x128xf32>
    %mul3A_260 = arith.mulf %mul3A_259, %convert_element_type3A_132 : vector<128x128xf32>
    %dot_general3A_261 = arith.constant dense<0.000000e+00> : vector<128x128xf32>
    %dot_general3A_262 = tpu.matmul %dot_general3A_257, %dot_general3A_255, %dot_general3A_261 {dimension_numbers = #tpu.dot_dimension_numbers<[1], [0], [0], [1], [0, 0, 1, 1], [], []>, precision = #tpu.contract_precision<fp32>, transpose_lhs_hint = false} : vector<128x128xf32>, vector<128x128xf32>, vector<128x128xf32> -> vector<128x128xf32>
    %mul3A_263 = arith.constant 5.000000e-01 : f32
    %mul3A_264 = vector.broadcast %mul3A_263 : f32 to vector<128x128xf32>
    %mul3A_265 = arith.mulf %mul3A_264, %dot_general3A_262 : vector<128x128xf32>
    %sub3A_266 = arith.subf %mul3A_260, %mul3A_265 : vector<128x128xf32>
    %dot_general3A_267 = arith.constant dense<0.000000e+00> : vector<128x128xf32>
    %dot_general3A_268 = tpu.matmul %dot_general3A_255, %sub3A_266, %dot_general3A_267 {dimension_numbers = #tpu.dot_dimension_numbers<[1], [0], [0], [1], [0, 0, 1, 1], [], []>, precision = #tpu.contract_precision<fp32>, transpose_lhs_hint = false} : vector<128x128xf32>, vector<128x128xf32>, vector<128x128xf32> -> vector<128x128xf32>
    %dot_general3A_269 = arith.constant dense<0.000000e+00> : vector<128x128xf32>
    %dot_general3A_270 = tpu.matmul %sub3A_266, %dot_general3A_257, %dot_general3A_269 {dimension_numbers = #tpu.dot_dimension_numbers<[1], [0], [0], [1], [0, 0, 1, 1], [], []>, precision = #tpu.contract_precision<fp32>, transpose_lhs_hint = false} : vector<128x128xf32>, vector<128x128xf32>, vector<128x128xf32> -> vector<128x128xf32>
    %mul3A_271 = arith.constant 1.500000e+00 : f32
    %mul3A_272 = vector.broadcast %mul3A_271 : f32 to vector<128x128xf32>
    %mul3A_273 = arith.mulf %mul3A_272, %convert_element_type3A_132 : vector<128x128xf32>
    %dot_general3A_274 = arith.constant dense<0.000000e+00> : vector<128x128xf32>
    %dot_general3A_275 = tpu.matmul %dot_general3A_270, %dot_general3A_268, %dot_general3A_274 {dimension_numbers = #tpu.dot_dimension_numbers<[1], [0], [0], [1], [0, 0, 1, 1], [], []>, precision = #tpu.contract_precision<fp32>, transpose_lhs_hint = false} : vector<128x128xf32>, vector<128x128xf32>, vector<128x128xf32> -> vector<128x128xf32>
    %mul3A_276 = arith.constant 5.000000e-01 : f32
    %mul3A_277 = vector.broadcast %mul3A_276 : f32 to vector<128x128xf32>
    %mul3A_278 = arith.mulf %mul3A_277, %dot_general3A_275 : vector<128x128xf32>
    %sub3A_279 = arith.subf %mul3A_273, %mul3A_278 : vector<128x128xf32>
    %dot_general3A_280 = arith.constant dense<0.000000e+00> : vector<128x128xf32>
    %dot_general3A_281 = tpu.matmul %dot_general3A_268, %sub3A_279, %dot_general3A_280 {dimension_numbers = #tpu.dot_dimension_numbers<[1], [0], [0], [1], [0, 0, 1, 1], [], []>, precision = #tpu.contract_precision<fp32>, transpose_lhs_hint = false} : vector<128x128xf32>, vector<128x128xf32>, vector<128x128xf32> -> vector<128x128xf32>
    %dot_general3A_282 = arith.constant dense<0.000000e+00> : vector<128x128xf32>
    %dot_general3A_283 = tpu.matmul %sub3A_279, %dot_general3A_270, %dot_general3A_282 {dimension_numbers = #tpu.dot_dimension_numbers<[1], [0], [0], [1], [0, 0, 1, 1], [], []>, precision = #tpu.contract_precision<fp32>, transpose_lhs_hint = false} : vector<128x128xf32>, vector<128x128xf32>, vector<128x128xf32> -> vector<128x128xf32>
    %mul3A_284 = arith.constant 1.500000e+00 : f32
    %mul3A_285 = vector.broadcast %mul3A_284 : f32 to vector<128x128xf32>
    %mul3A_286 = arith.mulf %mul3A_285, %convert_element_type3A_132 : vector<128x128xf32>
    %dot_general3A_287 = arith.constant dense<0.000000e+00> : vector<128x128xf32>
    %dot_general3A_288 = tpu.matmul %dot_general3A_283, %dot_general3A_281, %dot_general3A_287 {dimension_numbers = #tpu.dot_dimension_numbers<[1], [0], [0], [1], [0, 0, 1, 1], [], []>, precision = #tpu.contract_precision<fp32>, transpose_lhs_hint = false} : vector<128x128xf32>, vector<128x128xf32>, vector<128x128xf32> -> vector<128x128xf32>
    %mul3A_289 = arith.constant 5.000000e-01 : f32
    %mul3A_290 = vector.broadcast %mul3A_289 : f32 to vector<128x128xf32>
    %mul3A_291 = arith.mulf %mul3A_290, %dot_general3A_288 : vector<128x128xf32>
    %sub3A_292 = arith.subf %mul3A_286, %mul3A_291 : vector<128x128xf32>
    %dot_general3A_293 = arith.constant dense<0.000000e+00> : vector<128x128xf32>
    %dot_general3A_294 = tpu.matmul %dot_general3A_281, %sub3A_292, %dot_general3A_293 {dimension_numbers = #tpu.dot_dimension_numbers<[1], [0], [0], [1], [0, 0, 1, 1], [], []>, precision = #tpu.contract_precision<fp32>, transpose_lhs_hint = false} : vector<128x128xf32>, vector<128x128xf32>, vector<128x128xf32> -> vector<128x128xf32>
    %dot_general3A_295 = arith.constant dense<0.000000e+00> : vector<128x128xf32>
    %dot_general3A_296 = tpu.matmul %sub3A_292, %dot_general3A_283, %dot_general3A_295 {dimension_numbers = #tpu.dot_dimension_numbers<[1], [0], [0], [1], [0, 0, 1, 1], [], []>, precision = #tpu.contract_precision<fp32>, transpose_lhs_hint = false} : vector<128x128xf32>, vector<128x128xf32>, vector<128x128xf32> -> vector<128x128xf32>
    %mul3A_297 = arith.constant 1.500000e+00 : f32
    %mul3A_298 = vector.broadcast %mul3A_297 : f32 to vector<128x128xf32>
    %mul3A_299 = arith.mulf %mul3A_298, %convert_element_type3A_132 : vector<128x128xf32>
    %dot_general3A_300 = arith.constant dense<0.000000e+00> : vector<128x128xf32>
    %dot_general3A_301 = tpu.matmul %dot_general3A_296, %dot_general3A_294, %dot_general3A_300 {dimension_numbers = #tpu.dot_dimension_numbers<[1], [0], [0], [1], [0, 0, 1, 1], [], []>, precision = #tpu.contract_precision<fp32>, transpose_lhs_hint = false} : vector<128x128xf32>, vector<128x128xf32>, vector<128x128xf32> -> vector<128x128xf32>
    %mul3A_302 = arith.constant 5.000000e-01 : f32
    %mul3A_303 = vector.broadcast %mul3A_302 : f32 to vector<128x128xf32>
    %mul3A_304 = arith.mulf %mul3A_303, %dot_general3A_301 : vector<128x128xf32>
    %sub3A_305 = arith.subf %mul3A_299, %mul3A_304 : vector<128x128xf32>
    %dot_general3A_306 = arith.constant dense<0.000000e+00> : vector<128x128xf32>
    %dot_general3A_307 = tpu.matmul %dot_general3A_294, %sub3A_305, %dot_general3A_306 {dimension_numbers = #tpu.dot_dimension_numbers<[1], [0], [0], [1], [0, 0, 1, 1], [], []>, precision = #tpu.contract_precision<fp32>, transpose_lhs_hint = false} : vector<128x128xf32>, vector<128x128xf32>, vector<128x128xf32> -> vector<128x128xf32>
    %dot_general3A_308 = arith.constant dense<0.000000e+00> : vector<128x128xf32>
    %dot_general3A_309 = tpu.matmul %sub3A_305, %dot_general3A_296, %dot_general3A_308 {dimension_numbers = #tpu.dot_dimension_numbers<[1], [0], [0], [1], [0, 0, 1, 1], [], []>, precision = #tpu.contract_precision<fp32>, transpose_lhs_hint = false} : vector<128x128xf32>, vector<128x128xf32>, vector<128x128xf32> -> vector<128x128xf32>
    %mul3A_310 = arith.constant 1.500000e+00 : f32
    %mul3A_311 = vector.broadcast %mul3A_310 : f32 to vector<128x128xf32>
    %mul3A_312 = arith.mulf %mul3A_311, %convert_element_type3A_132 : vector<128x128xf32>
    %dot_general3A_313 = arith.constant dense<0.000000e+00> : vector<128x128xf32>
    %dot_general3A_314 = tpu.matmul %dot_general3A_309, %dot_general3A_307, %dot_general3A_313 {dimension_numbers = #tpu.dot_dimension_numbers<[1], [0], [0], [1], [0, 0, 1, 1], [], []>, precision = #tpu.contract_precision<fp32>, transpose_lhs_hint = false} : vector<128x128xf32>, vector<128x128xf32>, vector<128x128xf32> -> vector<128x128xf32>
    %mul3A_315 = arith.constant 5.000000e-01 : f32
    %mul3A_316 = vector.broadcast %mul3A_315 : f32 to vector<128x128xf32>
    %mul3A_317 = arith.mulf %mul3A_316, %dot_general3A_314 : vector<128x128xf32>
    %sub3A_318 = arith.subf %mul3A_312, %mul3A_317 : vector<128x128xf32>
    %dot_general3A_319 = arith.constant dense<0.000000e+00> : vector<128x128xf32>
    %dot_general3A_320 = tpu.matmul %dot_general3A_307, %sub3A_318, %dot_general3A_319 {dimension_numbers = #tpu.dot_dimension_numbers<[1], [0], [0], [1], [0, 0, 1, 1], [], []>, precision = #tpu.contract_precision<fp32>, transpose_lhs_hint = false} : vector<128x128xf32>, vector<128x128xf32>, vector<128x128xf32> -> vector<128x128xf32>
    %dot_general3A_321 = arith.constant dense<0.000000e+00> : vector<128x128xf32>
    %dot_general3A_322 = tpu.matmul %sub3A_318, %dot_general3A_309, %dot_general3A_321 {dimension_numbers = #tpu.dot_dimension_numbers<[1], [0], [0], [1], [0, 0, 1, 1], [], []>, precision = #tpu.contract_precision<fp32>, transpose_lhs_hint = false} : vector<128x128xf32>, vector<128x128xf32>, vector<128x128xf32> -> vector<128x128xf32>
    %mul3A_323 = arith.constant 1.500000e+00 : f32
    %mul3A_324 = vector.broadcast %mul3A_323 : f32 to vector<128x128xf32>
    %mul3A_325 = arith.mulf %mul3A_324, %convert_element_type3A_132 : vector<128x128xf32>
    %dot_general3A_326 = arith.constant dense<0.000000e+00> : vector<128x128xf32>
    %dot_general3A_327 = tpu.matmul %dot_general3A_322, %dot_general3A_320, %dot_general3A_326 {dimension_numbers = #tpu.dot_dimension_numbers<[1], [0], [0], [1], [0, 0, 1, 1], [], []>, precision = #tpu.contract_precision<fp32>, transpose_lhs_hint = false} : vector<128x128xf32>, vector<128x128xf32>, vector<128x128xf32> -> vector<128x128xf32>
    %mul3A_328 = arith.constant 5.000000e-01 : f32
    %mul3A_329 = vector.broadcast %mul3A_328 : f32 to vector<128x128xf32>
    %mul3A_330 = arith.mulf %mul3A_329, %dot_general3A_327 : vector<128x128xf32>
    %sub3A_331 = arith.subf %mul3A_325, %mul3A_330 : vector<128x128xf32>
    %dot_general3A_332 = arith.constant dense<0.000000e+00> : vector<128x128xf32>
    %dot_general3A_333 = tpu.matmul %dot_general3A_320, %sub3A_331, %dot_general3A_332 {dimension_numbers = #tpu.dot_dimension_numbers<[1], [0], [0], [1], [0, 0, 1, 1], [], []>, precision = #tpu.contract_precision<fp32>, transpose_lhs_hint = false} : vector<128x128xf32>, vector<128x128xf32>, vector<128x128xf32> -> vector<128x128xf32>
    %dot_general3A_334 = arith.constant dense<0.000000e+00> : vector<128x128xf32>
    %dot_general3A_335 = tpu.matmul %sub3A_331, %dot_general3A_322, %dot_general3A_334 {dimension_numbers = #tpu.dot_dimension_numbers<[1], [0], [0], [1], [0, 0, 1, 1], [], []>, precision = #tpu.contract_precision<fp32>, transpose_lhs_hint = false} : vector<128x128xf32>, vector<128x128xf32>, vector<128x128xf32> -> vector<128x128xf32>
    %mul3A_336 = arith.constant 1.500000e+00 : f32
    %mul3A_337 = vector.broadcast %mul3A_336 : f32 to vector<128x128xf32>
    %mul3A_338 = arith.mulf %mul3A_337, %convert_element_type3A_132 : vector<128x128xf32>
    %dot_general3A_339 = arith.constant dense<0.000000e+00> : vector<128x128xf32>
    %dot_general3A_340 = tpu.matmul %dot_general3A_335, %dot_general3A_333, %dot_general3A_339 {dimension_numbers = #tpu.dot_dimension_numbers<[1], [0], [0], [1], [0, 0, 1, 1], [], []>, precision = #tpu.contract_precision<fp32>, transpose_lhs_hint = false} : vector<128x128xf32>, vector<128x128xf32>, vector<128x128xf32> -> vector<128x128xf32>
    %mul3A_341 = arith.constant 5.000000e-01 : f32
    %mul3A_342 = vector.broadcast %mul3A_341 : f32 to vector<128x128xf32>
    %mul3A_343 = arith.mulf %mul3A_342, %dot_general3A_340 : vector<128x128xf32>
    %sub3A_344 = arith.subf %mul3A_338, %mul3A_343 : vector<128x128xf32>
    %dot_general3A_345 = arith.constant dense<0.000000e+00> : vector<128x128xf32>
    %dot_general3A_346 = tpu.matmul %dot_general3A_333, %sub3A_344, %dot_general3A_345 {dimension_numbers = #tpu.dot_dimension_numbers<[1], [0], [0], [1], [0, 0, 1, 1], [], []>, precision = #tpu.contract_precision<fp32>, transpose_lhs_hint = false} : vector<128x128xf32>, vector<128x128xf32>, vector<128x128xf32> -> vector<128x128xf32>
    %dot_general3A_347 = arith.constant dense<0.000000e+00> : vector<128x128xf32>
    %dot_general3A_348 = tpu.matmul %sub3A_344, %dot_general3A_335, %dot_general3A_347 {dimension_numbers = #tpu.dot_dimension_numbers<[1], [0], [0], [1], [0, 0, 1, 1], [], []>, precision = #tpu.contract_precision<fp32>, transpose_lhs_hint = false} : vector<128x128xf32>, vector<128x128xf32>, vector<128x128xf32> -> vector<128x128xf32>
    %mul3A_349 = arith.constant 1.500000e+00 : f32
    %mul3A_350 = vector.broadcast %mul3A_349 : f32 to vector<128x128xf32>
    %mul3A_351 = arith.mulf %mul3A_350, %convert_element_type3A_132 : vector<128x128xf32>
    %dot_general3A_352 = arith.constant dense<0.000000e+00> : vector<128x128xf32>
    %dot_general3A_353 = tpu.matmul %dot_general3A_348, %dot_general3A_346, %dot_general3A_352 {dimension_numbers = #tpu.dot_dimension_numbers<[1], [0], [0], [1], [0, 0, 1, 1], [], []>, precision = #tpu.contract_precision<fp32>, transpose_lhs_hint = false} : vector<128x128xf32>, vector<128x128xf32>, vector<128x128xf32> -> vector<128x128xf32>
    %mul3A_354 = arith.constant 5.000000e-01 : f32
    %mul3A_355 = vector.broadcast %mul3A_354 : f32 to vector<128x128xf32>
    %mul3A_356 = arith.mulf %mul3A_355, %dot_general3A_353 : vector<128x128xf32>
    %sub3A_357 = arith.subf %mul3A_351, %mul3A_356 : vector<128x128xf32>
    %dot_general3A_358 = arith.constant dense<0.000000e+00> : vector<128x128xf32>
    %dot_general3A_359 = tpu.matmul %dot_general3A_346, %sub3A_357, %dot_general3A_358 {dimension_numbers = #tpu.dot_dimension_numbers<[1], [0], [0], [1], [0, 0, 1, 1], [], []>, precision = #tpu.contract_precision<fp32>, transpose_lhs_hint = false} : vector<128x128xf32>, vector<128x128xf32>, vector<128x128xf32> -> vector<128x128xf32>
    %dot_general3A_360 = arith.constant dense<0.000000e+00> : vector<128x128xf32>
    %dot_general3A_361 = tpu.matmul %sub3A_357, %dot_general3A_348, %dot_general3A_360 {dimension_numbers = #tpu.dot_dimension_numbers<[1], [0], [0], [1], [0, 0, 1, 1], [], []>, precision = #tpu.contract_precision<fp32>, transpose_lhs_hint = false} : vector<128x128xf32>, vector<128x128xf32>, vector<128x128xf32> -> vector<128x128xf32>
    %mul3A_362 = arith.constant 1.500000e+00 : f32
    %mul3A_363 = vector.broadcast %mul3A_362 : f32 to vector<128x128xf32>
    %mul3A_364 = arith.mulf %mul3A_363, %convert_element_type3A_132 : vector<128x128xf32>
    %dot_general3A_365 = arith.constant dense<0.000000e+00> : vector<128x128xf32>
    %dot_general3A_366 = tpu.matmul %dot_general3A_361, %dot_general3A_359, %dot_general3A_365 {dimension_numbers = #tpu.dot_dimension_numbers<[1], [0], [0], [1], [0, 0, 1, 1], [], []>, precision = #tpu.contract_precision<fp32>, transpose_lhs_hint = false} : vector<128x128xf32>, vector<128x128xf32>, vector<128x128xf32> -> vector<128x128xf32>
    %mul3A_367 = arith.constant 5.000000e-01 : f32
    %mul3A_368 = vector.broadcast %mul3A_367 : f32 to vector<128x128xf32>
    %mul3A_369 = arith.mulf %mul3A_368, %dot_general3A_366 : vector<128x128xf32>
    %sub3A_370 = arith.subf %mul3A_364, %mul3A_369 : vector<128x128xf32>
    %dot_general3A_371 = arith.constant dense<0.000000e+00> : vector<128x128xf32>
    %dot_general3A_372 = tpu.matmul %dot_general3A_359, %sub3A_370, %dot_general3A_371 {dimension_numbers = #tpu.dot_dimension_numbers<[1], [0], [0], [1], [0, 0, 1, 1], [], []>, precision = #tpu.contract_precision<fp32>, transpose_lhs_hint = false} : vector<128x128xf32>, vector<128x128xf32>, vector<128x128xf32> -> vector<128x128xf32>
    %dot_general3A_373 = arith.constant dense<0.000000e+00> : vector<128x128xf32>
    %dot_general3A_374 = tpu.matmul %sub3A_370, %dot_general3A_361, %dot_general3A_373 {dimension_numbers = #tpu.dot_dimension_numbers<[1], [0], [0], [1], [0, 0, 1, 1], [], []>, precision = #tpu.contract_precision<fp32>, transpose_lhs_hint = false} : vector<128x128xf32>, vector<128x128xf32>, vector<128x128xf32> -> vector<128x128xf32>
    %mul3A_375 = arith.constant 1.500000e+00 : f32
    %mul3A_376 = vector.broadcast %mul3A_375 : f32 to vector<128x128xf32>
    %mul3A_377 = arith.mulf %mul3A_376, %convert_element_type3A_132 : vector<128x128xf32>
    %dot_general3A_378 = arith.constant dense<0.000000e+00> : vector<128x128xf32>
    %dot_general3A_379 = tpu.matmul %dot_general3A_374, %dot_general3A_372, %dot_general3A_378 {dimension_numbers = #tpu.dot_dimension_numbers<[1], [0], [0], [1], [0, 0, 1, 1], [], []>, precision = #tpu.contract_precision<fp32>, transpose_lhs_hint = false} : vector<128x128xf32>, vector<128x128xf32>, vector<128x128xf32> -> vector<128x128xf32>
    %mul3A_380 = arith.constant 5.000000e-01 : f32
    %mul3A_381 = vector.broadcast %mul3A_380 : f32 to vector<128x128xf32>
    %mul3A_382 = arith.mulf %mul3A_381, %dot_general3A_379 : vector<128x128xf32>
    %sub3A_383 = arith.subf %mul3A_377, %mul3A_382 : vector<128x128xf32>
    %dot_general3A_384 = arith.constant dense<0.000000e+00> : vector<128x128xf32>
    %dot_general3A_385 = tpu.matmul %dot_general3A_372, %sub3A_383, %dot_general3A_384 {dimension_numbers = #tpu.dot_dimension_numbers<[1], [0], [0], [1], [0, 0, 1, 1], [], []>, precision = #tpu.contract_precision<fp32>, transpose_lhs_hint = false} : vector<128x128xf32>, vector<128x128xf32>, vector<128x128xf32> -> vector<128x128xf32>
    %dot_general3A_386 = arith.constant dense<0.000000e+00> : vector<128x128xf32>
    %dot_general3A_387 = tpu.matmul %sub3A_383, %dot_general3A_374, %dot_general3A_386 {dimension_numbers = #tpu.dot_dimension_numbers<[1], [0], [0], [1], [0, 0, 1, 1], [], []>, precision = #tpu.contract_precision<fp32>, transpose_lhs_hint = false} : vector<128x128xf32>, vector<128x128xf32>, vector<128x128xf32> -> vector<128x128xf32>
    %mul3A_388 = arith.constant 1.500000e+00 : f32
    %mul3A_389 = vector.broadcast %mul3A_388 : f32 to vector<128x128xf32>
    %mul3A_390 = arith.mulf %mul3A_389, %convert_element_type3A_132 : vector<128x128xf32>
    %dot_general3A_391 = arith.constant dense<0.000000e+00> : vector<128x128xf32>
    %dot_general3A_392 = tpu.matmul %dot_general3A_387, %dot_general3A_385, %dot_general3A_391 {dimension_numbers = #tpu.dot_dimension_numbers<[1], [0], [0], [1], [0, 0, 1, 1], [], []>, precision = #tpu.contract_precision<fp32>, transpose_lhs_hint = false} : vector<128x128xf32>, vector<128x128xf32>, vector<128x128xf32> -> vector<128x128xf32>
    %mul3A_393 = arith.constant 5.000000e-01 : f32
    %mul3A_394 = vector.broadcast %mul3A_393 : f32 to vector<128x128xf32>
    %mul3A_395 = arith.mulf %mul3A_394, %dot_general3A_392 : vector<128x128xf32>
    %sub3A_396 = arith.subf %mul3A_390, %mul3A_395 : vector<128x128xf32>
    %dot_general3A_397 = arith.constant dense<0.000000e+00> : vector<128x128xf32>
    %dot_general3A_398 = tpu.matmul %dot_general3A_385, %sub3A_396, %dot_general3A_397 {dimension_numbers = #tpu.dot_dimension_numbers<[1], [0], [0], [1], [0, 0, 1, 1], [], []>, precision = #tpu.contract_precision<fp32>, transpose_lhs_hint = false} : vector<128x128xf32>, vector<128x128xf32>, vector<128x128xf32> -> vector<128x128xf32>
    %dot_general3A_399 = arith.constant dense<0.000000e+00> : vector<128x128xf32>
    %dot_general3A_400 = tpu.matmul %sub3A_396, %dot_general3A_387, %dot_general3A_399 {dimension_numbers = #tpu.dot_dimension_numbers<[1], [0], [0], [1], [0, 0, 1, 1], [], []>, precision = #tpu.contract_precision<fp32>, transpose_lhs_hint = false} : vector<128x128xf32>, vector<128x128xf32>, vector<128x128xf32> -> vector<128x128xf32>
    %mul3A_401 = arith.constant 1.500000e+00 : f32
    %mul3A_402 = vector.broadcast %mul3A_401 : f32 to vector<128x128xf32>
    %mul3A_403 = arith.mulf %mul3A_402, %convert_element_type3A_132 : vector<128x128xf32>
    %dot_general3A_404 = arith.constant dense<0.000000e+00> : vector<128x128xf32>
    %dot_general3A_405 = tpu.matmul %dot_general3A_400, %dot_general3A_398, %dot_general3A_404 {dimension_numbers = #tpu.dot_dimension_numbers<[1], [0], [0], [1], [0, 0, 1, 1], [], []>, precision = #tpu.contract_precision<fp32>, transpose_lhs_hint = false} : vector<128x128xf32>, vector<128x128xf32>, vector<128x128xf32> -> vector<128x128xf32>
    %mul3A_406 = arith.constant 5.000000e-01 : f32
    %mul3A_407 = vector.broadcast %mul3A_406 : f32 to vector<128x128xf32>
    %mul3A_408 = arith.mulf %mul3A_407, %dot_general3A_405 : vector<128x128xf32>
    %sub3A_409 = arith.subf %mul3A_403, %mul3A_408 : vector<128x128xf32>
    %dot_general3A_410 = arith.constant dense<0.000000e+00> : vector<128x128xf32>
    %dot_general3A_411 = tpu.matmul %dot_general3A_398, %sub3A_409, %dot_general3A_410 {dimension_numbers = #tpu.dot_dimension_numbers<[1], [0], [0], [1], [0, 0, 1, 1], [], []>, precision = #tpu.contract_precision<fp32>, transpose_lhs_hint = false} : vector<128x128xf32>, vector<128x128xf32>, vector<128x128xf32> -> vector<128x128xf32>
    %dot_general3A_412 = arith.constant dense<0.000000e+00> : vector<128x128xf32>
    %dot_general3A_413 = tpu.matmul %sub3A_409, %dot_general3A_400, %dot_general3A_412 {dimension_numbers = #tpu.dot_dimension_numbers<[1], [0], [0], [1], [0, 0, 1, 1], [], []>, precision = #tpu.contract_precision<fp32>, transpose_lhs_hint = false} : vector<128x128xf32>, vector<128x128xf32>, vector<128x128xf32> -> vector<128x128xf32>
    %mul3A_414 = arith.constant 1.500000e+00 : f32
    %mul3A_415 = vector.broadcast %mul3A_414 : f32 to vector<128x128xf32>
    %mul3A_416 = arith.mulf %mul3A_415, %convert_element_type3A_132 : vector<128x128xf32>
    %dot_general3A_417 = arith.constant dense<0.000000e+00> : vector<128x128xf32>
    %dot_general3A_418 = tpu.matmul %dot_general3A_413, %dot_general3A_411, %dot_general3A_417 {dimension_numbers = #tpu.dot_dimension_numbers<[1], [0], [0], [1], [0, 0, 1, 1], [], []>, precision = #tpu.contract_precision<fp32>, transpose_lhs_hint = false} : vector<128x128xf32>, vector<128x128xf32>, vector<128x128xf32> -> vector<128x128xf32>
    %mul3A_419 = arith.constant 5.000000e-01 : f32
    %mul3A_420 = vector.broadcast %mul3A_419 : f32 to vector<128x128xf32>
    %mul3A_421 = arith.mulf %mul3A_420, %dot_general3A_418 : vector<128x128xf32>
    %sub3A_422 = arith.subf %mul3A_416, %mul3A_421 : vector<128x128xf32>
    %dot_general3A_423 = arith.constant dense<0.000000e+00> : vector<128x128xf32>
    %dot_general3A_424 = tpu.matmul %dot_general3A_411, %sub3A_422, %dot_general3A_423 {dimension_numbers = #tpu.dot_dimension_numbers<[1], [0], [0], [1], [0, 0, 1, 1], [], []>, precision = #tpu.contract_precision<fp32>, transpose_lhs_hint = false} : vector<128x128xf32>, vector<128x128xf32>, vector<128x128xf32> -> vector<128x128xf32>
    %dot_general3A_425 = arith.constant dense<0.000000e+00> : vector<128x128xf32>
    %dot_general3A_426 = tpu.matmul %sub3A_422, %dot_general3A_413, %dot_general3A_425 {dimension_numbers = #tpu.dot_dimension_numbers<[1], [0], [0], [1], [0, 0, 1, 1], [], []>, precision = #tpu.contract_precision<fp32>, transpose_lhs_hint = false} : vector<128x128xf32>, vector<128x128xf32>, vector<128x128xf32> -> vector<128x128xf32>
    %mul3A_427 = arith.constant 1.500000e+00 : f32
    %mul3A_428 = vector.broadcast %mul3A_427 : f32 to vector<128x128xf32>
    %mul3A_429 = arith.mulf %mul3A_428, %convert_element_type3A_132 : vector<128x128xf32>
    %dot_general3A_430 = arith.constant dense<0.000000e+00> : vector<128x128xf32>
    %dot_general3A_431 = tpu.matmul %dot_general3A_426, %dot_general3A_424, %dot_general3A_430 {dimension_numbers = #tpu.dot_dimension_numbers<[1], [0], [0], [1], [0, 0, 1, 1], [], []>, precision = #tpu.contract_precision<fp32>, transpose_lhs_hint = false} : vector<128x128xf32>, vector<128x128xf32>, vector<128x128xf32> -> vector<128x128xf32>
    %mul3A_432 = arith.constant 5.000000e-01 : f32
    %mul3A_433 = vector.broadcast %mul3A_432 : f32 to vector<128x128xf32>
    %mul3A_434 = arith.mulf %mul3A_433, %dot_general3A_431 : vector<128x128xf32>
    %sub3A_435 = arith.subf %mul3A_429, %mul3A_434 : vector<128x128xf32>
    %dot_general3A_436 = arith.constant dense<0.000000e+00> : vector<128x128xf32>
    %dot_general3A_437 = tpu.matmul %dot_general3A_424, %sub3A_435, %dot_general3A_436 {dimension_numbers = #tpu.dot_dimension_numbers<[1], [0], [0], [1], [0, 0, 1, 1], [], []>, precision = #tpu.contract_precision<fp32>, transpose_lhs_hint = false} : vector<128x128xf32>, vector<128x128xf32>, vector<128x128xf32> -> vector<128x128xf32>
    %dot_general3A_438 = arith.constant dense<0.000000e+00> : vector<128x128xf32>
    %dot_general3A_439 = tpu.matmul %sub3A_435, %dot_general3A_426, %dot_general3A_438 {dimension_numbers = #tpu.dot_dimension_numbers<[1], [0], [0], [1], [0, 0, 1, 1], [], []>, precision = #tpu.contract_precision<fp32>, transpose_lhs_hint = false} : vector<128x128xf32>, vector<128x128xf32>, vector<128x128xf32> -> vector<128x128xf32>
    %mul3A_440 = arith.constant 1.500000e+00 : f32
    %mul3A_441 = vector.broadcast %mul3A_440 : f32 to vector<128x128xf32>
    %mul3A_442 = arith.mulf %mul3A_441, %convert_element_type3A_132 : vector<128x128xf32>
    %dot_general3A_443 = arith.constant dense<0.000000e+00> : vector<128x128xf32>
    %dot_general3A_444 = tpu.matmul %dot_general3A_439, %dot_general3A_437, %dot_general3A_443 {dimension_numbers = #tpu.dot_dimension_numbers<[1], [0], [0], [1], [0, 0, 1, 1], [], []>, precision = #tpu.contract_precision<fp32>, transpose_lhs_hint = false} : vector<128x128xf32>, vector<128x128xf32>, vector<128x128xf32> -> vector<128x128xf32>
    %mul3A_445 = arith.constant 5.000000e-01 : f32
    %mul3A_446 = vector.broadcast %mul3A_445 : f32 to vector<128x128xf32>
    %mul3A_447 = arith.mulf %mul3A_446, %dot_general3A_444 : vector<128x128xf32>
    %sub3A_448 = arith.subf %mul3A_442, %mul3A_447 : vector<128x128xf32>
    %dot_general3A_449 = arith.constant dense<0.000000e+00> : vector<128x128xf32>
    %dot_general3A_450 = tpu.matmul %dot_general3A_437, %sub3A_448, %dot_general3A_449 {dimension_numbers = #tpu.dot_dimension_numbers<[1], [0], [0], [1], [0, 0, 1, 1], [], []>, precision = #tpu.contract_precision<fp32>, transpose_lhs_hint = false} : vector<128x128xf32>, vector<128x128xf32>, vector<128x128xf32> -> vector<128x128xf32>
    %dot_general3A_451 = arith.constant dense<0.000000e+00> : vector<128x128xf32>
    %dot_general3A_452 = tpu.matmul %sub3A_448, %dot_general3A_439, %dot_general3A_451 {dimension_numbers = #tpu.dot_dimension_numbers<[1], [0], [0], [1], [0, 0, 1, 1], [], []>, precision = #tpu.contract_precision<fp32>, transpose_lhs_hint = false} : vector<128x128xf32>, vector<128x128xf32>, vector<128x128xf32> -> vector<128x128xf32>
    %mul3A_453 = arith.constant 1.500000e+00 : f32
    %mul3A_454 = vector.broadcast %mul3A_453 : f32 to vector<128x128xf32>
    %mul3A_455 = arith.mulf %mul3A_454, %convert_element_type3A_132 : vector<128x128xf32>
    %dot_general3A_456 = arith.constant dense<0.000000e+00> : vector<128x128xf32>
    %dot_general3A_457 = tpu.matmul %dot_general3A_452, %dot_general3A_450, %dot_general3A_456 {dimension_numbers = #tpu.dot_dimension_numbers<[1], [0], [0], [1], [0, 0, 1, 1], [], []>, precision = #tpu.contract_precision<fp32>, transpose_lhs_hint = false} : vector<128x128xf32>, vector<128x128xf32>, vector<128x128xf32> -> vector<128x128xf32>
    %mul3A_458 = arith.constant 5.000000e-01 : f32
    %mul3A_459 = vector.broadcast %mul3A_458 : f32 to vector<128x128xf32>
    %mul3A_460 = arith.mulf %mul3A_459, %dot_general3A_457 : vector<128x128xf32>
    %sub3A_461 = arith.subf %mul3A_455, %mul3A_460 : vector<128x128xf32>
    %dot_general3A_462 = arith.constant dense<0.000000e+00> : vector<128x128xf32>
    %dot_general3A_463 = tpu.matmul %dot_general3A_450, %sub3A_461, %dot_general3A_462 {dimension_numbers = #tpu.dot_dimension_numbers<[1], [0], [0], [1], [0, 0, 1, 1], [], []>, precision = #tpu.contract_precision<fp32>, transpose_lhs_hint = false} : vector<128x128xf32>, vector<128x128xf32>, vector<128x128xf32> -> vector<128x128xf32>
    %dot_general3A_464 = arith.constant dense<0.000000e+00> : vector<128x128xf32>
    %dot_general3A_465 = tpu.matmul %sub3A_461, %dot_general3A_452, %dot_general3A_464 {dimension_numbers = #tpu.dot_dimension_numbers<[1], [0], [0], [1], [0, 0, 1, 1], [], []>, precision = #tpu.contract_precision<fp32>, transpose_lhs_hint = false} : vector<128x128xf32>, vector<128x128xf32>, vector<128x128xf32> -> vector<128x128xf32>
    %mul3A_466 = arith.constant 1.500000e+00 : f32
    %mul3A_467 = vector.broadcast %mul3A_466 : f32 to vector<128x128xf32>
    %mul3A_468 = arith.mulf %mul3A_467, %convert_element_type3A_132 : vector<128x128xf32>
    %dot_general3A_469 = arith.constant dense<0.000000e+00> : vector<128x128xf32>
    %dot_general3A_470 = tpu.matmul %dot_general3A_465, %dot_general3A_463, %dot_general3A_469 {dimension_numbers = #tpu.dot_dimension_numbers<[1], [0], [0], [1], [0, 0, 1, 1], [], []>, precision = #tpu.contract_precision<fp32>, transpose_lhs_hint = false} : vector<128x128xf32>, vector<128x128xf32>, vector<128x128xf32> -> vector<128x128xf32>
    %mul3A_471 = arith.constant 5.000000e-01 : f32
    %mul3A_472 = vector.broadcast %mul3A_471 : f32 to vector<128x128xf32>
    %mul3A_473 = arith.mulf %mul3A_472, %dot_general3A_470 : vector<128x128xf32>
    %sub3A_474 = arith.subf %mul3A_468, %mul3A_473 : vector<128x128xf32>
    %dot_general3A_475 = arith.constant dense<0.000000e+00> : vector<128x128xf32>
    %dot_general3A_476 = tpu.matmul %dot_general3A_463, %sub3A_474, %dot_general3A_475 {dimension_numbers = #tpu.dot_dimension_numbers<[1], [0], [0], [1], [0, 0, 1, 1], [], []>, precision = #tpu.contract_precision<fp32>, transpose_lhs_hint = false} : vector<128x128xf32>, vector<128x128xf32>, vector<128x128xf32> -> vector<128x128xf32>
    %dot_general3A_477 = arith.constant dense<0.000000e+00> : vector<128x128xf32>
    %dot_general3A_478 = tpu.matmul %sub3A_474, %dot_general3A_465, %dot_general3A_477 {dimension_numbers = #tpu.dot_dimension_numbers<[1], [0], [0], [1], [0, 0, 1, 1], [], []>, precision = #tpu.contract_precision<fp32>, transpose_lhs_hint = false} : vector<128x128xf32>, vector<128x128xf32>, vector<128x128xf32> -> vector<128x128xf32>
    %mul3A_479 = arith.constant 1.500000e+00 : f32
    %mul3A_480 = vector.broadcast %mul3A_479 : f32 to vector<128x128xf32>
    %mul3A_481 = arith.mulf %mul3A_480, %convert_element_type3A_132 : vector<128x128xf32>
    %dot_general3A_482 = arith.constant dense<0.000000e+00> : vector<128x128xf32>
    %dot_general3A_483 = tpu.matmul %dot_general3A_478, %dot_general3A_476, %dot_general3A_482 {dimension_numbers = #tpu.dot_dimension_numbers<[1], [0], [0], [1], [0, 0, 1, 1], [], []>, precision = #tpu.contract_precision<fp32>, transpose_lhs_hint = false} : vector<128x128xf32>, vector<128x128xf32>, vector<128x128xf32> -> vector<128x128xf32>
    %mul3A_484 = arith.constant 5.000000e-01 : f32
    %mul3A_485 = vector.broadcast %mul3A_484 : f32 to vector<128x128xf32>
    %mul3A_486 = arith.mulf %mul3A_485, %dot_general3A_483 : vector<128x128xf32>
    %sub3A_487 = arith.subf %mul3A_481, %mul3A_486 : vector<128x128xf32>
    %dot_general3A_488 = arith.constant dense<0.000000e+00> : vector<128x128xf32>
    %dot_general3A_489 = tpu.matmul %dot_general3A_476, %sub3A_487, %dot_general3A_488 {dimension_numbers = #tpu.dot_dimension_numbers<[1], [0], [0], [1], [0, 0, 1, 1], [], []>, precision = #tpu.contract_precision<fp32>, transpose_lhs_hint = false} : vector<128x128xf32>, vector<128x128xf32>, vector<128x128xf32> -> vector<128x128xf32>
    %dot_general3A_490 = arith.constant dense<0.000000e+00> : vector<128x128xf32>
    %dot_general3A_491 = tpu.matmul %sub3A_487, %dot_general3A_478, %dot_general3A_490 {dimension_numbers = #tpu.dot_dimension_numbers<[1], [0], [0], [1], [0, 0, 1, 1], [], []>, precision = #tpu.contract_precision<fp32>, transpose_lhs_hint = false} : vector<128x128xf32>, vector<128x128xf32>, vector<128x128xf32> -> vector<128x128xf32>
    %mul3A_492 = arith.constant 1.500000e+00 : f32
    %mul3A_493 = vector.broadcast %mul3A_492 : f32 to vector<128x128xf32>
    %mul3A_494 = arith.mulf %mul3A_493, %convert_element_type3A_132 : vector<128x128xf32>
    %dot_general3A_495 = arith.constant dense<0.000000e+00> : vector<128x128xf32>
    %dot_general3A_496 = tpu.matmul %dot_general3A_491, %dot_general3A_489, %dot_general3A_495 {dimension_numbers = #tpu.dot_dimension_numbers<[1], [0], [0], [1], [0, 0, 1, 1], [], []>, precision = #tpu.contract_precision<fp32>, transpose_lhs_hint = false} : vector<128x128xf32>, vector<128x128xf32>, vector<128x128xf32> -> vector<128x128xf32>
    %mul3A_497 = arith.constant 5.000000e-01 : f32
    %mul3A_498 = vector.broadcast %mul3A_497 : f32 to vector<128x128xf32>
    %mul3A_499 = arith.mulf %mul3A_498, %dot_general3A_496 : vector<128x128xf32>
    %sub3A_500 = arith.subf %mul3A_494, %mul3A_499 : vector<128x128xf32>
    %dot_general3A_501 = arith.constant dense<0.000000e+00> : vector<128x128xf32>
    %dot_general3A_502 = tpu.matmul %dot_general3A_489, %sub3A_500, %dot_general3A_501 {dimension_numbers = #tpu.dot_dimension_numbers<[1], [0], [0], [1], [0, 0, 1, 1], [], []>, precision = #tpu.contract_precision<fp32>, transpose_lhs_hint = false} : vector<128x128xf32>, vector<128x128xf32>, vector<128x128xf32> -> vector<128x128xf32>
    %dot_general3A_503 = arith.constant dense<0.000000e+00> : vector<128x128xf32>
    %dot_general3A_504 = tpu.matmul %sub3A_500, %dot_general3A_491, %dot_general3A_503 {dimension_numbers = #tpu.dot_dimension_numbers<[1], [0], [0], [1], [0, 0, 1, 1], [], []>, precision = #tpu.contract_precision<fp32>, transpose_lhs_hint = false} : vector<128x128xf32>, vector<128x128xf32>, vector<128x128xf32> -> vector<128x128xf32>
    %mul3A_505 = arith.constant 1.500000e+00 : f32
    %mul3A_506 = vector.broadcast %mul3A_505 : f32 to vector<128x128xf32>
    %mul3A_507 = arith.mulf %mul3A_506, %convert_element_type3A_132 : vector<128x128xf32>
    %dot_general3A_508 = arith.constant dense<0.000000e+00> : vector<128x128xf32>
    %dot_general3A_509 = tpu.matmul %dot_general3A_504, %dot_general3A_502, %dot_general3A_508 {dimension_numbers = #tpu.dot_dimension_numbers<[1], [0], [0], [1], [0, 0, 1, 1], [], []>, precision = #tpu.contract_precision<fp32>, transpose_lhs_hint = false} : vector<128x128xf32>, vector<128x128xf32>, vector<128x128xf32> -> vector<128x128xf32>
    %mul3A_510 = arith.constant 5.000000e-01 : f32
    %mul3A_511 = vector.broadcast %mul3A_510 : f32 to vector<128x128xf32>
    %mul3A_512 = arith.mulf %mul3A_511, %dot_general3A_509 : vector<128x128xf32>
    %sub3A_513 = arith.subf %mul3A_507, %mul3A_512 : vector<128x128xf32>
    %dot_general3A_514 = arith.constant dense<0.000000e+00> : vector<128x128xf32>
    %dot_general3A_515 = tpu.matmul %dot_general3A_502, %sub3A_513, %dot_general3A_514 {dimension_numbers = #tpu.dot_dimension_numbers<[1], [0], [0], [1], [0, 0, 1, 1], [], []>, precision = #tpu.contract_precision<fp32>, transpose_lhs_hint = false} : vector<128x128xf32>, vector<128x128xf32>, vector<128x128xf32> -> vector<128x128xf32>
    %dot_general3A_516 = arith.constant dense<0.000000e+00> : vector<128x128xf32>
    %dot_general3A_517 = tpu.matmul %sub3A_513, %dot_general3A_504, %dot_general3A_516 {dimension_numbers = #tpu.dot_dimension_numbers<[1], [0], [0], [1], [0, 0, 1, 1], [], []>, precision = #tpu.contract_precision<fp32>, transpose_lhs_hint = false} : vector<128x128xf32>, vector<128x128xf32>, vector<128x128xf32> -> vector<128x128xf32>
    %mul3A_518 = arith.constant 1.500000e+00 : f32
    %mul3A_519 = vector.broadcast %mul3A_518 : f32 to vector<128x128xf32>
    %mul3A_520 = arith.mulf %mul3A_519, %convert_element_type3A_132 : vector<128x128xf32>
    %dot_general3A_521 = arith.constant dense<0.000000e+00> : vector<128x128xf32>
    %dot_general3A_522 = tpu.matmul %dot_general3A_517, %dot_general3A_515, %dot_general3A_521 {dimension_numbers = #tpu.dot_dimension_numbers<[1], [0], [0], [1], [0, 0, 1, 1], [], []>, precision = #tpu.contract_precision<fp32>, transpose_lhs_hint = false} : vector<128x128xf32>, vector<128x128xf32>, vector<128x128xf32> -> vector<128x128xf32>
    %mul3A_523 = arith.constant 5.000000e-01 : f32
    %mul3A_524 = vector.broadcast %mul3A_523 : f32 to vector<128x128xf32>
    %mul3A_525 = arith.mulf %mul3A_524, %dot_general3A_522 : vector<128x128xf32>
    %sub3A_526 = arith.subf %mul3A_520, %mul3A_525 : vector<128x128xf32>
    %dot_general3A_527 = arith.constant dense<0.000000e+00> : vector<128x128xf32>
    %dot_general3A_528 = tpu.matmul %dot_general3A_515, %sub3A_526, %dot_general3A_527 {dimension_numbers = #tpu.dot_dimension_numbers<[1], [0], [0], [1], [0, 0, 1, 1], [], []>, precision = #tpu.contract_precision<fp32>, transpose_lhs_hint = false} : vector<128x128xf32>, vector<128x128xf32>, vector<128x128xf32> -> vector<128x128xf32>
    %sqrt3A_529 = math.sqrt %sqrt3A : f32
    %mul3A_530 = vector.broadcast %sqrt3A_529 : f32 to vector<128x128xf32>
    %mul3A_531 = arith.mulf %dot_general3A_528, %mul3A_530 : vector<128x128xf32>
    %dot_general3A_532 = arith.constant dense<0.000000e+00> : vector<128x128xf32>
    %dot_general3A_533 = tpu.matmul %mul3A_531, %mul3A_60, %dot_general3A_532 {dimension_numbers = #tpu.dot_dimension_numbers<[1], [0], [0], [1], [0, 0, 1, 1], [], []>, transpose_lhs_hint = false} : vector<128x128xf32>, vector<128x128xf32>, vector<128x128xf32> -> vector<128x128xf32>
    %dot_general3A_534 = arith.constant dense<0.000000e+00> : vector<128x128xf32>
    %dot_general3A_535 = tpu.matmul %dot_general3A_533, %mul3A_531, %dot_general3A_534 {dimension_numbers = #tpu.dot_dimension_numbers<[1], [0], [0], [1], [0, 0, 1, 1], [], []>, transpose_lhs_hint = false} : vector<128x128xf32>, vector<128x128xf32>, vector<128x128xf32> -> vector<128x128xf32>
    %convert_element_type3A_536 = arith.truncf %dot_general3A_535 : vector<128x128xf32> to vector<128x128xbf16>
    %convert_element_type3A_537 = arith.extf %convert_element_type3A_536 : vector<128x128xbf16> to vector<128x128xf32>
    %sub3A_538 = arith.subf %dot_general3A_535, %convert_element_type3A_537 : vector<128x128xf32>
    %convert_element_type3A_539 = arith.truncf %sub3A_538 : vector<128x128xf32> to vector<128x128xbf16>
    %convert_element_type3A_540 = arith.extf %convert_element_type3A_539 : vector<128x128xbf16> to vector<128x128xf32>
    %sub3A_541 = arith.subf %sub3A_538, %convert_element_type3A_540 : vector<128x128xf32>
    %iota3A_542 = tpu.iota {dimensions = array<i32: 0>} : vector<128x128xi32>
    %iota3A_543 = tpu.iota {dimensions = array<i32: 1>} : vector<128x128xi32>
    %eq3A_544 = arith.cmpi eq, %iota3A_542, %iota3A_543 : vector<128x128xi32>
    %convert_element_type3A_545 = arith.extui %eq3A_544 : vector<128x128xi1> to vector<128x128xi32>
    %convert_element_type3A_546 = arith.sitofp %convert_element_type3A_545 : vector<128x128xi32> to vector<128x128xf32>
    %dot_general3A_547 = arith.constant dense<0.000000e+00> : vector<128x128xf32>
    %dot_general3A_548 = tpu.matmul %convert_element_type3A_537, %convert_element_type3A_546, %dot_general3A_547 {dimension_numbers = #tpu.dot_dimension_numbers<[0], [0], [1], [1], [0, 1, 1, 1], [], []>, transpose_lhs_hint = false} : vector<128x128xf32>, vector<128x128xf32>, vector<128x128xf32> -> vector<128x128xf32>
    %iota3A_549 = tpu.iota {dimensions = array<i32: 0>} : vector<128x128xi32>
    %iota3A_550 = tpu.iota {dimensions = array<i32: 1>} : vector<128x128xi32>
    %eq3A_551 = arith.cmpi eq, %iota3A_549, %iota3A_550 : vector<128x128xi32>
    %convert_element_type3A_552 = arith.extui %eq3A_551 : vector<128x128xi1> to vector<128x128xi32>
    %convert_element_type3A_553 = arith.sitofp %convert_element_type3A_552 : vector<128x128xi32> to vector<128x128xf32>
    %dot_general3A_554 = arith.constant dense<0.000000e+00> : vector<128x128xf32>
    %dot_general3A_555 = tpu.matmul %convert_element_type3A_540, %convert_element_type3A_553, %dot_general3A_554 {dimension_numbers = #tpu.dot_dimension_numbers<[0], [0], [1], [1], [0, 1, 1, 1], [], []>, transpose_lhs_hint = false} : vector<128x128xf32>, vector<128x128xf32>, vector<128x128xf32> -> vector<128x128xf32>
    %add3A_556 = arith.addf %dot_general3A_548, %dot_general3A_555 : vector<128x128xf32>
    %iota3A_557 = tpu.iota {dimensions = array<i32: 0>} : vector<128x128xi32>
    %iota3A_558 = tpu.iota {dimensions = array<i32: 1>} : vector<128x128xi32>
    %eq3A_559 = arith.cmpi eq, %iota3A_557, %iota3A_558 : vector<128x128xi32>
    %convert_element_type3A_560 = arith.extui %eq3A_559 : vector<128x128xi1> to vector<128x128xi32>
    %convert_element_type3A_561 = arith.sitofp %convert_element_type3A_560 : vector<128x128xi32> to vector<128x128xf32>
    %dot_general3A_562 = arith.constant dense<0.000000e+00> : vector<128x128xf32>
    %dot_general3A_563 = tpu.matmul %sub3A_541, %convert_element_type3A_561, %dot_general3A_562 {dimension_numbers = #tpu.dot_dimension_numbers<[0], [0], [1], [1], [0, 1, 1, 1], [], []>, transpose_lhs_hint = false} : vector<128x128xf32>, vector<128x128xf32>, vector<128x128xf32> -> vector<128x128xf32>
    %add3A_564 = arith.addf %add3A_556, %dot_general3A_563 : vector<128x128xf32>
    %add3A_565 = arith.addf %dot_general3A_535, %add3A_564 : vector<128x128xf32>
    %mul3A_566 = arith.constant 5.000000e-01 : f32
    %mul3A_567 = vector.broadcast %mul3A_566 : f32 to vector<128x128xf32>
    %mul3A_568 = arith.mulf %add3A_565, %mul3A_567 : vector<128x128xf32>
    %iota3A_569 = tpu.iota {dimensions = array<i32: 0>} : vector<128x128xi32>
    %iota3A_570 = tpu.iota {dimensions = array<i32: 1>} : vector<128x128xi32>
    %eq3A_571 = arith.cmpi eq, %iota3A_569, %iota3A_570 : vector<128x128xi32>
    %convert_element_type3A_572 = arith.extui %eq3A_571 : vector<128x128xi1> to vector<128x128xi32>
    %convert_element_type3A_573 = arith.sitofp %convert_element_type3A_572 : vector<128x128xi32> to vector<128x128xf32>
    %mul3A_574 = arith.mulf %mul3A_568, %mul3A_568 : vector<128x128xf32>
    %reduce_sum3A_575 = vector.shape_cast %mul3A_574 : vector<128x128xf32> to vector<1x128x128xf32>
    %reduce_sum3A_576 = arith.constant dense<0.000000e+00> : vector<1xf32>
    %reduce_sum3A_577 = vector.multi_reduction <add>, %reduce_sum3A_575, %reduce_sum3A_576 [1, 2] : vector<1x128x128xf32> to vector<1xf32>
    %reduce_sum3A_578 = vector.shape_cast %reduce_sum3A_577 : vector<1xf32> to vector<1x1x1xf32>
    %reduce_sum3A_579 = vector.extract %reduce_sum3A_578[0, 0, 0] : f32 from vector<1x1x1xf32>
    %sqrt3A_580 = math.sqrt %reduce_sum3A_579 : f32
    %div3A_581 = vector.broadcast %sqrt3A_580 : f32 to vector<128x128xf32>
    %div3A_582 = arith.divf %mul3A_568, %div3A_581 : vector<128x128xf32>
    %mul3A_583 = arith.constant 1.500000e+00 : f32
    %mul3A_584 = vector.broadcast %mul3A_583 : f32 to vector<128x128xf32>
    %mul3A_585 = arith.mulf %mul3A_584, %convert_element_type3A_573 : vector<128x128xf32>
    %dot_general3A_586 = arith.constant dense<0.000000e+00> : vector<128x128xf32>
    %dot_general3A_587 = tpu.matmul %convert_element_type3A_573, %div3A_582, %dot_general3A_586 {dimension_numbers = #tpu.dot_dimension_numbers<[1], [0], [0], [1], [0, 0, 1, 1], [], []>, precision = #tpu.contract_precision<fp32>, transpose_lhs_hint = false} : vector<128x128xf32>, vector<128x128xf32>, vector<128x128xf32> -> vector<128x128xf32>
    %mul3A_588 = arith.constant 5.000000e-01 : f32
    %mul3A_589 = vector.broadcast %mul3A_588 : f32 to vector<128x128xf32>
    %mul3A_590 = arith.mulf %mul3A_589, %dot_general3A_587 : vector<128x128xf32>
    %sub3A_591 = arith.subf %mul3A_585, %mul3A_590 : vector<128x128xf32>
    %dot_general3A_592 = arith.constant dense<0.000000e+00> : vector<128x128xf32>
    %dot_general3A_593 = tpu.matmul %div3A_582, %sub3A_591, %dot_general3A_592 {dimension_numbers = #tpu.dot_dimension_numbers<[1], [0], [0], [1], [0, 0, 1, 1], [], []>, precision = #tpu.contract_precision<fp32>, transpose_lhs_hint = false} : vector<128x128xf32>, vector<128x128xf32>, vector<128x128xf32> -> vector<128x128xf32>
    %dot_general3A_594 = arith.constant dense<0.000000e+00> : vector<128x128xf32>
    %dot_general3A_595 = tpu.matmul %sub3A_591, %convert_element_type3A_573, %dot_general3A_594 {dimension_numbers = #tpu.dot_dimension_numbers<[1], [0], [0], [1], [0, 0, 1, 1], [], []>, precision = #tpu.contract_precision<fp32>, transpose_lhs_hint = false} : vector<128x128xf32>, vector<128x128xf32>, vector<128x128xf32> -> vector<128x128xf32>
    %mul3A_596 = arith.constant 1.500000e+00 : f32
    %mul3A_597 = vector.broadcast %mul3A_596 : f32 to vector<128x128xf32>
    %mul3A_598 = arith.mulf %mul3A_597, %convert_element_type3A_573 : vector<128x128xf32>
    %dot_general3A_599 = arith.constant dense<0.000000e+00> : vector<128x128xf32>
    %dot_general3A_600 = tpu.matmul %dot_general3A_595, %dot_general3A_593, %dot_general3A_599 {dimension_numbers = #tpu.dot_dimension_numbers<[1], [0], [0], [1], [0, 0, 1, 1], [], []>, precision = #tpu.contract_precision<fp32>, transpose_lhs_hint = false} : vector<128x128xf32>, vector<128x128xf32>, vector<128x128xf32> -> vector<128x128xf32>
    %mul3A_601 = arith.constant 5.000000e-01 : f32
    %mul3A_602 = vector.broadcast %mul3A_601 : f32 to vector<128x128xf32>
    %mul3A_603 = arith.mulf %mul3A_602, %dot_general3A_600 : vector<128x128xf32>
    %sub3A_604 = arith.subf %mul3A_598, %mul3A_603 : vector<128x128xf32>
    %dot_general3A_605 = arith.constant dense<0.000000e+00> : vector<128x128xf32>
    %dot_general3A_606 = tpu.matmul %dot_general3A_593, %sub3A_604, %dot_general3A_605 {dimension_numbers = #tpu.dot_dimension_numbers<[1], [0], [0], [1], [0, 0, 1, 1], [], []>, precision = #tpu.contract_precision<fp32>, transpose_lhs_hint = false} : vector<128x128xf32>, vector<128x128xf32>, vector<128x128xf32> -> vector<128x128xf32>
    %dot_general3A_607 = arith.constant dense<0.000000e+00> : vector<128x128xf32>
    %dot_general3A_608 = tpu.matmul %sub3A_604, %dot_general3A_595, %dot_general3A_607 {dimension_numbers = #tpu.dot_dimension_numbers<[1], [0], [0], [1], [0, 0, 1, 1], [], []>, precision = #tpu.contract_precision<fp32>, transpose_lhs_hint = false} : vector<128x128xf32>, vector<128x128xf32>, vector<128x128xf32> -> vector<128x128xf32>
    %mul3A_609 = arith.constant 1.500000e+00 : f32
    %mul3A_610 = vector.broadcast %mul3A_609 : f32 to vector<128x128xf32>
    %mul3A_611 = arith.mulf %mul3A_610, %convert_element_type3A_573 : vector<128x128xf32>
    %dot_general3A_612 = arith.constant dense<0.000000e+00> : vector<128x128xf32>
    %dot_general3A_613 = tpu.matmul %dot_general3A_608, %dot_general3A_606, %dot_general3A_612 {dimension_numbers = #tpu.dot_dimension_numbers<[1], [0], [0], [1], [0, 0, 1, 1], [], []>, precision = #tpu.contract_precision<fp32>, transpose_lhs_hint = false} : vector<128x128xf32>, vector<128x128xf32>, vector<128x128xf32> -> vector<128x128xf32>
    %mul3A_614 = arith.constant 5.000000e-01 : f32
    %mul3A_615 = vector.broadcast %mul3A_614 : f32 to vector<128x128xf32>
    %mul3A_616 = arith.mulf %mul3A_615, %dot_general3A_613 : vector<128x128xf32>
    %sub3A_617 = arith.subf %mul3A_611, %mul3A_616 : vector<128x128xf32>
    %dot_general3A_618 = arith.constant dense<0.000000e+00> : vector<128x128xf32>
    %dot_general3A_619 = tpu.matmul %dot_general3A_606, %sub3A_617, %dot_general3A_618 {dimension_numbers = #tpu.dot_dimension_numbers<[1], [0], [0], [1], [0, 0, 1, 1], [], []>, precision = #tpu.contract_precision<fp32>, transpose_lhs_hint = false} : vector<128x128xf32>, vector<128x128xf32>, vector<128x128xf32> -> vector<128x128xf32>
    %dot_general3A_620 = arith.constant dense<0.000000e+00> : vector<128x128xf32>
    %dot_general3A_621 = tpu.matmul %sub3A_617, %dot_general3A_608, %dot_general3A_620 {dimension_numbers = #tpu.dot_dimension_numbers<[1], [0], [0], [1], [0, 0, 1, 1], [], []>, precision = #tpu.contract_precision<fp32>, transpose_lhs_hint = false} : vector<128x128xf32>, vector<128x128xf32>, vector<128x128xf32> -> vector<128x128xf32>
    %mul3A_622 = arith.constant 1.500000e+00 : f32
    %mul3A_623 = vector.broadcast %mul3A_622 : f32 to vector<128x128xf32>
    %mul3A_624 = arith.mulf %mul3A_623, %convert_element_type3A_573 : vector<128x128xf32>
    %dot_general3A_625 = arith.constant dense<0.000000e+00> : vector<128x128xf32>
    %dot_general3A_626 = tpu.matmul %dot_general3A_621, %dot_general3A_619, %dot_general3A_625 {dimension_numbers = #tpu.dot_dimension_numbers<[1], [0], [0], [1], [0, 0, 1, 1], [], []>, precision = #tpu.contract_precision<fp32>, transpose_lhs_hint = false} : vector<128x128xf32>, vector<128x128xf32>, vector<128x128xf32> -> vector<128x128xf32>
    %mul3A_627 = arith.constant 5.000000e-01 : f32
    %mul3A_628 = vector.broadcast %mul3A_627 : f32 to vector<128x128xf32>
    %mul3A_629 = arith.mulf %mul3A_628, %dot_general3A_626 : vector<128x128xf32>
    %sub3A_630 = arith.subf %mul3A_624, %mul3A_629 : vector<128x128xf32>
    %dot_general3A_631 = arith.constant dense<0.000000e+00> : vector<128x128xf32>
    %dot_general3A_632 = tpu.matmul %dot_general3A_619, %sub3A_630, %dot_general3A_631 {dimension_numbers = #tpu.dot_dimension_numbers<[1], [0], [0], [1], [0, 0, 1, 1], [], []>, precision = #tpu.contract_precision<fp32>, transpose_lhs_hint = false} : vector<128x128xf32>, vector<128x128xf32>, vector<128x128xf32> -> vector<128x128xf32>
    %dot_general3A_633 = arith.constant dense<0.000000e+00> : vector<128x128xf32>
    %dot_general3A_634 = tpu.matmul %sub3A_630, %dot_general3A_621, %dot_general3A_633 {dimension_numbers = #tpu.dot_dimension_numbers<[1], [0], [0], [1], [0, 0, 1, 1], [], []>, precision = #tpu.contract_precision<fp32>, transpose_lhs_hint = false} : vector<128x128xf32>, vector<128x128xf32>, vector<128x128xf32> -> vector<128x128xf32>
    %mul3A_635 = arith.constant 1.500000e+00 : f32
    %mul3A_636 = vector.broadcast %mul3A_635 : f32 to vector<128x128xf32>
    %mul3A_637 = arith.mulf %mul3A_636, %convert_element_type3A_573 : vector<128x128xf32>
    %dot_general3A_638 = arith.constant dense<0.000000e+00> : vector<128x128xf32>
    %dot_general3A_639 = tpu.matmul %dot_general3A_634, %dot_general3A_632, %dot_general3A_638 {dimension_numbers = #tpu.dot_dimension_numbers<[1], [0], [0], [1], [0, 0, 1, 1], [], []>, precision = #tpu.contract_precision<fp32>, transpose_lhs_hint = false} : vector<128x128xf32>, vector<128x128xf32>, vector<128x128xf32> -> vector<128x128xf32>
    %mul3A_640 = arith.constant 5.000000e-01 : f32
    %mul3A_641 = vector.broadcast %mul3A_640 : f32 to vector<128x128xf32>
    %mul3A_642 = arith.mulf %mul3A_641, %dot_general3A_639 : vector<128x128xf32>
    %sub3A_643 = arith.subf %mul3A_637, %mul3A_642 : vector<128x128xf32>
    %dot_general3A_644 = arith.constant dense<0.000000e+00> : vector<128x128xf32>
    %dot_general3A_645 = tpu.matmul %dot_general3A_632, %sub3A_643, %dot_general3A_644 {dimension_numbers = #tpu.dot_dimension_numbers<[1], [0], [0], [1], [0, 0, 1, 1], [], []>, precision = #tpu.contract_precision<fp32>, transpose_lhs_hint = false} : vector<128x128xf32>, vector<128x128xf32>, vector<128x128xf32> -> vector<128x128xf32>
    %dot_general3A_646 = arith.constant dense<0.000000e+00> : vector<128x128xf32>
    %dot_general3A_647 = tpu.matmul %sub3A_643, %dot_general3A_634, %dot_general3A_646 {dimension_numbers = #tpu.dot_dimension_numbers<[1], [0], [0], [1], [0, 0, 1, 1], [], []>, precision = #tpu.contract_precision<fp32>, transpose_lhs_hint = false} : vector<128x128xf32>, vector<128x128xf32>, vector<128x128xf32> -> vector<128x128xf32>
    %mul3A_648 = arith.constant 1.500000e+00 : f32
    %mul3A_649 = vector.broadcast %mul3A_648 : f32 to vector<128x128xf32>
    %mul3A_650 = arith.mulf %mul3A_649, %convert_element_type3A_573 : vector<128x128xf32>
    %dot_general3A_651 = arith.constant dense<0.000000e+00> : vector<128x128xf32>
    %dot_general3A_652 = tpu.matmul %dot_general3A_647, %dot_general3A_645, %dot_general3A_651 {dimension_numbers = #tpu.dot_dimension_numbers<[1], [0], [0], [1], [0, 0, 1, 1], [], []>, precision = #tpu.contract_precision<fp32>, transpose_lhs_hint = false} : vector<128x128xf32>, vector<128x128xf32>, vector<128x128xf32> -> vector<128x128xf32>
    %mul3A_653 = arith.constant 5.000000e-01 : f32
    %mul3A_654 = vector.broadcast %mul3A_653 : f32 to vector<128x128xf32>
    %mul3A_655 = arith.mulf %mul3A_654, %dot_general3A_652 : vector<128x128xf32>
    %sub3A_656 = arith.subf %mul3A_650, %mul3A_655 : vector<128x128xf32>
    %dot_general3A_657 = arith.constant dense<0.000000e+00> : vector<128x128xf32>
    %dot_general3A_658 = tpu.matmul %dot_general3A_645, %sub3A_656, %dot_general3A_657 {dimension_numbers = #tpu.dot_dimension_numbers<[1], [0], [0], [1], [0, 0, 1, 1], [], []>, precision = #tpu.contract_precision<fp32>, transpose_lhs_hint = false} : vector<128x128xf32>, vector<128x128xf32>, vector<128x128xf32> -> vector<128x128xf32>
    %dot_general3A_659 = arith.constant dense<0.000000e+00> : vector<128x128xf32>
    %dot_general3A_660 = tpu.matmul %sub3A_656, %dot_general3A_647, %dot_general3A_659 {dimension_numbers = #tpu.dot_dimension_numbers<[1], [0], [0], [1], [0, 0, 1, 1], [], []>, precision = #tpu.contract_precision<fp32>, transpose_lhs_hint = false} : vector<128x128xf32>, vector<128x128xf32>, vector<128x128xf32> -> vector<128x128xf32>
    %mul3A_661 = arith.constant 1.500000e+00 : f32
    %mul3A_662 = vector.broadcast %mul3A_661 : f32 to vector<128x128xf32>
    %mul3A_663 = arith.mulf %mul3A_662, %convert_element_type3A_573 : vector<128x128xf32>
    %dot_general3A_664 = arith.constant dense<0.000000e+00> : vector<128x128xf32>
    %dot_general3A_665 = tpu.matmul %dot_general3A_660, %dot_general3A_658, %dot_general3A_664 {dimension_numbers = #tpu.dot_dimension_numbers<[1], [0], [0], [1], [0, 0, 1, 1], [], []>, precision = #tpu.contract_precision<fp32>, transpose_lhs_hint = false} : vector<128x128xf32>, vector<128x128xf32>, vector<128x128xf32> -> vector<128x128xf32>
    %mul3A_666 = arith.constant 5.000000e-01 : f32
    %mul3A_667 = vector.broadcast %mul3A_666 : f32 to vector<128x128xf32>
    %mul3A_668 = arith.mulf %mul3A_667, %dot_general3A_665 : vector<128x128xf32>
    %sub3A_669 = arith.subf %mul3A_663, %mul3A_668 : vector<128x128xf32>
    %dot_general3A_670 = arith.constant dense<0.000000e+00> : vector<128x128xf32>
    %dot_general3A_671 = tpu.matmul %dot_general3A_658, %sub3A_669, %dot_general3A_670 {dimension_numbers = #tpu.dot_dimension_numbers<[1], [0], [0], [1], [0, 0, 1, 1], [], []>, precision = #tpu.contract_precision<fp32>, transpose_lhs_hint = false} : vector<128x128xf32>, vector<128x128xf32>, vector<128x128xf32> -> vector<128x128xf32>
    %dot_general3A_672 = arith.constant dense<0.000000e+00> : vector<128x128xf32>
    %dot_general3A_673 = tpu.matmul %sub3A_669, %dot_general3A_660, %dot_general3A_672 {dimension_numbers = #tpu.dot_dimension_numbers<[1], [0], [0], [1], [0, 0, 1, 1], [], []>, precision = #tpu.contract_precision<fp32>, transpose_lhs_hint = false} : vector<128x128xf32>, vector<128x128xf32>, vector<128x128xf32> -> vector<128x128xf32>
    %mul3A_674 = arith.constant 1.500000e+00 : f32
    %mul3A_675 = vector.broadcast %mul3A_674 : f32 to vector<128x128xf32>
    %mul3A_676 = arith.mulf %mul3A_675, %convert_element_type3A_573 : vector<128x128xf32>
    %dot_general3A_677 = arith.constant dense<0.000000e+00> : vector<128x128xf32>
    %dot_general3A_678 = tpu.matmul %dot_general3A_673, %dot_general3A_671, %dot_general3A_677 {dimension_numbers = #tpu.dot_dimension_numbers<[1], [0], [0], [1], [0, 0, 1, 1], [], []>, precision = #tpu.contract_precision<fp32>, transpose_lhs_hint = false} : vector<128x128xf32>, vector<128x128xf32>, vector<128x128xf32> -> vector<128x128xf32>
    %mul3A_679 = arith.constant 5.000000e-01 : f32
    %mul3A_680 = vector.broadcast %mul3A_679 : f32 to vector<128x128xf32>
    %mul3A_681 = arith.mulf %mul3A_680, %dot_general3A_678 : vector<128x128xf32>
    %sub3A_682 = arith.subf %mul3A_676, %mul3A_681 : vector<128x128xf32>
    %dot_general3A_683 = arith.constant dense<0.000000e+00> : vector<128x128xf32>
    %dot_general3A_684 = tpu.matmul %dot_general3A_671, %sub3A_682, %dot_general3A_683 {dimension_numbers = #tpu.dot_dimension_numbers<[1], [0], [0], [1], [0, 0, 1, 1], [], []>, precision = #tpu.contract_precision<fp32>, transpose_lhs_hint = false} : vector<128x128xf32>, vector<128x128xf32>, vector<128x128xf32> -> vector<128x128xf32>
    %dot_general3A_685 = arith.constant dense<0.000000e+00> : vector<128x128xf32>
    %dot_general3A_686 = tpu.matmul %sub3A_682, %dot_general3A_673, %dot_general3A_685 {dimension_numbers = #tpu.dot_dimension_numbers<[1], [0], [0], [1], [0, 0, 1, 1], [], []>, precision = #tpu.contract_precision<fp32>, transpose_lhs_hint = false} : vector<128x128xf32>, vector<128x128xf32>, vector<128x128xf32> -> vector<128x128xf32>
    %mul3A_687 = arith.constant 1.500000e+00 : f32
    %mul3A_688 = vector.broadcast %mul3A_687 : f32 to vector<128x128xf32>
    %mul3A_689 = arith.mulf %mul3A_688, %convert_element_type3A_573 : vector<128x128xf32>
    %dot_general3A_690 = arith.constant dense<0.000000e+00> : vector<128x128xf32>
    %dot_general3A_691 = tpu.matmul %dot_general3A_686, %dot_general3A_684, %dot_general3A_690 {dimension_numbers = #tpu.dot_dimension_numbers<[1], [0], [0], [1], [0, 0, 1, 1], [], []>, precision = #tpu.contract_precision<fp32>, transpose_lhs_hint = false} : vector<128x128xf32>, vector<128x128xf32>, vector<128x128xf32> -> vector<128x128xf32>
    %mul3A_692 = arith.constant 5.000000e-01 : f32
    %mul3A_693 = vector.broadcast %mul3A_692 : f32 to vector<128x128xf32>
    %mul3A_694 = arith.mulf %mul3A_693, %dot_general3A_691 : vector<128x128xf32>
    %sub3A_695 = arith.subf %mul3A_689, %mul3A_694 : vector<128x128xf32>
    %dot_general3A_696 = arith.constant dense<0.000000e+00> : vector<128x128xf32>
    %dot_general3A_697 = tpu.matmul %dot_general3A_684, %sub3A_695, %dot_general3A_696 {dimension_numbers = #tpu.dot_dimension_numbers<[1], [0], [0], [1], [0, 0, 1, 1], [], []>, precision = #tpu.contract_precision<fp32>, transpose_lhs_hint = false} : vector<128x128xf32>, vector<128x128xf32>, vector<128x128xf32> -> vector<128x128xf32>
    %dot_general3A_698 = arith.constant dense<0.000000e+00> : vector<128x128xf32>
    %dot_general3A_699 = tpu.matmul %sub3A_695, %dot_general3A_686, %dot_general3A_698 {dimension_numbers = #tpu.dot_dimension_numbers<[1], [0], [0], [1], [0, 0, 1, 1], [], []>, precision = #tpu.contract_precision<fp32>, transpose_lhs_hint = false} : vector<128x128xf32>, vector<128x128xf32>, vector<128x128xf32> -> vector<128x128xf32>
    %mul3A_700 = arith.constant 1.500000e+00 : f32
    %mul3A_701 = vector.broadcast %mul3A_700 : f32 to vector<128x128xf32>
    %mul3A_702 = arith.mulf %mul3A_701, %convert_element_type3A_573 : vector<128x128xf32>
    %dot_general3A_703 = arith.constant dense<0.000000e+00> : vector<128x128xf32>
    %dot_general3A_704 = tpu.matmul %dot_general3A_699, %dot_general3A_697, %dot_general3A_703 {dimension_numbers = #tpu.dot_dimension_numbers<[1], [0], [0], [1], [0, 0, 1, 1], [], []>, precision = #tpu.contract_precision<fp32>, transpose_lhs_hint = false} : vector<128x128xf32>, vector<128x128xf32>, vector<128x128xf32> -> vector<128x128xf32>
    %mul3A_705 = arith.constant 5.000000e-01 : f32
    %mul3A_706 = vector.broadcast %mul3A_705 : f32 to vector<128x128xf32>
    %mul3A_707 = arith.mulf %mul3A_706, %dot_general3A_704 : vector<128x128xf32>
    %sub3A_708 = arith.subf %mul3A_702, %mul3A_707 : vector<128x128xf32>
    %dot_general3A_709 = arith.constant dense<0.000000e+00> : vector<128x128xf32>
    %dot_general3A_710 = tpu.matmul %dot_general3A_697, %sub3A_708, %dot_general3A_709 {dimension_numbers = #tpu.dot_dimension_numbers<[1], [0], [0], [1], [0, 0, 1, 1], [], []>, precision = #tpu.contract_precision<fp32>, transpose_lhs_hint = false} : vector<128x128xf32>, vector<128x128xf32>, vector<128x128xf32> -> vector<128x128xf32>
    %dot_general3A_711 = arith.constant dense<0.000000e+00> : vector<128x128xf32>
    %dot_general3A_712 = tpu.matmul %sub3A_708, %dot_general3A_699, %dot_general3A_711 {dimension_numbers = #tpu.dot_dimension_numbers<[1], [0], [0], [1], [0, 0, 1, 1], [], []>, precision = #tpu.contract_precision<fp32>, transpose_lhs_hint = false} : vector<128x128xf32>, vector<128x128xf32>, vector<128x128xf32> -> vector<128x128xf32>
    %mul3A_713 = arith.constant 1.500000e+00 : f32
    %mul3A_714 = vector.broadcast %mul3A_713 : f32 to vector<128x128xf32>
    %mul3A_715 = arith.mulf %mul3A_714, %convert_element_type3A_573 : vector<128x128xf32>
    %dot_general3A_716 = arith.constant dense<0.000000e+00> : vector<128x128xf32>
    %dot_general3A_717 = tpu.matmul %dot_general3A_712, %dot_general3A_710, %dot_general3A_716 {dimension_numbers = #tpu.dot_dimension_numbers<[1], [0], [0], [1], [0, 0, 1, 1], [], []>, precision = #tpu.contract_precision<fp32>, transpose_lhs_hint = false} : vector<128x128xf32>, vector<128x128xf32>, vector<128x128xf32> -> vector<128x128xf32>
    %mul3A_718 = arith.constant 5.000000e-01 : f32
    %mul3A_719 = vector.broadcast %mul3A_718 : f32 to vector<128x128xf32>
    %mul3A_720 = arith.mulf %mul3A_719, %dot_general3A_717 : vector<128x128xf32>
    %sub3A_721 = arith.subf %mul3A_715, %mul3A_720 : vector<128x128xf32>
    %dot_general3A_722 = arith.constant dense<0.000000e+00> : vector<128x128xf32>
    %dot_general3A_723 = tpu.matmul %dot_general3A_710, %sub3A_721, %dot_general3A_722 {dimension_numbers = #tpu.dot_dimension_numbers<[1], [0], [0], [1], [0, 0, 1, 1], [], []>, precision = #tpu.contract_precision<fp32>, transpose_lhs_hint = false} : vector<128x128xf32>, vector<128x128xf32>, vector<128x128xf32> -> vector<128x128xf32>
    %dot_general3A_724 = arith.constant dense<0.000000e+00> : vector<128x128xf32>
    %dot_general3A_725 = tpu.matmul %sub3A_721, %dot_general3A_712, %dot_general3A_724 {dimension_numbers = #tpu.dot_dimension_numbers<[1], [0], [0], [1], [0, 0, 1, 1], [], []>, precision = #tpu.contract_precision<fp32>, transpose_lhs_hint = false} : vector<128x128xf32>, vector<128x128xf32>, vector<128x128xf32> -> vector<128x128xf32>
    %mul3A_726 = arith.constant 1.500000e+00 : f32
    %mul3A_727 = vector.broadcast %mul3A_726 : f32 to vector<128x128xf32>
    %mul3A_728 = arith.mulf %mul3A_727, %convert_element_type3A_573 : vector<128x128xf32>
    %dot_general3A_729 = arith.constant dense<0.000000e+00> : vector<128x128xf32>
    %dot_general3A_730 = tpu.matmul %dot_general3A_725, %dot_general3A_723, %dot_general3A_729 {dimension_numbers = #tpu.dot_dimension_numbers<[1], [0], [0], [1], [0, 0, 1, 1], [], []>, precision = #tpu.contract_precision<fp32>, transpose_lhs_hint = false} : vector<128x128xf32>, vector<128x128xf32>, vector<128x128xf32> -> vector<128x128xf32>
    %mul3A_731 = arith.constant 5.000000e-01 : f32
    %mul3A_732 = vector.broadcast %mul3A_731 : f32 to vector<128x128xf32>
    %mul3A_733 = arith.mulf %mul3A_732, %dot_general3A_730 : vector<128x128xf32>
    %sub3A_734 = arith.subf %mul3A_728, %mul3A_733 : vector<128x128xf32>
    %dot_general3A_735 = arith.constant dense<0.000000e+00> : vector<128x128xf32>
    %dot_general3A_736 = tpu.matmul %dot_general3A_723, %sub3A_734, %dot_general3A_735 {dimension_numbers = #tpu.dot_dimension_numbers<[1], [0], [0], [1], [0, 0, 1, 1], [], []>, precision = #tpu.contract_precision<fp32>, transpose_lhs_hint = false} : vector<128x128xf32>, vector<128x128xf32>, vector<128x128xf32> -> vector<128x128xf32>
    %dot_general3A_737 = arith.constant dense<0.000000e+00> : vector<128x128xf32>
    %dot_general3A_738 = tpu.matmul %sub3A_734, %dot_general3A_725, %dot_general3A_737 {dimension_numbers = #tpu.dot_dimension_numbers<[1], [0], [0], [1], [0, 0, 1, 1], [], []>, precision = #tpu.contract_precision<fp32>, transpose_lhs_hint = false} : vector<128x128xf32>, vector<128x128xf32>, vector<128x128xf32> -> vector<128x128xf32>
    %mul3A_739 = arith.constant 1.500000e+00 : f32
    %mul3A_740 = vector.broadcast %mul3A_739 : f32 to vector<128x128xf32>
    %mul3A_741 = arith.mulf %mul3A_740, %convert_element_type3A_573 : vector<128x128xf32>
    %dot_general3A_742 = arith.constant dense<0.000000e+00> : vector<128x128xf32>
    %dot_general3A_743 = tpu.matmul %dot_general3A_738, %dot_general3A_736, %dot_general3A_742 {dimension_numbers = #tpu.dot_dimension_numbers<[1], [0], [0], [1], [0, 0, 1, 1], [], []>, precision = #tpu.contract_precision<fp32>, transpose_lhs_hint = false} : vector<128x128xf32>, vector<128x128xf32>, vector<128x128xf32> -> vector<128x128xf32>
    %mul3A_744 = arith.constant 5.000000e-01 : f32
    %mul3A_745 = vector.broadcast %mul3A_744 : f32 to vector<128x128xf32>
    %mul3A_746 = arith.mulf %mul3A_745, %dot_general3A_743 : vector<128x128xf32>
    %sub3A_747 = arith.subf %mul3A_741, %mul3A_746 : vector<128x128xf32>
    %dot_general3A_748 = arith.constant dense<0.000000e+00> : vector<128x128xf32>
    %dot_general3A_749 = tpu.matmul %dot_general3A_736, %sub3A_747, %dot_general3A_748 {dimension_numbers = #tpu.dot_dimension_numbers<[1], [0], [0], [1], [0, 0, 1, 1], [], []>, precision = #tpu.contract_precision<fp32>, transpose_lhs_hint = false} : vector<128x128xf32>, vector<128x128xf32>, vector<128x128xf32> -> vector<128x128xf32>
    %dot_general3A_750 = arith.constant dense<0.000000e+00> : vector<128x128xf32>
    %dot_general3A_751 = tpu.matmul %sub3A_747, %dot_general3A_738, %dot_general3A_750 {dimension_numbers = #tpu.dot_dimension_numbers<[1], [0], [0], [1], [0, 0, 1, 1], [], []>, precision = #tpu.contract_precision<fp32>, transpose_lhs_hint = false} : vector<128x128xf32>, vector<128x128xf32>, vector<128x128xf32> -> vector<128x128xf32>
    %mul3A_752 = arith.constant 1.500000e+00 : f32
    %mul3A_753 = vector.broadcast %mul3A_752 : f32 to vector<128x128xf32>
    %mul3A_754 = arith.mulf %mul3A_753, %convert_element_type3A_573 : vector<128x128xf32>
    %dot_general3A_755 = arith.constant dense<0.000000e+00> : vector<128x128xf32>
    %dot_general3A_756 = tpu.matmul %dot_general3A_751, %dot_general3A_749, %dot_general3A_755 {dimension_numbers = #tpu.dot_dimension_numbers<[1], [0], [0], [1], [0, 0, 1, 1], [], []>, precision = #tpu.contract_precision<fp32>, transpose_lhs_hint = false} : vector<128x128xf32>, vector<128x128xf32>, vector<128x128xf32> -> vector<128x128xf32>
    %mul3A_757 = arith.constant 5.000000e-01 : f32
    %mul3A_758 = vector.broadcast %mul3A_757 : f32 to vector<128x128xf32>
    %mul3A_759 = arith.mulf %mul3A_758, %dot_general3A_756 : vector<128x128xf32>
    %sub3A_760 = arith.subf %mul3A_754, %mul3A_759 : vector<128x128xf32>
    %dot_general3A_761 = arith.constant dense<0.000000e+00> : vector<128x128xf32>
    %dot_general3A_762 = tpu.matmul %dot_general3A_749, %sub3A_760, %dot_general3A_761 {dimension_numbers = #tpu.dot_dimension_numbers<[1], [0], [0], [1], [0, 0, 1, 1], [], []>, precision = #tpu.contract_precision<fp32>, transpose_lhs_hint = false} : vector<128x128xf32>, vector<128x128xf32>, vector<128x128xf32> -> vector<128x128xf32>
    %dot_general3A_763 = arith.constant dense<0.000000e+00> : vector<128x128xf32>
    %dot_general3A_764 = tpu.matmul %sub3A_760, %dot_general3A_751, %dot_general3A_763 {dimension_numbers = #tpu.dot_dimension_numbers<[1], [0], [0], [1], [0, 0, 1, 1], [], []>, precision = #tpu.contract_precision<fp32>, transpose_lhs_hint = false} : vector<128x128xf32>, vector<128x128xf32>, vector<128x128xf32> -> vector<128x128xf32>
    %mul3A_765 = arith.constant 1.500000e+00 : f32
    %mul3A_766 = vector.broadcast %mul3A_765 : f32 to vector<128x128xf32>
    %mul3A_767 = arith.mulf %mul3A_766, %convert_element_type3A_573 : vector<128x128xf32>
    %dot_general3A_768 = arith.constant dense<0.000000e+00> : vector<128x128xf32>
    %dot_general3A_769 = tpu.matmul %dot_general3A_764, %dot_general3A_762, %dot_general3A_768 {dimension_numbers = #tpu.dot_dimension_numbers<[1], [0], [0], [1], [0, 0, 1, 1], [], []>, precision = #tpu.contract_precision<fp32>, transpose_lhs_hint = false} : vector<128x128xf32>, vector<128x128xf32>, vector<128x128xf32> -> vector<128x128xf32>
    %mul3A_770 = arith.constant 5.000000e-01 : f32
    %mul3A_771 = vector.broadcast %mul3A_770 : f32 to vector<128x128xf32>
    %mul3A_772 = arith.mulf %mul3A_771, %dot_general3A_769 : vector<128x128xf32>
    %sub3A_773 = arith.subf %mul3A_767, %mul3A_772 : vector<128x128xf32>
    %dot_general3A_774 = arith.constant dense<0.000000e+00> : vector<128x128xf32>
    %dot_general3A_775 = tpu.matmul %dot_general3A_762, %sub3A_773, %dot_general3A_774 {dimension_numbers = #tpu.dot_dimension_numbers<[1], [0], [0], [1], [0, 0, 1, 1], [], []>, precision = #tpu.contract_precision<fp32>, transpose_lhs_hint = false} : vector<128x128xf32>, vector<128x128xf32>, vector<128x128xf32> -> vector<128x128xf32>
    %dot_general3A_776 = arith.constant dense<0.000000e+00> : vector<128x128xf32>
    %dot_general3A_777 = tpu.matmul %sub3A_773, %dot_general3A_764, %dot_general3A_776 {dimension_numbers = #tpu.dot_dimension_numbers<[1], [0], [0], [1], [0, 0, 1, 1], [], []>, precision = #tpu.contract_precision<fp32>, transpose_lhs_hint = false} : vector<128x128xf32>, vector<128x128xf32>, vector<128x128xf32> -> vector<128x128xf32>
    %mul3A_778 = arith.constant 1.500000e+00 : f32
    %mul3A_779 = vector.broadcast %mul3A_778 : f32 to vector<128x128xf32>
    %mul3A_780 = arith.mulf %mul3A_779, %convert_element_type3A_573 : vector<128x128xf32>
    %dot_general3A_781 = arith.constant dense<0.000000e+00> : vector<128x128xf32>
    %dot_general3A_782 = tpu.matmul %dot_general3A_777, %dot_general3A_775, %dot_general3A_781 {dimension_numbers = #tpu.dot_dimension_numbers<[1], [0], [0], [1], [0, 0, 1, 1], [], []>, precision = #tpu.contract_precision<fp32>, transpose_lhs_hint = false} : vector<128x128xf32>, vector<128x128xf32>, vector<128x128xf32> -> vector<128x128xf32>
    %mul3A_783 = arith.constant 5.000000e-01 : f32
    %mul3A_784 = vector.broadcast %mul3A_783 : f32 to vector<128x128xf32>
    %mul3A_785 = arith.mulf %mul3A_784, %dot_general3A_782 : vector<128x128xf32>
    %sub3A_786 = arith.subf %mul3A_780, %mul3A_785 : vector<128x128xf32>
    %dot_general3A_787 = arith.constant dense<0.000000e+00> : vector<128x128xf32>
    %dot_general3A_788 = tpu.matmul %dot_general3A_775, %sub3A_786, %dot_general3A_787 {dimension_numbers = #tpu.dot_dimension_numbers<[1], [0], [0], [1], [0, 0, 1, 1], [], []>, precision = #tpu.contract_precision<fp32>, transpose_lhs_hint = false} : vector<128x128xf32>, vector<128x128xf32>, vector<128x128xf32> -> vector<128x128xf32>
    %dot_general3A_789 = arith.constant dense<0.000000e+00> : vector<128x128xf32>
    %dot_general3A_790 = tpu.matmul %sub3A_786, %dot_general3A_777, %dot_general3A_789 {dimension_numbers = #tpu.dot_dimension_numbers<[1], [0], [0], [1], [0, 0, 1, 1], [], []>, precision = #tpu.contract_precision<fp32>, transpose_lhs_hint = false} : vector<128x128xf32>, vector<128x128xf32>, vector<128x128xf32> -> vector<128x128xf32>
    %mul3A_791 = arith.constant 1.500000e+00 : f32
    %mul3A_792 = vector.broadcast %mul3A_791 : f32 to vector<128x128xf32>
    %mul3A_793 = arith.mulf %mul3A_792, %convert_element_type3A_573 : vector<128x128xf32>
    %dot_general3A_794 = arith.constant dense<0.000000e+00> : vector<128x128xf32>
    %dot_general3A_795 = tpu.matmul %dot_general3A_790, %dot_general3A_788, %dot_general3A_794 {dimension_numbers = #tpu.dot_dimension_numbers<[1], [0], [0], [1], [0, 0, 1, 1], [], []>, precision = #tpu.contract_precision<fp32>, transpose_lhs_hint = false} : vector<128x128xf32>, vector<128x128xf32>, vector<128x128xf32> -> vector<128x128xf32>
    %mul3A_796 = arith.constant 5.000000e-01 : f32
    %mul3A_797 = vector.broadcast %mul3A_796 : f32 to vector<128x128xf32>
    %mul3A_798 = arith.mulf %mul3A_797, %dot_general3A_795 : vector<128x128xf32>
    %sub3A_799 = arith.subf %mul3A_793, %mul3A_798 : vector<128x128xf32>
    %dot_general3A_800 = arith.constant dense<0.000000e+00> : vector<128x128xf32>
    %dot_general3A_801 = tpu.matmul %dot_general3A_788, %sub3A_799, %dot_general3A_800 {dimension_numbers = #tpu.dot_dimension_numbers<[1], [0], [0], [1], [0, 0, 1, 1], [], []>, precision = #tpu.contract_precision<fp32>, transpose_lhs_hint = false} : vector<128x128xf32>, vector<128x128xf32>, vector<128x128xf32> -> vector<128x128xf32>
    %dot_general3A_802 = arith.constant dense<0.000000e+00> : vector<128x128xf32>
    %dot_general3A_803 = tpu.matmul %sub3A_799, %dot_general3A_790, %dot_general3A_802 {dimension_numbers = #tpu.dot_dimension_numbers<[1], [0], [0], [1], [0, 0, 1, 1], [], []>, precision = #tpu.contract_precision<fp32>, transpose_lhs_hint = false} : vector<128x128xf32>, vector<128x128xf32>, vector<128x128xf32> -> vector<128x128xf32>
    %mul3A_804 = arith.constant 1.500000e+00 : f32
    %mul3A_805 = vector.broadcast %mul3A_804 : f32 to vector<128x128xf32>
    %mul3A_806 = arith.mulf %mul3A_805, %convert_element_type3A_573 : vector<128x128xf32>
    %dot_general3A_807 = arith.constant dense<0.000000e+00> : vector<128x128xf32>
    %dot_general3A_808 = tpu.matmul %dot_general3A_803, %dot_general3A_801, %dot_general3A_807 {dimension_numbers = #tpu.dot_dimension_numbers<[1], [0], [0], [1], [0, 0, 1, 1], [], []>, precision = #tpu.contract_precision<fp32>, transpose_lhs_hint = false} : vector<128x128xf32>, vector<128x128xf32>, vector<128x128xf32> -> vector<128x128xf32>
    %mul3A_809 = arith.constant 5.000000e-01 : f32
    %mul3A_810 = vector.broadcast %mul3A_809 : f32 to vector<128x128xf32>
    %mul3A_811 = arith.mulf %mul3A_810, %dot_general3A_808 : vector<128x128xf32>
    %sub3A_812 = arith.subf %mul3A_806, %mul3A_811 : vector<128x128xf32>
    %dot_general3A_813 = arith.constant dense<0.000000e+00> : vector<128x128xf32>
    %dot_general3A_814 = tpu.matmul %dot_general3A_801, %sub3A_812, %dot_general3A_813 {dimension_numbers = #tpu.dot_dimension_numbers<[1], [0], [0], [1], [0, 0, 1, 1], [], []>, precision = #tpu.contract_precision<fp32>, transpose_lhs_hint = false} : vector<128x128xf32>, vector<128x128xf32>, vector<128x128xf32> -> vector<128x128xf32>
    %dot_general3A_815 = arith.constant dense<0.000000e+00> : vector<128x128xf32>
    %dot_general3A_816 = tpu.matmul %sub3A_812, %dot_general3A_803, %dot_general3A_815 {dimension_numbers = #tpu.dot_dimension_numbers<[1], [0], [0], [1], [0, 0, 1, 1], [], []>, precision = #tpu.contract_precision<fp32>, transpose_lhs_hint = false} : vector<128x128xf32>, vector<128x128xf32>, vector<128x128xf32> -> vector<128x128xf32>
    %mul3A_817 = arith.constant 1.500000e+00 : f32
    %mul3A_818 = vector.broadcast %mul3A_817 : f32 to vector<128x128xf32>
    %mul3A_819 = arith.mulf %mul3A_818, %convert_element_type3A_573 : vector<128x128xf32>
    %dot_general3A_820 = arith.constant dense<0.000000e+00> : vector<128x128xf32>
    %dot_general3A_821 = tpu.matmul %dot_general3A_816, %dot_general3A_814, %dot_general3A_820 {dimension_numbers = #tpu.dot_dimension_numbers<[1], [0], [0], [1], [0, 0, 1, 1], [], []>, precision = #tpu.contract_precision<fp32>, transpose_lhs_hint = false} : vector<128x128xf32>, vector<128x128xf32>, vector<128x128xf32> -> vector<128x128xf32>
    %mul3A_822 = arith.constant 5.000000e-01 : f32
    %mul3A_823 = vector.broadcast %mul3A_822 : f32 to vector<128x128xf32>
    %mul3A_824 = arith.mulf %mul3A_823, %dot_general3A_821 : vector<128x128xf32>
    %sub3A_825 = arith.subf %mul3A_819, %mul3A_824 : vector<128x128xf32>
    %dot_general3A_826 = arith.constant dense<0.000000e+00> : vector<128x128xf32>
    %dot_general3A_827 = tpu.matmul %dot_general3A_814, %sub3A_825, %dot_general3A_826 {dimension_numbers = #tpu.dot_dimension_numbers<[1], [0], [0], [1], [0, 0, 1, 1], [], []>, precision = #tpu.contract_precision<fp32>, transpose_lhs_hint = false} : vector<128x128xf32>, vector<128x128xf32>, vector<128x128xf32> -> vector<128x128xf32>
    %dot_general3A_828 = arith.constant dense<0.000000e+00> : vector<128x128xf32>
    %dot_general3A_829 = tpu.matmul %sub3A_825, %dot_general3A_816, %dot_general3A_828 {dimension_numbers = #tpu.dot_dimension_numbers<[1], [0], [0], [1], [0, 0, 1, 1], [], []>, precision = #tpu.contract_precision<fp32>, transpose_lhs_hint = false} : vector<128x128xf32>, vector<128x128xf32>, vector<128x128xf32> -> vector<128x128xf32>
    %mul3A_830 = arith.constant 1.500000e+00 : f32
    %mul3A_831 = vector.broadcast %mul3A_830 : f32 to vector<128x128xf32>
    %mul3A_832 = arith.mulf %mul3A_831, %convert_element_type3A_573 : vector<128x128xf32>
    %dot_general3A_833 = arith.constant dense<0.000000e+00> : vector<128x128xf32>
    %dot_general3A_834 = tpu.matmul %dot_general3A_829, %dot_general3A_827, %dot_general3A_833 {dimension_numbers = #tpu.dot_dimension_numbers<[1], [0], [0], [1], [0, 0, 1, 1], [], []>, precision = #tpu.contract_precision<fp32>, transpose_lhs_hint = false} : vector<128x128xf32>, vector<128x128xf32>, vector<128x128xf32> -> vector<128x128xf32>
    %mul3A_835 = arith.constant 5.000000e-01 : f32
    %mul3A_836 = vector.broadcast %mul3A_835 : f32 to vector<128x128xf32>
    %mul3A_837 = arith.mulf %mul3A_836, %dot_general3A_834 : vector<128x128xf32>
    %sub3A_838 = arith.subf %mul3A_832, %mul3A_837 : vector<128x128xf32>
    %dot_general3A_839 = arith.constant dense<0.000000e+00> : vector<128x128xf32>
    %dot_general3A_840 = tpu.matmul %dot_general3A_827, %sub3A_838, %dot_general3A_839 {dimension_numbers = #tpu.dot_dimension_numbers<[1], [0], [0], [1], [0, 0, 1, 1], [], []>, precision = #tpu.contract_precision<fp32>, transpose_lhs_hint = false} : vector<128x128xf32>, vector<128x128xf32>, vector<128x128xf32> -> vector<128x128xf32>
    %dot_general3A_841 = arith.constant dense<0.000000e+00> : vector<128x128xf32>
    %dot_general3A_842 = tpu.matmul %sub3A_838, %dot_general3A_829, %dot_general3A_841 {dimension_numbers = #tpu.dot_dimension_numbers<[1], [0], [0], [1], [0, 0, 1, 1], [], []>, precision = #tpu.contract_precision<fp32>, transpose_lhs_hint = false} : vector<128x128xf32>, vector<128x128xf32>, vector<128x128xf32> -> vector<128x128xf32>
    %mul3A_843 = arith.constant 1.500000e+00 : f32
    %mul3A_844 = vector.broadcast %mul3A_843 : f32 to vector<128x128xf32>
    %mul3A_845 = arith.mulf %mul3A_844, %convert_element_type3A_573 : vector<128x128xf32>
    %dot_general3A_846 = arith.constant dense<0.000000e+00> : vector<128x128xf32>
    %dot_general3A_847 = tpu.matmul %dot_general3A_842, %dot_general3A_840, %dot_general3A_846 {dimension_numbers = #tpu.dot_dimension_numbers<[1], [0], [0], [1], [0, 0, 1, 1], [], []>, precision = #tpu.contract_precision<fp32>, transpose_lhs_hint = false} : vector<128x128xf32>, vector<128x128xf32>, vector<128x128xf32> -> vector<128x128xf32>
    %mul3A_848 = arith.constant 5.000000e-01 : f32
    %mul3A_849 = vector.broadcast %mul3A_848 : f32 to vector<128x128xf32>
    %mul3A_850 = arith.mulf %mul3A_849, %dot_general3A_847 : vector<128x128xf32>
    %sub3A_851 = arith.subf %mul3A_845, %mul3A_850 : vector<128x128xf32>
    %dot_general3A_852 = arith.constant dense<0.000000e+00> : vector<128x128xf32>
    %dot_general3A_853 = tpu.matmul %dot_general3A_840, %sub3A_851, %dot_general3A_852 {dimension_numbers = #tpu.dot_dimension_numbers<[1], [0], [0], [1], [0, 0, 1, 1], [], []>, precision = #tpu.contract_precision<fp32>, transpose_lhs_hint = false} : vector<128x128xf32>, vector<128x128xf32>, vector<128x128xf32> -> vector<128x128xf32>
    %dot_general3A_854 = arith.constant dense<0.000000e+00> : vector<128x128xf32>
    %dot_general3A_855 = tpu.matmul %sub3A_851, %dot_general3A_842, %dot_general3A_854 {dimension_numbers = #tpu.dot_dimension_numbers<[1], [0], [0], [1], [0, 0, 1, 1], [], []>, precision = #tpu.contract_precision<fp32>, transpose_lhs_hint = false} : vector<128x128xf32>, vector<128x128xf32>, vector<128x128xf32> -> vector<128x128xf32>
    %mul3A_856 = arith.constant 1.500000e+00 : f32
    %mul3A_857 = vector.broadcast %mul3A_856 : f32 to vector<128x128xf32>
    %mul3A_858 = arith.mulf %mul3A_857, %convert_element_type3A_573 : vector<128x128xf32>
    %dot_general3A_859 = arith.constant dense<0.000000e+00> : vector<128x128xf32>
    %dot_general3A_860 = tpu.matmul %dot_general3A_855, %dot_general3A_853, %dot_general3A_859 {dimension_numbers = #tpu.dot_dimension_numbers<[1], [0], [0], [1], [0, 0, 1, 1], [], []>, precision = #tpu.contract_precision<fp32>, transpose_lhs_hint = false} : vector<128x128xf32>, vector<128x128xf32>, vector<128x128xf32> -> vector<128x128xf32>
    %mul3A_861 = arith.constant 5.000000e-01 : f32
    %mul3A_862 = vector.broadcast %mul3A_861 : f32 to vector<128x128xf32>
    %mul3A_863 = arith.mulf %mul3A_862, %dot_general3A_860 : vector<128x128xf32>
    %sub3A_864 = arith.subf %mul3A_858, %mul3A_863 : vector<128x128xf32>
    %dot_general3A_865 = arith.constant dense<0.000000e+00> : vector<128x128xf32>
    %dot_general3A_866 = tpu.matmul %dot_general3A_853, %sub3A_864, %dot_general3A_865 {dimension_numbers = #tpu.dot_dimension_numbers<[1], [0], [0], [1], [0, 0, 1, 1], [], []>, precision = #tpu.contract_precision<fp32>, transpose_lhs_hint = false} : vector<128x128xf32>, vector<128x128xf32>, vector<128x128xf32> -> vector<128x128xf32>
    %dot_general3A_867 = arith.constant dense<0.000000e+00> : vector<128x128xf32>
    %dot_general3A_868 = tpu.matmul %sub3A_864, %dot_general3A_855, %dot_general3A_867 {dimension_numbers = #tpu.dot_dimension_numbers<[1], [0], [0], [1], [0, 0, 1, 1], [], []>, precision = #tpu.contract_precision<fp32>, transpose_lhs_hint = false} : vector<128x128xf32>, vector<128x128xf32>, vector<128x128xf32> -> vector<128x128xf32>
    %mul3A_869 = arith.constant 1.500000e+00 : f32
    %mul3A_870 = vector.broadcast %mul3A_869 : f32 to vector<128x128xf32>
    %mul3A_871 = arith.mulf %mul3A_870, %convert_element_type3A_573 : vector<128x128xf32>
    %dot_general3A_872 = arith.constant dense<0.000000e+00> : vector<128x128xf32>
    %dot_general3A_873 = tpu.matmul %dot_general3A_868, %dot_general3A_866, %dot_general3A_872 {dimension_numbers = #tpu.dot_dimension_numbers<[1], [0], [0], [1], [0, 0, 1, 1], [], []>, precision = #tpu.contract_precision<fp32>, transpose_lhs_hint = false} : vector<128x128xf32>, vector<128x128xf32>, vector<128x128xf32> -> vector<128x128xf32>
    %mul3A_874 = arith.constant 5.000000e-01 : f32
    %mul3A_875 = vector.broadcast %mul3A_874 : f32 to vector<128x128xf32>
    %mul3A_876 = arith.mulf %mul3A_875, %dot_general3A_873 : vector<128x128xf32>
    %sub3A_877 = arith.subf %mul3A_871, %mul3A_876 : vector<128x128xf32>
    %dot_general3A_878 = arith.constant dense<0.000000e+00> : vector<128x128xf32>
    %dot_general3A_879 = tpu.matmul %dot_general3A_866, %sub3A_877, %dot_general3A_878 {dimension_numbers = #tpu.dot_dimension_numbers<[1], [0], [0], [1], [0, 0, 1, 1], [], []>, precision = #tpu.contract_precision<fp32>, transpose_lhs_hint = false} : vector<128x128xf32>, vector<128x128xf32>, vector<128x128xf32> -> vector<128x128xf32>
    %dot_general3A_880 = arith.constant dense<0.000000e+00> : vector<128x128xf32>
    %dot_general3A_881 = tpu.matmul %sub3A_877, %dot_general3A_868, %dot_general3A_880 {dimension_numbers = #tpu.dot_dimension_numbers<[1], [0], [0], [1], [0, 0, 1, 1], [], []>, precision = #tpu.contract_precision<fp32>, transpose_lhs_hint = false} : vector<128x128xf32>, vector<128x128xf32>, vector<128x128xf32> -> vector<128x128xf32>
    %mul3A_882 = arith.constant 1.500000e+00 : f32
    %mul3A_883 = vector.broadcast %mul3A_882 : f32 to vector<128x128xf32>
    %mul3A_884 = arith.mulf %mul3A_883, %convert_element_type3A_573 : vector<128x128xf32>
    %dot_general3A_885 = arith.constant dense<0.000000e+00> : vector<128x128xf32>
    %dot_general3A_886 = tpu.matmul %dot_general3A_881, %dot_general3A_879, %dot_general3A_885 {dimension_numbers = #tpu.dot_dimension_numbers<[1], [0], [0], [1], [0, 0, 1, 1], [], []>, precision = #tpu.contract_precision<fp32>, transpose_lhs_hint = false} : vector<128x128xf32>, vector<128x128xf32>, vector<128x128xf32> -> vector<128x128xf32>
    %mul3A_887 = arith.constant 5.000000e-01 : f32
    %mul3A_888 = vector.broadcast %mul3A_887 : f32 to vector<128x128xf32>
    %mul3A_889 = arith.mulf %mul3A_888, %dot_general3A_886 : vector<128x128xf32>
    %sub3A_890 = arith.subf %mul3A_884, %mul3A_889 : vector<128x128xf32>
    %dot_general3A_891 = arith.constant dense<0.000000e+00> : vector<128x128xf32>
    %dot_general3A_892 = tpu.matmul %dot_general3A_879, %sub3A_890, %dot_general3A_891 {dimension_numbers = #tpu.dot_dimension_numbers<[1], [0], [0], [1], [0, 0, 1, 1], [], []>, precision = #tpu.contract_precision<fp32>, transpose_lhs_hint = false} : vector<128x128xf32>, vector<128x128xf32>, vector<128x128xf32> -> vector<128x128xf32>
    %dot_general3A_893 = arith.constant dense<0.000000e+00> : vector<128x128xf32>
    %dot_general3A_894 = tpu.matmul %sub3A_890, %dot_general3A_881, %dot_general3A_893 {dimension_numbers = #tpu.dot_dimension_numbers<[1], [0], [0], [1], [0, 0, 1, 1], [], []>, precision = #tpu.contract_precision<fp32>, transpose_lhs_hint = false} : vector<128x128xf32>, vector<128x128xf32>, vector<128x128xf32> -> vector<128x128xf32>
    %mul3A_895 = arith.constant 1.500000e+00 : f32
    %mul3A_896 = vector.broadcast %mul3A_895 : f32 to vector<128x128xf32>
    %mul3A_897 = arith.mulf %mul3A_896, %convert_element_type3A_573 : vector<128x128xf32>
    %dot_general3A_898 = arith.constant dense<0.000000e+00> : vector<128x128xf32>
    %dot_general3A_899 = tpu.matmul %dot_general3A_894, %dot_general3A_892, %dot_general3A_898 {dimension_numbers = #tpu.dot_dimension_numbers<[1], [0], [0], [1], [0, 0, 1, 1], [], []>, precision = #tpu.contract_precision<fp32>, transpose_lhs_hint = false} : vector<128x128xf32>, vector<128x128xf32>, vector<128x128xf32> -> vector<128x128xf32>
    %mul3A_900 = arith.constant 5.000000e-01 : f32
    %mul3A_901 = vector.broadcast %mul3A_900 : f32 to vector<128x128xf32>
    %mul3A_902 = arith.mulf %mul3A_901, %dot_general3A_899 : vector<128x128xf32>
    %sub3A_903 = arith.subf %mul3A_897, %mul3A_902 : vector<128x128xf32>
    %dot_general3A_904 = arith.constant dense<0.000000e+00> : vector<128x128xf32>
    %dot_general3A_905 = tpu.matmul %dot_general3A_892, %sub3A_903, %dot_general3A_904 {dimension_numbers = #tpu.dot_dimension_numbers<[1], [0], [0], [1], [0, 0, 1, 1], [], []>, precision = #tpu.contract_precision<fp32>, transpose_lhs_hint = false} : vector<128x128xf32>, vector<128x128xf32>, vector<128x128xf32> -> vector<128x128xf32>
    %dot_general3A_906 = arith.constant dense<0.000000e+00> : vector<128x128xf32>
    %dot_general3A_907 = tpu.matmul %sub3A_903, %dot_general3A_894, %dot_general3A_906 {dimension_numbers = #tpu.dot_dimension_numbers<[1], [0], [0], [1], [0, 0, 1, 1], [], []>, precision = #tpu.contract_precision<fp32>, transpose_lhs_hint = false} : vector<128x128xf32>, vector<128x128xf32>, vector<128x128xf32> -> vector<128x128xf32>
    %mul3A_908 = arith.constant 1.500000e+00 : f32
    %mul3A_909 = vector.broadcast %mul3A_908 : f32 to vector<128x128xf32>
    %mul3A_910 = arith.mulf %mul3A_909, %convert_element_type3A_573 : vector<128x128xf32>
    %dot_general3A_911 = arith.constant dense<0.000000e+00> : vector<128x128xf32>
    %dot_general3A_912 = tpu.matmul %dot_general3A_907, %dot_general3A_905, %dot_general3A_911 {dimension_numbers = #tpu.dot_dimension_numbers<[1], [0], [0], [1], [0, 0, 1, 1], [], []>, precision = #tpu.contract_precision<fp32>, transpose_lhs_hint = false} : vector<128x128xf32>, vector<128x128xf32>, vector<128x128xf32> -> vector<128x128xf32>
    %mul3A_913 = arith.constant 5.000000e-01 : f32
    %mul3A_914 = vector.broadcast %mul3A_913 : f32 to vector<128x128xf32>
    %mul3A_915 = arith.mulf %mul3A_914, %dot_general3A_912 : vector<128x128xf32>
    %sub3A_916 = arith.subf %mul3A_910, %mul3A_915 : vector<128x128xf32>
    %dot_general3A_917 = arith.constant dense<0.000000e+00> : vector<128x128xf32>
    %dot_general3A_918 = tpu.matmul %dot_general3A_905, %sub3A_916, %dot_general3A_917 {dimension_numbers = #tpu.dot_dimension_numbers<[1], [0], [0], [1], [0, 0, 1, 1], [], []>, precision = #tpu.contract_precision<fp32>, transpose_lhs_hint = false} : vector<128x128xf32>, vector<128x128xf32>, vector<128x128xf32> -> vector<128x128xf32>
    %dot_general3A_919 = arith.constant dense<0.000000e+00> : vector<128x128xf32>
    %dot_general3A_920 = tpu.matmul %sub3A_916, %dot_general3A_907, %dot_general3A_919 {dimension_numbers = #tpu.dot_dimension_numbers<[1], [0], [0], [1], [0, 0, 1, 1], [], []>, precision = #tpu.contract_precision<fp32>, transpose_lhs_hint = false} : vector<128x128xf32>, vector<128x128xf32>, vector<128x128xf32> -> vector<128x128xf32>
    %mul3A_921 = arith.constant 1.500000e+00 : f32
    %mul3A_922 = vector.broadcast %mul3A_921 : f32 to vector<128x128xf32>
    %mul3A_923 = arith.mulf %mul3A_922, %convert_element_type3A_573 : vector<128x128xf32>
    %dot_general3A_924 = arith.constant dense<0.000000e+00> : vector<128x128xf32>
    %dot_general3A_925 = tpu.matmul %dot_general3A_920, %dot_general3A_918, %dot_general3A_924 {dimension_numbers = #tpu.dot_dimension_numbers<[1], [0], [0], [1], [0, 0, 1, 1], [], []>, precision = #tpu.contract_precision<fp32>, transpose_lhs_hint = false} : vector<128x128xf32>, vector<128x128xf32>, vector<128x128xf32> -> vector<128x128xf32>
    %mul3A_926 = arith.constant 5.000000e-01 : f32
    %mul3A_927 = vector.broadcast %mul3A_926 : f32 to vector<128x128xf32>
    %mul3A_928 = arith.mulf %mul3A_927, %dot_general3A_925 : vector<128x128xf32>
    %sub3A_929 = arith.subf %mul3A_923, %mul3A_928 : vector<128x128xf32>
    %dot_general3A_930 = arith.constant dense<0.000000e+00> : vector<128x128xf32>
    %dot_general3A_931 = tpu.matmul %dot_general3A_918, %sub3A_929, %dot_general3A_930 {dimension_numbers = #tpu.dot_dimension_numbers<[1], [0], [0], [1], [0, 0, 1, 1], [], []>, precision = #tpu.contract_precision<fp32>, transpose_lhs_hint = false} : vector<128x128xf32>, vector<128x128xf32>, vector<128x128xf32> -> vector<128x128xf32>
    %dot_general3A_932 = arith.constant dense<0.000000e+00> : vector<128x128xf32>
    %dot_general3A_933 = tpu.matmul %sub3A_929, %dot_general3A_920, %dot_general3A_932 {dimension_numbers = #tpu.dot_dimension_numbers<[1], [0], [0], [1], [0, 0, 1, 1], [], []>, precision = #tpu.contract_precision<fp32>, transpose_lhs_hint = false} : vector<128x128xf32>, vector<128x128xf32>, vector<128x128xf32> -> vector<128x128xf32>
    %mul3A_934 = arith.constant 1.500000e+00 : f32
    %mul3A_935 = vector.broadcast %mul3A_934 : f32 to vector<128x128xf32>
    %mul3A_936 = arith.mulf %mul3A_935, %convert_element_type3A_573 : vector<128x128xf32>
    %dot_general3A_937 = arith.constant dense<0.000000e+00> : vector<128x128xf32>
    %dot_general3A_938 = tpu.matmul %dot_general3A_933, %dot_general3A_931, %dot_general3A_937 {dimension_numbers = #tpu.dot_dimension_numbers<[1], [0], [0], [1], [0, 0, 1, 1], [], []>, precision = #tpu.contract_precision<fp32>, transpose_lhs_hint = false} : vector<128x128xf32>, vector<128x128xf32>, vector<128x128xf32> -> vector<128x128xf32>
    %mul3A_939 = arith.constant 5.000000e-01 : f32
    %mul3A_940 = vector.broadcast %mul3A_939 : f32 to vector<128x128xf32>
    %mul3A_941 = arith.mulf %mul3A_940, %dot_general3A_938 : vector<128x128xf32>
    %sub3A_942 = arith.subf %mul3A_936, %mul3A_941 : vector<128x128xf32>
    %dot_general3A_943 = arith.constant dense<0.000000e+00> : vector<128x128xf32>
    %dot_general3A_944 = tpu.matmul %dot_general3A_931, %sub3A_942, %dot_general3A_943 {dimension_numbers = #tpu.dot_dimension_numbers<[1], [0], [0], [1], [0, 0, 1, 1], [], []>, precision = #tpu.contract_precision<fp32>, transpose_lhs_hint = false} : vector<128x128xf32>, vector<128x128xf32>, vector<128x128xf32> -> vector<128x128xf32>
    %dot_general3A_945 = arith.constant dense<0.000000e+00> : vector<128x128xf32>
    %dot_general3A_946 = tpu.matmul %sub3A_942, %dot_general3A_933, %dot_general3A_945 {dimension_numbers = #tpu.dot_dimension_numbers<[1], [0], [0], [1], [0, 0, 1, 1], [], []>, precision = #tpu.contract_precision<fp32>, transpose_lhs_hint = false} : vector<128x128xf32>, vector<128x128xf32>, vector<128x128xf32> -> vector<128x128xf32>
    %mul3A_947 = arith.constant 1.500000e+00 : f32
    %mul3A_948 = vector.broadcast %mul3A_947 : f32 to vector<128x128xf32>
    %mul3A_949 = arith.mulf %mul3A_948, %convert_element_type3A_573 : vector<128x128xf32>
    %dot_general3A_950 = arith.constant dense<0.000000e+00> : vector<128x128xf32>
    %dot_general3A_951 = tpu.matmul %dot_general3A_946, %dot_general3A_944, %dot_general3A_950 {dimension_numbers = #tpu.dot_dimension_numbers<[1], [0], [0], [1], [0, 0, 1, 1], [], []>, precision = #tpu.contract_precision<fp32>, transpose_lhs_hint = false} : vector<128x128xf32>, vector<128x128xf32>, vector<128x128xf32> -> vector<128x128xf32>
    %mul3A_952 = arith.constant 5.000000e-01 : f32
    %mul3A_953 = vector.broadcast %mul3A_952 : f32 to vector<128x128xf32>
    %mul3A_954 = arith.mulf %mul3A_953, %dot_general3A_951 : vector<128x128xf32>
    %sub3A_955 = arith.subf %mul3A_949, %mul3A_954 : vector<128x128xf32>
    %dot_general3A_956 = arith.constant dense<0.000000e+00> : vector<128x128xf32>
    %dot_general3A_957 = tpu.matmul %dot_general3A_944, %sub3A_955, %dot_general3A_956 {dimension_numbers = #tpu.dot_dimension_numbers<[1], [0], [0], [1], [0, 0, 1, 1], [], []>, precision = #tpu.contract_precision<fp32>, transpose_lhs_hint = false} : vector<128x128xf32>, vector<128x128xf32>, vector<128x128xf32> -> vector<128x128xf32>
    %dot_general3A_958 = arith.constant dense<0.000000e+00> : vector<128x128xf32>
    %dot_general3A_959 = tpu.matmul %sub3A_955, %dot_general3A_946, %dot_general3A_958 {dimension_numbers = #tpu.dot_dimension_numbers<[1], [0], [0], [1], [0, 0, 1, 1], [], []>, precision = #tpu.contract_precision<fp32>, transpose_lhs_hint = false} : vector<128x128xf32>, vector<128x128xf32>, vector<128x128xf32> -> vector<128x128xf32>
    %mul3A_960 = arith.constant 1.500000e+00 : f32
    %mul3A_961 = vector.broadcast %mul3A_960 : f32 to vector<128x128xf32>
    %mul3A_962 = arith.mulf %mul3A_961, %convert_element_type3A_573 : vector<128x128xf32>
    %dot_general3A_963 = arith.constant dense<0.000000e+00> : vector<128x128xf32>
    %dot_general3A_964 = tpu.matmul %dot_general3A_959, %dot_general3A_957, %dot_general3A_963 {dimension_numbers = #tpu.dot_dimension_numbers<[1], [0], [0], [1], [0, 0, 1, 1], [], []>, precision = #tpu.contract_precision<fp32>, transpose_lhs_hint = false} : vector<128x128xf32>, vector<128x128xf32>, vector<128x128xf32> -> vector<128x128xf32>
    %mul3A_965 = arith.constant 5.000000e-01 : f32
    %mul3A_966 = vector.broadcast %mul3A_965 : f32 to vector<128x128xf32>
    %mul3A_967 = arith.mulf %mul3A_966, %dot_general3A_964 : vector<128x128xf32>
    %sub3A_968 = arith.subf %mul3A_962, %mul3A_967 : vector<128x128xf32>
    %dot_general3A_969 = arith.constant dense<0.000000e+00> : vector<128x128xf32>
    %dot_general3A_970 = tpu.matmul %dot_general3A_957, %sub3A_968, %dot_general3A_969 {dimension_numbers = #tpu.dot_dimension_numbers<[1], [0], [0], [1], [0, 0, 1, 1], [], []>, precision = #tpu.contract_precision<fp32>, transpose_lhs_hint = false} : vector<128x128xf32>, vector<128x128xf32>, vector<128x128xf32> -> vector<128x128xf32>
    %dot_general3A_971 = arith.constant dense<0.000000e+00> : vector<128x128xf32>
    %dot_general3A_972 = tpu.matmul %sub3A_968, %dot_general3A_959, %dot_general3A_971 {dimension_numbers = #tpu.dot_dimension_numbers<[1], [0], [0], [1], [0, 0, 1, 1], [], []>, precision = #tpu.contract_precision<fp32>, transpose_lhs_hint = false} : vector<128x128xf32>, vector<128x128xf32>, vector<128x128xf32> -> vector<128x128xf32>
    %mul3A_973 = arith.constant 1.500000e+00 : f32
    %mul3A_974 = vector.broadcast %mul3A_973 : f32 to vector<128x128xf32>
    %mul3A_975 = arith.mulf %mul3A_974, %convert_element_type3A_573 : vector<128x128xf32>
    %dot_general3A_976 = arith.constant dense<0.000000e+00> : vector<128x128xf32>
    %dot_general3A_977 = tpu.matmul %dot_general3A_972, %dot_general3A_970, %dot_general3A_976 {dimension_numbers = #tpu.dot_dimension_numbers<[1], [0], [0], [1], [0, 0, 1, 1], [], []>, precision = #tpu.contract_precision<fp32>, transpose_lhs_hint = false} : vector<128x128xf32>, vector<128x128xf32>, vector<128x128xf32> -> vector<128x128xf32>
    %mul3A_978 = arith.constant 5.000000e-01 : f32
    %mul3A_979 = vector.broadcast %mul3A_978 : f32 to vector<128x128xf32>
    %mul3A_980 = arith.mulf %mul3A_979, %dot_general3A_977 : vector<128x128xf32>
    %sub3A_981 = arith.subf %mul3A_975, %mul3A_980 : vector<128x128xf32>
    %dot_general3A_982 = arith.constant dense<0.000000e+00> : vector<128x128xf32>
    %dot_general3A_983 = tpu.matmul %dot_general3A_970, %sub3A_981, %dot_general3A_982 {dimension_numbers = #tpu.dot_dimension_numbers<[1], [0], [0], [1], [0, 0, 1, 1], [], []>, precision = #tpu.contract_precision<fp32>, transpose_lhs_hint = false} : vector<128x128xf32>, vector<128x128xf32>, vector<128x128xf32> -> vector<128x128xf32>
    %dot_general3A_984 = arith.constant dense<0.000000e+00> : vector<128x128xf32>
    %dot_general3A_985 = tpu.matmul %sub3A_981, %dot_general3A_972, %dot_general3A_984 {dimension_numbers = #tpu.dot_dimension_numbers<[1], [0], [0], [1], [0, 0, 1, 1], [], []>, precision = #tpu.contract_precision<fp32>, transpose_lhs_hint = false} : vector<128x128xf32>, vector<128x128xf32>, vector<128x128xf32> -> vector<128x128xf32>
    %mul3A_986 = arith.constant 1.500000e+00 : f32
    %mul3A_987 = vector.broadcast %mul3A_986 : f32 to vector<128x128xf32>
    %mul3A_988 = arith.mulf %mul3A_987, %convert_element_type3A_573 : vector<128x128xf32>
    %dot_general3A_989 = arith.constant dense<0.000000e+00> : vector<128x128xf32>
    %dot_general3A_990 = tpu.matmul %dot_general3A_985, %dot_general3A_983, %dot_general3A_989 {dimension_numbers = #tpu.dot_dimension_numbers<[1], [0], [0], [1], [0, 0, 1, 1], [], []>, precision = #tpu.contract_precision<fp32>, transpose_lhs_hint = false} : vector<128x128xf32>, vector<128x128xf32>, vector<128x128xf32> -> vector<128x128xf32>
    %mul3A_991 = arith.constant 5.000000e-01 : f32
    %mul3A_992 = vector.broadcast %mul3A_991 : f32 to vector<128x128xf32>
    %mul3A_993 = arith.mulf %mul3A_992, %dot_general3A_990 : vector<128x128xf32>
    %sub3A_994 = arith.subf %mul3A_988, %mul3A_993 : vector<128x128xf32>
    %dot_general3A_995 = arith.constant dense<0.000000e+00> : vector<128x128xf32>
    %dot_general3A_996 = tpu.matmul %dot_general3A_983, %sub3A_994, %dot_general3A_995 {dimension_numbers = #tpu.dot_dimension_numbers<[1], [0], [0], [1], [0, 0, 1, 1], [], []>, precision = #tpu.contract_precision<fp32>, transpose_lhs_hint = false} : vector<128x128xf32>, vector<128x128xf32>, vector<128x128xf32> -> vector<128x128xf32>
    %dot_general3A_997 = arith.constant dense<0.000000e+00> : vector<128x128xf32>
    %dot_general3A_998 = tpu.matmul %sub3A_994, %dot_general3A_985, %dot_general3A_997 {dimension_numbers = #tpu.dot_dimension_numbers<[1], [0], [0], [1], [0, 0, 1, 1], [], []>, precision = #tpu.contract_precision<fp32>, transpose_lhs_hint = false} : vector<128x128xf32>, vector<128x128xf32>, vector<128x128xf32> -> vector<128x128xf32>
    %mul3A_999 = arith.constant 1.500000e+00 : f32
    %mul3A_1000 = vector.broadcast %mul3A_999 : f32 to vector<128x128xf32>
    %mul3A_1001 = arith.mulf %mul3A_1000, %convert_element_type3A_573 : vector<128x128xf32>
    %dot_general3A_1002 = arith.constant dense<0.000000e+00> : vector<128x128xf32>
    %dot_general3A_1003 = tpu.matmul %dot_general3A_998, %dot_general3A_996, %dot_general3A_1002 {dimension_numbers = #tpu.dot_dimension_numbers<[1], [0], [0], [1], [0, 0, 1, 1], [], []>, precision = #tpu.contract_precision<fp32>, transpose_lhs_hint = false} : vector<128x128xf32>, vector<128x128xf32>, vector<128x128xf32> -> vector<128x128xf32>
    %mul3A_1004 = arith.constant 5.000000e-01 : f32
    %mul3A_1005 = vector.broadcast %mul3A_1004 : f32 to vector<128x128xf32>
    %mul3A_1006 = arith.mulf %mul3A_1005, %dot_general3A_1003 : vector<128x128xf32>
    %sub3A_1007 = arith.subf %mul3A_1001, %mul3A_1006 : vector<128x128xf32>
    %dot_general3A_1008 = arith.constant dense<0.000000e+00> : vector<128x128xf32>
    %dot_general3A_1009 = tpu.matmul %dot_general3A_996, %sub3A_1007, %dot_general3A_1008 {dimension_numbers = #tpu.dot_dimension_numbers<[1], [0], [0], [1], [0, 0, 1, 1], [], []>, precision = #tpu.contract_precision<fp32>, transpose_lhs_hint = false} : vector<128x128xf32>, vector<128x128xf32>, vector<128x128xf32> -> vector<128x128xf32>
    %dot_general3A_1010 = arith.constant dense<0.000000e+00> : vector<128x128xf32>
    %dot_general3A_1011 = tpu.matmul %sub3A_1007, %dot_general3A_998, %dot_general3A_1010 {dimension_numbers = #tpu.dot_dimension_numbers<[1], [0], [0], [1], [0, 0, 1, 1], [], []>, precision = #tpu.contract_precision<fp32>, transpose_lhs_hint = false} : vector<128x128xf32>, vector<128x128xf32>, vector<128x128xf32> -> vector<128x128xf32>
    %mul3A_1012 = arith.constant 1.500000e+00 : f32
    %mul3A_1013 = vector.broadcast %mul3A_1012 : f32 to vector<128x128xf32>
    %mul3A_1014 = arith.mulf %mul3A_1013, %convert_element_type3A_573 : vector<128x128xf32>
    %dot_general3A_1015 = arith.constant dense<0.000000e+00> : vector<128x128xf32>
    %dot_general3A_1016 = tpu.matmul %dot_general3A_1011, %dot_general3A_1009, %dot_general3A_1015 {dimension_numbers = #tpu.dot_dimension_numbers<[1], [0], [0], [1], [0, 0, 1, 1], [], []>, precision = #tpu.contract_precision<fp32>, transpose_lhs_hint = false} : vector<128x128xf32>, vector<128x128xf32>, vector<128x128xf32> -> vector<128x128xf32>
    %mul3A_1017 = arith.constant 5.000000e-01 : f32
    %mul3A_1018 = vector.broadcast %mul3A_1017 : f32 to vector<128x128xf32>
    %mul3A_1019 = arith.mulf %mul3A_1018, %dot_general3A_1016 : vector<128x128xf32>
    %sub3A_1020 = arith.subf %mul3A_1014, %mul3A_1019 : vector<128x128xf32>
    %dot_general3A_1021 = arith.constant dense<0.000000e+00> : vector<128x128xf32>
    %dot_general3A_1022 = tpu.matmul %dot_general3A_1009, %sub3A_1020, %dot_general3A_1021 {dimension_numbers = #tpu.dot_dimension_numbers<[1], [0], [0], [1], [0, 0, 1, 1], [], []>, precision = #tpu.contract_precision<fp32>, transpose_lhs_hint = false} : vector<128x128xf32>, vector<128x128xf32>, vector<128x128xf32> -> vector<128x128xf32>
    %sqrt3A_1023 = math.sqrt %sqrt3A_580 : f32
    %mul3A_1024 = vector.broadcast %sqrt3A_1023 : f32 to vector<128x128xf32>
    %mul3A_1025 = arith.mulf %dot_general3A_1022, %mul3A_1024 : vector<128x128xf32>
    %mul3A_1026 = arith.mulf %mul3A_60, %convert_element_type3A_1 : vector<128x128xf32>
    %reduce_sum3A_1027 = vector.shape_cast %mul3A_1026 : vector<128x128xf32> to vector<1x128x128xf32>
    %reduce_sum3A_1028 = arith.constant dense<0.000000e+00> : vector<1xf32>
    %reduce_sum3A_1029 = vector.multi_reduction <add>, %reduce_sum3A_1027, %reduce_sum3A_1028 [1, 2] : vector<1x128x128xf32> to vector<1xf32>
    %reduce_sum3A_1030 = vector.shape_cast %reduce_sum3A_1029 : vector<1xf32> to vector<1x1x1xf32>
    %reduce_sum3A_1031 = vector.extract %reduce_sum3A_1030[0, 0, 0] : f32 from vector<1x1x1xf32>
    %mul3A_1032 = arith.mulf %mul3A_121, %convert_element_type3A_1 : vector<128x128xf32>
    %reduce_sum3A_1033 = vector.shape_cast %mul3A_1032 : vector<128x128xf32> to vector<1x128x128xf32>
    %reduce_sum3A_1034 = arith.constant dense<0.000000e+00> : vector<1xf32>
    %reduce_sum3A_1035 = vector.multi_reduction <add>, %reduce_sum3A_1033, %reduce_sum3A_1034 [1, 2] : vector<1x128x128xf32> to vector<1xf32>
    %reduce_sum3A_1036 = vector.shape_cast %reduce_sum3A_1035 : vector<1xf32> to vector<1x1x1xf32>
    %reduce_sum3A_1037 = vector.extract %reduce_sum3A_1036[0, 0, 0] : f32 from vector<1x1x1xf32>
    %add3A_1038 = arith.addf %reduce_sum3A_1031, %reduce_sum3A_1037 : f32
    %mul3A_1039 = arith.mulf %mul3A_1025, %convert_element_type3A_1 : vector<128x128xf32>
    %reduce_sum3A_1040 = vector.shape_cast %mul3A_1039 : vector<128x128xf32> to vector<1x128x128xf32>
    %reduce_sum3A_1041 = arith.constant dense<0.000000e+00> : vector<1xf32>
    %reduce_sum3A_1042 = vector.multi_reduction <add>, %reduce_sum3A_1040, %reduce_sum3A_1041 [1, 2] : vector<1x128x128xf32> to vector<1xf32>
    %reduce_sum3A_1043 = vector.shape_cast %reduce_sum3A_1042 : vector<1xf32> to vector<1x1x1xf32>
    %reduce_sum3A_1044 = vector.extract %reduce_sum3A_1043[0, 0, 0] : f32 from vector<1x1x1xf32>
    %mul3A_1045 = arith.constant 2.000000e+00 : f32
    %mul3A_1046 = arith.mulf %mul3A_1045, %reduce_sum3A_1044 : f32
    %sub3A_1047 = arith.subf %add3A_1038, %mul3A_1046 : f32
    %max3A = arith.constant 0.000000e+00 : f32
    %max3A_1048 = arith.maximumf %sub3A_1047, %max3A : f32
    %add3A_1049 = arith.addf %reduce_sum3A_127, %max3A_1048 : f32
    %get3A_1050 = arith.constant 0 : index
    %get3A_1051 = arith.constant 0 : index
    %get3A_1052 = arith.constant 0 : index
    %get3A_1053 = vector.load %arg3[%get3A_1050, %get3A_1051, %get3A_1052] : memref<128x16x128xf32, #tpu.memory_space<vmem>>, vector<128x16x128xf32>
    %broadcast_in_dim3A_1054 = vector.shape_cast %get3A_63 : vector<128x128xf32> to vector<128x1x128xf32>
    %sub3A_1055 = vector.broadcast %broadcast_in_dim3A_1054 : vector<128x1x128xf32> to vector<128x16x128xf32>
    %sub3A_1056 = arith.subf %sub3A_1055, %get3A_1053 : vector<128x16x128xf32>
    %mul3A_1057 = arith.mulf %sub3A_1056, %sub3A_1056 : vector<128x16x128xf32>
    %reduce_sum3A_1058 = arith.constant dense<0.000000e+00> : vector<128x16xf32>
    %reduce_sum3A_1059 = vector.multi_reduction <add>, %mul3A_1057, %reduce_sum3A_1058 [2] : vector<128x16x128xf32> to vector<128x16xf32>
    %neg3A = arith.constant 0.000000e+00 : f32
    %neg3A_1060 = vector.broadcast %neg3A : f32 to vector<128x16xf32>
    %neg3A_1061 = arith.subf %neg3A_1060, %reduce_sum3A_1059 : vector<128x16xf32>
    %div3A_1062 = arith.constant 1.000000e-01 : f32
    %div3A_1063 = vector.broadcast %div3A_1062 : f32 to vector<128x16xf32>
    %div3A_1064 = arith.divf %neg3A_1061, %div3A_1063 : vector<128x16xf32>
    %reduce_max3A = arith.constant dense<0xFF800000> : vector<128xf32>
    %reduce_max3A_1065 = vector.multi_reduction <maximumf>, %div3A_1064, %reduce_max3A [1] : vector<128x16xf32> to vector<128xf32>
    %broadcast_in_dim3A_1066 = vector.shape_cast %reduce_max3A_1065 : vector<128xf32> to vector<128x1xf32>
    %sub3A_1067 = vector.broadcast %broadcast_in_dim3A_1066 : vector<128x1xf32> to vector<128x16xf32>
    %sub3A_1068 = arith.subf %div3A_1064, %sub3A_1067 : vector<128x16xf32>
    %exp3A = math.exp %sub3A_1068 : vector<128x16xf32>
    %reduce_sum3A_1069 = arith.constant dense<0.000000e+00> : vector<128xf32>
    %reduce_sum3A_1070 = vector.multi_reduction <add>, %exp3A, %reduce_sum3A_1069 [1] : vector<128x16xf32> to vector<128xf32>
    %broadcast_in_dim3A_1071 = vector.shape_cast %reduce_sum3A_1070 : vector<128xf32> to vector<128x1xf32>
    %div3A_1072 = vector.broadcast %broadcast_in_dim3A_1071 : vector<128x1xf32> to vector<128x16xf32>
    %div3A_1073 = arith.divf %exp3A, %div3A_1072 : vector<128x16xf32>
    %jit3A = arith.constant 9.99999993E-9 : f32
    %max3A_1074 = vector.broadcast %jit3A : f32 to vector<128x16xf32>
    %max3A_1075 = arith.maximumf %max3A_1074, %div3A_1073 : vector<128x16xf32>
    %reduce_sum3A_1076 = arith.constant dense<0.000000e+00> : vector<128xf32>
    %reduce_sum3A_1077 = vector.multi_reduction <add>, %max3A_1075, %reduce_sum3A_1076 [1] : vector<128x16xf32> to vector<128xf32>
    %broadcast_in_dim3A_1078 = vector.shape_cast %reduce_sum3A_1077 : vector<128xf32> to vector<128x1xf32>
    %div3A_1079 = vector.broadcast %broadcast_in_dim3A_1078 : vector<128x1xf32> to vector<128x16xf32>
    %div3A_1080 = arith.divf %max3A_1075, %div3A_1079 : vector<128x16xf32>
    %get3A_1081 = arith.constant 0 : index
    %get3A_1082 = arith.constant 0 : index
    %get3A_1083 = vector.load %arg5[%get3A_1081, %get3A_1082] : memref<128x16xf32, #tpu.memory_space<vmem>>, vector<128x16xf32>
    %jit3A_1084 = arith.constant 9.99999993E-9 : f32
    %max3A_1085 = vector.broadcast %jit3A_1084 : f32 to vector<128x16xf32>
    %max3A_1086 = arith.maximumf %max3A_1085, %get3A_1083 : vector<128x16xf32>
    %reduce_sum3A_1087 = arith.constant dense<0.000000e+00> : vector<128xf32>
    %reduce_sum3A_1088 = vector.multi_reduction <add>, %max3A_1086, %reduce_sum3A_1087 [1] : vector<128x16xf32> to vector<128xf32>
    %broadcast_in_dim3A_1089 = vector.shape_cast %reduce_sum3A_1088 : vector<128xf32> to vector<128x1xf32>
    %div3A_1090 = vector.broadcast %broadcast_in_dim3A_1089 : vector<128x1xf32> to vector<128x16xf32>
    %div3A_1091 = arith.divf %max3A_1086, %div3A_1090 : vector<128x16xf32>
    %get3A_1092 = arith.constant 0 : index
    %get3A_1093 = arith.constant 0 : index
    %get3A_1094 = vector.load %arg6[%get3A_1092, %get3A_1093] : memref<128x16xi32, #tpu.memory_space<vmem>>, vector<128x16xi32>
    %iota3A_1095 = tpu.iota {dimensions = array<i32: 1>} : vector<128x16x16xi32>
    %iota3A_1096 = tpu.iota {dimensions = array<i32: 2>} : vector<128x16x16xi32>
    %broadcast_in_dim3A_1097 = vector.shape_cast %get3A_1094 : vector<128x16xi32> to vector<128x16x1xi32>
    %broadcast_in_dim3A_1098 = vector.shape_cast %get3A_1094 : vector<128x16xi32> to vector<128x1x16xi32>
    %eq3A_1099 = vector.broadcast %broadcast_in_dim3A_1097 : vector<128x16x1xi32> to vector<128x16x16xi32>
    %eq3A_1100 = vector.broadcast %broadcast_in_dim3A_1098 : vector<128x1x16xi32> to vector<128x16x16xi32>
    %eq3A_1101 = arith.cmpi eq, %eq3A_1099, %eq3A_1100 : vector<128x16x16xi32>
    %gt3A = arith.cmpi sgt, %iota3A_1096, %iota3A_1095 : vector<128x16x16xi32>
    %and3A = arith.andi %eq3A_1101, %gt3A : vector<128x16x16xi1>
    %reduce_or3A = arith.constant 1.000000e+00 : f32
    %reduce_or3A_1102 = arith.constant 0.000000e+00 : f32
    %reduce_or3A_1103 = vector.broadcast %reduce_or3A : f32 to vector<128x16x16xf32>
    %reduce_or3A_1104 = vector.broadcast %reduce_or3A_1102 : f32 to vector<128x16x16xf32>
    %reduce_or3A_1105 = arith.select %and3A, %reduce_or3A_1103, %reduce_or3A_1104 : vector<128x16x16xi1>, vector<128x16x16xf32>
    %reduce_or3A_1106 = arith.constant dense<0xFF800000> : vector<128x16xf32>
    %reduce_or3A_1107 = vector.multi_reduction <maximumf>, %reduce_or3A_1105, %reduce_or3A_1106 [2] : vector<128x16x16xf32> to vector<128x16xf32>
    %reduce_or3A_1108 = arith.constant 0.000000e+00 : f32
    %reduce_or3A_1109 = vector.broadcast %reduce_or3A_1108 : f32 to vector<128x16xf32>
    %reduce_or3A_1110 = arith.cmpf ogt, %reduce_or3A_1107, %reduce_or3A_1109 : vector<128x16xf32>
    %not3A = arith.constant dense<true> : vector<128x16xi1>
    %not3A_1111 = arith.xori %reduce_or3A_1110, %not3A : vector<128x16xi1>
    %iota3A_1112 = tpu.iota {dimensions = array<i32: 2>} : vector<128x16x32xi32>
    %broadcast_in_dim3A_1113 = vector.shape_cast %get3A_1094 : vector<128x16xi32> to vector<128x16x1xi32>
    %eq3A_1114 = vector.broadcast %broadcast_in_dim3A_1113 : vector<128x16x1xi32> to vector<128x16x32xi32>
    %eq3A_1115 = arith.cmpi eq, %eq3A_1114, %iota3A_1112 : vector<128x16x32xi32>
    %broadcast_in_dim3A_1116 = vector.shape_cast %not3A_1111 : vector<128x16xi1> to vector<128x16x1xi1>
    %and3A_1117 = vector.broadcast %broadcast_in_dim3A_1116 : vector<128x16x1xi1> to vector<128x16x32xi1>
    %and3A_1118 = arith.andi %eq3A_1115, %and3A_1117 : vector<128x16x32xi1>
    %broadcast_in_dim3A_1119 = vector.shape_cast %div3A_1091 : vector<128x16xf32> to vector<128x16x1xf32>
    %jit3A_1120 = arith.constant 0.000000e+00 : f32
    %broadcast_in_dim3A_1121 = vector.shape_cast %broadcast_in_dim3A_1119 : vector<128x16x1xf32> to vector<128x16x1xf32>
    %broadcast_in_dim3A_1122 = vector.broadcast %broadcast_in_dim3A_1121 : vector<128x16x1xf32> to vector<128x16x32xf32>
    %broadcast_in_dim3A_1123 = vector.broadcast %jit3A_1120 : f32 to vector<128x16x32xf32>
    %select_n3A = arith.select %and3A_1118, %broadcast_in_dim3A_1122, %broadcast_in_dim3A_1123 : vector<128x16x32xi1>, vector<128x16x32xf32>
    %reduce_sum3A_1124 = arith.constant dense<0.000000e+00> : vector<128x32xf32>
    %reduce_sum3A_1125 = vector.multi_reduction <add>, %select_n3A, %reduce_sum3A_1124 [1] : vector<128x16x32xf32> to vector<128x32xf32>
    %get3A_1126 = arith.constant 0 : index
    %get3A_1127 = arith.constant 0 : index
    %get3A_1128 = vector.load %arg7[%get3A_1126, %get3A_1127] : memref<128x16xi32, #tpu.memory_space<vmem>>, vector<128x16xi32>
    %broadcast_in_dim3A_1129 = vector.shape_cast %get3A_1128 : vector<128x16xi32> to vector<128x16x1xi32>
    %eq3A_1130 = vector.broadcast %broadcast_in_dim3A_1129 : vector<128x16x1xi32> to vector<128x16x32xi32>
    %eq3A_1131 = arith.cmpi eq, %eq3A_1130, %iota3A_1112 : vector<128x16x32xi32>
    %broadcast_in_dim3A_1132 = vector.shape_cast %div3A_1080 : vector<128x16xf32> to vector<128x16x1xf32>
    %jit3A_1133 = arith.constant 0.000000e+00 : f32
    %broadcast_in_dim3A_1134 = vector.shape_cast %broadcast_in_dim3A_1132 : vector<128x16x1xf32> to vector<128x16x1xf32>
    %broadcast_in_dim3A_1135 = vector.broadcast %broadcast_in_dim3A_1134 : vector<128x16x1xf32> to vector<128x16x32xf32>
    %broadcast_in_dim3A_1136 = vector.broadcast %jit3A_1133 : f32 to vector<128x16x32xf32>
    %select_n3A_1137 = arith.select %eq3A_1131, %broadcast_in_dim3A_1135, %broadcast_in_dim3A_1136 : vector<128x16x32xi1>, vector<128x16x32xf32>
    %reduce_sum3A_1138 = arith.constant dense<0.000000e+00> : vector<128x32xf32>
    %reduce_sum3A_1139 = vector.multi_reduction <add>, %select_n3A_1137, %reduce_sum3A_1138 [1] : vector<128x16x32xf32> to vector<128x32xf32>
    %convert_element_type3A_1140 = arith.truncf %reduce_sum3A_1125 : vector<128x32xf32> to vector<128x32xbf16>
    %convert_element_type3A_1141 = arith.extf %convert_element_type3A_1140 : vector<128x32xbf16> to vector<128x32xf32>
    %sub3A_1142 = arith.subf %reduce_sum3A_1125, %convert_element_type3A_1141 : vector<128x32xf32>
    %convert_element_type3A_1143 = arith.truncf %sub3A_1142 : vector<128x32xf32> to vector<128x32xbf16>
    %convert_element_type3A_1144 = arith.extf %convert_element_type3A_1143 : vector<128x32xbf16> to vector<128x32xf32>
    %sub3A_1145 = arith.subf %sub3A_1142, %convert_element_type3A_1144 : vector<128x32xf32>
    %iota3A_1146 = tpu.iota {dimensions = array<i32: 0>} : vector<128x128xi32>
    %iota3A_1147 = tpu.iota {dimensions = array<i32: 1>} : vector<128x128xi32>
    %eq3A_1148 = arith.cmpi eq, %iota3A_1146, %iota3A_1147 : vector<128x128xi32>
    %convert_element_type3A_1149 = arith.extui %eq3A_1148 : vector<128x128xi1> to vector<128x128xi32>
    %convert_element_type3A_1150 = arith.sitofp %convert_element_type3A_1149 : vector<128x128xi32> to vector<128x128xf32>
    %dot_general3A_1151 = arith.constant dense<0.000000e+00> : vector<32x128xf32>
    %dot_general3A_1152 = tpu.matmul %convert_element_type3A_1141, %convert_element_type3A_1150, %dot_general3A_1151 {dimension_numbers = #tpu.dot_dimension_numbers<[0], [0], [1], [1], [0, 1, 1, 1], [], []>, transpose_lhs_hint = false} : vector<128x32xf32>, vector<128x128xf32>, vector<32x128xf32> -> vector<32x128xf32>
    %iota3A_1153 = tpu.iota {dimensions = array<i32: 0>} : vector<128x128xi32>
    %iota3A_1154 = tpu.iota {dimensions = array<i32: 1>} : vector<128x128xi32>
    %eq3A_1155 = arith.cmpi eq, %iota3A_1153, %iota3A_1154 : vector<128x128xi32>
    %convert_element_type3A_1156 = arith.extui %eq3A_1155 : vector<128x128xi1> to vector<128x128xi32>
    %convert_element_type3A_1157 = arith.sitofp %convert_element_type3A_1156 : vector<128x128xi32> to vector<128x128xf32>
    %dot_general3A_1158 = arith.constant dense<0.000000e+00> : vector<32x128xf32>
    %dot_general3A_1159 = tpu.matmul %convert_element_type3A_1144, %convert_element_type3A_1157, %dot_general3A_1158 {dimension_numbers = #tpu.dot_dimension_numbers<[0], [0], [1], [1], [0, 1, 1, 1], [], []>, transpose_lhs_hint = false} : vector<128x32xf32>, vector<128x128xf32>, vector<32x128xf32> -> vector<32x128xf32>
    %add3A_1160 = arith.addf %dot_general3A_1152, %dot_general3A_1159 : vector<32x128xf32>
    %iota3A_1161 = tpu.iota {dimensions = array<i32: 0>} : vector<128x128xi32>
    %iota3A_1162 = tpu.iota {dimensions = array<i32: 1>} : vector<128x128xi32>
    %eq3A_1163 = arith.cmpi eq, %iota3A_1161, %iota3A_1162 : vector<128x128xi32>
    %convert_element_type3A_1164 = arith.extui %eq3A_1163 : vector<128x128xi1> to vector<128x128xi32>
    %convert_element_type3A_1165 = arith.sitofp %convert_element_type3A_1164 : vector<128x128xi32> to vector<128x128xf32>
    %dot_general3A_1166 = arith.constant dense<0.000000e+00> : vector<32x128xf32>
    %dot_general3A_1167 = tpu.matmul %sub3A_1145, %convert_element_type3A_1165, %dot_general3A_1166 {dimension_numbers = #tpu.dot_dimension_numbers<[0], [0], [1], [1], [0, 1, 1, 1], [], []>, transpose_lhs_hint = false} : vector<128x32xf32>, vector<128x128xf32>, vector<32x128xf32> -> vector<32x128xf32>
    %add3A_1168 = arith.addf %add3A_1160, %dot_general3A_1167 : vector<32x128xf32>
    %convert_element_type3A_1169 = arith.truncf %reduce_sum3A_1139 : vector<128x32xf32> to vector<128x32xbf16>
    %convert_element_type3A_1170 = arith.extf %convert_element_type3A_1169 : vector<128x32xbf16> to vector<128x32xf32>
    %sub3A_1171 = arith.subf %reduce_sum3A_1139, %convert_element_type3A_1170 : vector<128x32xf32>
    %convert_element_type3A_1172 = arith.truncf %sub3A_1171 : vector<128x32xf32> to vector<128x32xbf16>
    %convert_element_type3A_1173 = arith.extf %convert_element_type3A_1172 : vector<128x32xbf16> to vector<128x32xf32>
    %sub3A_1174 = arith.subf %sub3A_1171, %convert_element_type3A_1173 : vector<128x32xf32>
    %iota3A_1175 = tpu.iota {dimensions = array<i32: 0>} : vector<128x128xi32>
    %iota3A_1176 = tpu.iota {dimensions = array<i32: 1>} : vector<128x128xi32>
    %eq3A_1177 = arith.cmpi eq, %iota3A_1175, %iota3A_1176 : vector<128x128xi32>
    %convert_element_type3A_1178 = arith.extui %eq3A_1177 : vector<128x128xi1> to vector<128x128xi32>
    %convert_element_type3A_1179 = arith.sitofp %convert_element_type3A_1178 : vector<128x128xi32> to vector<128x128xf32>
    %dot_general3A_1180 = arith.constant dense<0.000000e+00> : vector<32x128xf32>
    %dot_general3A_1181 = tpu.matmul %convert_element_type3A_1170, %convert_element_type3A_1179, %dot_general3A_1180 {dimension_numbers = #tpu.dot_dimension_numbers<[0], [0], [1], [1], [0, 1, 1, 1], [], []>, transpose_lhs_hint = false} : vector<128x32xf32>, vector<128x128xf32>, vector<32x128xf32> -> vector<32x128xf32>
    %iota3A_1182 = tpu.iota {dimensions = array<i32: 0>} : vector<128x128xi32>
    %iota3A_1183 = tpu.iota {dimensions = array<i32: 1>} : vector<128x128xi32>
    %eq3A_1184 = arith.cmpi eq, %iota3A_1182, %iota3A_1183 : vector<128x128xi32>
    %convert_element_type3A_1185 = arith.extui %eq3A_1184 : vector<128x128xi1> to vector<128x128xi32>
    %convert_element_type3A_1186 = arith.sitofp %convert_element_type3A_1185 : vector<128x128xi32> to vector<128x128xf32>
    %dot_general3A_1187 = arith.constant dense<0.000000e+00> : vector<32x128xf32>
    %dot_general3A_1188 = tpu.matmul %convert_element_type3A_1173, %convert_element_type3A_1186, %dot_general3A_1187 {dimension_numbers = #tpu.dot_dimension_numbers<[0], [0], [1], [1], [0, 1, 1, 1], [], []>, transpose_lhs_hint = false} : vector<128x32xf32>, vector<128x128xf32>, vector<32x128xf32> -> vector<32x128xf32>
    %add3A_1189 = arith.addf %dot_general3A_1181, %dot_general3A_1188 : vector<32x128xf32>
    %iota3A_1190 = tpu.iota {dimensions = array<i32: 0>} : vector<128x128xi32>
    %iota3A_1191 = tpu.iota {dimensions = array<i32: 1>} : vector<128x128xi32>
    %eq3A_1192 = arith.cmpi eq, %iota3A_1190, %iota3A_1191 : vector<128x128xi32>
    %convert_element_type3A_1193 = arith.extui %eq3A_1192 : vector<128x128xi1> to vector<128x128xi32>
    %convert_element_type3A_1194 = arith.sitofp %convert_element_type3A_1193 : vector<128x128xi32> to vector<128x128xf32>
    %dot_general3A_1195 = arith.constant dense<0.000000e+00> : vector<32x128xf32>
    %dot_general3A_1196 = tpu.matmul %sub3A_1174, %convert_element_type3A_1194, %dot_general3A_1195 {dimension_numbers = #tpu.dot_dimension_numbers<[0], [0], [1], [1], [0, 1, 1, 1], [], []>, transpose_lhs_hint = false} : vector<128x32xf32>, vector<128x128xf32>, vector<32x128xf32> -> vector<32x128xf32>
    %add3A_1197 = arith.addf %add3A_1189, %dot_general3A_1196 : vector<32x128xf32>
    %get3A_1198 = arith.constant 0 : index
    %get3A_1199 = arith.constant 0 : index
    %get3A_1200 = arith.constant 0 : index
    %get3A_1201 = vector.load %arg4[%get3A_1198, %get3A_1199, %get3A_1200] : memref<128x32x128xf32, #tpu.memory_space<vmem>>, vector<128x1x128xf32>
    %get3A_1202 = vector.shape_cast %get3A_1201 : vector<128x1x128xf32> to vector<128x128xf32>
    %convert_element_type3A_1203 = arith.truncf %get3A_1202 : vector<128x128xf32> to vector<128x128xbf16>
    %convert_element_type3A_1204 = arith.extf %convert_element_type3A_1203 : vector<128x128xbf16> to vector<128x128xf32>
    %sub3A_1205 = arith.subf %get3A_1202, %convert_element_type3A_1204 : vector<128x128xf32>
    %convert_element_type3A_1206 = arith.truncf %sub3A_1205 : vector<128x128xf32> to vector<128x128xbf16>
    %convert_element_type3A_1207 = arith.extf %convert_element_type3A_1206 : vector<128x128xbf16> to vector<128x128xf32>
    %sub3A_1208 = arith.subf %sub3A_1205, %convert_element_type3A_1207 : vector<128x128xf32>
    %iota3A_1209 = tpu.iota {dimensions = array<i32: 0>} : vector<128x128xi32>
    %iota3A_1210 = tpu.iota {dimensions = array<i32: 1>} : vector<128x128xi32>
    %eq3A_1211 = arith.cmpi eq, %iota3A_1209, %iota3A_1210 : vector<128x128xi32>
    %convert_element_type3A_1212 = arith.extui %eq3A_1211 : vector<128x128xi1> to vector<128x128xi32>
    %convert_element_type3A_1213 = arith.sitofp %convert_element_type3A_1212 : vector<128x128xi32> to vector<128x128xf32>
    %dot_general3A_1214 = arith.constant dense<0.000000e+00> : vector<128x128xf32>
    %dot_general3A_1215 = tpu.matmul %convert_element_type3A_1204, %convert_element_type3A_1213, %dot_general3A_1214 {dimension_numbers = #tpu.dot_dimension_numbers<[0], [0], [1], [1], [0, 1, 1, 1], [], []>, transpose_lhs_hint = false} : vector<128x128xf32>, vector<128x128xf32>, vector<128x128xf32> -> vector<128x128xf32>
    %iota3A_1216 = tpu.iota {dimensions = array<i32: 0>} : vector<128x128xi32>
    %iota3A_1217 = tpu.iota {dimensions = array<i32: 1>} : vector<128x128xi32>
    %eq3A_1218 = arith.cmpi eq, %iota3A_1216, %iota3A_1217 : vector<128x128xi32>
    %convert_element_type3A_1219 = arith.extui %eq3A_1218 : vector<128x128xi1> to vector<128x128xi32>
    %convert_element_type3A_1220 = arith.sitofp %convert_element_type3A_1219 : vector<128x128xi32> to vector<128x128xf32>
    %dot_general3A_1221 = arith.constant dense<0.000000e+00> : vector<128x128xf32>
    %dot_general3A_1222 = tpu.matmul %convert_element_type3A_1207, %convert_element_type3A_1220, %dot_general3A_1221 {dimension_numbers = #tpu.dot_dimension_numbers<[0], [0], [1], [1], [0, 1, 1, 1], [], []>, transpose_lhs_hint = false} : vector<128x128xf32>, vector<128x128xf32>, vector<128x128xf32> -> vector<128x128xf32>
    %add3A_1223 = arith.addf %dot_general3A_1215, %dot_general3A_1222 : vector<128x128xf32>
    %iota3A_1224 = tpu.iota {dimensions = array<i32: 0>} : vector<128x128xi32>
    %iota3A_1225 = tpu.iota {dimensions = array<i32: 1>} : vector<128x128xi32>
    %eq3A_1226 = arith.cmpi eq, %iota3A_1224, %iota3A_1225 : vector<128x128xi32>
    %convert_element_type3A_1227 = arith.extui %eq3A_1226 : vector<128x128xi1> to vector<128x128xi32>
    %convert_element_type3A_1228 = arith.sitofp %convert_element_type3A_1227 : vector<128x128xi32> to vector<128x128xf32>
    %dot_general3A_1229 = arith.constant dense<0.000000e+00> : vector<128x128xf32>
    %dot_general3A_1230 = tpu.matmul %sub3A_1208, %convert_element_type3A_1228, %dot_general3A_1229 {dimension_numbers = #tpu.dot_dimension_numbers<[0], [0], [1], [1], [0, 1, 1, 1], [], []>, transpose_lhs_hint = false} : vector<128x128xf32>, vector<128x128xf32>, vector<128x128xf32> -> vector<128x128xf32>
    %add3A_1231 = arith.addf %add3A_1223, %dot_general3A_1230 : vector<128x128xf32>
    %swap3A = arith.constant 0 : index
    %swap3A_1232 = arith.constant 0 : index
    %swap3A_1233 = arith.constant 0 : index
    %swap3A_1234 = vector.load %arg15[%swap3A, %swap3A_1232, %swap3A_1233] : memref<32x128x128xf32, #tpu.memory_space<vmem>>, vector<1x128x128xf32>
    %swap3A_1235 = vector.shape_cast %swap3A_1234 : vector<1x128x128xf32> to vector<128x128xf32>
    %swap3A_1236 = vector.shape_cast %add3A_1231 : vector<128x128xf32> to vector<1x128x128xf32>
    tpu.vector_store %arg15[%swap3A, %swap3A_1232, %swap3A_1233], %swap3A_1236 {strides = array<i32>} : memref<32x128x128xf32, #tpu.memory_space<vmem>>, vector<1x128x128xf32>,
    %get3A_1237 = arith.constant 0 : index
    %get3A_1238 = arith.constant 1 : index
    %get3A_1239 = arith.constant 0 : index
    %get3A_1240 = vector.load %arg4[%get3A_1237, %get3A_1238, %get3A_1239] : memref<128x32x128xf32, #tpu.memory_space<vmem>>, vector<128x1x128xf32>
    %get3A_1241 = vector.shape_cast %get3A_1240 : vector<128x1x128xf32> to vector<128x128xf32>
    %convert_element_type3A_1242 = arith.truncf %get3A_1241 : vector<128x128xf32> to vector<128x128xbf16>
    %convert_element_type3A_1243 = arith.extf %convert_element_type3A_1242 : vector<128x128xbf16> to vector<128x128xf32>
    %sub3A_1244 = arith.subf %get3A_1241, %convert_element_type3A_1243 : vector<128x128xf32>
    %convert_element_type3A_1245 = arith.truncf %sub3A_1244 : vector<128x128xf32> to vector<128x128xbf16>
    %convert_element_type3A_1246 = arith.extf %convert_element_type3A_1245 : vector<128x128xbf16> to vector<128x128xf32>
    %sub3A_1247 = arith.subf %sub3A_1244, %convert_element_type3A_1246 : vector<128x128xf32>
    %iota3A_1248 = tpu.iota {dimensions = array<i32: 0>} : vector<128x128xi32>
    %iota3A_1249 = tpu.iota {dimensions = array<i32: 1>} : vector<128x128xi32>
    %eq3A_1250 = arith.cmpi eq, %iota3A_1248, %iota3A_1249 : vector<128x128xi32>
    %convert_element_type3A_1251 = arith.extui %eq3A_1250 : vector<128x128xi1> to vector<128x128xi32>
    %convert_element_type3A_1252 = arith.sitofp %convert_element_type3A_1251 : vector<128x128xi32> to vector<128x128xf32>
    %dot_general3A_1253 = arith.constant dense<0.000000e+00> : vector<128x128xf32>
    %dot_general3A_1254 = tpu.matmul %convert_element_type3A_1243, %convert_element_type3A_1252, %dot_general3A_1253 {dimension_numbers = #tpu.dot_dimension_numbers<[0], [0], [1], [1], [0, 1, 1, 1], [], []>, transpose_lhs_hint = false} : vector<128x128xf32>, vector<128x128xf32>, vector<128x128xf32> -> vector<128x128xf32>
    %iota3A_1255 = tpu.iota {dimensions = array<i32: 0>} : vector<128x128xi32>
    %iota3A_1256 = tpu.iota {dimensions = array<i32: 1>} : vector<128x128xi32>
    %eq3A_1257 = arith.cmpi eq, %iota3A_1255, %iota3A_1256 : vector<128x128xi32>
    %convert_element_type3A_1258 = arith.extui %eq3A_1257 : vector<128x128xi1> to vector<128x128xi32>
    %convert_element_type3A_1259 = arith.sitofp %convert_element_type3A_1258 : vector<128x128xi32> to vector<128x128xf32>
    %dot_general3A_1260 = arith.constant dense<0.000000e+00> : vector<128x128xf32>
    %dot_general3A_1261 = tpu.matmul %convert_element_type3A_1246, %convert_element_type3A_1259, %dot_general3A_1260 {dimension_numbers = #tpu.dot_dimension_numbers<[0], [0], [1], [1], [0, 1, 1, 1], [], []>, transpose_lhs_hint = false} : vector<128x128xf32>, vector<128x128xf32>, vector<128x128xf32> -> vector<128x128xf32>
    %add3A_1262 = arith.addf %dot_general3A_1254, %dot_general3A_1261 : vector<128x128xf32>
    %iota3A_1263 = tpu.iota {dimensions = array<i32: 0>} : vector<128x128xi32>
    %iota3A_1264 = tpu.iota {dimensions = array<i32: 1>} : vector<128x128xi32>
    %eq3A_1265 = arith.cmpi eq, %iota3A_1263, %iota3A_1264 : vector<128x128xi32>
    %convert_element_type3A_1266 = arith.extui %eq3A_1265 : vector<128x128xi1> to vector<128x128xi32>
    %convert_element_type3A_1267 = arith.sitofp %convert_element_type3A_1266 : vector<128x128xi32> to vector<128x128xf32>
    %dot_general3A_1268 = arith.constant dense<0.000000e+00> : vector<128x128xf32>
    %dot_general3A_1269 = tpu.matmul %sub3A_1247, %convert_element_type3A_1267, %dot_general3A_1268 {dimension_numbers = #tpu.dot_dimension_numbers<[0], [0], [1], [1], [0, 1, 1, 1], [], []>, transpose_lhs_hint = false} : vector<128x128xf32>, vector<128x128xf32>, vector<128x128xf32> -> vector<128x128xf32>
    %add3A_1270 = arith.addf %add3A_1262, %dot_general3A_1269 : vector<128x128xf32>
    %swap3A_1271 = arith.constant 1 : index
    %swap3A_1272 = arith.constant 0 : index
    %swap3A_1273 = arith.constant 0 : index
    %swap3A_1274 = vector.load %arg15[%swap3A_1271, %swap3A_1272, %swap3A_1273] : memref<32x128x128xf32, #tpu.memory_space<vmem>>, vector<1x128x128xf32>
    %swap3A_1275 = vector.shape_cast %swap3A_1274 : vector<1x128x128xf32> to vector<128x128xf32>
    %swap3A_1276 = vector.shape_cast %add3A_1270 : vector<128x128xf32> to vector<1x128x128xf32>
    tpu.vector_store %arg15[%swap3A_1271, %swap3A_1272, %swap3A_1273], %swap3A_1276 {strides = array<i32>} : memref<32x128x128xf32, #tpu.memory_space<vmem>>, vector<1x128x128xf32>,
    %get3A_1277 = arith.constant 0 : index
    %get3A_1278 = arith.constant 2 : index
    %get3A_1279 = arith.constant 0 : index
    %get3A_1280 = vector.load %arg4[%get3A_1277, %get3A_1278, %get3A_1279] : memref<128x32x128xf32, #tpu.memory_space<vmem>>, vector<128x1x128xf32>
    %get3A_1281 = vector.shape_cast %get3A_1280 : vector<128x1x128xf32> to vector<128x128xf32>
    %convert_element_type3A_1282 = arith.truncf %get3A_1281 : vector<128x128xf32> to vector<128x128xbf16>
    %convert_element_type3A_1283 = arith.extf %convert_element_type3A_1282 : vector<128x128xbf16> to vector<128x128xf32>
    %sub3A_1284 = arith.subf %get3A_1281, %convert_element_type3A_1283 : vector<128x128xf32>
    %convert_element_type3A_1285 = arith.truncf %sub3A_1284 : vector<128x128xf32> to vector<128x128xbf16>
    %convert_element_type3A_1286 = arith.extf %convert_element_type3A_1285 : vector<128x128xbf16> to vector<128x128xf32>
    %sub3A_1287 = arith.subf %sub3A_1284, %convert_element_type3A_1286 : vector<128x128xf32>
    %iota3A_1288 = tpu.iota {dimensions = array<i32: 0>} : vector<128x128xi32>
    %iota3A_1289 = tpu.iota {dimensions = array<i32: 1>} : vector<128x128xi32>
    %eq3A_1290 = arith.cmpi eq, %iota3A_1288, %iota3A_1289 : vector<128x128xi32>
    %convert_element_type3A_1291 = arith.extui %eq3A_1290 : vector<128x128xi1> to vector<128x128xi32>
    %convert_element_type3A_1292 = arith.sitofp %convert_element_type3A_1291 : vector<128x128xi32> to vector<128x128xf32>
    %dot_general3A_1293 = arith.constant dense<0.000000e+00> : vector<128x128xf32>
    %dot_general3A_1294 = tpu.matmul %convert_element_type3A_1283, %convert_element_type3A_1292, %dot_general3A_1293 {dimension_numbers = #tpu.dot_dimension_numbers<[0], [0], [1], [1], [0, 1, 1, 1], [], []>, transpose_lhs_hint = false} : vector<128x128xf32>, vector<128x128xf32>, vector<128x128xf32> -> vector<128x128xf32>
    %iota3A_1295 = tpu.iota {dimensions = array<i32: 0>} : vector<128x128xi32>
    %iota3A_1296 = tpu.iota {dimensions = array<i32: 1>} : vector<128x128xi32>
    %eq3A_1297 = arith.cmpi eq, %iota3A_1295, %iota3A_1296 : vector<128x128xi32>
    %convert_element_type3A_1298 = arith.extui %eq3A_1297 : vector<128x128xi1> to vector<128x128xi32>
    %convert_element_type3A_1299 = arith.sitofp %convert_element_type3A_1298 : vector<128x128xi32> to vector<128x128xf32>
    %dot_general3A_1300 = arith.constant dense<0.000000e+00> : vector<128x128xf32>
    %dot_general3A_1301 = tpu.matmul %convert_element_type3A_1286, %convert_element_type3A_1299, %dot_general3A_1300 {dimension_numbers = #tpu.dot_dimension_numbers<[0], [0], [1], [1], [0, 1, 1, 1], [], []>, transpose_lhs_hint = false} : vector<128x128xf32>, vector<128x128xf32>, vector<128x128xf32> -> vector<128x128xf32>
    %add3A_1302 = arith.addf %dot_general3A_1294, %dot_general3A_1301 : vector<128x128xf32>
    %iota3A_1303 = tpu.iota {dimensions = array<i32: 0>} : vector<128x128xi32>
    %iota3A_1304 = tpu.iota {dimensions = array<i32: 1>} : vector<128x128xi32>
    %eq3A_1305 = arith.cmpi eq, %iota3A_1303, %iota3A_1304 : vector<128x128xi32>
    %convert_element_type3A_1306 = arith.extui %eq3A_1305 : vector<128x128xi1> to vector<128x128xi32>
    %convert_element_type3A_1307 = arith.sitofp %convert_element_type3A_1306 : vector<128x128xi32> to vector<128x128xf32>
    %dot_general3A_1308 = arith.constant dense<0.000000e+00> : vector<128x128xf32>
    %dot_general3A_1309 = tpu.matmul %sub3A_1287, %convert_element_type3A_1307, %dot_general3A_1308 {dimension_numbers = #tpu.dot_dimension_numbers<[0], [0], [1], [1], [0, 1, 1, 1], [], []>, transpose_lhs_hint = false} : vector<128x128xf32>, vector<128x128xf32>, vector<128x128xf32> -> vector<128x128xf32>
    %add3A_1310 = arith.addf %add3A_1302, %dot_general3A_1309 : vector<128x128xf32>
    %swap3A_1311 = arith.constant 2 : index
    %swap3A_1312 = arith.constant 0 : index
    %swap3A_1313 = arith.constant 0 : index
    %swap3A_1314 = vector.load %arg15[%swap3A_1311, %swap3A_1312, %swap3A_1313] : memref<32x128x128xf32, #tpu.memory_space<vmem>>, vector<1x128x128xf32>
    %swap3A_1315 = vector.shape_cast %swap3A_1314 : vector<1x128x128xf32> to vector<128x128xf32>
    %swap3A_1316 = vector.shape_cast %add3A_1310 : vector<128x128xf32> to vector<1x128x128xf32>
    tpu.vector_store %arg15[%swap3A_1311, %swap3A_1312, %swap3A_1313], %swap3A_1316 {strides = array<i32>} : memref<32x128x128xf32, #tpu.memory_space<vmem>>, vector<1x128x128xf32>,
    %get3A_1317 = arith.constant 0 : index
    %get3A_1318 = arith.constant 3 : index
    %get3A_1319 = arith.constant 0 : index
    %get3A_1320 = vector.load %arg4[%get3A_1317, %get3A_1318, %get3A_1319] : memref<128x32x128xf32, #tpu.memory_space<vmem>>, vector<128x1x128xf32>
    %get3A_1321 = vector.shape_cast %get3A_1320 : vector<128x1x128xf32> to vector<128x128xf32>
    %convert_element_type3A_1322 = arith.truncf %get3A_1321 : vector<128x128xf32> to vector<128x128xbf16>
    %convert_element_type3A_1323 = arith.extf %convert_element_type3A_1322 : vector<128x128xbf16> to vector<128x128xf32>
    %sub3A_1324 = arith.subf %get3A_1321, %convert_element_type3A_1323 : vector<128x128xf32>
    %convert_element_type3A_1325 = arith.truncf %sub3A_1324 : vector<128x128xf32> to vector<128x128xbf16>
    %convert_element_type3A_1326 = arith.extf %convert_element_type3A_1325 : vector<128x128xbf16> to vector<128x128xf32>
    %sub3A_1327 = arith.subf %sub3A_1324, %convert_element_type3A_1326 : vector<128x128xf32>
    %iota3A_1328 = tpu.iota {dimensions = array<i32: 0>} : vector<128x128xi32>
    %iota3A_1329 = tpu.iota {dimensions = array<i32: 1>} : vector<128x128xi32>
    %eq3A_1330 = arith.cmpi eq, %iota3A_1328, %iota3A_1329 : vector<128x128xi32>
    %convert_element_type3A_1331 = arith.extui %eq3A_1330 : vector<128x128xi1> to vector<128x128xi32>
    %convert_element_type3A_1332 = arith.sitofp %convert_element_type3A_1331 : vector<128x128xi32> to vector<128x128xf32>
    %dot_general3A_1333 = arith.constant dense<0.000000e+00> : vector<128x128xf32>
    %dot_general3A_1334 = tpu.matmul %convert_element_type3A_1323, %convert_element_type3A_1332, %dot_general3A_1333 {dimension_numbers = #tpu.dot_dimension_numbers<[0], [0], [1], [1], [0, 1, 1, 1], [], []>, transpose_lhs_hint = false} : vector<128x128xf32>, vector<128x128xf32>, vector<128x128xf32> -> vector<128x128xf32>
    %iota3A_1335 = tpu.iota {dimensions = array<i32: 0>} : vector<128x128xi32>
    %iota3A_1336 = tpu.iota {dimensions = array<i32: 1>} : vector<128x128xi32>
    %eq3A_1337 = arith.cmpi eq, %iota3A_1335, %iota3A_1336 : vector<128x128xi32>
    %convert_element_type3A_1338 = arith.extui %eq3A_1337 : vector<128x128xi1> to vector<128x128xi32>
    %convert_element_type3A_1339 = arith.sitofp %convert_element_type3A_1338 : vector<128x128xi32> to vector<128x128xf32>
    %dot_general3A_1340 = arith.constant dense<0.000000e+00> : vector<128x128xf32>
    %dot_general3A_1341 = tpu.matmul %convert_element_type3A_1326, %convert_element_type3A_1339, %dot_general3A_1340 {dimension_numbers = #tpu.dot_dimension_numbers<[0], [0], [1], [1], [0, 1, 1, 1], [], []>, transpose_lhs_hint = false} : vector<128x128xf32>, vector<128x128xf32>, vector<128x128xf32> -> vector<128x128xf32>
    %add3A_1342 = arith.addf %dot_general3A_1334, %dot_general3A_1341 : vector<128x128xf32>
    %iota3A_1343 = tpu.iota {dimensions = array<i32: 0>} : vector<128x128xi32>
    %iota3A_1344 = tpu.iota {dimensions = array<i32: 1>} : vector<128x128xi32>
    %eq3A_1345 = arith.cmpi eq, %iota3A_1343, %iota3A_1344 : vector<128x128xi32>
    %convert_element_type3A_1346 = arith.extui %eq3A_1345 : vector<128x128xi1> to vector<128x128xi32>
    %convert_element_type3A_1347 = arith.sitofp %convert_element_type3A_1346 : vector<128x128xi32> to vector<128x128xf32>
    %dot_general3A_1348 = arith.constant dense<0.000000e+00> : vector<128x128xf32>
    %dot_general3A_1349 = tpu.matmul %sub3A_1327, %convert_element_type3A_1347, %dot_general3A_1348 {dimension_numbers = #tpu.dot_dimension_numbers<[0], [0], [1], [1], [0, 1, 1, 1], [], []>, transpose_lhs_hint = false} : vector<128x128xf32>, vector<128x128xf32>, vector<128x128xf32> -> vector<128x128xf32>
    %add3A_1350 = arith.addf %add3A_1342, %dot_general3A_1349 : vector<128x128xf32>
    %swap3A_1351 = arith.constant 3 : index
    %swap3A_1352 = arith.constant 0 : index
    %swap3A_1353 = arith.constant 0 : index
    %swap3A_1354 = vector.load %arg15[%swap3A_1351, %swap3A_1352, %swap3A_1353] : memref<32x128x128xf32, #tpu.memory_space<vmem>>, vector<1x128x128xf32>
    %swap3A_1355 = vector.shape_cast %swap3A_1354 : vector<1x128x128xf32> to vector<128x128xf32>
    %swap3A_1356 = vector.shape_cast %add3A_1350 : vector<128x128xf32> to vector<1x128x128xf32>
    tpu.vector_store %arg15[%swap3A_1351, %swap3A_1352, %swap3A_1353], %swap3A_1356 {strides = array<i32>} : memref<32x128x128xf32, #tpu.memory_space<vmem>>, vector<1x128x128xf32>,
    %get3A_1357 = arith.constant 0 : index
    %get3A_1358 = arith.constant 4 : index
    %get3A_1359 = arith.constant 0 : index
    %get3A_1360 = vector.load %arg4[%get3A_1357, %get3A_1358, %get3A_1359] : memref<128x32x128xf32, #tpu.memory_space<vmem>>, vector<128x1x128xf32>
    %get3A_1361 = vector.shape_cast %get3A_1360 : vector<128x1x128xf32> to vector<128x128xf32>
    %convert_element_type3A_1362 = arith.truncf %get3A_1361 : vector<128x128xf32> to vector<128x128xbf16>
    %convert_element_type3A_1363 = arith.extf %convert_element_type3A_1362 : vector<128x128xbf16> to vector<128x128xf32>
    %sub3A_1364 = arith.subf %get3A_1361, %convert_element_type3A_1363 : vector<128x128xf32>
    %convert_element_type3A_1365 = arith.truncf %sub3A_1364 : vector<128x128xf32> to vector<128x128xbf16>
    %convert_element_type3A_1366 = arith.extf %convert_element_type3A_1365 : vector<128x128xbf16> to vector<128x128xf32>
    %sub3A_1367 = arith.subf %sub3A_1364, %convert_element_type3A_1366 : vector<128x128xf32>
    %iota3A_1368 = tpu.iota {dimensions = array<i32: 0>} : vector<128x128xi32>
    %iota3A_1369 = tpu.iota {dimensions = array<i32: 1>} : vector<128x128xi32>
    %eq3A_1370 = arith.cmpi eq, %iota3A_1368, %iota3A_1369 : vector<128x128xi32>
    %convert_element_type3A_1371 = arith.extui %eq3A_1370 : vector<128x128xi1> to vector<128x128xi32>
    %convert_element_type3A_1372 = arith.sitofp %convert_element_type3A_1371 : vector<128x128xi32> to vector<128x128xf32>
    %dot_general3A_1373 = arith.constant dense<0.000000e+00> : vector<128x128xf32>
    %dot_general3A_1374 = tpu.matmul %convert_element_type3A_1363, %convert_element_type3A_1372, %dot_general3A_1373 {dimension_numbers = #tpu.dot_dimension_numbers<[0], [0], [1], [1], [0, 1, 1, 1], [], []>, transpose_lhs_hint = false} : vector<128x128xf32>, vector<128x128xf32>, vector<128x128xf32> -> vector<128x128xf32>
    %iota3A_1375 = tpu.iota {dimensions = array<i32: 0>} : vector<128x128xi32>
    %iota3A_1376 = tpu.iota {dimensions = array<i32: 1>} : vector<128x128xi32>
    %eq3A_1377 = arith.cmpi eq, %iota3A_1375, %iota3A_1376 : vector<128x128xi32>
    %convert_element_type3A_1378 = arith.extui %eq3A_1377 : vector<128x128xi1> to vector<128x128xi32>
    %convert_element_type3A_1379 = arith.sitofp %convert_element_type3A_1378 : vector<128x128xi32> to vector<128x128xf32>
    %dot_general3A_1380 = arith.constant dense<0.000000e+00> : vector<128x128xf32>
    %dot_general3A_1381 = tpu.matmul %convert_element_type3A_1366, %convert_element_type3A_1379, %dot_general3A_1380 {dimension_numbers = #tpu.dot_dimension_numbers<[0], [0], [1], [1], [0, 1, 1, 1], [], []>, transpose_lhs_hint = false} : vector<128x128xf32>, vector<128x128xf32>, vector<128x128xf32> -> vector<128x128xf32>
    %add3A_1382 = arith.addf %dot_general3A_1374, %dot_general3A_1381 : vector<128x128xf32>
    %iota3A_1383 = tpu.iota {dimensions = array<i32: 0>} : vector<128x128xi32>
    %iota3A_1384 = tpu.iota {dimensions = array<i32: 1>} : vector<128x128xi32>
    %eq3A_1385 = arith.cmpi eq, %iota3A_1383, %iota3A_1384 : vector<128x128xi32>
    %convert_element_type3A_1386 = arith.extui %eq3A_1385 : vector<128x128xi1> to vector<128x128xi32>
    %convert_element_type3A_1387 = arith.sitofp %convert_element_type3A_1386 : vector<128x128xi32> to vector<128x128xf32>
    %dot_general3A_1388 = arith.constant dense<0.000000e+00> : vector<128x128xf32>
    %dot_general3A_1389 = tpu.matmul %sub3A_1367, %convert_element_type3A_1387, %dot_general3A_1388 {dimension_numbers = #tpu.dot_dimension_numbers<[0], [0], [1], [1], [0, 1, 1, 1], [], []>, transpose_lhs_hint = false} : vector<128x128xf32>, vector<128x128xf32>, vector<128x128xf32> -> vector<128x128xf32>
    %add3A_1390 = arith.addf %add3A_1382, %dot_general3A_1389 : vector<128x128xf32>
    %swap3A_1391 = arith.constant 4 : index
    %swap3A_1392 = arith.constant 0 : index
    %swap3A_1393 = arith.constant 0 : index
    %swap3A_1394 = vector.load %arg15[%swap3A_1391, %swap3A_1392, %swap3A_1393] : memref<32x128x128xf32, #tpu.memory_space<vmem>>, vector<1x128x128xf32>
    %swap3A_1395 = vector.shape_cast %swap3A_1394 : vector<1x128x128xf32> to vector<128x128xf32>
    %swap3A_1396 = vector.shape_cast %add3A_1390 : vector<128x128xf32> to vector<1x128x128xf32>
    tpu.vector_store %arg15[%swap3A_1391, %swap3A_1392, %swap3A_1393], %swap3A_1396 {strides = array<i32>} : memref<32x128x128xf32, #tpu.memory_space<vmem>>, vector<1x128x128xf32>,
    %get3A_1397 = arith.constant 0 : index
    %get3A_1398 = arith.constant 5 : index
    %get3A_1399 = arith.constant 0 : index
    %get3A_1400 = vector.load %arg4[%get3A_1397, %get3A_1398, %get3A_1399] : memref<128x32x128xf32, #tpu.memory_space<vmem>>, vector<128x1x128xf32>
    %get3A_1401 = vector.shape_cast %get3A_1400 : vector<128x1x128xf32> to vector<128x128xf32>
    %convert_element_type3A_1402 = arith.truncf %get3A_1401 : vector<128x128xf32> to vector<128x128xbf16>
    %convert_element_type3A_1403 = arith.extf %convert_element_type3A_1402 : vector<128x128xbf16> to vector<128x128xf32>
    %sub3A_1404 = arith.subf %get3A_1401, %convert_element_type3A_1403 : vector<128x128xf32>
    %convert_element_type3A_1405 = arith.truncf %sub3A_1404 : vector<128x128xf32> to vector<128x128xbf16>
    %convert_element_type3A_1406 = arith.extf %convert_element_type3A_1405 : vector<128x128xbf16> to vector<128x128xf32>
    %sub3A_1407 = arith.subf %sub3A_1404, %convert_element_type3A_1406 : vector<128x128xf32>
    %iota3A_1408 = tpu.iota {dimensions = array<i32: 0>} : vector<128x128xi32>
    %iota3A_1409 = tpu.iota {dimensions = array<i32: 1>} : vector<128x128xi32>
    %eq3A_1410 = arith.cmpi eq, %iota3A_1408, %iota3A_1409 : vector<128x128xi32>
    %convert_element_type3A_1411 = arith.extui %eq3A_1410 : vector<128x128xi1> to vector<128x128xi32>
    %convert_element_type3A_1412 = arith.sitofp %convert_element_type3A_1411 : vector<128x128xi32> to vector<128x128xf32>
    %dot_general3A_1413 = arith.constant dense<0.000000e+00> : vector<128x128xf32>
    %dot_general3A_1414 = tpu.matmul %convert_element_type3A_1403, %convert_element_type3A_1412, %dot_general3A_1413 {dimension_numbers = #tpu.dot_dimension_numbers<[0], [0], [1], [1], [0, 1, 1, 1], [], []>, transpose_lhs_hint = false} : vector<128x128xf32>, vector<128x128xf32>, vector<128x128xf32> -> vector<128x128xf32>
    %iota3A_1415 = tpu.iota {dimensions = array<i32: 0>} : vector<128x128xi32>
    %iota3A_1416 = tpu.iota {dimensions = array<i32: 1>} : vector<128x128xi32>
    %eq3A_1417 = arith.cmpi eq, %iota3A_1415, %iota3A_1416 : vector<128x128xi32>
    %convert_element_type3A_1418 = arith.extui %eq3A_1417 : vector<128x128xi1> to vector<128x128xi32>
    %convert_element_type3A_1419 = arith.sitofp %convert_element_type3A_1418 : vector<128x128xi32> to vector<128x128xf32>
    %dot_general3A_1420 = arith.constant dense<0.000000e+00> : vector<128x128xf32>
    %dot_general3A_1421 = tpu.matmul %convert_element_type3A_1406, %convert_element_type3A_1419, %dot_general3A_1420 {dimension_numbers = #tpu.dot_dimension_numbers<[0], [0], [1], [1], [0, 1, 1, 1], [], []>, transpose_lhs_hint = false} : vector<128x128xf32>, vector<128x128xf32>, vector<128x128xf32> -> vector<128x128xf32>
    %add3A_1422 = arith.addf %dot_general3A_1414, %dot_general3A_1421 : vector<128x128xf32>
    %iota3A_1423 = tpu.iota {dimensions = array<i32: 0>} : vector<128x128xi32>
    %iota3A_1424 = tpu.iota {dimensions = array<i32: 1>} : vector<128x128xi32>
    %eq3A_1425 = arith.cmpi eq, %iota3A_1423, %iota3A_1424 : vector<128x128xi32>
    %convert_element_type3A_1426 = arith.extui %eq3A_1425 : vector<128x128xi1> to vector<128x128xi32>
    %convert_element_type3A_1427 = arith.sitofp %convert_element_type3A_1426 : vector<128x128xi32> to vector<128x128xf32>
    %dot_general3A_1428 = arith.constant dense<0.000000e+00> : vector<128x128xf32>
    %dot_general3A_1429 = tpu.matmul %sub3A_1407, %convert_element_type3A_1427, %dot_general3A_1428 {dimension_numbers = #tpu.dot_dimension_numbers<[0], [0], [1], [1], [0, 1, 1, 1], [], []>, transpose_lhs_hint = false} : vector<128x128xf32>, vector<128x128xf32>, vector<128x128xf32> -> vector<128x128xf32>
    %add3A_1430 = arith.addf %add3A_1422, %dot_general3A_1429 : vector<128x128xf32>
    %swap3A_1431 = arith.constant 5 : index
    %swap3A_1432 = arith.constant 0 : index
    %swap3A_1433 = arith.constant 0 : index
    %swap3A_1434 = vector.load %arg15[%swap3A_1431, %swap3A_1432, %swap3A_1433] : memref<32x128x128xf32, #tpu.memory_space<vmem>>, vector<1x128x128xf32>
    %swap3A_1435 = vector.shape_cast %swap3A_1434 : vector<1x128x128xf32> to vector<128x128xf32>
    %swap3A_1436 = vector.shape_cast %add3A_1430 : vector<128x128xf32> to vector<1x128x128xf32>
    tpu.vector_store %arg15[%swap3A_1431, %swap3A_1432, %swap3A_1433], %swap3A_1436 {strides = array<i32>} : memref<32x128x128xf32, #tpu.memory_space<vmem>>, vector<1x128x128xf32>,
    %get3A_1437 = arith.constant 0 : index
    %get3A_1438 = arith.constant 6 : index
    %get3A_1439 = arith.constant 0 : index
    %get3A_1440 = vector.load %arg4[%get3A_1437, %get3A_1438, %get3A_1439] : memref<128x32x128xf32, #tpu.memory_space<vmem>>, vector<128x1x128xf32>
    %get3A_1441 = vector.shape_cast %get3A_1440 : vector<128x1x128xf32> to vector<128x128xf32>
    %convert_element_type3A_1442 = arith.truncf %get3A_1441 : vector<128x128xf32> to vector<128x128xbf16>
    %convert_element_type3A_1443 = arith.extf %convert_element_type3A_1442 : vector<128x128xbf16> to vector<128x128xf32>
    %sub3A_1444 = arith.subf %get3A_1441, %convert_element_type3A_1443 : vector<128x128xf32>
    %convert_element_type3A_1445 = arith.truncf %sub3A_1444 : vector<128x128xf32> to vector<128x128xbf16>
    %convert_element_type3A_1446 = arith.extf %convert_element_type3A_1445 : vector<128x128xbf16> to vector<128x128xf32>
    %sub3A_1447 = arith.subf %sub3A_1444, %convert_element_type3A_1446 : vector<128x128xf32>
    %iota3A_1448 = tpu.iota {dimensions = array<i32: 0>} : vector<128x128xi32>
    %iota3A_1449 = tpu.iota {dimensions = array<i32: 1>} : vector<128x128xi32>
    %eq3A_1450 = arith.cmpi eq, %iota3A_1448, %iota3A_1449 : vector<128x128xi32>
    %convert_element_type3A_1451 = arith.extui %eq3A_1450 : vector<128x128xi1> to vector<128x128xi32>
    %convert_element_type3A_1452 = arith.sitofp %convert_element_type3A_1451 : vector<128x128xi32> to vector<128x128xf32>
    %dot_general3A_1453 = arith.constant dense<0.000000e+00> : vector<128x128xf32>
    %dot_general3A_1454 = tpu.matmul %convert_element_type3A_1443, %convert_element_type3A_1452, %dot_general3A_1453 {dimension_numbers = #tpu.dot_dimension_numbers<[0], [0], [1], [1], [0, 1, 1, 1], [], []>, transpose_lhs_hint = false} : vector<128x128xf32>, vector<128x128xf32>, vector<128x128xf32> -> vector<128x128xf32>
    %iota3A_1455 = tpu.iota {dimensions = array<i32: 0>} : vector<128x128xi32>
    %iota3A_1456 = tpu.iota {dimensions = array<i32: 1>} : vector<128x128xi32>
    %eq3A_1457 = arith.cmpi eq, %iota3A_1455, %iota3A_1456 : vector<128x128xi32>
    %convert_element_type3A_1458 = arith.extui %eq3A_1457 : vector<128x128xi1> to vector<128x128xi32>
    %convert_element_type3A_1459 = arith.sitofp %convert_element_type3A_1458 : vector<128x128xi32> to vector<128x128xf32>
    %dot_general3A_1460 = arith.constant dense<0.000000e+00> : vector<128x128xf32>
    %dot_general3A_1461 = tpu.matmul %convert_element_type3A_1446, %convert_element_type3A_1459, %dot_general3A_1460 {dimension_numbers = #tpu.dot_dimension_numbers<[0], [0], [1], [1], [0, 1, 1, 1], [], []>, transpose_lhs_hint = false} : vector<128x128xf32>, vector<128x128xf32>, vector<128x128xf32> -> vector<128x128xf32>
    %add3A_1462 = arith.addf %dot_general3A_1454, %dot_general3A_1461 : vector<128x128xf32>
    %iota3A_1463 = tpu.iota {dimensions = array<i32: 0>} : vector<128x128xi32>
    %iota3A_1464 = tpu.iota {dimensions = array<i32: 1>} : vector<128x128xi32>
    %eq3A_1465 = arith.cmpi eq, %iota3A_1463, %iota3A_1464 : vector<128x128xi32>
    %convert_element_type3A_1466 = arith.extui %eq3A_1465 : vector<128x128xi1> to vector<128x128xi32>
    %convert_element_type3A_1467 = arith.sitofp %convert_element_type3A_1466 : vector<128x128xi32> to vector<128x128xf32>
    %dot_general3A_1468 = arith.constant dense<0.000000e+00> : vector<128x128xf32>
    %dot_general3A_1469 = tpu.matmul %sub3A_1447, %convert_element_type3A_1467, %dot_general3A_1468 {dimension_numbers = #tpu.dot_dimension_numbers<[0], [0], [1], [1], [0, 1, 1, 1], [], []>, transpose_lhs_hint = false} : vector<128x128xf32>, vector<128x128xf32>, vector<128x128xf32> -> vector<128x128xf32>
    %add3A_1470 = arith.addf %add3A_1462, %dot_general3A_1469 : vector<128x128xf32>
    %swap3A_1471 = arith.constant 6 : index
    %swap3A_1472 = arith.constant 0 : index
    %swap3A_1473 = arith.constant 0 : index
    %swap3A_1474 = vector.load %arg15[%swap3A_1471, %swap3A_1472, %swap3A_1473] : memref<32x128x128xf32, #tpu.memory_space<vmem>>, vector<1x128x128xf32>
    %swap3A_1475 = vector.shape_cast %swap3A_1474 : vector<1x128x128xf32> to vector<128x128xf32>
    %swap3A_1476 = vector.shape_cast %add3A_1470 : vector<128x128xf32> to vector<1x128x128xf32>
    tpu.vector_store %arg15[%swap3A_1471, %swap3A_1472, %swap3A_1473], %swap3A_1476 {strides = array<i32>} : memref<32x128x128xf32, #tpu.memory_space<vmem>>, vector<1x128x128xf32>,
    %get3A_1477 = arith.constant 0 : index
    %get3A_1478 = arith.constant 7 : index
    %get3A_1479 = arith.constant 0 : index
    %get3A_1480 = vector.load %arg4[%get3A_1477, %get3A_1478, %get3A_1479] : memref<128x32x128xf32, #tpu.memory_space<vmem>>, vector<128x1x128xf32>
    %get3A_1481 = vector.shape_cast %get3A_1480 : vector<128x1x128xf32> to vector<128x128xf32>
    %convert_element_type3A_1482 = arith.truncf %get3A_1481 : vector<128x128xf32> to vector<128x128xbf16>
    %convert_element_type3A_1483 = arith.extf %convert_element_type3A_1482 : vector<128x128xbf16> to vector<128x128xf32>
    %sub3A_1484 = arith.subf %get3A_1481, %convert_element_type3A_1483 : vector<128x128xf32>
    %convert_element_type3A_1485 = arith.truncf %sub3A_1484 : vector<128x128xf32> to vector<128x128xbf16>
    %convert_element_type3A_1486 = arith.extf %convert_element_type3A_1485 : vector<128x128xbf16> to vector<128x128xf32>
    %sub3A_1487 = arith.subf %sub3A_1484, %convert_element_type3A_1486 : vector<128x128xf32>
    %iota3A_1488 = tpu.iota {dimensions = array<i32: 0>} : vector<128x128xi32>
    %iota3A_1489 = tpu.iota {dimensions = array<i32: 1>} : vector<128x128xi32>
    %eq3A_1490 = arith.cmpi eq, %iota3A_1488, %iota3A_1489 : vector<128x128xi32>
    %convert_element_type3A_1491 = arith.extui %eq3A_1490 : vector<128x128xi1> to vector<128x128xi32>
    %convert_element_type3A_1492 = arith.sitofp %convert_element_type3A_1491 : vector<128x128xi32> to vector<128x128xf32>
    %dot_general3A_1493 = arith.constant dense<0.000000e+00> : vector<128x128xf32>
    %dot_general3A_1494 = tpu.matmul %convert_element_type3A_1483, %convert_element_type3A_1492, %dot_general3A_1493 {dimension_numbers = #tpu.dot_dimension_numbers<[0], [0], [1], [1], [0, 1, 1, 1], [], []>, transpose_lhs_hint = false} : vector<128x128xf32>, vector<128x128xf32>, vector<128x128xf32> -> vector<128x128xf32>
    %iota3A_1495 = tpu.iota {dimensions = array<i32: 0>} : vector<128x128xi32>
    %iota3A_1496 = tpu.iota {dimensions = array<i32: 1>} : vector<128x128xi32>
    %eq3A_1497 = arith.cmpi eq, %iota3A_1495, %iota3A_1496 : vector<128x128xi32>
    %convert_element_type3A_1498 = arith.extui %eq3A_1497 : vector<128x128xi1> to vector<128x128xi32>
    %convert_element_type3A_1499 = arith.sitofp %convert_element_type3A_1498 : vector<128x128xi32> to vector<128x128xf32>
    %dot_general3A_1500 = arith.constant dense<0.000000e+00> : vector<128x128xf32>
    %dot_general3A_1501 = tpu.matmul %convert_element_type3A_1486, %convert_element_type3A_1499, %dot_general3A_1500 {dimension_numbers = #tpu.dot_dimension_numbers<[0], [0], [1], [1], [0, 1, 1, 1], [], []>, transpose_lhs_hint = false} : vector<128x128xf32>, vector<128x128xf32>, vector<128x128xf32> -> vector<128x128xf32>
    %add3A_1502 = arith.addf %dot_general3A_1494, %dot_general3A_1501 : vector<128x128xf32>
    %iota3A_1503 = tpu.iota {dimensions = array<i32: 0>} : vector<128x128xi32>
    %iota3A_1504 = tpu.iota {dimensions = array<i32: 1>} : vector<128x128xi32>
    %eq3A_1505 = arith.cmpi eq, %iota3A_1503, %iota3A_1504 : vector<128x128xi32>
    %convert_element_type3A_1506 = arith.extui %eq3A_1505 : vector<128x128xi1> to vector<128x128xi32>
    %convert_element_type3A_1507 = arith.sitofp %convert_element_type3A_1506 : vector<128x128xi32> to vector<128x128xf32>
    %dot_general3A_1508 = arith.constant dense<0.000000e+00> : vector<128x128xf32>
    %dot_general3A_1509 = tpu.matmul %sub3A_1487, %convert_element_type3A_1507, %dot_general3A_1508 {dimension_numbers = #tpu.dot_dimension_numbers<[0], [0], [1], [1], [0, 1, 1, 1], [], []>, transpose_lhs_hint = false} : vector<128x128xf32>, vector<128x128xf32>, vector<128x128xf32> -> vector<128x128xf32>
    %add3A_1510 = arith.addf %add3A_1502, %dot_general3A_1509 : vector<128x128xf32>
    %swap3A_1511 = arith.constant 7 : index
    %swap3A_1512 = arith.constant 0 : index
    %swap3A_1513 = arith.constant 0 : index
    %swap3A_1514 = vector.load %arg15[%swap3A_1511, %swap3A_1512, %swap3A_1513] : memref<32x128x128xf32, #tpu.memory_space<vmem>>, vector<1x128x128xf32>
    %swap3A_1515 = vector.shape_cast %swap3A_1514 : vector<1x128x128xf32> to vector<128x128xf32>
    %swap3A_1516 = vector.shape_cast %add3A_1510 : vector<128x128xf32> to vector<1x128x128xf32>
    tpu.vector_store %arg15[%swap3A_1511, %swap3A_1512, %swap3A_1513], %swap3A_1516 {strides = array<i32>} : memref<32x128x128xf32, #tpu.memory_space<vmem>>, vector<1x128x128xf32>,
    %get3A_1517 = arith.constant 0 : index
    %get3A_1518 = arith.constant 8 : index
    %get3A_1519 = arith.constant 0 : index
    %get3A_1520 = vector.load %arg4[%get3A_1517, %get3A_1518, %get3A_1519] : memref<128x32x128xf32, #tpu.memory_space<vmem>>, vector<128x1x128xf32>
    %get3A_1521 = vector.shape_cast %get3A_1520 : vector<128x1x128xf32> to vector<128x128xf32>
    %convert_element_type3A_1522 = arith.truncf %get3A_1521 : vector<128x128xf32> to vector<128x128xbf16>
    %convert_element_type3A_1523 = arith.extf %convert_element_type3A_1522 : vector<128x128xbf16> to vector<128x128xf32>
    %sub3A_1524 = arith.subf %get3A_1521, %convert_element_type3A_1523 : vector<128x128xf32>
    %convert_element_type3A_1525 = arith.truncf %sub3A_1524 : vector<128x128xf32> to vector<128x128xbf16>
    %convert_element_type3A_1526 = arith.extf %convert_element_type3A_1525 : vector<128x128xbf16> to vector<128x128xf32>
    %sub3A_1527 = arith.subf %sub3A_1524, %convert_element_type3A_1526 : vector<128x128xf32>
    %iota3A_1528 = tpu.iota {dimensions = array<i32: 0>} : vector<128x128xi32>
    %iota3A_1529 = tpu.iota {dimensions = array<i32: 1>} : vector<128x128xi32>
    %eq3A_1530 = arith.cmpi eq, %iota3A_1528, %iota3A_1529 : vector<128x128xi32>
    %convert_element_type3A_1531 = arith.extui %eq3A_1530 : vector<128x128xi1> to vector<128x128xi32>
    %convert_element_type3A_1532 = arith.sitofp %convert_element_type3A_1531 : vector<128x128xi32> to vector<128x128xf32>
    %dot_general3A_1533 = arith.constant dense<0.000000e+00> : vector<128x128xf32>
    %dot_general3A_1534 = tpu.matmul %convert_element_type3A_1523, %convert_element_type3A_1532, %dot_general3A_1533 {dimension_numbers = #tpu.dot_dimension_numbers<[0], [0], [1], [1], [0, 1, 1, 1], [], []>, transpose_lhs_hint = false} : vector<128x128xf32>, vector<128x128xf32>, vector<128x128xf32> -> vector<128x128xf32>
    %iota3A_1535 = tpu.iota {dimensions = array<i32: 0>} : vector<128x128xi32>
    %iota3A_1536 = tpu.iota {dimensions = array<i32: 1>} : vector<128x128xi32>
    %eq3A_1537 = arith.cmpi eq, %iota3A_1535, %iota3A_1536 : vector<128x128xi32>
    %convert_element_type3A_1538 = arith.extui %eq3A_1537 : vector<128x128xi1> to vector<128x128xi32>
    %convert_element_type3A_1539 = arith.sitofp %convert_element_type3A_1538 : vector<128x128xi32> to vector<128x128xf32>
    %dot_general3A_1540 = arith.constant dense<0.000000e+00> : vector<128x128xf32>
    %dot_general3A_1541 = tpu.matmul %convert_element_type3A_1526, %convert_element_type3A_1539, %dot_general3A_1540 {dimension_numbers = #tpu.dot_dimension_numbers<[0], [0], [1], [1], [0, 1, 1, 1], [], []>, transpose_lhs_hint = false} : vector<128x128xf32>, vector<128x128xf32>, vector<128x128xf32> -> vector<128x128xf32>
    %add3A_1542 = arith.addf %dot_general3A_1534, %dot_general3A_1541 : vector<128x128xf32>
    %iota3A_1543 = tpu.iota {dimensions = array<i32: 0>} : vector<128x128xi32>
    %iota3A_1544 = tpu.iota {dimensions = array<i32: 1>} : vector<128x128xi32>
    %eq3A_1545 = arith.cmpi eq, %iota3A_1543, %iota3A_1544 : vector<128x128xi32>
    %convert_element_type3A_1546 = arith.extui %eq3A_1545 : vector<128x128xi1> to vector<128x128xi32>
    %convert_element_type3A_1547 = arith.sitofp %convert_element_type3A_1546 : vector<128x128xi32> to vector<128x128xf32>
    %dot_general3A_1548 = arith.constant dense<0.000000e+00> : vector<128x128xf32>
    %dot_general3A_1549 = tpu.matmul %sub3A_1527, %convert_element_type3A_1547, %dot_general3A_1548 {dimension_numbers = #tpu.dot_dimension_numbers<[0], [0], [1], [1], [0, 1, 1, 1], [], []>, transpose_lhs_hint = false} : vector<128x128xf32>, vector<128x128xf32>, vector<128x128xf32> -> vector<128x128xf32>
    %add3A_1550 = arith.addf %add3A_1542, %dot_general3A_1549 : vector<128x128xf32>
    %swap3A_1551 = arith.constant 8 : index
    %swap3A_1552 = arith.constant 0 : index
    %swap3A_1553 = arith.constant 0 : index
    %swap3A_1554 = vector.load %arg15[%swap3A_1551, %swap3A_1552, %swap3A_1553] : memref<32x128x128xf32, #tpu.memory_space<vmem>>, vector<1x128x128xf32>
    %swap3A_1555 = vector.shape_cast %swap3A_1554 : vector<1x128x128xf32> to vector<128x128xf32>
    %swap3A_1556 = vector.shape_cast %add3A_1550 : vector<128x128xf32> to vector<1x128x128xf32>
    tpu.vector_store %arg15[%swap3A_1551, %swap3A_1552, %swap3A_1553], %swap3A_1556 {strides = array<i32>} : memref<32x128x128xf32, #tpu.memory_space<vmem>>, vector<1x128x128xf32>,
    %get3A_1557 = arith.constant 0 : index
    %get3A_1558 = arith.constant 9 : index
    %get3A_1559 = arith.constant 0 : index
    %get3A_1560 = vector.load %arg4[%get3A_1557, %get3A_1558, %get3A_1559] : memref<128x32x128xf32, #tpu.memory_space<vmem>>, vector<128x1x128xf32>
    %get3A_1561 = vector.shape_cast %get3A_1560 : vector<128x1x128xf32> to vector<128x128xf32>
    %convert_element_type3A_1562 = arith.truncf %get3A_1561 : vector<128x128xf32> to vector<128x128xbf16>
    %convert_element_type3A_1563 = arith.extf %convert_element_type3A_1562 : vector<128x128xbf16> to vector<128x128xf32>
    %sub3A_1564 = arith.subf %get3A_1561, %convert_element_type3A_1563 : vector<128x128xf32>
    %convert_element_type3A_1565 = arith.truncf %sub3A_1564 : vector<128x128xf32> to vector<128x128xbf16>
    %convert_element_type3A_1566 = arith.extf %convert_element_type3A_1565 : vector<128x128xbf16> to vector<128x128xf32>
    %sub3A_1567 = arith.subf %sub3A_1564, %convert_element_type3A_1566 : vector<128x128xf32>
    %iota3A_1568 = tpu.iota {dimensions = array<i32: 0>} : vector<128x128xi32>
    %iota3A_1569 = tpu.iota {dimensions = array<i32: 1>} : vector<128x128xi32>
    %eq3A_1570 = arith.cmpi eq, %iota3A_1568, %iota3A_1569 : vector<128x128xi32>
    %convert_element_type3A_1571 = arith.extui %eq3A_1570 : vector<128x128xi1> to vector<128x128xi32>
    %convert_element_type3A_1572 = arith.sitofp %convert_element_type3A_1571 : vector<128x128xi32> to vector<128x128xf32>
    %dot_general3A_1573 = arith.constant dense<0.000000e+00> : vector<128x128xf32>
    %dot_general3A_1574 = tpu.matmul %convert_element_type3A_1563, %convert_element_type3A_1572, %dot_general3A_1573 {dimension_numbers = #tpu.dot_dimension_numbers<[0], [0], [1], [1], [0, 1, 1, 1], [], []>, transpose_lhs_hint = false} : vector<128x128xf32>, vector<128x128xf32>, vector<128x128xf32> -> vector<128x128xf32>
    %iota3A_1575 = tpu.iota {dimensions = array<i32: 0>} : vector<128x128xi32>
    %iota3A_1576 = tpu.iota {dimensions = array<i32: 1>} : vector<128x128xi32>
    %eq3A_1577 = arith.cmpi eq, %iota3A_1575, %iota3A_1576 : vector<128x128xi32>
    %convert_element_type3A_1578 = arith.extui %eq3A_1577 : vector<128x128xi1> to vector<128x128xi32>
    %convert_element_type3A_1579 = arith.sitofp %convert_element_type3A_1578 : vector<128x128xi32> to vector<128x128xf32>
    %dot_general3A_1580 = arith.constant dense<0.000000e+00> : vector<128x128xf32>
    %dot_general3A_1581 = tpu.matmul %convert_element_type3A_1566, %convert_element_type3A_1579, %dot_general3A_1580 {dimension_numbers = #tpu.dot_dimension_numbers<[0], [0], [1], [1], [0, 1, 1, 1], [], []>, transpose_lhs_hint = false} : vector<128x128xf32>, vector<128x128xf32>, vector<128x128xf32> -> vector<128x128xf32>
    %add3A_1582 = arith.addf %dot_general3A_1574, %dot_general3A_1581 : vector<128x128xf32>
    %iota3A_1583 = tpu.iota {dimensions = array<i32: 0>} : vector<128x128xi32>
    %iota3A_1584 = tpu.iota {dimensions = array<i32: 1>} : vector<128x128xi32>
    %eq3A_1585 = arith.cmpi eq, %iota3A_1583, %iota3A_1584 : vector<128x128xi32>
    %convert_element_type3A_1586 = arith.extui %eq3A_1585 : vector<128x128xi1> to vector<128x128xi32>
    %convert_element_type3A_1587 = arith.sitofp %convert_element_type3A_1586 : vector<128x128xi32> to vector<128x128xf32>
    %dot_general3A_1588 = arith.constant dense<0.000000e+00> : vector<128x128xf32>
    %dot_general3A_1589 = tpu.matmul %sub3A_1567, %convert_element_type3A_1587, %dot_general3A_1588 {dimension_numbers = #tpu.dot_dimension_numbers<[0], [0], [1], [1], [0, 1, 1, 1], [], []>, transpose_lhs_hint = false} : vector<128x128xf32>, vector<128x128xf32>, vector<128x128xf32> -> vector<128x128xf32>
    %add3A_1590 = arith.addf %add3A_1582, %dot_general3A_1589 : vector<128x128xf32>
    %swap3A_1591 = arith.constant 9 : index
    %swap3A_1592 = arith.constant 0 : index
    %swap3A_1593 = arith.constant 0 : index
    %swap3A_1594 = vector.load %arg15[%swap3A_1591, %swap3A_1592, %swap3A_1593] : memref<32x128x128xf32, #tpu.memory_space<vmem>>, vector<1x128x128xf32>
    %swap3A_1595 = vector.shape_cast %swap3A_1594 : vector<1x128x128xf32> to vector<128x128xf32>
    %swap3A_1596 = vector.shape_cast %add3A_1590 : vector<128x128xf32> to vector<1x128x128xf32>
    tpu.vector_store %arg15[%swap3A_1591, %swap3A_1592, %swap3A_1593], %swap3A_1596 {strides = array<i32>} : memref<32x128x128xf32, #tpu.memory_space<vmem>>, vector<1x128x128xf32>,
    %get3A_1597 = arith.constant 0 : index
    %get3A_1598 = arith.constant 10 : index
    %get3A_1599 = arith.constant 0 : index
    %get3A_1600 = vector.load %arg4[%get3A_1597, %get3A_1598, %get3A_1599] : memref<128x32x128xf32, #tpu.memory_space<vmem>>, vector<128x1x128xf32>
    %get3A_1601 = vector.shape_cast %get3A_1600 : vector<128x1x128xf32> to vector<128x128xf32>
    %convert_element_type3A_1602 = arith.truncf %get3A_1601 : vector<128x128xf32> to vector<128x128xbf16>
    %convert_element_type3A_1603 = arith.extf %convert_element_type3A_1602 : vector<128x128xbf16> to vector<128x128xf32>
    %sub3A_1604 = arith.subf %get3A_1601, %convert_element_type3A_1603 : vector<128x128xf32>
    %convert_element_type3A_1605 = arith.truncf %sub3A_1604 : vector<128x128xf32> to vector<128x128xbf16>
    %convert_element_type3A_1606 = arith.extf %convert_element_type3A_1605 : vector<128x128xbf16> to vector<128x128xf32>
    %sub3A_1607 = arith.subf %sub3A_1604, %convert_element_type3A_1606 : vector<128x128xf32>
    %iota3A_1608 = tpu.iota {dimensions = array<i32: 0>} : vector<128x128xi32>
    %iota3A_1609 = tpu.iota {dimensions = array<i32: 1>} : vector<128x128xi32>
    %eq3A_1610 = arith.cmpi eq, %iota3A_1608, %iota3A_1609 : vector<128x128xi32>
    %convert_element_type3A_1611 = arith.extui %eq3A_1610 : vector<128x128xi1> to vector<128x128xi32>
    %convert_element_type3A_1612 = arith.sitofp %convert_element_type3A_1611 : vector<128x128xi32> to vector<128x128xf32>
    %dot_general3A_1613 = arith.constant dense<0.000000e+00> : vector<128x128xf32>
    %dot_general3A_1614 = tpu.matmul %convert_element_type3A_1603, %convert_element_type3A_1612, %dot_general3A_1613 {dimension_numbers = #tpu.dot_dimension_numbers<[0], [0], [1], [1], [0, 1, 1, 1], [], []>, transpose_lhs_hint = false} : vector<128x128xf32>, vector<128x128xf32>, vector<128x128xf32> -> vector<128x128xf32>
    %iota3A_1615 = tpu.iota {dimensions = array<i32: 0>} : vector<128x128xi32>
    %iota3A_1616 = tpu.iota {dimensions = array<i32: 1>} : vector<128x128xi32>
    %eq3A_1617 = arith.cmpi eq, %iota3A_1615, %iota3A_1616 : vector<128x128xi32>
    %convert_element_type3A_1618 = arith.extui %eq3A_1617 : vector<128x128xi1> to vector<128x128xi32>
    %convert_element_type3A_1619 = arith.sitofp %convert_element_type3A_1618 : vector<128x128xi32> to vector<128x128xf32>
    %dot_general3A_1620 = arith.constant dense<0.000000e+00> : vector<128x128xf32>
    %dot_general3A_1621 = tpu.matmul %convert_element_type3A_1606, %convert_element_type3A_1619, %dot_general3A_1620 {dimension_numbers = #tpu.dot_dimension_numbers<[0], [0], [1], [1], [0, 1, 1, 1], [], []>, transpose_lhs_hint = false} : vector<128x128xf32>, vector<128x128xf32>, vector<128x128xf32> -> vector<128x128xf32>
    %add3A_1622 = arith.addf %dot_general3A_1614, %dot_general3A_1621 : vector<128x128xf32>
    %iota3A_1623 = tpu.iota {dimensions = array<i32: 0>} : vector<128x128xi32>
    %iota3A_1624 = tpu.iota {dimensions = array<i32: 1>} : vector<128x128xi32>
    %eq3A_1625 = arith.cmpi eq, %iota3A_1623, %iota3A_1624 : vector<128x128xi32>
    %convert_element_type3A_1626 = arith.extui %eq3A_1625 : vector<128x128xi1> to vector<128x128xi32>
    %convert_element_type3A_1627 = arith.sitofp %convert_element_type3A_1626 : vector<128x128xi32> to vector<128x128xf32>
    %dot_general3A_1628 = arith.constant dense<0.000000e+00> : vector<128x128xf32>
    %dot_general3A_1629 = tpu.matmul %sub3A_1607, %convert_element_type3A_1627, %dot_general3A_1628 {dimension_numbers = #tpu.dot_dimension_numbers<[0], [0], [1], [1], [0, 1, 1, 1], [], []>, transpose_lhs_hint = false} : vector<128x128xf32>, vector<128x128xf32>, vector<128x128xf32> -> vector<128x128xf32>
    %add3A_1630 = arith.addf %add3A_1622, %dot_general3A_1629 : vector<128x128xf32>
    %swap3A_1631 = arith.constant 10 : index
    %swap3A_1632 = arith.constant 0 : index
    %swap3A_1633 = arith.constant 0 : index
    %swap3A_1634 = vector.load %arg15[%swap3A_1631, %swap3A_1632, %swap3A_1633] : memref<32x128x128xf32, #tpu.memory_space<vmem>>, vector<1x128x128xf32>
    %swap3A_1635 = vector.shape_cast %swap3A_1634 : vector<1x128x128xf32> to vector<128x128xf32>
    %swap3A_1636 = vector.shape_cast %add3A_1630 : vector<128x128xf32> to vector<1x128x128xf32>
    tpu.vector_store %arg15[%swap3A_1631, %swap3A_1632, %swap3A_1633], %swap3A_1636 {strides = array<i32>} : memref<32x128x128xf32, #tpu.memory_space<vmem>>, vector<1x128x128xf32>,
    %get3A_1637 = arith.constant 0 : index
    %get3A_1638 = arith.constant 11 : index
    %get3A_1639 = arith.constant 0 : index
    %get3A_1640 = vector.load %arg4[%get3A_1637, %get3A_1638, %get3A_1639] : memref<128x32x128xf32, #tpu.memory_space<vmem>>, vector<128x1x128xf32>
    %get3A_1641 = vector.shape_cast %get3A_1640 : vector<128x1x128xf32> to vector<128x128xf32>
    %convert_element_type3A_1642 = arith.truncf %get3A_1641 : vector<128x128xf32> to vector<128x128xbf16>
    %convert_element_type3A_1643 = arith.extf %convert_element_type3A_1642 : vector<128x128xbf16> to vector<128x128xf32>
    %sub3A_1644 = arith.subf %get3A_1641, %convert_element_type3A_1643 : vector<128x128xf32>
    %convert_element_type3A_1645 = arith.truncf %sub3A_1644 : vector<128x128xf32> to vector<128x128xbf16>
    %convert_element_type3A_1646 = arith.extf %convert_element_type3A_1645 : vector<128x128xbf16> to vector<128x128xf32>
    %sub3A_1647 = arith.subf %sub3A_1644, %convert_element_type3A_1646 : vector<128x128xf32>
    %iota3A_1648 = tpu.iota {dimensions = array<i32: 0>} : vector<128x128xi32>
    %iota3A_1649 = tpu.iota {dimensions = array<i32: 1>} : vector<128x128xi32>
    %eq3A_1650 = arith.cmpi eq, %iota3A_1648, %iota3A_1649 : vector<128x128xi32>
    %convert_element_type3A_1651 = arith.extui %eq3A_1650 : vector<128x128xi1> to vector<128x128xi32>
    %convert_element_type3A_1652 = arith.sitofp %convert_element_type3A_1651 : vector<128x128xi32> to vector<128x128xf32>
    %dot_general3A_1653 = arith.constant dense<0.000000e+00> : vector<128x128xf32>
    %dot_general3A_1654 = tpu.matmul %convert_element_type3A_1643, %convert_element_type3A_1652, %dot_general3A_1653 {dimension_numbers = #tpu.dot_dimension_numbers<[0], [0], [1], [1], [0, 1, 1, 1], [], []>, transpose_lhs_hint = false} : vector<128x128xf32>, vector<128x128xf32>, vector<128x128xf32> -> vector<128x128xf32>
    %iota3A_1655 = tpu.iota {dimensions = array<i32: 0>} : vector<128x128xi32>
    %iota3A_1656 = tpu.iota {dimensions = array<i32: 1>} : vector<128x128xi32>
    %eq3A_1657 = arith.cmpi eq, %iota3A_1655, %iota3A_1656 : vector<128x128xi32>
    %convert_element_type3A_1658 = arith.extui %eq3A_1657 : vector<128x128xi1> to vector<128x128xi32>
    %convert_element_type3A_1659 = arith.sitofp %convert_element_type3A_1658 : vector<128x128xi32> to vector<128x128xf32>
    %dot_general3A_1660 = arith.constant dense<0.000000e+00> : vector<128x128xf32>
    %dot_general3A_1661 = tpu.matmul %convert_element_type3A_1646, %convert_element_type3A_1659, %dot_general3A_1660 {dimension_numbers = #tpu.dot_dimension_numbers<[0], [0], [1], [1], [0, 1, 1, 1], [], []>, transpose_lhs_hint = false} : vector<128x128xf32>, vector<128x128xf32>, vector<128x128xf32> -> vector<128x128xf32>
    %add3A_1662 = arith.addf %dot_general3A_1654, %dot_general3A_1661 : vector<128x128xf32>
    %iota3A_1663 = tpu.iota {dimensions = array<i32: 0>} : vector<128x128xi32>
    %iota3A_1664 = tpu.iota {dimensions = array<i32: 1>} : vector<128x128xi32>
    %eq3A_1665 = arith.cmpi eq, %iota3A_1663, %iota3A_1664 : vector<128x128xi32>
    %convert_element_type3A_1666 = arith.extui %eq3A_1665 : vector<128x128xi1> to vector<128x128xi32>
    %convert_element_type3A_1667 = arith.sitofp %convert_element_type3A_1666 : vector<128x128xi32> to vector<128x128xf32>
    %dot_general3A_1668 = arith.constant dense<0.000000e+00> : vector<128x128xf32>
    %dot_general3A_1669 = tpu.matmul %sub3A_1647, %convert_element_type3A_1667, %dot_general3A_1668 {dimension_numbers = #tpu.dot_dimension_numbers<[0], [0], [1], [1], [0, 1, 1, 1], [], []>, transpose_lhs_hint = false} : vector<128x128xf32>, vector<128x128xf32>, vector<128x128xf32> -> vector<128x128xf32>
    %add3A_1670 = arith.addf %add3A_1662, %dot_general3A_1669 : vector<128x128xf32>
    %swap3A_1671 = arith.constant 11 : index
    %swap3A_1672 = arith.constant 0 : index
    %swap3A_1673 = arith.constant 0 : index
    %swap3A_1674 = vector.load %arg15[%swap3A_1671, %swap3A_1672, %swap3A_1673] : memref<32x128x128xf32, #tpu.memory_space<vmem>>, vector<1x128x128xf32>
    %swap3A_1675 = vector.shape_cast %swap3A_1674 : vector<1x128x128xf32> to vector<128x128xf32>
    %swap3A_1676 = vector.shape_cast %add3A_1670 : vector<128x128xf32> to vector<1x128x128xf32>
    tpu.vector_store %arg15[%swap3A_1671, %swap3A_1672, %swap3A_1673], %swap3A_1676 {strides = array<i32>} : memref<32x128x128xf32, #tpu.memory_space<vmem>>, vector<1x128x128xf32>,
    %get3A_1677 = arith.constant 0 : index
    %get3A_1678 = arith.constant 12 : index
    %get3A_1679 = arith.constant 0 : index
    %get3A_1680 = vector.load %arg4[%get3A_1677, %get3A_1678, %get3A_1679] : memref<128x32x128xf32, #tpu.memory_space<vmem>>, vector<128x1x128xf32>
    %get3A_1681 = vector.shape_cast %get3A_1680 : vector<128x1x128xf32> to vector<128x128xf32>
    %convert_element_type3A_1682 = arith.truncf %get3A_1681 : vector<128x128xf32> to vector<128x128xbf16>
    %convert_element_type3A_1683 = arith.extf %convert_element_type3A_1682 : vector<128x128xbf16> to vector<128x128xf32>
    %sub3A_1684 = arith.subf %get3A_1681, %convert_element_type3A_1683 : vector<128x128xf32>
    %convert_element_type3A_1685 = arith.truncf %sub3A_1684 : vector<128x128xf32> to vector<128x128xbf16>
    %convert_element_type3A_1686 = arith.extf %convert_element_type3A_1685 : vector<128x128xbf16> to vector<128x128xf32>
    %sub3A_1687 = arith.subf %sub3A_1684, %convert_element_type3A_1686 : vector<128x128xf32>
    %iota3A_1688 = tpu.iota {dimensions = array<i32: 0>} : vector<128x128xi32>
    %iota3A_1689 = tpu.iota {dimensions = array<i32: 1>} : vector<128x128xi32>
    %eq3A_1690 = arith.cmpi eq, %iota3A_1688, %iota3A_1689 : vector<128x128xi32>
    %convert_element_type3A_1691 = arith.extui %eq3A_1690 : vector<128x128xi1> to vector<128x128xi32>
    %convert_element_type3A_1692 = arith.sitofp %convert_element_type3A_1691 : vector<128x128xi32> to vector<128x128xf32>
    %dot_general3A_1693 = arith.constant dense<0.000000e+00> : vector<128x128xf32>
    %dot_general3A_1694 = tpu.matmul %convert_element_type3A_1683, %convert_element_type3A_1692, %dot_general3A_1693 {dimension_numbers = #tpu.dot_dimension_numbers<[0], [0], [1], [1], [0, 1, 1, 1], [], []>, transpose_lhs_hint = false} : vector<128x128xf32>, vector<128x128xf32>, vector<128x128xf32> -> vector<128x128xf32>
    %iota3A_1695 = tpu.iota {dimensions = array<i32: 0>} : vector<128x128xi32>
    %iota3A_1696 = tpu.iota {dimensions = array<i32: 1>} : vector<128x128xi32>
    %eq3A_1697 = arith.cmpi eq, %iota3A_1695, %iota3A_1696 : vector<128x128xi32>
    %convert_element_type3A_1698 = arith.extui %eq3A_1697 : vector<128x128xi1> to vector<128x128xi32>
    %convert_element_type3A_1699 = arith.sitofp %convert_element_type3A_1698 : vector<128x128xi32> to vector<128x128xf32>
    %dot_general3A_1700 = arith.constant dense<0.000000e+00> : vector<128x128xf32>
    %dot_general3A_1701 = tpu.matmul %convert_element_type3A_1686, %convert_element_type3A_1699, %dot_general3A_1700 {dimension_numbers = #tpu.dot_dimension_numbers<[0], [0], [1], [1], [0, 1, 1, 1], [], []>, transpose_lhs_hint = false} : vector<128x128xf32>, vector<128x128xf32>, vector<128x128xf32> -> vector<128x128xf32>
    %add3A_1702 = arith.addf %dot_general3A_1694, %dot_general3A_1701 : vector<128x128xf32>
    %iota3A_1703 = tpu.iota {dimensions = array<i32: 0>} : vector<128x128xi32>
    %iota3A_1704 = tpu.iota {dimensions = array<i32: 1>} : vector<128x128xi32>
    %eq3A_1705 = arith.cmpi eq, %iota3A_1703, %iota3A_1704 : vector<128x128xi32>
    %convert_element_type3A_1706 = arith.extui %eq3A_1705 : vector<128x128xi1> to vector<128x128xi32>
    %convert_element_type3A_1707 = arith.sitofp %convert_element_type3A_1706 : vector<128x128xi32> to vector<128x128xf32>
    %dot_general3A_1708 = arith.constant dense<0.000000e+00> : vector<128x128xf32>
    %dot_general3A_1709 = tpu.matmul %sub3A_1687, %convert_element_type3A_1707, %dot_general3A_1708 {dimension_numbers = #tpu.dot_dimension_numbers<[0], [0], [1], [1], [0, 1, 1, 1], [], []>, transpose_lhs_hint = false} : vector<128x128xf32>, vector<128x128xf32>, vector<128x128xf32> -> vector<128x128xf32>
    %add3A_1710 = arith.addf %add3A_1702, %dot_general3A_1709 : vector<128x128xf32>
    %swap3A_1711 = arith.constant 12 : index
    %swap3A_1712 = arith.constant 0 : index
    %swap3A_1713 = arith.constant 0 : index
    %swap3A_1714 = vector.load %arg15[%swap3A_1711, %swap3A_1712, %swap3A_1713] : memref<32x128x128xf32, #tpu.memory_space<vmem>>, vector<1x128x128xf32>
    %swap3A_1715 = vector.shape_cast %swap3A_1714 : vector<1x128x128xf32> to vector<128x128xf32>
    %swap3A_1716 = vector.shape_cast %add3A_1710 : vector<128x128xf32> to vector<1x128x128xf32>
    tpu.vector_store %arg15[%swap3A_1711, %swap3A_1712, %swap3A_1713], %swap3A_1716 {strides = array<i32>} : memref<32x128x128xf32, #tpu.memory_space<vmem>>, vector<1x128x128xf32>,
    %get3A_1717 = arith.constant 0 : index
    %get3A_1718 = arith.constant 13 : index
    %get3A_1719 = arith.constant 0 : index
    %get3A_1720 = vector.load %arg4[%get3A_1717, %get3A_1718, %get3A_1719] : memref<128x32x128xf32, #tpu.memory_space<vmem>>, vector<128x1x128xf32>
    %get3A_1721 = vector.shape_cast %get3A_1720 : vector<128x1x128xf32> to vector<128x128xf32>
    %convert_element_type3A_1722 = arith.truncf %get3A_1721 : vector<128x128xf32> to vector<128x128xbf16>
    %convert_element_type3A_1723 = arith.extf %convert_element_type3A_1722 : vector<128x128xbf16> to vector<128x128xf32>
    %sub3A_1724 = arith.subf %get3A_1721, %convert_element_type3A_1723 : vector<128x128xf32>
    %convert_element_type3A_1725 = arith.truncf %sub3A_1724 : vector<128x128xf32> to vector<128x128xbf16>
    %convert_element_type3A_1726 = arith.extf %convert_element_type3A_1725 : vector<128x128xbf16> to vector<128x128xf32>
    %sub3A_1727 = arith.subf %sub3A_1724, %convert_element_type3A_1726 : vector<128x128xf32>
    %iota3A_1728 = tpu.iota {dimensions = array<i32: 0>} : vector<128x128xi32>
    %iota3A_1729 = tpu.iota {dimensions = array<i32: 1>} : vector<128x128xi32>
    %eq3A_1730 = arith.cmpi eq, %iota3A_1728, %iota3A_1729 : vector<128x128xi32>
    %convert_element_type3A_1731 = arith.extui %eq3A_1730 : vector<128x128xi1> to vector<128x128xi32>
    %convert_element_type3A_1732 = arith.sitofp %convert_element_type3A_1731 : vector<128x128xi32> to vector<128x128xf32>
    %dot_general3A_1733 = arith.constant dense<0.000000e+00> : vector<128x128xf32>
    %dot_general3A_1734 = tpu.matmul %convert_element_type3A_1723, %convert_element_type3A_1732, %dot_general3A_1733 {dimension_numbers = #tpu.dot_dimension_numbers<[0], [0], [1], [1], [0, 1, 1, 1], [], []>, transpose_lhs_hint = false} : vector<128x128xf32>, vector<128x128xf32>, vector<128x128xf32> -> vector<128x128xf32>
    %iota3A_1735 = tpu.iota {dimensions = array<i32: 0>} : vector<128x128xi32>
    %iota3A_1736 = tpu.iota {dimensions = array<i32: 1>} : vector<128x128xi32>
    %eq3A_1737 = arith.cmpi eq, %iota3A_1735, %iota3A_1736 : vector<128x128xi32>
    %convert_element_type3A_1738 = arith.extui %eq3A_1737 : vector<128x128xi1> to vector<128x128xi32>
    %convert_element_type3A_1739 = arith.sitofp %convert_element_type3A_1738 : vector<128x128xi32> to vector<128x128xf32>
    %dot_general3A_1740 = arith.constant dense<0.000000e+00> : vector<128x128xf32>
    %dot_general3A_1741 = tpu.matmul %convert_element_type3A_1726, %convert_element_type3A_1739, %dot_general3A_1740 {dimension_numbers = #tpu.dot_dimension_numbers<[0], [0], [1], [1], [0, 1, 1, 1], [], []>, transpose_lhs_hint = false} : vector<128x128xf32>, vector<128x128xf32>, vector<128x128xf32> -> vector<128x128xf32>
    %add3A_1742 = arith.addf %dot_general3A_1734, %dot_general3A_1741 : vector<128x128xf32>
    %iota3A_1743 = tpu.iota {dimensions = array<i32: 0>} : vector<128x128xi32>
    %iota3A_1744 = tpu.iota {dimensions = array<i32: 1>} : vector<128x128xi32>
    %eq3A_1745 = arith.cmpi eq, %iota3A_1743, %iota3A_1744 : vector<128x128xi32>
    %convert_element_type3A_1746 = arith.extui %eq3A_1745 : vector<128x128xi1> to vector<128x128xi32>
    %convert_element_type3A_1747 = arith.sitofp %convert_element_type3A_1746 : vector<128x128xi32> to vector<128x128xf32>
    %dot_general3A_1748 = arith.constant dense<0.000000e+00> : vector<128x128xf32>
    %dot_general3A_1749 = tpu.matmul %sub3A_1727, %convert_element_type3A_1747, %dot_general3A_1748 {dimension_numbers = #tpu.dot_dimension_numbers<[0], [0], [1], [1], [0, 1, 1, 1], [], []>, transpose_lhs_hint = false} : vector<128x128xf32>, vector<128x128xf32>, vector<128x128xf32> -> vector<128x128xf32>
    %add3A_1750 = arith.addf %add3A_1742, %dot_general3A_1749 : vector<128x128xf32>
    %swap3A_1751 = arith.constant 13 : index
    %swap3A_1752 = arith.constant 0 : index
    %swap3A_1753 = arith.constant 0 : index
    %swap3A_1754 = vector.load %arg15[%swap3A_1751, %swap3A_1752, %swap3A_1753] : memref<32x128x128xf32, #tpu.memory_space<vmem>>, vector<1x128x128xf32>
    %swap3A_1755 = vector.shape_cast %swap3A_1754 : vector<1x128x128xf32> to vector<128x128xf32>
    %swap3A_1756 = vector.shape_cast %add3A_1750 : vector<128x128xf32> to vector<1x128x128xf32>
    tpu.vector_store %arg15[%swap3A_1751, %swap3A_1752, %swap3A_1753], %swap3A_1756 {strides = array<i32>} : memref<32x128x128xf32, #tpu.memory_space<vmem>>, vector<1x128x128xf32>,
    %get3A_1757 = arith.constant 0 : index
    %get3A_1758 = arith.constant 14 : index
    %get3A_1759 = arith.constant 0 : index
    %get3A_1760 = vector.load %arg4[%get3A_1757, %get3A_1758, %get3A_1759] : memref<128x32x128xf32, #tpu.memory_space<vmem>>, vector<128x1x128xf32>
    %get3A_1761 = vector.shape_cast %get3A_1760 : vector<128x1x128xf32> to vector<128x128xf32>
    %convert_element_type3A_1762 = arith.truncf %get3A_1761 : vector<128x128xf32> to vector<128x128xbf16>
    %convert_element_type3A_1763 = arith.extf %convert_element_type3A_1762 : vector<128x128xbf16> to vector<128x128xf32>
    %sub3A_1764 = arith.subf %get3A_1761, %convert_element_type3A_1763 : vector<128x128xf32>
    %convert_element_type3A_1765 = arith.truncf %sub3A_1764 : vector<128x128xf32> to vector<128x128xbf16>
    %convert_element_type3A_1766 = arith.extf %convert_element_type3A_1765 : vector<128x128xbf16> to vector<128x128xf32>
    %sub3A_1767 = arith.subf %sub3A_1764, %convert_element_type3A_1766 : vector<128x128xf32>
    %iota3A_1768 = tpu.iota {dimensions = array<i32: 0>} : vector<128x128xi32>
    %iota3A_1769 = tpu.iota {dimensions = array<i32: 1>} : vector<128x128xi32>
    %eq3A_1770 = arith.cmpi eq, %iota3A_1768, %iota3A_1769 : vector<128x128xi32>
    %convert_element_type3A_1771 = arith.extui %eq3A_1770 : vector<128x128xi1> to vector<128x128xi32>
    %convert_element_type3A_1772 = arith.sitofp %convert_element_type3A_1771 : vector<128x128xi32> to vector<128x128xf32>
    %dot_general3A_1773 = arith.constant dense<0.000000e+00> : vector<128x128xf32>
    %dot_general3A_1774 = tpu.matmul %convert_element_type3A_1763, %convert_element_type3A_1772, %dot_general3A_1773 {dimension_numbers = #tpu.dot_dimension_numbers<[0], [0], [1], [1], [0, 1, 1, 1], [], []>, transpose_lhs_hint = false} : vector<128x128xf32>, vector<128x128xf32>, vector<128x128xf32> -> vector<128x128xf32>
    %iota3A_1775 = tpu.iota {dimensions = array<i32: 0>} : vector<128x128xi32>
    %iota3A_1776 = tpu.iota {dimensions = array<i32: 1>} : vector<128x128xi32>
    %eq3A_1777 = arith.cmpi eq, %iota3A_1775, %iota3A_1776 : vector<128x128xi32>
    %convert_element_type3A_1778 = arith.extui %eq3A_1777 : vector<128x128xi1> to vector<128x128xi32>
    %convert_element_type3A_1779 = arith.sitofp %convert_element_type3A_1778 : vector<128x128xi32> to vector<128x128xf32>
    %dot_general3A_1780 = arith.constant dense<0.000000e+00> : vector<128x128xf32>
    %dot_general3A_1781 = tpu.matmul %convert_element_type3A_1766, %convert_element_type3A_1779, %dot_general3A_1780 {dimension_numbers = #tpu.dot_dimension_numbers<[0], [0], [1], [1], [0, 1, 1, 1], [], []>, transpose_lhs_hint = false} : vector<128x128xf32>, vector<128x128xf32>, vector<128x128xf32> -> vector<128x128xf32>
    %add3A_1782 = arith.addf %dot_general3A_1774, %dot_general3A_1781 : vector<128x128xf32>
    %iota3A_1783 = tpu.iota {dimensions = array<i32: 0>} : vector<128x128xi32>
    %iota3A_1784 = tpu.iota {dimensions = array<i32: 1>} : vector<128x128xi32>
    %eq3A_1785 = arith.cmpi eq, %iota3A_1783, %iota3A_1784 : vector<128x128xi32>
    %convert_element_type3A_1786 = arith.extui %eq3A_1785 : vector<128x128xi1> to vector<128x128xi32>
    %convert_element_type3A_1787 = arith.sitofp %convert_element_type3A_1786 : vector<128x128xi32> to vector<128x128xf32>
    %dot_general3A_1788 = arith.constant dense<0.000000e+00> : vector<128x128xf32>
    %dot_general3A_1789 = tpu.matmul %sub3A_1767, %convert_element_type3A_1787, %dot_general3A_1788 {dimension_numbers = #tpu.dot_dimension_numbers<[0], [0], [1], [1], [0, 1, 1, 1], [], []>, transpose_lhs_hint = false} : vector<128x128xf32>, vector<128x128xf32>, vector<128x128xf32> -> vector<128x128xf32>
    %add3A_1790 = arith.addf %add3A_1782, %dot_general3A_1789 : vector<128x128xf32>
    %swap3A_1791 = arith.constant 14 : index
    %swap3A_1792 = arith.constant 0 : index
    %swap3A_1793 = arith.constant 0 : index
    %swap3A_1794 = vector.load %arg15[%swap3A_1791, %swap3A_1792, %swap3A_1793] : memref<32x128x128xf32, #tpu.memory_space<vmem>>, vector<1x128x128xf32>
    %swap3A_1795 = vector.shape_cast %swap3A_1794 : vector<1x128x128xf32> to vector<128x128xf32>
    %swap3A_1796 = vector.shape_cast %add3A_1790 : vector<128x128xf32> to vector<1x128x128xf32>
    tpu.vector_store %arg15[%swap3A_1791, %swap3A_1792, %swap3A_1793], %swap3A_1796 {strides = array<i32>} : memref<32x128x128xf32, #tpu.memory_space<vmem>>, vector<1x128x128xf32>,
    %get3A_1797 = arith.constant 0 : index
    %get3A_1798 = arith.constant 15 : index
    %get3A_1799 = arith.constant 0 : index
    %get3A_1800 = vector.load %arg4[%get3A_1797, %get3A_1798, %get3A_1799] : memref<128x32x128xf32, #tpu.memory_space<vmem>>, vector<128x1x128xf32>
    %get3A_1801 = vector.shape_cast %get3A_1800 : vector<128x1x128xf32> to vector<128x128xf32>
    %convert_element_type3A_1802 = arith.truncf %get3A_1801 : vector<128x128xf32> to vector<128x128xbf16>
    %convert_element_type3A_1803 = arith.extf %convert_element_type3A_1802 : vector<128x128xbf16> to vector<128x128xf32>
    %sub3A_1804 = arith.subf %get3A_1801, %convert_element_type3A_1803 : vector<128x128xf32>
    %convert_element_type3A_1805 = arith.truncf %sub3A_1804 : vector<128x128xf32> to vector<128x128xbf16>
    %convert_element_type3A_1806 = arith.extf %convert_element_type3A_1805 : vector<128x128xbf16> to vector<128x128xf32>
    %sub3A_1807 = arith.subf %sub3A_1804, %convert_element_type3A_1806 : vector<128x128xf32>
    %iota3A_1808 = tpu.iota {dimensions = array<i32: 0>} : vector<128x128xi32>
    %iota3A_1809 = tpu.iota {dimensions = array<i32: 1>} : vector<128x128xi32>
    %eq3A_1810 = arith.cmpi eq, %iota3A_1808, %iota3A_1809 : vector<128x128xi32>
    %convert_element_type3A_1811 = arith.extui %eq3A_1810 : vector<128x128xi1> to vector<128x128xi32>
    %convert_element_type3A_1812 = arith.sitofp %convert_element_type3A_1811 : vector<128x128xi32> to vector<128x128xf32>
    %dot_general3A_1813 = arith.constant dense<0.000000e+00> : vector<128x128xf32>
    %dot_general3A_1814 = tpu.matmul %convert_element_type3A_1803, %convert_element_type3A_1812, %dot_general3A_1813 {dimension_numbers = #tpu.dot_dimension_numbers<[0], [0], [1], [1], [0, 1, 1, 1], [], []>, transpose_lhs_hint = false} : vector<128x128xf32>, vector<128x128xf32>, vector<128x128xf32> -> vector<128x128xf32>
    %iota3A_1815 = tpu.iota {dimensions = array<i32: 0>} : vector<128x128xi32>
    %iota3A_1816 = tpu.iota {dimensions = array<i32: 1>} : vector<128x128xi32>
    %eq3A_1817 = arith.cmpi eq, %iota3A_1815, %iota3A_1816 : vector<128x128xi32>
    %convert_element_type3A_1818 = arith.extui %eq3A_1817 : vector<128x128xi1> to vector<128x128xi32>
    %convert_element_type3A_1819 = arith.sitofp %convert_element_type3A_1818 : vector<128x128xi32> to vector<128x128xf32>
    %dot_general3A_1820 = arith.constant dense<0.000000e+00> : vector<128x128xf32>
    %dot_general3A_1821 = tpu.matmul %convert_element_type3A_1806, %convert_element_type3A_1819, %dot_general3A_1820 {dimension_numbers = #tpu.dot_dimension_numbers<[0], [0], [1], [1], [0, 1, 1, 1], [], []>, transpose_lhs_hint = false} : vector<128x128xf32>, vector<128x128xf32>, vector<128x128xf32> -> vector<128x128xf32>
    %add3A_1822 = arith.addf %dot_general3A_1814, %dot_general3A_1821 : vector<128x128xf32>
    %iota3A_1823 = tpu.iota {dimensions = array<i32: 0>} : vector<128x128xi32>
    %iota3A_1824 = tpu.iota {dimensions = array<i32: 1>} : vector<128x128xi32>
    %eq3A_1825 = arith.cmpi eq, %iota3A_1823, %iota3A_1824 : vector<128x128xi32>
    %convert_element_type3A_1826 = arith.extui %eq3A_1825 : vector<128x128xi1> to vector<128x128xi32>
    %convert_element_type3A_1827 = arith.sitofp %convert_element_type3A_1826 : vector<128x128xi32> to vector<128x128xf32>
    %dot_general3A_1828 = arith.constant dense<0.000000e+00> : vector<128x128xf32>
    %dot_general3A_1829 = tpu.matmul %sub3A_1807, %convert_element_type3A_1827, %dot_general3A_1828 {dimension_numbers = #tpu.dot_dimension_numbers<[0], [0], [1], [1], [0, 1, 1, 1], [], []>, transpose_lhs_hint = false} : vector<128x128xf32>, vector<128x128xf32>, vector<128x128xf32> -> vector<128x128xf32>
    %add3A_1830 = arith.addf %add3A_1822, %dot_general3A_1829 : vector<128x128xf32>
    %swap3A_1831 = arith.constant 15 : index
    %swap3A_1832 = arith.constant 0 : index
    %swap3A_1833 = arith.constant 0 : index
    %swap3A_1834 = vector.load %arg15[%swap3A_1831, %swap3A_1832, %swap3A_1833] : memref<32x128x128xf32, #tpu.memory_space<vmem>>, vector<1x128x128xf32>
    %swap3A_1835 = vector.shape_cast %swap3A_1834 : vector<1x128x128xf32> to vector<128x128xf32>
    %swap3A_1836 = vector.shape_cast %add3A_1830 : vector<128x128xf32> to vector<1x128x128xf32>
    tpu.vector_store %arg15[%swap3A_1831, %swap3A_1832, %swap3A_1833], %swap3A_1836 {strides = array<i32>} : memref<32x128x128xf32, #tpu.memory_space<vmem>>, vector<1x128x128xf32>,
    %get3A_1837 = arith.constant 0 : index
    %get3A_1838 = arith.constant 16 : index
    %get3A_1839 = arith.constant 0 : index
    %get3A_1840 = vector.load %arg4[%get3A_1837, %get3A_1838, %get3A_1839] : memref<128x32x128xf32, #tpu.memory_space<vmem>>, vector<128x1x128xf32>
    %get3A_1841 = vector.shape_cast %get3A_1840 : vector<128x1x128xf32> to vector<128x128xf32>
    %convert_element_type3A_1842 = arith.truncf %get3A_1841 : vector<128x128xf32> to vector<128x128xbf16>
    %convert_element_type3A_1843 = arith.extf %convert_element_type3A_1842 : vector<128x128xbf16> to vector<128x128xf32>
    %sub3A_1844 = arith.subf %get3A_1841, %convert_element_type3A_1843 : vector<128x128xf32>
    %convert_element_type3A_1845 = arith.truncf %sub3A_1844 : vector<128x128xf32> to vector<128x128xbf16>
    %convert_element_type3A_1846 = arith.extf %convert_element_type3A_1845 : vector<128x128xbf16> to vector<128x128xf32>
    %sub3A_1847 = arith.subf %sub3A_1844, %convert_element_type3A_1846 : vector<128x128xf32>
    %iota3A_1848 = tpu.iota {dimensions = array<i32: 0>} : vector<128x128xi32>
    %iota3A_1849 = tpu.iota {dimensions = array<i32: 1>} : vector<128x128xi32>
    %eq3A_1850 = arith.cmpi eq, %iota3A_1848, %iota3A_1849 : vector<128x128xi32>
    %convert_element_type3A_1851 = arith.extui %eq3A_1850 : vector<128x128xi1> to vector<128x128xi32>
    %convert_element_type3A_1852 = arith.sitofp %convert_element_type3A_1851 : vector<128x128xi32> to vector<128x128xf32>
    %dot_general3A_1853 = arith.constant dense<0.000000e+00> : vector<128x128xf32>
    %dot_general3A_1854 = tpu.matmul %convert_element_type3A_1843, %convert_element_type3A_1852, %dot_general3A_1853 {dimension_numbers = #tpu.dot_dimension_numbers<[0], [0], [1], [1], [0, 1, 1, 1], [], []>, transpose_lhs_hint = false} : vector<128x128xf32>, vector<128x128xf32>, vector<128x128xf32> -> vector<128x128xf32>
    %iota3A_1855 = tpu.iota {dimensions = array<i32: 0>} : vector<128x128xi32>
    %iota3A_1856 = tpu.iota {dimensions = array<i32: 1>} : vector<128x128xi32>
    %eq3A_1857 = arith.cmpi eq, %iota3A_1855, %iota3A_1856 : vector<128x128xi32>
    %convert_element_type3A_1858 = arith.extui %eq3A_1857 : vector<128x128xi1> to vector<128x128xi32>
    %convert_element_type3A_1859 = arith.sitofp %convert_element_type3A_1858 : vector<128x128xi32> to vector<128x128xf32>
    %dot_general3A_1860 = arith.constant dense<0.000000e+00> : vector<128x128xf32>
    %dot_general3A_1861 = tpu.matmul %convert_element_type3A_1846, %convert_element_type3A_1859, %dot_general3A_1860 {dimension_numbers = #tpu.dot_dimension_numbers<[0], [0], [1], [1], [0, 1, 1, 1], [], []>, transpose_lhs_hint = false} : vector<128x128xf32>, vector<128x128xf32>, vector<128x128xf32> -> vector<128x128xf32>
    %add3A_1862 = arith.addf %dot_general3A_1854, %dot_general3A_1861 : vector<128x128xf32>
    %iota3A_1863 = tpu.iota {dimensions = array<i32: 0>} : vector<128x128xi32>
    %iota3A_1864 = tpu.iota {dimensions = array<i32: 1>} : vector<128x128xi32>
    %eq3A_1865 = arith.cmpi eq, %iota3A_1863, %iota3A_1864 : vector<128x128xi32>
    %convert_element_type3A_1866 = arith.extui %eq3A_1865 : vector<128x128xi1> to vector<128x128xi32>
    %convert_element_type3A_1867 = arith.sitofp %convert_element_type3A_1866 : vector<128x128xi32> to vector<128x128xf32>
    %dot_general3A_1868 = arith.constant dense<0.000000e+00> : vector<128x128xf32>
    %dot_general3A_1869 = tpu.matmul %sub3A_1847, %convert_element_type3A_1867, %dot_general3A_1868 {dimension_numbers = #tpu.dot_dimension_numbers<[0], [0], [1], [1], [0, 1, 1, 1], [], []>, transpose_lhs_hint = false} : vector<128x128xf32>, vector<128x128xf32>, vector<128x128xf32> -> vector<128x128xf32>
    %add3A_1870 = arith.addf %add3A_1862, %dot_general3A_1869 : vector<128x128xf32>
    %swap3A_1871 = arith.constant 16 : index
    %swap3A_1872 = arith.constant 0 : index
    %swap3A_1873 = arith.constant 0 : index
    %swap3A_1874 = vector.load %arg15[%swap3A_1871, %swap3A_1872, %swap3A_1873] : memref<32x128x128xf32, #tpu.memory_space<vmem>>, vector<1x128x128xf32>
    %swap3A_1875 = vector.shape_cast %swap3A_1874 : vector<1x128x128xf32> to vector<128x128xf32>
    %swap3A_1876 = vector.shape_cast %add3A_1870 : vector<128x128xf32> to vector<1x128x128xf32>
    tpu.vector_store %arg15[%swap3A_1871, %swap3A_1872, %swap3A_1873], %swap3A_1876 {strides = array<i32>} : memref<32x128x128xf32, #tpu.memory_space<vmem>>, vector<1x128x128xf32>,
    %get3A_1877 = arith.constant 0 : index
    %get3A_1878 = arith.constant 17 : index
    %get3A_1879 = arith.constant 0 : index
    %get3A_1880 = vector.load %arg4[%get3A_1877, %get3A_1878, %get3A_1879] : memref<128x32x128xf32, #tpu.memory_space<vmem>>, vector<128x1x128xf32>
    %get3A_1881 = vector.shape_cast %get3A_1880 : vector<128x1x128xf32> to vector<128x128xf32>
    %convert_element_type3A_1882 = arith.truncf %get3A_1881 : vector<128x128xf32> to vector<128x128xbf16>
    %convert_element_type3A_1883 = arith.extf %convert_element_type3A_1882 : vector<128x128xbf16> to vector<128x128xf32>
    %sub3A_1884 = arith.subf %get3A_1881, %convert_element_type3A_1883 : vector<128x128xf32>
    %convert_element_type3A_1885 = arith.truncf %sub3A_1884 : vector<128x128xf32> to vector<128x128xbf16>
    %convert_element_type3A_1886 = arith.extf %convert_element_type3A_1885 : vector<128x128xbf16> to vector<128x128xf32>
    %sub3A_1887 = arith.subf %sub3A_1884, %convert_element_type3A_1886 : vector<128x128xf32>
    %iota3A_1888 = tpu.iota {dimensions = array<i32: 0>} : vector<128x128xi32>
    %iota3A_1889 = tpu.iota {dimensions = array<i32: 1>} : vector<128x128xi32>
    %eq3A_1890 = arith.cmpi eq, %iota3A_1888, %iota3A_1889 : vector<128x128xi32>
    %convert_element_type3A_1891 = arith.extui %eq3A_1890 : vector<128x128xi1> to vector<128x128xi32>
    %convert_element_type3A_1892 = arith.sitofp %convert_element_type3A_1891 : vector<128x128xi32> to vector<128x128xf32>
    %dot_general3A_1893 = arith.constant dense<0.000000e+00> : vector<128x128xf32>
    %dot_general3A_1894 = tpu.matmul %convert_element_type3A_1883, %convert_element_type3A_1892, %dot_general3A_1893 {dimension_numbers = #tpu.dot_dimension_numbers<[0], [0], [1], [1], [0, 1, 1, 1], [], []>, transpose_lhs_hint = false} : vector<128x128xf32>, vector<128x128xf32>, vector<128x128xf32> -> vector<128x128xf32>
    %iota3A_1895 = tpu.iota {dimensions = array<i32: 0>} : vector<128x128xi32>
    %iota3A_1896 = tpu.iota {dimensions = array<i32: 1>} : vector<128x128xi32>
    %eq3A_1897 = arith.cmpi eq, %iota3A_1895, %iota3A_1896 : vector<128x128xi32>
    %convert_element_type3A_1898 = arith.extui %eq3A_1897 : vector<128x128xi1> to vector<128x128xi32>
    %convert_element_type3A_1899 = arith.sitofp %convert_element_type3A_1898 : vector<128x128xi32> to vector<128x128xf32>
    %dot_general3A_1900 = arith.constant dense<0.000000e+00> : vector<128x128xf32>
    %dot_general3A_1901 = tpu.matmul %convert_element_type3A_1886, %convert_element_type3A_1899, %dot_general3A_1900 {dimension_numbers = #tpu.dot_dimension_numbers<[0], [0], [1], [1], [0, 1, 1, 1], [], []>, transpose_lhs_hint = false} : vector<128x128xf32>, vector<128x128xf32>, vector<128x128xf32> -> vector<128x128xf32>
    %add3A_1902 = arith.addf %dot_general3A_1894, %dot_general3A_1901 : vector<128x128xf32>
    %iota3A_1903 = tpu.iota {dimensions = array<i32: 0>} : vector<128x128xi32>
    %iota3A_1904 = tpu.iota {dimensions = array<i32: 1>} : vector<128x128xi32>
    %eq3A_1905 = arith.cmpi eq, %iota3A_1903, %iota3A_1904 : vector<128x128xi32>
    %convert_element_type3A_1906 = arith.extui %eq3A_1905 : vector<128x128xi1> to vector<128x128xi32>
    %convert_element_type3A_1907 = arith.sitofp %convert_element_type3A_1906 : vector<128x128xi32> to vector<128x128xf32>
    %dot_general3A_1908 = arith.constant dense<0.000000e+00> : vector<128x128xf32>
    %dot_general3A_1909 = tpu.matmul %sub3A_1887, %convert_element_type3A_1907, %dot_general3A_1908 {dimension_numbers = #tpu.dot_dimension_numbers<[0], [0], [1], [1], [0, 1, 1, 1], [], []>, transpose_lhs_hint = false} : vector<128x128xf32>, vector<128x128xf32>, vector<128x128xf32> -> vector<128x128xf32>
    %add3A_1910 = arith.addf %add3A_1902, %dot_general3A_1909 : vector<128x128xf32>
    %swap3A_1911 = arith.constant 17 : index
    %swap3A_1912 = arith.constant 0 : index
    %swap3A_1913 = arith.constant 0 : index
    %swap3A_1914 = vector.load %arg15[%swap3A_1911, %swap3A_1912, %swap3A_1913] : memref<32x128x128xf32, #tpu.memory_space<vmem>>, vector<1x128x128xf32>
    %swap3A_1915 = vector.shape_cast %swap3A_1914 : vector<1x128x128xf32> to vector<128x128xf32>
    %swap3A_1916 = vector.shape_cast %add3A_1910 : vector<128x128xf32> to vector<1x128x128xf32>
    tpu.vector_store %arg15[%swap3A_1911, %swap3A_1912, %swap3A_1913], %swap3A_1916 {strides = array<i32>} : memref<32x128x128xf32, #tpu.memory_space<vmem>>, vector<1x128x128xf32>,
    %get3A_1917 = arith.constant 0 : index
    %get3A_1918 = arith.constant 18 : index
    %get3A_1919 = arith.constant 0 : index
    %get3A_1920 = vector.load %arg4[%get3A_1917, %get3A_1918, %get3A_1919] : memref<128x32x128xf32, #tpu.memory_space<vmem>>, vector<128x1x128xf32>
    %get3A_1921 = vector.shape_cast %get3A_1920 : vector<128x1x128xf32> to vector<128x128xf32>
    %convert_element_type3A_1922 = arith.truncf %get3A_1921 : vector<128x128xf32> to vector<128x128xbf16>
    %convert_element_type3A_1923 = arith.extf %convert_element_type3A_1922 : vector<128x128xbf16> to vector<128x128xf32>
    %sub3A_1924 = arith.subf %get3A_1921, %convert_element_type3A_1923 : vector<128x128xf32>
    %convert_element_type3A_1925 = arith.truncf %sub3A_1924 : vector<128x128xf32> to vector<128x128xbf16>
    %convert_element_type3A_1926 = arith.extf %convert_element_type3A_1925 : vector<128x128xbf16> to vector<128x128xf32>
    %sub3A_1927 = arith.subf %sub3A_1924, %convert_element_type3A_1926 : vector<128x128xf32>
    %iota3A_1928 = tpu.iota {dimensions = array<i32: 0>} : vector<128x128xi32>
    %iota3A_1929 = tpu.iota {dimensions = array<i32: 1>} : vector<128x128xi32>
    %eq3A_1930 = arith.cmpi eq, %iota3A_1928, %iota3A_1929 : vector<128x128xi32>
    %convert_element_type3A_1931 = arith.extui %eq3A_1930 : vector<128x128xi1> to vector<128x128xi32>
    %convert_element_type3A_1932 = arith.sitofp %convert_element_type3A_1931 : vector<128x128xi32> to vector<128x128xf32>
    %dot_general3A_1933 = arith.constant dense<0.000000e+00> : vector<128x128xf32>
    %dot_general3A_1934 = tpu.matmul %convert_element_type3A_1923, %convert_element_type3A_1932, %dot_general3A_1933 {dimension_numbers = #tpu.dot_dimension_numbers<[0], [0], [1], [1], [0, 1, 1, 1], [], []>, transpose_lhs_hint = false} : vector<128x128xf32>, vector<128x128xf32>, vector<128x128xf32> -> vector<128x128xf32>
    %iota3A_1935 = tpu.iota {dimensions = array<i32: 0>} : vector<128x128xi32>
    %iota3A_1936 = tpu.iota {dimensions = array<i32: 1>} : vector<128x128xi32>
    %eq3A_1937 = arith.cmpi eq, %iota3A_1935, %iota3A_1936 : vector<128x128xi32>
    %convert_element_type3A_1938 = arith.extui %eq3A_1937 : vector<128x128xi1> to vector<128x128xi32>
    %convert_element_type3A_1939 = arith.sitofp %convert_element_type3A_1938 : vector<128x128xi32> to vector<128x128xf32>
    %dot_general3A_1940 = arith.constant dense<0.000000e+00> : vector<128x128xf32>
    %dot_general3A_1941 = tpu.matmul %convert_element_type3A_1926, %convert_element_type3A_1939, %dot_general3A_1940 {dimension_numbers = #tpu.dot_dimension_numbers<[0], [0], [1], [1], [0, 1, 1, 1], [], []>, transpose_lhs_hint = false} : vector<128x128xf32>, vector<128x128xf32>, vector<128x128xf32> -> vector<128x128xf32>
    %add3A_1942 = arith.addf %dot_general3A_1934, %dot_general3A_1941 : vector<128x128xf32>
    %iota3A_1943 = tpu.iota {dimensions = array<i32: 0>} : vector<128x128xi32>
    %iota3A_1944 = tpu.iota {dimensions = array<i32: 1>} : vector<128x128xi32>
    %eq3A_1945 = arith.cmpi eq, %iota3A_1943, %iota3A_1944 : vector<128x128xi32>
    %convert_element_type3A_1946 = arith.extui %eq3A_1945 : vector<128x128xi1> to vector<128x128xi32>
    %convert_element_type3A_1947 = arith.sitofp %convert_element_type3A_1946 : vector<128x128xi32> to vector<128x128xf32>
    %dot_general3A_1948 = arith.constant dense<0.000000e+00> : vector<128x128xf32>
    %dot_general3A_1949 = tpu.matmul %sub3A_1927, %convert_element_type3A_1947, %dot_general3A_1948 {dimension_numbers = #tpu.dot_dimension_numbers<[0], [0], [1], [1], [0, 1, 1, 1], [], []>, transpose_lhs_hint = false} : vector<128x128xf32>, vector<128x128xf32>, vector<128x128xf32> -> vector<128x128xf32>
    %add3A_1950 = arith.addf %add3A_1942, %dot_general3A_1949 : vector<128x128xf32>
    %swap3A_1951 = arith.constant 18 : index
    %swap3A_1952 = arith.constant 0 : index
    %swap3A_1953 = arith.constant 0 : index
    %swap3A_1954 = vector.load %arg15[%swap3A_1951, %swap3A_1952, %swap3A_1953] : memref<32x128x128xf32, #tpu.memory_space<vmem>>, vector<1x128x128xf32>
    %swap3A_1955 = vector.shape_cast %swap3A_1954 : vector<1x128x128xf32> to vector<128x128xf32>
    %swap3A_1956 = vector.shape_cast %add3A_1950 : vector<128x128xf32> to vector<1x128x128xf32>
    tpu.vector_store %arg15[%swap3A_1951, %swap3A_1952, %swap3A_1953], %swap3A_1956 {strides = array<i32>} : memref<32x128x128xf32, #tpu.memory_space<vmem>>, vector<1x128x128xf32>,
    %get3A_1957 = arith.constant 0 : index
    %get3A_1958 = arith.constant 19 : index
    %get3A_1959 = arith.constant 0 : index
    %get3A_1960 = vector.load %arg4[%get3A_1957, %get3A_1958, %get3A_1959] : memref<128x32x128xf32, #tpu.memory_space<vmem>>, vector<128x1x128xf32>
    %get3A_1961 = vector.shape_cast %get3A_1960 : vector<128x1x128xf32> to vector<128x128xf32>
    %convert_element_type3A_1962 = arith.truncf %get3A_1961 : vector<128x128xf32> to vector<128x128xbf16>
    %convert_element_type3A_1963 = arith.extf %convert_element_type3A_1962 : vector<128x128xbf16> to vector<128x128xf32>
    %sub3A_1964 = arith.subf %get3A_1961, %convert_element_type3A_1963 : vector<128x128xf32>
    %convert_element_type3A_1965 = arith.truncf %sub3A_1964 : vector<128x128xf32> to vector<128x128xbf16>
    %convert_element_type3A_1966 = arith.extf %convert_element_type3A_1965 : vector<128x128xbf16> to vector<128x128xf32>
    %sub3A_1967 = arith.subf %sub3A_1964, %convert_element_type3A_1966 : vector<128x128xf32>
    %iota3A_1968 = tpu.iota {dimensions = array<i32: 0>} : vector<128x128xi32>
    %iota3A_1969 = tpu.iota {dimensions = array<i32: 1>} : vector<128x128xi32>
    %eq3A_1970 = arith.cmpi eq, %iota3A_1968, %iota3A_1969 : vector<128x128xi32>
    %convert_element_type3A_1971 = arith.extui %eq3A_1970 : vector<128x128xi1> to vector<128x128xi32>
    %convert_element_type3A_1972 = arith.sitofp %convert_element_type3A_1971 : vector<128x128xi32> to vector<128x128xf32>
    %dot_general3A_1973 = arith.constant dense<0.000000e+00> : vector<128x128xf32>
    %dot_general3A_1974 = tpu.matmul %convert_element_type3A_1963, %convert_element_type3A_1972, %dot_general3A_1973 {dimension_numbers = #tpu.dot_dimension_numbers<[0], [0], [1], [1], [0, 1, 1, 1], [], []>, transpose_lhs_hint = false} : vector<128x128xf32>, vector<128x128xf32>, vector<128x128xf32> -> vector<128x128xf32>
    %iota3A_1975 = tpu.iota {dimensions = array<i32: 0>} : vector<128x128xi32>
    %iota3A_1976 = tpu.iota {dimensions = array<i32: 1>} : vector<128x128xi32>
    %eq3A_1977 = arith.cmpi eq, %iota3A_1975, %iota3A_1976 : vector<128x128xi32>
    %convert_element_type3A_1978 = arith.extui %eq3A_1977 : vector<128x128xi1> to vector<128x128xi32>
    %convert_element_type3A_1979 = arith.sitofp %convert_element_type3A_1978 : vector<128x128xi32> to vector<128x128xf32>
    %dot_general3A_1980 = arith.constant dense<0.000000e+00> : vector<128x128xf32>
    %dot_general3A_1981 = tpu.matmul %convert_element_type3A_1966, %convert_element_type3A_1979, %dot_general3A_1980 {dimension_numbers = #tpu.dot_dimension_numbers<[0], [0], [1], [1], [0, 1, 1, 1], [], []>, transpose_lhs_hint = false} : vector<128x128xf32>, vector<128x128xf32>, vector<128x128xf32> -> vector<128x128xf32>
    %add3A_1982 = arith.addf %dot_general3A_1974, %dot_general3A_1981 : vector<128x128xf32>
    %iota3A_1983 = tpu.iota {dimensions = array<i32: 0>} : vector<128x128xi32>
    %iota3A_1984 = tpu.iota {dimensions = array<i32: 1>} : vector<128x128xi32>
    %eq3A_1985 = arith.cmpi eq, %iota3A_1983, %iota3A_1984 : vector<128x128xi32>
    %convert_element_type3A_1986 = arith.extui %eq3A_1985 : vector<128x128xi1> to vector<128x128xi32>
    %convert_element_type3A_1987 = arith.sitofp %convert_element_type3A_1986 : vector<128x128xi32> to vector<128x128xf32>
    %dot_general3A_1988 = arith.constant dense<0.000000e+00> : vector<128x128xf32>
    %dot_general3A_1989 = tpu.matmul %sub3A_1967, %convert_element_type3A_1987, %dot_general3A_1988 {dimension_numbers = #tpu.dot_dimension_numbers<[0], [0], [1], [1], [0, 1, 1, 1], [], []>, transpose_lhs_hint = false} : vector<128x128xf32>, vector<128x128xf32>, vector<128x128xf32> -> vector<128x128xf32>
    %add3A_1990 = arith.addf %add3A_1982, %dot_general3A_1989 : vector<128x128xf32>
    %swap3A_1991 = arith.constant 19 : index
    %swap3A_1992 = arith.constant 0 : index
    %swap3A_1993 = arith.constant 0 : index
    %swap3A_1994 = vector.load %arg15[%swap3A_1991, %swap3A_1992, %swap3A_1993] : memref<32x128x128xf32, #tpu.memory_space<vmem>>, vector<1x128x128xf32>
    %swap3A_1995 = vector.shape_cast %swap3A_1994 : vector<1x128x128xf32> to vector<128x128xf32>
    %swap3A_1996 = vector.shape_cast %add3A_1990 : vector<128x128xf32> to vector<1x128x128xf32>
    tpu.vector_store %arg15[%swap3A_1991, %swap3A_1992, %swap3A_1993], %swap3A_1996 {strides = array<i32>} : memref<32x128x128xf32, #tpu.memory_space<vmem>>, vector<1x128x128xf32>,
    %get3A_1997 = arith.constant 0 : index
    %get3A_1998 = arith.constant 20 : index
    %get3A_1999 = arith.constant 0 : index
    %get3A_2000 = vector.load %arg4[%get3A_1997, %get3A_1998, %get3A_1999] : memref<128x32x128xf32, #tpu.memory_space<vmem>>, vector<128x1x128xf32>
    %get3A_2001 = vector.shape_cast %get3A_2000 : vector<128x1x128xf32> to vector<128x128xf32>
    %convert_element_type3A_2002 = arith.truncf %get3A_2001 : vector<128x128xf32> to vector<128x128xbf16>
    %convert_element_type3A_2003 = arith.extf %convert_element_type3A_2002 : vector<128x128xbf16> to vector<128x128xf32>
    %sub3A_2004 = arith.subf %get3A_2001, %convert_element_type3A_2003 : vector<128x128xf32>
    %convert_element_type3A_2005 = arith.truncf %sub3A_2004 : vector<128x128xf32> to vector<128x128xbf16>
    %convert_element_type3A_2006 = arith.extf %convert_element_type3A_2005 : vector<128x128xbf16> to vector<128x128xf32>
    %sub3A_2007 = arith.subf %sub3A_2004, %convert_element_type3A_2006 : vector<128x128xf32>
    %iota3A_2008 = tpu.iota {dimensions = array<i32: 0>} : vector<128x128xi32>
    %iota3A_2009 = tpu.iota {dimensions = array<i32: 1>} : vector<128x128xi32>
    %eq3A_2010 = arith.cmpi eq, %iota3A_2008, %iota3A_2009 : vector<128x128xi32>
    %convert_element_type3A_2011 = arith.extui %eq3A_2010 : vector<128x128xi1> to vector<128x128xi32>
    %convert_element_type3A_2012 = arith.sitofp %convert_element_type3A_2011 : vector<128x128xi32> to vector<128x128xf32>
    %dot_general3A_2013 = arith.constant dense<0.000000e+00> : vector<128x128xf32>
    %dot_general3A_2014 = tpu.matmul %convert_element_type3A_2003, %convert_element_type3A_2012, %dot_general3A_2013 {dimension_numbers = #tpu.dot_dimension_numbers<[0], [0], [1], [1], [0, 1, 1, 1], [], []>, transpose_lhs_hint = false} : vector<128x128xf32>, vector<128x128xf32>, vector<128x128xf32> -> vector<128x128xf32>
    %iota3A_2015 = tpu.iota {dimensions = array<i32: 0>} : vector<128x128xi32>
    %iota3A_2016 = tpu.iota {dimensions = array<i32: 1>} : vector<128x128xi32>
    %eq3A_2017 = arith.cmpi eq, %iota3A_2015, %iota3A_2016 : vector<128x128xi32>
    %convert_element_type3A_2018 = arith.extui %eq3A_2017 : vector<128x128xi1> to vector<128x128xi32>
    %convert_element_type3A_2019 = arith.sitofp %convert_element_type3A_2018 : vector<128x128xi32> to vector<128x128xf32>
    %dot_general3A_2020 = arith.constant dense<0.000000e+00> : vector<128x128xf32>
    %dot_general3A_2021 = tpu.matmul %convert_element_type3A_2006, %convert_element_type3A_2019, %dot_general3A_2020 {dimension_numbers = #tpu.dot_dimension_numbers<[0], [0], [1], [1], [0, 1, 1, 1], [], []>, transpose_lhs_hint = false} : vector<128x128xf32>, vector<128x128xf32>, vector<128x128xf32> -> vector<128x128xf32>
    %add3A_2022 = arith.addf %dot_general3A_2014, %dot_general3A_2021 : vector<128x128xf32>
    %iota3A_2023 = tpu.iota {dimensions = array<i32: 0>} : vector<128x128xi32>
    %iota3A_2024 = tpu.iota {dimensions = array<i32: 1>} : vector<128x128xi32>
    %eq3A_2025 = arith.cmpi eq, %iota3A_2023, %iota3A_2024 : vector<128x128xi32>
    %convert_element_type3A_2026 = arith.extui %eq3A_2025 : vector<128x128xi1> to vector<128x128xi32>
    %convert_element_type3A_2027 = arith.sitofp %convert_element_type3A_2026 : vector<128x128xi32> to vector<128x128xf32>
    %dot_general3A_2028 = arith.constant dense<0.000000e+00> : vector<128x128xf32>
    %dot_general3A_2029 = tpu.matmul %sub3A_2007, %convert_element_type3A_2027, %dot_general3A_2028 {dimension_numbers = #tpu.dot_dimension_numbers<[0], [0], [1], [1], [0, 1, 1, 1], [], []>, transpose_lhs_hint = false} : vector<128x128xf32>, vector<128x128xf32>, vector<128x128xf32> -> vector<128x128xf32>
    %add3A_2030 = arith.addf %add3A_2022, %dot_general3A_2029 : vector<128x128xf32>
    %swap3A_2031 = arith.constant 20 : index
    %swap3A_2032 = arith.constant 0 : index
    %swap3A_2033 = arith.constant 0 : index
    %swap3A_2034 = vector.load %arg15[%swap3A_2031, %swap3A_2032, %swap3A_2033] : memref<32x128x128xf32, #tpu.memory_space<vmem>>, vector<1x128x128xf32>
    %swap3A_2035 = vector.shape_cast %swap3A_2034 : vector<1x128x128xf32> to vector<128x128xf32>
    %swap3A_2036 = vector.shape_cast %add3A_2030 : vector<128x128xf32> to vector<1x128x128xf32>
    tpu.vector_store %arg15[%swap3A_2031, %swap3A_2032, %swap3A_2033], %swap3A_2036 {strides = array<i32>} : memref<32x128x128xf32, #tpu.memory_space<vmem>>, vector<1x128x128xf32>,
    %get3A_2037 = arith.constant 0 : index
    %get3A_2038 = arith.constant 21 : index
    %get3A_2039 = arith.constant 0 : index
    %get3A_2040 = vector.load %arg4[%get3A_2037, %get3A_2038, %get3A_2039] : memref<128x32x128xf32, #tpu.memory_space<vmem>>, vector<128x1x128xf32>
    %get3A_2041 = vector.shape_cast %get3A_2040 : vector<128x1x128xf32> to vector<128x128xf32>
    %convert_element_type3A_2042 = arith.truncf %get3A_2041 : vector<128x128xf32> to vector<128x128xbf16>
    %convert_element_type3A_2043 = arith.extf %convert_element_type3A_2042 : vector<128x128xbf16> to vector<128x128xf32>
    %sub3A_2044 = arith.subf %get3A_2041, %convert_element_type3A_2043 : vector<128x128xf32>
    %convert_element_type3A_2045 = arith.truncf %sub3A_2044 : vector<128x128xf32> to vector<128x128xbf16>
    %convert_element_type3A_2046 = arith.extf %convert_element_type3A_2045 : vector<128x128xbf16> to vector<128x128xf32>
    %sub3A_2047 = arith.subf %sub3A_2044, %convert_element_type3A_2046 : vector<128x128xf32>
    %iota3A_2048 = tpu.iota {dimensions = array<i32: 0>} : vector<128x128xi32>
    %iota3A_2049 = tpu.iota {dimensions = array<i32: 1>} : vector<128x128xi32>
    %eq3A_2050 = arith.cmpi eq, %iota3A_2048, %iota3A_2049 : vector<128x128xi32>
    %convert_element_type3A_2051 = arith.extui %eq3A_2050 : vector<128x128xi1> to vector<128x128xi32>
    %convert_element_type3A_2052 = arith.sitofp %convert_element_type3A_2051 : vector<128x128xi32> to vector<128x128xf32>
    %dot_general3A_2053 = arith.constant dense<0.000000e+00> : vector<128x128xf32>
    %dot_general3A_2054 = tpu.matmul %convert_element_type3A_2043, %convert_element_type3A_2052, %dot_general3A_2053 {dimension_numbers = #tpu.dot_dimension_numbers<[0], [0], [1], [1], [0, 1, 1, 1], [], []>, transpose_lhs_hint = false} : vector<128x128xf32>, vector<128x128xf32>, vector<128x128xf32> -> vector<128x128xf32>
    %iota3A_2055 = tpu.iota {dimensions = array<i32: 0>} : vector<128x128xi32>
    %iota3A_2056 = tpu.iota {dimensions = array<i32: 1>} : vector<128x128xi32>
    %eq3A_2057 = arith.cmpi eq, %iota3A_2055, %iota3A_2056 : vector<128x128xi32>
    %convert_element_type3A_2058 = arith.extui %eq3A_2057 : vector<128x128xi1> to vector<128x128xi32>
    %convert_element_type3A_2059 = arith.sitofp %convert_element_type3A_2058 : vector<128x128xi32> to vector<128x128xf32>
    %dot_general3A_2060 = arith.constant dense<0.000000e+00> : vector<128x128xf32>
    %dot_general3A_2061 = tpu.matmul %convert_element_type3A_2046, %convert_element_type3A_2059, %dot_general3A_2060 {dimension_numbers = #tpu.dot_dimension_numbers<[0], [0], [1], [1], [0, 1, 1, 1], [], []>, transpose_lhs_hint = false} : vector<128x128xf32>, vector<128x128xf32>, vector<128x128xf32> -> vector<128x128xf32>
    %add3A_2062 = arith.addf %dot_general3A_2054, %dot_general3A_2061 : vector<128x128xf32>
    %iota3A_2063 = tpu.iota {dimensions = array<i32: 0>} : vector<128x128xi32>
    %iota3A_2064 = tpu.iota {dimensions = array<i32: 1>} : vector<128x128xi32>
    %eq3A_2065 = arith.cmpi eq, %iota3A_2063, %iota3A_2064 : vector<128x128xi32>
    %convert_element_type3A_2066 = arith.extui %eq3A_2065 : vector<128x128xi1> to vector<128x128xi32>
    %convert_element_type3A_2067 = arith.sitofp %convert_element_type3A_2066 : vector<128x128xi32> to vector<128x128xf32>
    %dot_general3A_2068 = arith.constant dense<0.000000e+00> : vector<128x128xf32>
    %dot_general3A_2069 = tpu.matmul %sub3A_2047, %convert_element_type3A_2067, %dot_general3A_2068 {dimension_numbers = #tpu.dot_dimension_numbers<[0], [0], [1], [1], [0, 1, 1, 1], [], []>, transpose_lhs_hint = false} : vector<128x128xf32>, vector<128x128xf32>, vector<128x128xf32> -> vector<128x128xf32>
    %add3A_2070 = arith.addf %add3A_2062, %dot_general3A_2069 : vector<128x128xf32>
    %swap3A_2071 = arith.constant 21 : index
    %swap3A_2072 = arith.constant 0 : index
    %swap3A_2073 = arith.constant 0 : index
    %swap3A_2074 = vector.load %arg15[%swap3A_2071, %swap3A_2072, %swap3A_2073] : memref<32x128x128xf32, #tpu.memory_space<vmem>>, vector<1x128x128xf32>
    %swap3A_2075 = vector.shape_cast %swap3A_2074 : vector<1x128x128xf32> to vector<128x128xf32>
    %swap3A_2076 = vector.shape_cast %add3A_2070 : vector<128x128xf32> to vector<1x128x128xf32>
    tpu.vector_store %arg15[%swap3A_2071, %swap3A_2072, %swap3A_2073], %swap3A_2076 {strides = array<i32>} : memref<32x128x128xf32, #tpu.memory_space<vmem>>, vector<1x128x128xf32>,
    %get3A_2077 = arith.constant 0 : index
    %get3A_2078 = arith.constant 22 : index
    %get3A_2079 = arith.constant 0 : index
    %get3A_2080 = vector.load %arg4[%get3A_2077, %get3A_2078, %get3A_2079] : memref<128x32x128xf32, #tpu.memory_space<vmem>>, vector<128x1x128xf32>
    %get3A_2081 = vector.shape_cast %get3A_2080 : vector<128x1x128xf32> to vector<128x128xf32>
    %convert_element_type3A_2082 = arith.truncf %get3A_2081 : vector<128x128xf32> to vector<128x128xbf16>
    %convert_element_type3A_2083 = arith.extf %convert_element_type3A_2082 : vector<128x128xbf16> to vector<128x128xf32>
    %sub3A_2084 = arith.subf %get3A_2081, %convert_element_type3A_2083 : vector<128x128xf32>
    %convert_element_type3A_2085 = arith.truncf %sub3A_2084 : vector<128x128xf32> to vector<128x128xbf16>
    %convert_element_type3A_2086 = arith.extf %convert_element_type3A_2085 : vector<128x128xbf16> to vector<128x128xf32>
    %sub3A_2087 = arith.subf %sub3A_2084, %convert_element_type3A_2086 : vector<128x128xf32>
    %iota3A_2088 = tpu.iota {dimensions = array<i32: 0>} : vector<128x128xi32>
    %iota3A_2089 = tpu.iota {dimensions = array<i32: 1>} : vector<128x128xi32>
    %eq3A_2090 = arith.cmpi eq, %iota3A_2088, %iota3A_2089 : vector<128x128xi32>
    %convert_element_type3A_2091 = arith.extui %eq3A_2090 : vector<128x128xi1> to vector<128x128xi32>
    %convert_element_type3A_2092 = arith.sitofp %convert_element_type3A_2091 : vector<128x128xi32> to vector<128x128xf32>
    %dot_general3A_2093 = arith.constant dense<0.000000e+00> : vector<128x128xf32>
    %dot_general3A_2094 = tpu.matmul %convert_element_type3A_2083, %convert_element_type3A_2092, %dot_general3A_2093 {dimension_numbers = #tpu.dot_dimension_numbers<[0], [0], [1], [1], [0, 1, 1, 1], [], []>, transpose_lhs_hint = false} : vector<128x128xf32>, vector<128x128xf32>, vector<128x128xf32> -> vector<128x128xf32>
    %iota3A_2095 = tpu.iota {dimensions = array<i32: 0>} : vector<128x128xi32>
    %iota3A_2096 = tpu.iota {dimensions = array<i32: 1>} : vector<128x128xi32>
    %eq3A_2097 = arith.cmpi eq, %iota3A_2095, %iota3A_2096 : vector<128x128xi32>
    %convert_element_type3A_2098 = arith.extui %eq3A_2097 : vector<128x128xi1> to vector<128x128xi32>
    %convert_element_type3A_2099 = arith.sitofp %convert_element_type3A_2098 : vector<128x128xi32> to vector<128x128xf32>
    %dot_general3A_2100 = arith.constant dense<0.000000e+00> : vector<128x128xf32>
    %dot_general3A_2101 = tpu.matmul %convert_element_type3A_2086, %convert_element_type3A_2099, %dot_general3A_2100 {dimension_numbers = #tpu.dot_dimension_numbers<[0], [0], [1], [1], [0, 1, 1, 1], [], []>, transpose_lhs_hint = false} : vector<128x128xf32>, vector<128x128xf32>, vector<128x128xf32> -> vector<128x128xf32>
    %add3A_2102 = arith.addf %dot_general3A_2094, %dot_general3A_2101 : vector<128x128xf32>
    %iota3A_2103 = tpu.iota {dimensions = array<i32: 0>} : vector<128x128xi32>
    %iota3A_2104 = tpu.iota {dimensions = array<i32: 1>} : vector<128x128xi32>
    %eq3A_2105 = arith.cmpi eq, %iota3A_2103, %iota3A_2104 : vector<128x128xi32>
    %convert_element_type3A_2106 = arith.extui %eq3A_2105 : vector<128x128xi1> to vector<128x128xi32>
    %convert_element_type3A_2107 = arith.sitofp %convert_element_type3A_2106 : vector<128x128xi32> to vector<128x128xf32>
    %dot_general3A_2108 = arith.constant dense<0.000000e+00> : vector<128x128xf32>
    %dot_general3A_2109 = tpu.matmul %sub3A_2087, %convert_element_type3A_2107, %dot_general3A_2108 {dimension_numbers = #tpu.dot_dimension_numbers<[0], [0], [1], [1], [0, 1, 1, 1], [], []>, transpose_lhs_hint = false} : vector<128x128xf32>, vector<128x128xf32>, vector<128x128xf32> -> vector<128x128xf32>
    %add3A_2110 = arith.addf %add3A_2102, %dot_general3A_2109 : vector<128x128xf32>
    %swap3A_2111 = arith.constant 22 : index
    %swap3A_2112 = arith.constant 0 : index
    %swap3A_2113 = arith.constant 0 : index
    %swap3A_2114 = vector.load %arg15[%swap3A_2111, %swap3A_2112, %swap3A_2113] : memref<32x128x128xf32, #tpu.memory_space<vmem>>, vector<1x128x128xf32>
    %swap3A_2115 = vector.shape_cast %swap3A_2114 : vector<1x128x128xf32> to vector<128x128xf32>
    %swap3A_2116 = vector.shape_cast %add3A_2110 : vector<128x128xf32> to vector<1x128x128xf32>
    tpu.vector_store %arg15[%swap3A_2111, %swap3A_2112, %swap3A_2113], %swap3A_2116 {strides = array<i32>} : memref<32x128x128xf32, #tpu.memory_space<vmem>>, vector<1x128x128xf32>,
    %get3A_2117 = arith.constant 0 : index
    %get3A_2118 = arith.constant 23 : index
    %get3A_2119 = arith.constant 0 : index
    %get3A_2120 = vector.load %arg4[%get3A_2117, %get3A_2118, %get3A_2119] : memref<128x32x128xf32, #tpu.memory_space<vmem>>, vector<128x1x128xf32>
    %get3A_2121 = vector.shape_cast %get3A_2120 : vector<128x1x128xf32> to vector<128x128xf32>
    %convert_element_type3A_2122 = arith.truncf %get3A_2121 : vector<128x128xf32> to vector<128x128xbf16>
    %convert_element_type3A_2123 = arith.extf %convert_element_type3A_2122 : vector<128x128xbf16> to vector<128x128xf32>
    %sub3A_2124 = arith.subf %get3A_2121, %convert_element_type3A_2123 : vector<128x128xf32>
    %convert_element_type3A_2125 = arith.truncf %sub3A_2124 : vector<128x128xf32> to vector<128x128xbf16>
    %convert_element_type3A_2126 = arith.extf %convert_element_type3A_2125 : vector<128x128xbf16> to vector<128x128xf32>
    %sub3A_2127 = arith.subf %sub3A_2124, %convert_element_type3A_2126 : vector<128x128xf32>
    %iota3A_2128 = tpu.iota {dimensions = array<i32: 0>} : vector<128x128xi32>
    %iota3A_2129 = tpu.iota {dimensions = array<i32: 1>} : vector<128x128xi32>
    %eq3A_2130 = arith.cmpi eq, %iota3A_2128, %iota3A_2129 : vector<128x128xi32>
    %convert_element_type3A_2131 = arith.extui %eq3A_2130 : vector<128x128xi1> to vector<128x128xi32>
    %convert_element_type3A_2132 = arith.sitofp %convert_element_type3A_2131 : vector<128x128xi32> to vector<128x128xf32>
    %dot_general3A_2133 = arith.constant dense<0.000000e+00> : vector<128x128xf32>
    %dot_general3A_2134 = tpu.matmul %convert_element_type3A_2123, %convert_element_type3A_2132, %dot_general3A_2133 {dimension_numbers = #tpu.dot_dimension_numbers<[0], [0], [1], [1], [0, 1, 1, 1], [], []>, transpose_lhs_hint = false} : vector<128x128xf32>, vector<128x128xf32>, vector<128x128xf32> -> vector<128x128xf32>
    %iota3A_2135 = tpu.iota {dimensions = array<i32: 0>} : vector<128x128xi32>
    %iota3A_2136 = tpu.iota {dimensions = array<i32: 1>} : vector<128x128xi32>
    %eq3A_2137 = arith.cmpi eq, %iota3A_2135, %iota3A_2136 : vector<128x128xi32>
    %convert_element_type3A_2138 = arith.extui %eq3A_2137 : vector<128x128xi1> to vector<128x128xi32>
    %convert_element_type3A_2139 = arith.sitofp %convert_element_type3A_2138 : vector<128x128xi32> to vector<128x128xf32>
    %dot_general3A_2140 = arith.constant dense<0.000000e+00> : vector<128x128xf32>
    %dot_general3A_2141 = tpu.matmul %convert_element_type3A_2126, %convert_element_type3A_2139, %dot_general3A_2140 {dimension_numbers = #tpu.dot_dimension_numbers<[0], [0], [1], [1], [0, 1, 1, 1], [], []>, transpose_lhs_hint = false} : vector<128x128xf32>, vector<128x128xf32>, vector<128x128xf32> -> vector<128x128xf32>
    %add3A_2142 = arith.addf %dot_general3A_2134, %dot_general3A_2141 : vector<128x128xf32>
    %iota3A_2143 = tpu.iota {dimensions = array<i32: 0>} : vector<128x128xi32>
    %iota3A_2144 = tpu.iota {dimensions = array<i32: 1>} : vector<128x128xi32>
    %eq3A_2145 = arith.cmpi eq, %iota3A_2143, %iota3A_2144 : vector<128x128xi32>
    %convert_element_type3A_2146 = arith.extui %eq3A_2145 : vector<128x128xi1> to vector<128x128xi32>
    %convert_element_type3A_2147 = arith.sitofp %convert_element_type3A_2146 : vector<128x128xi32> to vector<128x128xf32>
    %dot_general3A_2148 = arith.constant dense<0.000000e+00> : vector<128x128xf32>
    %dot_general3A_2149 = tpu.matmul %sub3A_2127, %convert_element_type3A_2147, %dot_general3A_2148 {dimension_numbers = #tpu.dot_dimension_numbers<[0], [0], [1], [1], [0, 1, 1, 1], [], []>, transpose_lhs_hint = false} : vector<128x128xf32>, vector<128x128xf32>, vector<128x128xf32> -> vector<128x128xf32>
    %add3A_2150 = arith.addf %add3A_2142, %dot_general3A_2149 : vector<128x128xf32>
    %swap3A_2151 = arith.constant 23 : index
    %swap3A_2152 = arith.constant 0 : index
    %swap3A_2153 = arith.constant 0 : index
    %swap3A_2154 = vector.load %arg15[%swap3A_2151, %swap3A_2152, %swap3A_2153] : memref<32x128x128xf32, #tpu.memory_space<vmem>>, vector<1x128x128xf32>
    %swap3A_2155 = vector.shape_cast %swap3A_2154 : vector<1x128x128xf32> to vector<128x128xf32>
    %swap3A_2156 = vector.shape_cast %add3A_2150 : vector<128x128xf32> to vector<1x128x128xf32>
    tpu.vector_store %arg15[%swap3A_2151, %swap3A_2152, %swap3A_2153], %swap3A_2156 {strides = array<i32>} : memref<32x128x128xf32, #tpu.memory_space<vmem>>, vector<1x128x128xf32>,
    %get3A_2157 = arith.constant 0 : index
    %get3A_2158 = arith.constant 24 : index
    %get3A_2159 = arith.constant 0 : index
    %get3A_2160 = vector.load %arg4[%get3A_2157, %get3A_2158, %get3A_2159] : memref<128x32x128xf32, #tpu.memory_space<vmem>>, vector<128x1x128xf32>
    %get3A_2161 = vector.shape_cast %get3A_2160 : vector<128x1x128xf32> to vector<128x128xf32>
    %convert_element_type3A_2162 = arith.truncf %get3A_2161 : vector<128x128xf32> to vector<128x128xbf16>
    %convert_element_type3A_2163 = arith.extf %convert_element_type3A_2162 : vector<128x128xbf16> to vector<128x128xf32>
    %sub3A_2164 = arith.subf %get3A_2161, %convert_element_type3A_2163 : vector<128x128xf32>
    %convert_element_type3A_2165 = arith.truncf %sub3A_2164 : vector<128x128xf32> to vector<128x128xbf16>
    %convert_element_type3A_2166 = arith.extf %convert_element_type3A_2165 : vector<128x128xbf16> to vector<128x128xf32>
    %sub3A_2167 = arith.subf %sub3A_2164, %convert_element_type3A_2166 : vector<128x128xf32>
    %iota3A_2168 = tpu.iota {dimensions = array<i32: 0>} : vector<128x128xi32>
    %iota3A_2169 = tpu.iota {dimensions = array<i32: 1>} : vector<128x128xi32>
    %eq3A_2170 = arith.cmpi eq, %iota3A_2168, %iota3A_2169 : vector<128x128xi32>
    %convert_element_type3A_2171 = arith.extui %eq3A_2170 : vector<128x128xi1> to vector<128x128xi32>
    %convert_element_type3A_2172 = arith.sitofp %convert_element_type3A_2171 : vector<128x128xi32> to vector<128x128xf32>
    %dot_general3A_2173 = arith.constant dense<0.000000e+00> : vector<128x128xf32>
    %dot_general3A_2174 = tpu.matmul %convert_element_type3A_2163, %convert_element_type3A_2172, %dot_general3A_2173 {dimension_numbers = #tpu.dot_dimension_numbers<[0], [0], [1], [1], [0, 1, 1, 1], [], []>, transpose_lhs_hint = false} : vector<128x128xf32>, vector<128x128xf32>, vector<128x128xf32> -> vector<128x128xf32>
    %iota3A_2175 = tpu.iota {dimensions = array<i32: 0>} : vector<128x128xi32>
    %iota3A_2176 = tpu.iota {dimensions = array<i32: 1>} : vector<128x128xi32>
    %eq3A_2177 = arith.cmpi eq, %iota3A_2175, %iota3A_2176 : vector<128x128xi32>
    %convert_element_type3A_2178 = arith.extui %eq3A_2177 : vector<128x128xi1> to vector<128x128xi32>
    %convert_element_type3A_2179 = arith.sitofp %convert_element_type3A_2178 : vector<128x128xi32> to vector<128x128xf32>
    %dot_general3A_2180 = arith.constant dense<0.000000e+00> : vector<128x128xf32>
    %dot_general3A_2181 = tpu.matmul %convert_element_type3A_2166, %convert_element_type3A_2179, %dot_general3A_2180 {dimension_numbers = #tpu.dot_dimension_numbers<[0], [0], [1], [1], [0, 1, 1, 1], [], []>, transpose_lhs_hint = false} : vector<128x128xf32>, vector<128x128xf32>, vector<128x128xf32> -> vector<128x128xf32>
    %add3A_2182 = arith.addf %dot_general3A_2174, %dot_general3A_2181 : vector<128x128xf32>
    %iota3A_2183 = tpu.iota {dimensions = array<i32: 0>} : vector<128x128xi32>
    %iota3A_2184 = tpu.iota {dimensions = array<i32: 1>} : vector<128x128xi32>
    %eq3A_2185 = arith.cmpi eq, %iota3A_2183, %iota3A_2184 : vector<128x128xi32>
    %convert_element_type3A_2186 = arith.extui %eq3A_2185 : vector<128x128xi1> to vector<128x128xi32>
    %convert_element_type3A_2187 = arith.sitofp %convert_element_type3A_2186 : vector<128x128xi32> to vector<128x128xf32>
    %dot_general3A_2188 = arith.constant dense<0.000000e+00> : vector<128x128xf32>
    %dot_general3A_2189 = tpu.matmul %sub3A_2167, %convert_element_type3A_2187, %dot_general3A_2188 {dimension_numbers = #tpu.dot_dimension_numbers<[0], [0], [1], [1], [0, 1, 1, 1], [], []>, transpose_lhs_hint = false} : vector<128x128xf32>, vector<128x128xf32>, vector<128x128xf32> -> vector<128x128xf32>
    %add3A_2190 = arith.addf %add3A_2182, %dot_general3A_2189 : vector<128x128xf32>
    %swap3A_2191 = arith.constant 24 : index
    %swap3A_2192 = arith.constant 0 : index
    %swap3A_2193 = arith.constant 0 : index
    %swap3A_2194 = vector.load %arg15[%swap3A_2191, %swap3A_2192, %swap3A_2193] : memref<32x128x128xf32, #tpu.memory_space<vmem>>, vector<1x128x128xf32>
    %swap3A_2195 = vector.shape_cast %swap3A_2194 : vector<1x128x128xf32> to vector<128x128xf32>
    %swap3A_2196 = vector.shape_cast %add3A_2190 : vector<128x128xf32> to vector<1x128x128xf32>
    tpu.vector_store %arg15[%swap3A_2191, %swap3A_2192, %swap3A_2193], %swap3A_2196 {strides = array<i32>} : memref<32x128x128xf32, #tpu.memory_space<vmem>>, vector<1x128x128xf32>,
    %get3A_2197 = arith.constant 0 : index
    %get3A_2198 = arith.constant 25 : index
    %get3A_2199 = arith.constant 0 : index
    %get3A_2200 = vector.load %arg4[%get3A_2197, %get3A_2198, %get3A_2199] : memref<128x32x128xf32, #tpu.memory_space<vmem>>, vector<128x1x128xf32>
    %get3A_2201 = vector.shape_cast %get3A_2200 : vector<128x1x128xf32> to vector<128x128xf32>
    %convert_element_type3A_2202 = arith.truncf %get3A_2201 : vector<128x128xf32> to vector<128x128xbf16>
    %convert_element_type3A_2203 = arith.extf %convert_element_type3A_2202 : vector<128x128xbf16> to vector<128x128xf32>
    %sub3A_2204 = arith.subf %get3A_2201, %convert_element_type3A_2203 : vector<128x128xf32>
    %convert_element_type3A_2205 = arith.truncf %sub3A_2204 : vector<128x128xf32> to vector<128x128xbf16>
    %convert_element_type3A_2206 = arith.extf %convert_element_type3A_2205 : vector<128x128xbf16> to vector<128x128xf32>
    %sub3A_2207 = arith.subf %sub3A_2204, %convert_element_type3A_2206 : vector<128x128xf32>
    %iota3A_2208 = tpu.iota {dimensions = array<i32: 0>} : vector<128x128xi32>
    %iota3A_2209 = tpu.iota {dimensions = array<i32: 1>} : vector<128x128xi32>
    %eq3A_2210 = arith.cmpi eq, %iota3A_2208, %iota3A_2209 : vector<128x128xi32>
    %convert_element_type3A_2211 = arith.extui %eq3A_2210 : vector<128x128xi1> to vector<128x128xi32>
    %convert_element_type3A_2212 = arith.sitofp %convert_element_type3A_2211 : vector<128x128xi32> to vector<128x128xf32>
    %dot_general3A_2213 = arith.constant dense<0.000000e+00> : vector<128x128xf32>
    %dot_general3A_2214 = tpu.matmul %convert_element_type3A_2203, %convert_element_type3A_2212, %dot_general3A_2213 {dimension_numbers = #tpu.dot_dimension_numbers<[0], [0], [1], [1], [0, 1, 1, 1], [], []>, transpose_lhs_hint = false} : vector<128x128xf32>, vector<128x128xf32>, vector<128x128xf32> -> vector<128x128xf32>
    %iota3A_2215 = tpu.iota {dimensions = array<i32: 0>} : vector<128x128xi32>
    %iota3A_2216 = tpu.iota {dimensions = array<i32: 1>} : vector<128x128xi32>
    %eq3A_2217 = arith.cmpi eq, %iota3A_2215, %iota3A_2216 : vector<128x128xi32>
    %convert_element_type3A_2218 = arith.extui %eq3A_2217 : vector<128x128xi1> to vector<128x128xi32>
    %convert_element_type3A_2219 = arith.sitofp %convert_element_type3A_2218 : vector<128x128xi32> to vector<128x128xf32>
    %dot_general3A_2220 = arith.constant dense<0.000000e+00> : vector<128x128xf32>
    %dot_general3A_2221 = tpu.matmul %convert_element_type3A_2206, %convert_element_type3A_2219, %dot_general3A_2220 {dimension_numbers = #tpu.dot_dimension_numbers<[0], [0], [1], [1], [0, 1, 1, 1], [], []>, transpose_lhs_hint = false} : vector<128x128xf32>, vector<128x128xf32>, vector<128x128xf32> -> vector<128x128xf32>
    %add3A_2222 = arith.addf %dot_general3A_2214, %dot_general3A_2221 : vector<128x128xf32>
    %iota3A_2223 = tpu.iota {dimensions = array<i32: 0>} : vector<128x128xi32>
    %iota3A_2224 = tpu.iota {dimensions = array<i32: 1>} : vector<128x128xi32>
    %eq3A_2225 = arith.cmpi eq, %iota3A_2223, %iota3A_2224 : vector<128x128xi32>
    %convert_element_type3A_2226 = arith.extui %eq3A_2225 : vector<128x128xi1> to vector<128x128xi32>
    %convert_element_type3A_2227 = arith.sitofp %convert_element_type3A_2226 : vector<128x128xi32> to vector<128x128xf32>
    %dot_general3A_2228 = arith.constant dense<0.000000e+00> : vector<128x128xf32>
    %dot_general3A_2229 = tpu.matmul %sub3A_2207, %convert_element_type3A_2227, %dot_general3A_2228 {dimension_numbers = #tpu.dot_dimension_numbers<[0], [0], [1], [1], [0, 1, 1, 1], [], []>, transpose_lhs_hint = false} : vector<128x128xf32>, vector<128x128xf32>, vector<128x128xf32> -> vector<128x128xf32>
    %add3A_2230 = arith.addf %add3A_2222, %dot_general3A_2229 : vector<128x128xf32>
    %swap3A_2231 = arith.constant 25 : index
    %swap3A_2232 = arith.constant 0 : index
    %swap3A_2233 = arith.constant 0 : index
    %swap3A_2234 = vector.load %arg15[%swap3A_2231, %swap3A_2232, %swap3A_2233] : memref<32x128x128xf32, #tpu.memory_space<vmem>>, vector<1x128x128xf32>
    %swap3A_2235 = vector.shape_cast %swap3A_2234 : vector<1x128x128xf32> to vector<128x128xf32>
    %swap3A_2236 = vector.shape_cast %add3A_2230 : vector<128x128xf32> to vector<1x128x128xf32>
    tpu.vector_store %arg15[%swap3A_2231, %swap3A_2232, %swap3A_2233], %swap3A_2236 {strides = array<i32>} : memref<32x128x128xf32, #tpu.memory_space<vmem>>, vector<1x128x128xf32>,
    %get3A_2237 = arith.constant 0 : index
    %get3A_2238 = arith.constant 26 : index
    %get3A_2239 = arith.constant 0 : index
    %get3A_2240 = vector.load %arg4[%get3A_2237, %get3A_2238, %get3A_2239] : memref<128x32x128xf32, #tpu.memory_space<vmem>>, vector<128x1x128xf32>
    %get3A_2241 = vector.shape_cast %get3A_2240 : vector<128x1x128xf32> to vector<128x128xf32>
    %convert_element_type3A_2242 = arith.truncf %get3A_2241 : vector<128x128xf32> to vector<128x128xbf16>
    %convert_element_type3A_2243 = arith.extf %convert_element_type3A_2242 : vector<128x128xbf16> to vector<128x128xf32>
    %sub3A_2244 = arith.subf %get3A_2241, %convert_element_type3A_2243 : vector<128x128xf32>
    %convert_element_type3A_2245 = arith.truncf %sub3A_2244 : vector<128x128xf32> to vector<128x128xbf16>
    %convert_element_type3A_2246 = arith.extf %convert_element_type3A_2245 : vector<128x128xbf16> to vector<128x128xf32>
    %sub3A_2247 = arith.subf %sub3A_2244, %convert_element_type3A_2246 : vector<128x128xf32>
    %iota3A_2248 = tpu.iota {dimensions = array<i32: 0>} : vector<128x128xi32>
    %iota3A_2249 = tpu.iota {dimensions = array<i32: 1>} : vector<128x128xi32>
    %eq3A_2250 = arith.cmpi eq, %iota3A_2248, %iota3A_2249 : vector<128x128xi32>
    %convert_element_type3A_2251 = arith.extui %eq3A_2250 : vector<128x128xi1> to vector<128x128xi32>
    %convert_element_type3A_2252 = arith.sitofp %convert_element_type3A_2251 : vector<128x128xi32> to vector<128x128xf32>
    %dot_general3A_2253 = arith.constant dense<0.000000e+00> : vector<128x128xf32>
    %dot_general3A_2254 = tpu.matmul %convert_element_type3A_2243, %convert_element_type3A_2252, %dot_general3A_2253 {dimension_numbers = #tpu.dot_dimension_numbers<[0], [0], [1], [1], [0, 1, 1, 1], [], []>, transpose_lhs_hint = false} : vector<128x128xf32>, vector<128x128xf32>, vector<128x128xf32> -> vector<128x128xf32>
    %iota3A_2255 = tpu.iota {dimensions = array<i32: 0>} : vector<128x128xi32>
    %iota3A_2256 = tpu.iota {dimensions = array<i32: 1>} : vector<128x128xi32>
    %eq3A_2257 = arith.cmpi eq, %iota3A_2255, %iota3A_2256 : vector<128x128xi32>
    %convert_element_type3A_2258 = arith.extui %eq3A_2257 : vector<128x128xi1> to vector<128x128xi32>
    %convert_element_type3A_2259 = arith.sitofp %convert_element_type3A_2258 : vector<128x128xi32> to vector<128x128xf32>
    %dot_general3A_2260 = arith.constant dense<0.000000e+00> : vector<128x128xf32>
    %dot_general3A_2261 = tpu.matmul %convert_element_type3A_2246, %convert_element_type3A_2259, %dot_general3A_2260 {dimension_numbers = #tpu.dot_dimension_numbers<[0], [0], [1], [1], [0, 1, 1, 1], [], []>, transpose_lhs_hint = false} : vector<128x128xf32>, vector<128x128xf32>, vector<128x128xf32> -> vector<128x128xf32>
    %add3A_2262 = arith.addf %dot_general3A_2254, %dot_general3A_2261 : vector<128x128xf32>
    %iota3A_2263 = tpu.iota {dimensions = array<i32: 0>} : vector<128x128xi32>
    %iota3A_2264 = tpu.iota {dimensions = array<i32: 1>} : vector<128x128xi32>
    %eq3A_2265 = arith.cmpi eq, %iota3A_2263, %iota3A_2264 : vector<128x128xi32>
    %convert_element_type3A_2266 = arith.extui %eq3A_2265 : vector<128x128xi1> to vector<128x128xi32>
    %convert_element_type3A_2267 = arith.sitofp %convert_element_type3A_2266 : vector<128x128xi32> to vector<128x128xf32>
    %dot_general3A_2268 = arith.constant dense<0.000000e+00> : vector<128x128xf32>
    %dot_general3A_2269 = tpu.matmul %sub3A_2247, %convert_element_type3A_2267, %dot_general3A_2268 {dimension_numbers = #tpu.dot_dimension_numbers<[0], [0], [1], [1], [0, 1, 1, 1], [], []>, transpose_lhs_hint = false} : vector<128x128xf32>, vector<128x128xf32>, vector<128x128xf32> -> vector<128x128xf32>
    %add3A_2270 = arith.addf %add3A_2262, %dot_general3A_2269 : vector<128x128xf32>
    %swap3A_2271 = arith.constant 26 : index
    %swap3A_2272 = arith.constant 0 : index
    %swap3A_2273 = arith.constant 0 : index
    %swap3A_2274 = vector.load %arg15[%swap3A_2271, %swap3A_2272, %swap3A_2273] : memref<32x128x128xf32, #tpu.memory_space<vmem>>, vector<1x128x128xf32>
    %swap3A_2275 = vector.shape_cast %swap3A_2274 : vector<1x128x128xf32> to vector<128x128xf32>
    %swap3A_2276 = vector.shape_cast %add3A_2270 : vector<128x128xf32> to vector<1x128x128xf32>
    tpu.vector_store %arg15[%swap3A_2271, %swap3A_2272, %swap3A_2273], %swap3A_2276 {strides = array<i32>} : memref<32x128x128xf32, #tpu.memory_space<vmem>>, vector<1x128x128xf32>,
    %get3A_2277 = arith.constant 0 : index
    %get3A_2278 = arith.constant 27 : index
    %get3A_2279 = arith.constant 0 : index
    %get3A_2280 = vector.load %arg4[%get3A_2277, %get3A_2278, %get3A_2279] : memref<128x32x128xf32, #tpu.memory_space<vmem>>, vector<128x1x128xf32>
    %get3A_2281 = vector.shape_cast %get3A_2280 : vector<128x1x128xf32> to vector<128x128xf32>
    %convert_element_type3A_2282 = arith.truncf %get3A_2281 : vector<128x128xf32> to vector<128x128xbf16>
    %convert_element_type3A_2283 = arith.extf %convert_element_type3A_2282 : vector<128x128xbf16> to vector<128x128xf32>
    %sub3A_2284 = arith.subf %get3A_2281, %convert_element_type3A_2283 : vector<128x128xf32>
    %convert_element_type3A_2285 = arith.truncf %sub3A_2284 : vector<128x128xf32> to vector<128x128xbf16>
    %convert_element_type3A_2286 = arith.extf %convert_element_type3A_2285 : vector<128x128xbf16> to vector<128x128xf32>
    %sub3A_2287 = arith.subf %sub3A_2284, %convert_element_type3A_2286 : vector<128x128xf32>
    %iota3A_2288 = tpu.iota {dimensions = array<i32: 0>} : vector<128x128xi32>
    %iota3A_2289 = tpu.iota {dimensions = array<i32: 1>} : vector<128x128xi32>
    %eq3A_2290 = arith.cmpi eq, %iota3A_2288, %iota3A_2289 : vector<128x128xi32>
    %convert_element_type3A_2291 = arith.extui %eq3A_2290 : vector<128x128xi1> to vector<128x128xi32>
    %convert_element_type3A_2292 = arith.sitofp %convert_element_type3A_2291 : vector<128x128xi32> to vector<128x128xf32>
    %dot_general3A_2293 = arith.constant dense<0.000000e+00> : vector<128x128xf32>
    %dot_general3A_2294 = tpu.matmul %convert_element_type3A_2283, %convert_element_type3A_2292, %dot_general3A_2293 {dimension_numbers = #tpu.dot_dimension_numbers<[0], [0], [1], [1], [0, 1, 1, 1], [], []>, transpose_lhs_hint = false} : vector<128x128xf32>, vector<128x128xf32>, vector<128x128xf32> -> vector<128x128xf32>
    %iota3A_2295 = tpu.iota {dimensions = array<i32: 0>} : vector<128x128xi32>
    %iota3A_2296 = tpu.iota {dimensions = array<i32: 1>} : vector<128x128xi32>
    %eq3A_2297 = arith.cmpi eq, %iota3A_2295, %iota3A_2296 : vector<128x128xi32>
    %convert_element_type3A_2298 = arith.extui %eq3A_2297 : vector<128x128xi1> to vector<128x128xi32>
    %convert_element_type3A_2299 = arith.sitofp %convert_element_type3A_2298 : vector<128x128xi32> to vector<128x128xf32>
    %dot_general3A_2300 = arith.constant dense<0.000000e+00> : vector<128x128xf32>
    %dot_general3A_2301 = tpu.matmul %convert_element_type3A_2286, %convert_element_type3A_2299, %dot_general3A_2300 {dimension_numbers = #tpu.dot_dimension_numbers<[0], [0], [1], [1], [0, 1, 1, 1], [], []>, transpose_lhs_hint = false} : vector<128x128xf32>, vector<128x128xf32>, vector<128x128xf32> -> vector<128x128xf32>
    %add3A_2302 = arith.addf %dot_general3A_2294, %dot_general3A_2301 : vector<128x128xf32>
    %iota3A_2303 = tpu.iota {dimensions = array<i32: 0>} : vector<128x128xi32>
    %iota3A_2304 = tpu.iota {dimensions = array<i32: 1>} : vector<128x128xi32>
    %eq3A_2305 = arith.cmpi eq, %iota3A_2303, %iota3A_2304 : vector<128x128xi32>
    %convert_element_type3A_2306 = arith.extui %eq3A_2305 : vector<128x128xi1> to vector<128x128xi32>
    %convert_element_type3A_2307 = arith.sitofp %convert_element_type3A_2306 : vector<128x128xi32> to vector<128x128xf32>
    %dot_general3A_2308 = arith.constant dense<0.000000e+00> : vector<128x128xf32>
    %dot_general3A_2309 = tpu.matmul %sub3A_2287, %convert_element_type3A_2307, %dot_general3A_2308 {dimension_numbers = #tpu.dot_dimension_numbers<[0], [0], [1], [1], [0, 1, 1, 1], [], []>, transpose_lhs_hint = false} : vector<128x128xf32>, vector<128x128xf32>, vector<128x128xf32> -> vector<128x128xf32>
    %add3A_2310 = arith.addf %add3A_2302, %dot_general3A_2309 : vector<128x128xf32>
    %swap3A_2311 = arith.constant 27 : index
    %swap3A_2312 = arith.constant 0 : index
    %swap3A_2313 = arith.constant 0 : index
    %swap3A_2314 = vector.load %arg15[%swap3A_2311, %swap3A_2312, %swap3A_2313] : memref<32x128x128xf32, #tpu.memory_space<vmem>>, vector<1x128x128xf32>
    %swap3A_2315 = vector.shape_cast %swap3A_2314 : vector<1x128x128xf32> to vector<128x128xf32>
    %swap3A_2316 = vector.shape_cast %add3A_2310 : vector<128x128xf32> to vector<1x128x128xf32>
    tpu.vector_store %arg15[%swap3A_2311, %swap3A_2312, %swap3A_2313], %swap3A_2316 {strides = array<i32>} : memref<32x128x128xf32, #tpu.memory_space<vmem>>, vector<1x128x128xf32>,
    %get3A_2317 = arith.constant 0 : index
    %get3A_2318 = arith.constant 28 : index
    %get3A_2319 = arith.constant 0 : index
    %get3A_2320 = vector.load %arg4[%get3A_2317, %get3A_2318, %get3A_2319] : memref<128x32x128xf32, #tpu.memory_space<vmem>>, vector<128x1x128xf32>
    %get3A_2321 = vector.shape_cast %get3A_2320 : vector<128x1x128xf32> to vector<128x128xf32>
    %convert_element_type3A_2322 = arith.truncf %get3A_2321 : vector<128x128xf32> to vector<128x128xbf16>
    %convert_element_type3A_2323 = arith.extf %convert_element_type3A_2322 : vector<128x128xbf16> to vector<128x128xf32>
    %sub3A_2324 = arith.subf %get3A_2321, %convert_element_type3A_2323 : vector<128x128xf32>
    %convert_element_type3A_2325 = arith.truncf %sub3A_2324 : vector<128x128xf32> to vector<128x128xbf16>
    %convert_element_type3A_2326 = arith.extf %convert_element_type3A_2325 : vector<128x128xbf16> to vector<128x128xf32>
    %sub3A_2327 = arith.subf %sub3A_2324, %convert_element_type3A_2326 : vector<128x128xf32>
    %iota3A_2328 = tpu.iota {dimensions = array<i32: 0>} : vector<128x128xi32>
    %iota3A_2329 = tpu.iota {dimensions = array<i32: 1>} : vector<128x128xi32>
    %eq3A_2330 = arith.cmpi eq, %iota3A_2328, %iota3A_2329 : vector<128x128xi32>
    %convert_element_type3A_2331 = arith.extui %eq3A_2330 : vector<128x128xi1> to vector<128x128xi32>
    %convert_element_type3A_2332 = arith.sitofp %convert_element_type3A_2331 : vector<128x128xi32> to vector<128x128xf32>
    %dot_general3A_2333 = arith.constant dense<0.000000e+00> : vector<128x128xf32>
    %dot_general3A_2334 = tpu.matmul %convert_element_type3A_2323, %convert_element_type3A_2332, %dot_general3A_2333 {dimension_numbers = #tpu.dot_dimension_numbers<[0], [0], [1], [1], [0, 1, 1, 1], [], []>, transpose_lhs_hint = false} : vector<128x128xf32>, vector<128x128xf32>, vector<128x128xf32> -> vector<128x128xf32>
    %iota3A_2335 = tpu.iota {dimensions = array<i32: 0>} : vector<128x128xi32>
    %iota3A_2336 = tpu.iota {dimensions = array<i32: 1>} : vector<128x128xi32>
    %eq3A_2337 = arith.cmpi eq, %iota3A_2335, %iota3A_2336 : vector<128x128xi32>
    %convert_element_type3A_2338 = arith.extui %eq3A_2337 : vector<128x128xi1> to vector<128x128xi32>
    %convert_element_type3A_2339 = arith.sitofp %convert_element_type3A_2338 : vector<128x128xi32> to vector<128x128xf32>
    %dot_general3A_2340 = arith.constant dense<0.000000e+00> : vector<128x128xf32>
    %dot_general3A_2341 = tpu.matmul %convert_element_type3A_2326, %convert_element_type3A_2339, %dot_general3A_2340 {dimension_numbers = #tpu.dot_dimension_numbers<[0], [0], [1], [1], [0, 1, 1, 1], [], []>, transpose_lhs_hint = false} : vector<128x128xf32>, vector<128x128xf32>, vector<128x128xf32> -> vector<128x128xf32>
    %add3A_2342 = arith.addf %dot_general3A_2334, %dot_general3A_2341 : vector<128x128xf32>
    %iota3A_2343 = tpu.iota {dimensions = array<i32: 0>} : vector<128x128xi32>
    %iota3A_2344 = tpu.iota {dimensions = array<i32: 1>} : vector<128x128xi32>
    %eq3A_2345 = arith.cmpi eq, %iota3A_2343, %iota3A_2344 : vector<128x128xi32>
    %convert_element_type3A_2346 = arith.extui %eq3A_2345 : vector<128x128xi1> to vector<128x128xi32>
    %convert_element_type3A_2347 = arith.sitofp %convert_element_type3A_2346 : vector<128x128xi32> to vector<128x128xf32>
    %dot_general3A_2348 = arith.constant dense<0.000000e+00> : vector<128x128xf32>
    %dot_general3A_2349 = tpu.matmul %sub3A_2327, %convert_element_type3A_2347, %dot_general3A_2348 {dimension_numbers = #tpu.dot_dimension_numbers<[0], [0], [1], [1], [0, 1, 1, 1], [], []>, transpose_lhs_hint = false} : vector<128x128xf32>, vector<128x128xf32>, vector<128x128xf32> -> vector<128x128xf32>
    %add3A_2350 = arith.addf %add3A_2342, %dot_general3A_2349 : vector<128x128xf32>
    %swap3A_2351 = arith.constant 28 : index
    %swap3A_2352 = arith.constant 0 : index
    %swap3A_2353 = arith.constant 0 : index
    %swap3A_2354 = vector.load %arg15[%swap3A_2351, %swap3A_2352, %swap3A_2353] : memref<32x128x128xf32, #tpu.memory_space<vmem>>, vector<1x128x128xf32>
    %swap3A_2355 = vector.shape_cast %swap3A_2354 : vector<1x128x128xf32> to vector<128x128xf32>
    %swap3A_2356 = vector.shape_cast %add3A_2350 : vector<128x128xf32> to vector<1x128x128xf32>
    tpu.vector_store %arg15[%swap3A_2351, %swap3A_2352, %swap3A_2353], %swap3A_2356 {strides = array<i32>} : memref<32x128x128xf32, #tpu.memory_space<vmem>>, vector<1x128x128xf32>,
    %get3A_2357 = arith.constant 0 : index
    %get3A_2358 = arith.constant 29 : index
    %get3A_2359 = arith.constant 0 : index
    %get3A_2360 = vector.load %arg4[%get3A_2357, %get3A_2358, %get3A_2359] : memref<128x32x128xf32, #tpu.memory_space<vmem>>, vector<128x1x128xf32>
    %get3A_2361 = vector.shape_cast %get3A_2360 : vector<128x1x128xf32> to vector<128x128xf32>
    %convert_element_type3A_2362 = arith.truncf %get3A_2361 : vector<128x128xf32> to vector<128x128xbf16>
    %convert_element_type3A_2363 = arith.extf %convert_element_type3A_2362 : vector<128x128xbf16> to vector<128x128xf32>
    %sub3A_2364 = arith.subf %get3A_2361, %convert_element_type3A_2363 : vector<128x128xf32>
    %convert_element_type3A_2365 = arith.truncf %sub3A_2364 : vector<128x128xf32> to vector<128x128xbf16>
    %convert_element_type3A_2366 = arith.extf %convert_element_type3A_2365 : vector<128x128xbf16> to vector<128x128xf32>
    %sub3A_2367 = arith.subf %sub3A_2364, %convert_element_type3A_2366 : vector<128x128xf32>
    %iota3A_2368 = tpu.iota {dimensions = array<i32: 0>} : vector<128x128xi32>
    %iota3A_2369 = tpu.iota {dimensions = array<i32: 1>} : vector<128x128xi32>
    %eq3A_2370 = arith.cmpi eq, %iota3A_2368, %iota3A_2369 : vector<128x128xi32>
    %convert_element_type3A_2371 = arith.extui %eq3A_2370 : vector<128x128xi1> to vector<128x128xi32>
    %convert_element_type3A_2372 = arith.sitofp %convert_element_type3A_2371 : vector<128x128xi32> to vector<128x128xf32>
    %dot_general3A_2373 = arith.constant dense<0.000000e+00> : vector<128x128xf32>
    %dot_general3A_2374 = tpu.matmul %convert_element_type3A_2363, %convert_element_type3A_2372, %dot_general3A_2373 {dimension_numbers = #tpu.dot_dimension_numbers<[0], [0], [1], [1], [0, 1, 1, 1], [], []>, transpose_lhs_hint = false} : vector<128x128xf32>, vector<128x128xf32>, vector<128x128xf32> -> vector<128x128xf32>
    %iota3A_2375 = tpu.iota {dimensions = array<i32: 0>} : vector<128x128xi32>
    %iota3A_2376 = tpu.iota {dimensions = array<i32: 1>} : vector<128x128xi32>
    %eq3A_2377 = arith.cmpi eq, %iota3A_2375, %iota3A_2376 : vector<128x128xi32>
    %convert_element_type3A_2378 = arith.extui %eq3A_2377 : vector<128x128xi1> to vector<128x128xi32>
    %convert_element_type3A_2379 = arith.sitofp %convert_element_type3A_2378 : vector<128x128xi32> to vector<128x128xf32>
    %dot_general3A_2380 = arith.constant dense<0.000000e+00> : vector<128x128xf32>
    %dot_general3A_2381 = tpu.matmul %convert_element_type3A_2366, %convert_element_type3A_2379, %dot_general3A_2380 {dimension_numbers = #tpu.dot_dimension_numbers<[0], [0], [1], [1], [0, 1, 1, 1], [], []>, transpose_lhs_hint = false} : vector<128x128xf32>, vector<128x128xf32>, vector<128x128xf32> -> vector<128x128xf32>
    %add3A_2382 = arith.addf %dot_general3A_2374, %dot_general3A_2381 : vector<128x128xf32>
    %iota3A_2383 = tpu.iota {dimensions = array<i32: 0>} : vector<128x128xi32>
    %iota3A_2384 = tpu.iota {dimensions = array<i32: 1>} : vector<128x128xi32>
    %eq3A_2385 = arith.cmpi eq, %iota3A_2383, %iota3A_2384 : vector<128x128xi32>
    %convert_element_type3A_2386 = arith.extui %eq3A_2385 : vector<128x128xi1> to vector<128x128xi32>
    %convert_element_type3A_2387 = arith.sitofp %convert_element_type3A_2386 : vector<128x128xi32> to vector<128x128xf32>
    %dot_general3A_2388 = arith.constant dense<0.000000e+00> : vector<128x128xf32>
    %dot_general3A_2389 = tpu.matmul %sub3A_2367, %convert_element_type3A_2387, %dot_general3A_2388 {dimension_numbers = #tpu.dot_dimension_numbers<[0], [0], [1], [1], [0, 1, 1, 1], [], []>, transpose_lhs_hint = false} : vector<128x128xf32>, vector<128x128xf32>, vector<128x128xf32> -> vector<128x128xf32>
    %add3A_2390 = arith.addf %add3A_2382, %dot_general3A_2389 : vector<128x128xf32>
    %swap3A_2391 = arith.constant 29 : index
    %swap3A_2392 = arith.constant 0 : index
    %swap3A_2393 = arith.constant 0 : index
    %swap3A_2394 = vector.load %arg15[%swap3A_2391, %swap3A_2392, %swap3A_2393] : memref<32x128x128xf32, #tpu.memory_space<vmem>>, vector<1x128x128xf32>
    %swap3A_2395 = vector.shape_cast %swap3A_2394 : vector<1x128x128xf32> to vector<128x128xf32>
    %swap3A_2396 = vector.shape_cast %add3A_2390 : vector<128x128xf32> to vector<1x128x128xf32>
    tpu.vector_store %arg15[%swap3A_2391, %swap3A_2392, %swap3A_2393], %swap3A_2396 {strides = array<i32>} : memref<32x128x128xf32, #tpu.memory_space<vmem>>, vector<1x128x128xf32>,
    %get3A_2397 = arith.constant 0 : index
    %get3A_2398 = arith.constant 30 : index
    %get3A_2399 = arith.constant 0 : index
    %get3A_2400 = vector.load %arg4[%get3A_2397, %get3A_2398, %get3A_2399] : memref<128x32x128xf32, #tpu.memory_space<vmem>>, vector<128x1x128xf32>
    %get3A_2401 = vector.shape_cast %get3A_2400 : vector<128x1x128xf32> to vector<128x128xf32>
    %convert_element_type3A_2402 = arith.truncf %get3A_2401 : vector<128x128xf32> to vector<128x128xbf16>
    %convert_element_type3A_2403 = arith.extf %convert_element_type3A_2402 : vector<128x128xbf16> to vector<128x128xf32>
    %sub3A_2404 = arith.subf %get3A_2401, %convert_element_type3A_2403 : vector<128x128xf32>
    %convert_element_type3A_2405 = arith.truncf %sub3A_2404 : vector<128x128xf32> to vector<128x128xbf16>
    %convert_element_type3A_2406 = arith.extf %convert_element_type3A_2405 : vector<128x128xbf16> to vector<128x128xf32>
    %sub3A_2407 = arith.subf %sub3A_2404, %convert_element_type3A_2406 : vector<128x128xf32>
    %iota3A_2408 = tpu.iota {dimensions = array<i32: 0>} : vector<128x128xi32>
    %iota3A_2409 = tpu.iota {dimensions = array<i32: 1>} : vector<128x128xi32>
    %eq3A_2410 = arith.cmpi eq, %iota3A_2408, %iota3A_2409 : vector<128x128xi32>
    %convert_element_type3A_2411 = arith.extui %eq3A_2410 : vector<128x128xi1> to vector<128x128xi32>
    %convert_element_type3A_2412 = arith.sitofp %convert_element_type3A_2411 : vector<128x128xi32> to vector<128x128xf32>
    %dot_general3A_2413 = arith.constant dense<0.000000e+00> : vector<128x128xf32>
    %dot_general3A_2414 = tpu.matmul %convert_element_type3A_2403, %convert_element_type3A_2412, %dot_general3A_2413 {dimension_numbers = #tpu.dot_dimension_numbers<[0], [0], [1], [1], [0, 1, 1, 1], [], []>, transpose_lhs_hint = false} : vector<128x128xf32>, vector<128x128xf32>, vector<128x128xf32> -> vector<128x128xf32>
    %iota3A_2415 = tpu.iota {dimensions = array<i32: 0>} : vector<128x128xi32>
    %iota3A_2416 = tpu.iota {dimensions = array<i32: 1>} : vector<128x128xi32>
    %eq3A_2417 = arith.cmpi eq, %iota3A_2415, %iota3A_2416 : vector<128x128xi32>
    %convert_element_type3A_2418 = arith.extui %eq3A_2417 : vector<128x128xi1> to vector<128x128xi32>
    %convert_element_type3A_2419 = arith.sitofp %convert_element_type3A_2418 : vector<128x128xi32> to vector<128x128xf32>
    %dot_general3A_2420 = arith.constant dense<0.000000e+00> : vector<128x128xf32>
    %dot_general3A_2421 = tpu.matmul %convert_element_type3A_2406, %convert_element_type3A_2419, %dot_general3A_2420 {dimension_numbers = #tpu.dot_dimension_numbers<[0], [0], [1], [1], [0, 1, 1, 1], [], []>, transpose_lhs_hint = false} : vector<128x128xf32>, vector<128x128xf32>, vector<128x128xf32> -> vector<128x128xf32>
    %add3A_2422 = arith.addf %dot_general3A_2414, %dot_general3A_2421 : vector<128x128xf32>
    %iota3A_2423 = tpu.iota {dimensions = array<i32: 0>} : vector<128x128xi32>
    %iota3A_2424 = tpu.iota {dimensions = array<i32: 1>} : vector<128x128xi32>
    %eq3A_2425 = arith.cmpi eq, %iota3A_2423, %iota3A_2424 : vector<128x128xi32>
    %convert_element_type3A_2426 = arith.extui %eq3A_2425 : vector<128x128xi1> to vector<128x128xi32>
    %convert_element_type3A_2427 = arith.sitofp %convert_element_type3A_2426 : vector<128x128xi32> to vector<128x128xf32>
    %dot_general3A_2428 = arith.constant dense<0.000000e+00> : vector<128x128xf32>
    %dot_general3A_2429 = tpu.matmul %sub3A_2407, %convert_element_type3A_2427, %dot_general3A_2428 {dimension_numbers = #tpu.dot_dimension_numbers<[0], [0], [1], [1], [0, 1, 1, 1], [], []>, transpose_lhs_hint = false} : vector<128x128xf32>, vector<128x128xf32>, vector<128x128xf32> -> vector<128x128xf32>
    %add3A_2430 = arith.addf %add3A_2422, %dot_general3A_2429 : vector<128x128xf32>
    %swap3A_2431 = arith.constant 30 : index
    %swap3A_2432 = arith.constant 0 : index
    %swap3A_2433 = arith.constant 0 : index
    %swap3A_2434 = vector.load %arg15[%swap3A_2431, %swap3A_2432, %swap3A_2433] : memref<32x128x128xf32, #tpu.memory_space<vmem>>, vector<1x128x128xf32>
    %swap3A_2435 = vector.shape_cast %swap3A_2434 : vector<1x128x128xf32> to vector<128x128xf32>
    %swap3A_2436 = vector.shape_cast %add3A_2430 : vector<128x128xf32> to vector<1x128x128xf32>
    tpu.vector_store %arg15[%swap3A_2431, %swap3A_2432, %swap3A_2433], %swap3A_2436 {strides = array<i32>} : memref<32x128x128xf32, #tpu.memory_space<vmem>>, vector<1x128x128xf32>,
    %get3A_2437 = arith.constant 0 : index
    %get3A_2438 = arith.constant 31 : index
    %get3A_2439 = arith.constant 0 : index
    %get3A_2440 = vector.load %arg4[%get3A_2437, %get3A_2438, %get3A_2439] : memref<128x32x128xf32, #tpu.memory_space<vmem>>, vector<128x1x128xf32>
    %get3A_2441 = vector.shape_cast %get3A_2440 : vector<128x1x128xf32> to vector<128x128xf32>
    %convert_element_type3A_2442 = arith.truncf %get3A_2441 : vector<128x128xf32> to vector<128x128xbf16>
    %convert_element_type3A_2443 = arith.extf %convert_element_type3A_2442 : vector<128x128xbf16> to vector<128x128xf32>
    %sub3A_2444 = arith.subf %get3A_2441, %convert_element_type3A_2443 : vector<128x128xf32>
    %convert_element_type3A_2445 = arith.truncf %sub3A_2444 : vector<128x128xf32> to vector<128x128xbf16>
    %convert_element_type3A_2446 = arith.extf %convert_element_type3A_2445 : vector<128x128xbf16> to vector<128x128xf32>
    %sub3A_2447 = arith.subf %sub3A_2444, %convert_element_type3A_2446 : vector<128x128xf32>
    %iota3A_2448 = tpu.iota {dimensions = array<i32: 0>} : vector<128x128xi32>
    %iota3A_2449 = tpu.iota {dimensions = array<i32: 1>} : vector<128x128xi32>
    %eq3A_2450 = arith.cmpi eq, %iota3A_2448, %iota3A_2449 : vector<128x128xi32>
    %convert_element_type3A_2451 = arith.extui %eq3A_2450 : vector<128x128xi1> to vector<128x128xi32>
    %convert_element_type3A_2452 = arith.sitofp %convert_element_type3A_2451 : vector<128x128xi32> to vector<128x128xf32>
    %dot_general3A_2453 = arith.constant dense<0.000000e+00> : vector<128x128xf32>
    %dot_general3A_2454 = tpu.matmul %convert_element_type3A_2443, %convert_element_type3A_2452, %dot_general3A_2453 {dimension_numbers = #tpu.dot_dimension_numbers<[0], [0], [1], [1], [0, 1, 1, 1], [], []>, transpose_lhs_hint = false} : vector<128x128xf32>, vector<128x128xf32>, vector<128x128xf32> -> vector<128x128xf32>
    %iota3A_2455 = tpu.iota {dimensions = array<i32: 0>} : vector<128x128xi32>
    %iota3A_2456 = tpu.iota {dimensions = array<i32: 1>} : vector<128x128xi32>
    %eq3A_2457 = arith.cmpi eq, %iota3A_2455, %iota3A_2456 : vector<128x128xi32>
    %convert_element_type3A_2458 = arith.extui %eq3A_2457 : vector<128x128xi1> to vector<128x128xi32>
    %convert_element_type3A_2459 = arith.sitofp %convert_element_type3A_2458 : vector<128x128xi32> to vector<128x128xf32>
    %dot_general3A_2460 = arith.constant dense<0.000000e+00> : vector<128x128xf32>
    %dot_general3A_2461 = tpu.matmul %convert_element_type3A_2446, %convert_element_type3A_2459, %dot_general3A_2460 {dimension_numbers = #tpu.dot_dimension_numbers<[0], [0], [1], [1], [0, 1, 1, 1], [], []>, transpose_lhs_hint = false} : vector<128x128xf32>, vector<128x128xf32>, vector<128x128xf32> -> vector<128x128xf32>
    %add3A_2462 = arith.addf %dot_general3A_2454, %dot_general3A_2461 : vector<128x128xf32>
    %iota3A_2463 = tpu.iota {dimensions = array<i32: 0>} : vector<128x128xi32>
    %iota3A_2464 = tpu.iota {dimensions = array<i32: 1>} : vector<128x128xi32>
    %eq3A_2465 = arith.cmpi eq, %iota3A_2463, %iota3A_2464 : vector<128x128xi32>
    %convert_element_type3A_2466 = arith.extui %eq3A_2465 : vector<128x128xi1> to vector<128x128xi32>
    %convert_element_type3A_2467 = arith.sitofp %convert_element_type3A_2466 : vector<128x128xi32> to vector<128x128xf32>
    %dot_general3A_2468 = arith.constant dense<0.000000e+00> : vector<128x128xf32>
    %dot_general3A_2469 = tpu.matmul %sub3A_2447, %convert_element_type3A_2467, %dot_general3A_2468 {dimension_numbers = #tpu.dot_dimension_numbers<[0], [0], [1], [1], [0, 1, 1, 1], [], []>, transpose_lhs_hint = false} : vector<128x128xf32>, vector<128x128xf32>, vector<128x128xf32> -> vector<128x128xf32>
    %add3A_2470 = arith.addf %add3A_2462, %dot_general3A_2469 : vector<128x128xf32>
    %swap3A_2471 = arith.constant 31 : index
    %swap3A_2472 = arith.constant 0 : index
    %swap3A_2473 = arith.constant 0 : index
    %swap3A_2474 = vector.load %arg15[%swap3A_2471, %swap3A_2472, %swap3A_2473] : memref<32x128x128xf32, #tpu.memory_space<vmem>>, vector<1x128x128xf32>
    %swap3A_2475 = vector.shape_cast %swap3A_2474 : vector<1x128x128xf32> to vector<128x128xf32>
    %swap3A_2476 = vector.shape_cast %add3A_2470 : vector<128x128xf32> to vector<1x128x128xf32>
    tpu.vector_store %arg15[%swap3A_2471, %swap3A_2472, %swap3A_2473], %swap3A_2476 {strides = array<i32>} : memref<32x128x128xf32, #tpu.memory_space<vmem>>, vector<1x128x128xf32>,
    %get3A_2477 = arith.constant 0 : index
    %get3A_2478 = arith.constant 0 : index
    %get3A_2479 = arith.constant 0 : index
    %get3A_2480 = vector.load %arg15[%get3A_2477, %get3A_2478, %get3A_2479] : memref<32x128x128xf32, #tpu.memory_space<vmem>>, vector<32x128x128xf32>
    %slice3A = vector.extract_strided_slice %get3A_2480 {offsets = [0, 0, 0], sizes = [1, 128, 128], strides = [1, 1, 1]} : vector<32x128x128xf32> to vector<1x128x128xf32>
    %squeeze3A = vector.shape_cast %slice3A : vector<1x128x128xf32> to vector<128x128xf32>
    %broadcast_in_dim3A_2481 = vector.shape_cast %squeeze3A : vector<128x128xf32> to vector<1x128x128xf32>
    %sub3A_2482 = vector.broadcast %broadcast_in_dim3A_2481 : vector<1x128x128xf32> to vector<32x128x128xf32>
    %sub3A_2483 = arith.subf %get3A_2480, %sub3A_2482 : vector<32x128x128xf32>
    %mul3A_2484 = arith.mulf %sub3A_2483, %sub3A_2483 : vector<32x128x128xf32>
    %reduce_sum3A_2485 = arith.constant dense<0.000000e+00> : vector<32x128xf32>
    %reduce_sum3A_2486 = vector.multi_reduction <add>, %mul3A_2484, %reduce_sum3A_2485 [1] : vector<32x128x128xf32> to vector<32x128xf32>
    %swap3A_2487 = arith.constant 0 : index
    %swap3A_2488 = arith.constant 0 : index
    %swap3A_2489 = arith.constant 0 : index
    %swap3A_2490 = vector.load %arg13[%swap3A_2487, %swap3A_2488, %swap3A_2489] : memref<32x32x128xf32, #tpu.memory_space<vmem>>, vector<1x32x128xf32>
    %swap3A_2491 = vector.shape_cast %swap3A_2490 : vector<1x32x128xf32> to vector<32x128xf32>
    %swap3A_2492 = vector.shape_cast %reduce_sum3A_2486 : vector<32x128xf32> to vector<1x32x128xf32>
    tpu.vector_store %arg13[%swap3A_2487, %swap3A_2488, %swap3A_2489], %swap3A_2492 {strides = array<i32>} : memref<32x32x128xf32, #tpu.memory_space<vmem>>, vector<1x32x128xf32>,
    %slice3A_2493 = vector.extract_strided_slice %get3A_2480 {offsets = [1, 0, 0], sizes = [1, 128, 128], strides = [1, 1, 1]} : vector<32x128x128xf32> to vector<1x128x128xf32>
    %squeeze3A_2494 = vector.shape_cast %slice3A_2493 : vector<1x128x128xf32> to vector<128x128xf32>
    %broadcast_in_dim3A_2495 = vector.shape_cast %squeeze3A_2494 : vector<128x128xf32> to vector<1x128x128xf32>
    %sub3A_2496 = vector.broadcast %broadcast_in_dim3A_2495 : vector<1x128x128xf32> to vector<32x128x128xf32>
    %sub3A_2497 = arith.subf %get3A_2480, %sub3A_2496 : vector<32x128x128xf32>
    %mul3A_2498 = arith.mulf %sub3A_2497, %sub3A_2497 : vector<32x128x128xf32>
    %reduce_sum3A_2499 = arith.constant dense<0.000000e+00> : vector<32x128xf32>
    %reduce_sum3A_2500 = vector.multi_reduction <add>, %mul3A_2498, %reduce_sum3A_2499 [1] : vector<32x128x128xf32> to vector<32x128xf32>
    %swap3A_2501 = arith.constant 1 : index
    %swap3A_2502 = arith.constant 0 : index
    %swap3A_2503 = arith.constant 0 : index
    %swap3A_2504 = vector.load %arg13[%swap3A_2501, %swap3A_2502, %swap3A_2503] : memref<32x32x128xf32, #tpu.memory_space<vmem>>, vector<1x32x128xf32>
    %swap3A_2505 = vector.shape_cast %swap3A_2504 : vector<1x32x128xf32> to vector<32x128xf32>
    %swap3A_2506 = vector.shape_cast %reduce_sum3A_2500 : vector<32x128xf32> to vector<1x32x128xf32>
    tpu.vector_store %arg13[%swap3A_2501, %swap3A_2502, %swap3A_2503], %swap3A_2506 {strides = array<i32>} : memref<32x32x128xf32, #tpu.memory_space<vmem>>, vector<1x32x128xf32>,
    %slice3A_2507 = vector.extract_strided_slice %get3A_2480 {offsets = [2, 0, 0], sizes = [1, 128, 128], strides = [1, 1, 1]} : vector<32x128x128xf32> to vector<1x128x128xf32>
    %squeeze3A_2508 = vector.shape_cast %slice3A_2507 : vector<1x128x128xf32> to vector<128x128xf32>
    %broadcast_in_dim3A_2509 = vector.shape_cast %squeeze3A_2508 : vector<128x128xf32> to vector<1x128x128xf32>
    %sub3A_2510 = vector.broadcast %broadcast_in_dim3A_2509 : vector<1x128x128xf32> to vector<32x128x128xf32>
    %sub3A_2511 = arith.subf %get3A_2480, %sub3A_2510 : vector<32x128x128xf32>
    %mul3A_2512 = arith.mulf %sub3A_2511, %sub3A_2511 : vector<32x128x128xf32>
    %reduce_sum3A_2513 = arith.constant dense<0.000000e+00> : vector<32x128xf32>
    %reduce_sum3A_2514 = vector.multi_reduction <add>, %mul3A_2512, %reduce_sum3A_2513 [1] : vector<32x128x128xf32> to vector<32x128xf32>
    %swap3A_2515 = arith.constant 2 : index
    %swap3A_2516 = arith.constant 0 : index
    %swap3A_2517 = arith.constant 0 : index
    %swap3A_2518 = vector.load %arg13[%swap3A_2515, %swap3A_2516, %swap3A_2517] : memref<32x32x128xf32, #tpu.memory_space<vmem>>, vector<1x32x128xf32>
    %swap3A_2519 = vector.shape_cast %swap3A_2518 : vector<1x32x128xf32> to vector<32x128xf32>
    %swap3A_2520 = vector.shape_cast %reduce_sum3A_2514 : vector<32x128xf32> to vector<1x32x128xf32>
    tpu.vector_store %arg13[%swap3A_2515, %swap3A_2516, %swap3A_2517], %swap3A_2520 {strides = array<i32>} : memref<32x32x128xf32, #tpu.memory_space<vmem>>, vector<1x32x128xf32>,
    %slice3A_2521 = vector.extract_strided_slice %get3A_2480 {offsets = [3, 0, 0], sizes = [1, 128, 128], strides = [1, 1, 1]} : vector<32x128x128xf32> to vector<1x128x128xf32>
    %squeeze3A_2522 = vector.shape_cast %slice3A_2521 : vector<1x128x128xf32> to vector<128x128xf32>
    %broadcast_in_dim3A_2523 = vector.shape_cast %squeeze3A_2522 : vector<128x128xf32> to vector<1x128x128xf32>
    %sub3A_2524 = vector.broadcast %broadcast_in_dim3A_2523 : vector<1x128x128xf32> to vector<32x128x128xf32>
    %sub3A_2525 = arith.subf %get3A_2480, %sub3A_2524 : vector<32x128x128xf32>
    %mul3A_2526 = arith.mulf %sub3A_2525, %sub3A_2525 : vector<32x128x128xf32>
    %reduce_sum3A_2527 = arith.constant dense<0.000000e+00> : vector<32x128xf32>
    %reduce_sum3A_2528 = vector.multi_reduction <add>, %mul3A_2526, %reduce_sum3A_2527 [1] : vector<32x128x128xf32> to vector<32x128xf32>
    %swap3A_2529 = arith.constant 3 : index
    %swap3A_2530 = arith.constant 0 : index
    %swap3A_2531 = arith.constant 0 : index
    %swap3A_2532 = vector.load %arg13[%swap3A_2529, %swap3A_2530, %swap3A_2531] : memref<32x32x128xf32, #tpu.memory_space<vmem>>, vector<1x32x128xf32>
    %swap3A_2533 = vector.shape_cast %swap3A_2532 : vector<1x32x128xf32> to vector<32x128xf32>
    %swap3A_2534 = vector.shape_cast %reduce_sum3A_2528 : vector<32x128xf32> to vector<1x32x128xf32>
    tpu.vector_store %arg13[%swap3A_2529, %swap3A_2530, %swap3A_2531], %swap3A_2534 {strides = array<i32>} : memref<32x32x128xf32, #tpu.memory_space<vmem>>, vector<1x32x128xf32>,
    %slice3A_2535 = vector.extract_strided_slice %get3A_2480 {offsets = [4, 0, 0], sizes = [1, 128, 128], strides = [1, 1, 1]} : vector<32x128x128xf32> to vector<1x128x128xf32>
    %squeeze3A_2536 = vector.shape_cast %slice3A_2535 : vector<1x128x128xf32> to vector<128x128xf32>
    %broadcast_in_dim3A_2537 = vector.shape_cast %squeeze3A_2536 : vector<128x128xf32> to vector<1x128x128xf32>
    %sub3A_2538 = vector.broadcast %broadcast_in_dim3A_2537 : vector<1x128x128xf32> to vector<32x128x128xf32>
    %sub3A_2539 = arith.subf %get3A_2480, %sub3A_2538 : vector<32x128x128xf32>
    %mul3A_2540 = arith.mulf %sub3A_2539, %sub3A_2539 : vector<32x128x128xf32>
    %reduce_sum3A_2541 = arith.constant dense<0.000000e+00> : vector<32x128xf32>
    %reduce_sum3A_2542 = vector.multi_reduction <add>, %mul3A_2540, %reduce_sum3A_2541 [1] : vector<32x128x128xf32> to vector<32x128xf32>
    %swap3A_2543 = arith.constant 4 : index
    %swap3A_2544 = arith.constant 0 : index
    %swap3A_2545 = arith.constant 0 : index
    %swap3A_2546 = vector.load %arg13[%swap3A_2543, %swap3A_2544, %swap3A_2545] : memref<32x32x128xf32, #tpu.memory_space<vmem>>, vector<1x32x128xf32>
    %swap3A_2547 = vector.shape_cast %swap3A_2546 : vector<1x32x128xf32> to vector<32x128xf32>
    %swap3A_2548 = vector.shape_cast %reduce_sum3A_2542 : vector<32x128xf32> to vector<1x32x128xf32>
    tpu.vector_store %arg13[%swap3A_2543, %swap3A_2544, %swap3A_2545], %swap3A_2548 {strides = array<i32>} : memref<32x32x128xf32, #tpu.memory_space<vmem>>, vector<1x32x128xf32>,
    %slice3A_2549 = vector.extract_strided_slice %get3A_2480 {offsets = [5, 0, 0], sizes = [1, 128, 128], strides = [1, 1, 1]} : vector<32x128x128xf32> to vector<1x128x128xf32>
    %squeeze3A_2550 = vector.shape_cast %slice3A_2549 : vector<1x128x128xf32> to vector<128x128xf32>
    %broadcast_in_dim3A_2551 = vector.shape_cast %squeeze3A_2550 : vector<128x128xf32> to vector<1x128x128xf32>
    %sub3A_2552 = vector.broadcast %broadcast_in_dim3A_2551 : vector<1x128x128xf32> to vector<32x128x128xf32>
    %sub3A_2553 = arith.subf %get3A_2480, %sub3A_2552 : vector<32x128x128xf32>
    %mul3A_2554 = arith.mulf %sub3A_2553, %sub3A_2553 : vector<32x128x128xf32>
    %reduce_sum3A_2555 = arith.constant dense<0.000000e+00> : vector<32x128xf32>
    %reduce_sum3A_2556 = vector.multi_reduction <add>, %mul3A_2554, %reduce_sum3A_2555 [1] : vector<32x128x128xf32> to vector<32x128xf32>
    %swap3A_2557 = arith.constant 5 : index
    %swap3A_2558 = arith.constant 0 : index
    %swap3A_2559 = arith.constant 0 : index
    %swap3A_2560 = vector.load %arg13[%swap3A_2557, %swap3A_2558, %swap3A_2559] : memref<32x32x128xf32, #tpu.memory_space<vmem>>, vector<1x32x128xf32>
    %swap3A_2561 = vector.shape_cast %swap3A_2560 : vector<1x32x128xf32> to vector<32x128xf32>
    %swap3A_2562 = vector.shape_cast %reduce_sum3A_2556 : vector<32x128xf32> to vector<1x32x128xf32>
    tpu.vector_store %arg13[%swap3A_2557, %swap3A_2558, %swap3A_2559], %swap3A_2562 {strides = array<i32>} : memref<32x32x128xf32, #tpu.memory_space<vmem>>, vector<1x32x128xf32>,
    %slice3A_2563 = vector.extract_strided_slice %get3A_2480 {offsets = [6, 0, 0], sizes = [1, 128, 128], strides = [1, 1, 1]} : vector<32x128x128xf32> to vector<1x128x128xf32>
    %squeeze3A_2564 = vector.shape_cast %slice3A_2563 : vector<1x128x128xf32> to vector<128x128xf32>
    %broadcast_in_dim3A_2565 = vector.shape_cast %squeeze3A_2564 : vector<128x128xf32> to vector<1x128x128xf32>
    %sub3A_2566 = vector.broadcast %broadcast_in_dim3A_2565 : vector<1x128x128xf32> to vector<32x128x128xf32>
    %sub3A_2567 = arith.subf %get3A_2480, %sub3A_2566 : vector<32x128x128xf32>
    %mul3A_2568 = arith.mulf %sub3A_2567, %sub3A_2567 : vector<32x128x128xf32>
    %reduce_sum3A_2569 = arith.constant dense<0.000000e+00> : vector<32x128xf32>
    %reduce_sum3A_2570 = vector.multi_reduction <add>, %mul3A_2568, %reduce_sum3A_2569 [1] : vector<32x128x128xf32> to vector<32x128xf32>
    %swap3A_2571 = arith.constant 6 : index
    %swap3A_2572 = arith.constant 0 : index
    %swap3A_2573 = arith.constant 0 : index
    %swap3A_2574 = vector.load %arg13[%swap3A_2571, %swap3A_2572, %swap3A_2573] : memref<32x32x128xf32, #tpu.memory_space<vmem>>, vector<1x32x128xf32>
    %swap3A_2575 = vector.shape_cast %swap3A_2574 : vector<1x32x128xf32> to vector<32x128xf32>
    %swap3A_2576 = vector.shape_cast %reduce_sum3A_2570 : vector<32x128xf32> to vector<1x32x128xf32>
    tpu.vector_store %arg13[%swap3A_2571, %swap3A_2572, %swap3A_2573], %swap3A_2576 {strides = array<i32>} : memref<32x32x128xf32, #tpu.memory_space<vmem>>, vector<1x32x128xf32>,
    %slice3A_2577 = vector.extract_strided_slice %get3A_2480 {offsets = [7, 0, 0], sizes = [1, 128, 128], strides = [1, 1, 1]} : vector<32x128x128xf32> to vector<1x128x128xf32>
    %squeeze3A_2578 = vector.shape_cast %slice3A_2577 : vector<1x128x128xf32> to vector<128x128xf32>
    %broadcast_in_dim3A_2579 = vector.shape_cast %squeeze3A_2578 : vector<128x128xf32> to vector<1x128x128xf32>
    %sub3A_2580 = vector.broadcast %broadcast_in_dim3A_2579 : vector<1x128x128xf32> to vector<32x128x128xf32>
    %sub3A_2581 = arith.subf %get3A_2480, %sub3A_2580 : vector<32x128x128xf32>
    %mul3A_2582 = arith.mulf %sub3A_2581, %sub3A_2581 : vector<32x128x128xf32>
    %reduce_sum3A_2583 = arith.constant dense<0.000000e+00> : vector<32x128xf32>
    %reduce_sum3A_2584 = vector.multi_reduction <add>, %mul3A_2582, %reduce_sum3A_2583 [1] : vector<32x128x128xf32> to vector<32x128xf32>
    %swap3A_2585 = arith.constant 7 : index
    %swap3A_2586 = arith.constant 0 : index
    %swap3A_2587 = arith.constant 0 : index
    %swap3A_2588 = vector.load %arg13[%swap3A_2585, %swap3A_2586, %swap3A_2587] : memref<32x32x128xf32, #tpu.memory_space<vmem>>, vector<1x32x128xf32>
    %swap3A_2589 = vector.shape_cast %swap3A_2588 : vector<1x32x128xf32> to vector<32x128xf32>
    %swap3A_2590 = vector.shape_cast %reduce_sum3A_2584 : vector<32x128xf32> to vector<1x32x128xf32>
    tpu.vector_store %arg13[%swap3A_2585, %swap3A_2586, %swap3A_2587], %swap3A_2590 {strides = array<i32>} : memref<32x32x128xf32, #tpu.memory_space<vmem>>, vector<1x32x128xf32>,
    %slice3A_2591 = vector.extract_strided_slice %get3A_2480 {offsets = [8, 0, 0], sizes = [1, 128, 128], strides = [1, 1, 1]} : vector<32x128x128xf32> to vector<1x128x128xf32>
    %squeeze3A_2592 = vector.shape_cast %slice3A_2591 : vector<1x128x128xf32> to vector<128x128xf32>
    %broadcast_in_dim3A_2593 = vector.shape_cast %squeeze3A_2592 : vector<128x128xf32> to vector<1x128x128xf32>
    %sub3A_2594 = vector.broadcast %broadcast_in_dim3A_2593 : vector<1x128x128xf32> to vector<32x128x128xf32>
    %sub3A_2595 = arith.subf %get3A_2480, %sub3A_2594 : vector<32x128x128xf32>
    %mul3A_2596 = arith.mulf %sub3A_2595, %sub3A_2595 : vector<32x128x128xf32>
    %reduce_sum3A_2597 = arith.constant dense<0.000000e+00> : vector<32x128xf32>
    %reduce_sum3A_2598 = vector.multi_reduction <add>, %mul3A_2596, %reduce_sum3A_2597 [1] : vector<32x128x128xf32> to vector<32x128xf32>
    %swap3A_2599 = arith.constant 8 : index
    %swap3A_2600 = arith.constant 0 : index
    %swap3A_2601 = arith.constant 0 : index
    %swap3A_2602 = vector.load %arg13[%swap3A_2599, %swap3A_2600, %swap3A_2601] : memref<32x32x128xf32, #tpu.memory_space<vmem>>, vector<1x32x128xf32>
    %swap3A_2603 = vector.shape_cast %swap3A_2602 : vector<1x32x128xf32> to vector<32x128xf32>
    %swap3A_2604 = vector.shape_cast %reduce_sum3A_2598 : vector<32x128xf32> to vector<1x32x128xf32>
    tpu.vector_store %arg13[%swap3A_2599, %swap3A_2600, %swap3A_2601], %swap3A_2604 {strides = array<i32>} : memref<32x32x128xf32, #tpu.memory_space<vmem>>, vector<1x32x128xf32>,
    %slice3A_2605 = vector.extract_strided_slice %get3A_2480 {offsets = [9, 0, 0], sizes = [1, 128, 128], strides = [1, 1, 1]} : vector<32x128x128xf32> to vector<1x128x128xf32>
    %squeeze3A_2606 = vector.shape_cast %slice3A_2605 : vector<1x128x128xf32> to vector<128x128xf32>
    %broadcast_in_dim3A_2607 = vector.shape_cast %squeeze3A_2606 : vector<128x128xf32> to vector<1x128x128xf32>
    %sub3A_2608 = vector.broadcast %broadcast_in_dim3A_2607 : vector<1x128x128xf32> to vector<32x128x128xf32>
    %sub3A_2609 = arith.subf %get3A_2480, %sub3A_2608 : vector<32x128x128xf32>
    %mul3A_2610 = arith.mulf %sub3A_2609, %sub3A_2609 : vector<32x128x128xf32>
    %reduce_sum3A_2611 = arith.constant dense<0.000000e+00> : vector<32x128xf32>
    %reduce_sum3A_2612 = vector.multi_reduction <add>, %mul3A_2610, %reduce_sum3A_2611 [1] : vector<32x128x128xf32> to vector<32x128xf32>
    %swap3A_2613 = arith.constant 9 : index
    %swap3A_2614 = arith.constant 0 : index
    %swap3A_2615 = arith.constant 0 : index
    %swap3A_2616 = vector.load %arg13[%swap3A_2613, %swap3A_2614, %swap3A_2615] : memref<32x32x128xf32, #tpu.memory_space<vmem>>, vector<1x32x128xf32>
    %swap3A_2617 = vector.shape_cast %swap3A_2616 : vector<1x32x128xf32> to vector<32x128xf32>
    %swap3A_2618 = vector.shape_cast %reduce_sum3A_2612 : vector<32x128xf32> to vector<1x32x128xf32>
    tpu.vector_store %arg13[%swap3A_2613, %swap3A_2614, %swap3A_2615], %swap3A_2618 {strides = array<i32>} : memref<32x32x128xf32, #tpu.memory_space<vmem>>, vector<1x32x128xf32>,
    %slice3A_2619 = vector.extract_strided_slice %get3A_2480 {offsets = [10, 0, 0], sizes = [1, 128, 128], strides = [1, 1, 1]} : vector<32x128x128xf32> to vector<1x128x128xf32>
    %squeeze3A_2620 = vector.shape_cast %slice3A_2619 : vector<1x128x128xf32> to vector<128x128xf32>
    %broadcast_in_dim3A_2621 = vector.shape_cast %squeeze3A_2620 : vector<128x128xf32> to vector<1x128x128xf32>
    %sub3A_2622 = vector.broadcast %broadcast_in_dim3A_2621 : vector<1x128x128xf32> to vector<32x128x128xf32>
    %sub3A_2623 = arith.subf %get3A_2480, %sub3A_2622 : vector<32x128x128xf32>
    %mul3A_2624 = arith.mulf %sub3A_2623, %sub3A_2623 : vector<32x128x128xf32>
    %reduce_sum3A_2625 = arith.constant dense<0.000000e+00> : vector<32x128xf32>
    %reduce_sum3A_2626 = vector.multi_reduction <add>, %mul3A_2624, %reduce_sum3A_2625 [1] : vector<32x128x128xf32> to vector<32x128xf32>
    %swap3A_2627 = arith.constant 10 : index
    %swap3A_2628 = arith.constant 0 : index
    %swap3A_2629 = arith.constant 0 : index
    %swap3A_2630 = vector.load %arg13[%swap3A_2627, %swap3A_2628, %swap3A_2629] : memref<32x32x128xf32, #tpu.memory_space<vmem>>, vector<1x32x128xf32>
    %swap3A_2631 = vector.shape_cast %swap3A_2630 : vector<1x32x128xf32> to vector<32x128xf32>
    %swap3A_2632 = vector.shape_cast %reduce_sum3A_2626 : vector<32x128xf32> to vector<1x32x128xf32>
    tpu.vector_store %arg13[%swap3A_2627, %swap3A_2628, %swap3A_2629], %swap3A_2632 {strides = array<i32>} : memref<32x32x128xf32, #tpu.memory_space<vmem>>, vector<1x32x128xf32>,
    %slice3A_2633 = vector.extract_strided_slice %get3A_2480 {offsets = [11, 0, 0], sizes = [1, 128, 128], strides = [1, 1, 1]} : vector<32x128x128xf32> to vector<1x128x128xf32>
    %squeeze3A_2634 = vector.shape_cast %slice3A_2633 : vector<1x128x128xf32> to vector<128x128xf32>
    %broadcast_in_dim3A_2635 = vector.shape_cast %squeeze3A_2634 : vector<128x128xf32> to vector<1x128x128xf32>
    %sub3A_2636 = vector.broadcast %broadcast_in_dim3A_2635 : vector<1x128x128xf32> to vector<32x128x128xf32>
    %sub3A_2637 = arith.subf %get3A_2480, %sub3A_2636 : vector<32x128x128xf32>
    %mul3A_2638 = arith.mulf %sub3A_2637, %sub3A_2637 : vector<32x128x128xf32>
    %reduce_sum3A_2639 = arith.constant dense<0.000000e+00> : vector<32x128xf32>
    %reduce_sum3A_2640 = vector.multi_reduction <add>, %mul3A_2638, %reduce_sum3A_2639 [1] : vector<32x128x128xf32> to vector<32x128xf32>
    %swap3A_2641 = arith.constant 11 : index
    %swap3A_2642 = arith.constant 0 : index
    %swap3A_2643 = arith.constant 0 : index
    %swap3A_2644 = vector.load %arg13[%swap3A_2641, %swap3A_2642, %swap3A_2643] : memref<32x32x128xf32, #tpu.memory_space<vmem>>, vector<1x32x128xf32>
    %swap3A_2645 = vector.shape_cast %swap3A_2644 : vector<1x32x128xf32> to vector<32x128xf32>
    %swap3A_2646 = vector.shape_cast %reduce_sum3A_2640 : vector<32x128xf32> to vector<1x32x128xf32>
    tpu.vector_store %arg13[%swap3A_2641, %swap3A_2642, %swap3A_2643], %swap3A_2646 {strides = array<i32>} : memref<32x32x128xf32, #tpu.memory_space<vmem>>, vector<1x32x128xf32>,
    %slice3A_2647 = vector.extract_strided_slice %get3A_2480 {offsets = [12, 0, 0], sizes = [1, 128, 128], strides = [1, 1, 1]} : vector<32x128x128xf32> to vector<1x128x128xf32>
    %squeeze3A_2648 = vector.shape_cast %slice3A_2647 : vector<1x128x128xf32> to vector<128x128xf32>
    %broadcast_in_dim3A_2649 = vector.shape_cast %squeeze3A_2648 : vector<128x128xf32> to vector<1x128x128xf32>
    %sub3A_2650 = vector.broadcast %broadcast_in_dim3A_2649 : vector<1x128x128xf32> to vector<32x128x128xf32>
    %sub3A_2651 = arith.subf %get3A_2480, %sub3A_2650 : vector<32x128x128xf32>
    %mul3A_2652 = arith.mulf %sub3A_2651, %sub3A_2651 : vector<32x128x128xf32>
    %reduce_sum3A_2653 = arith.constant dense<0.000000e+00> : vector<32x128xf32>
    %reduce_sum3A_2654 = vector.multi_reduction <add>, %mul3A_2652, %reduce_sum3A_2653 [1] : vector<32x128x128xf32> to vector<32x128xf32>
    %swap3A_2655 = arith.constant 12 : index
    %swap3A_2656 = arith.constant 0 : index
    %swap3A_2657 = arith.constant 0 : index
    %swap3A_2658 = vector.load %arg13[%swap3A_2655, %swap3A_2656, %swap3A_2657] : memref<32x32x128xf32, #tpu.memory_space<vmem>>, vector<1x32x128xf32>
    %swap3A_2659 = vector.shape_cast %swap3A_2658 : vector<1x32x128xf32> to vector<32x128xf32>
    %swap3A_2660 = vector.shape_cast %reduce_sum3A_2654 : vector<32x128xf32> to vector<1x32x128xf32>
    tpu.vector_store %arg13[%swap3A_2655, %swap3A_2656, %swap3A_2657], %swap3A_2660 {strides = array<i32>} : memref<32x32x128xf32, #tpu.memory_space<vmem>>, vector<1x32x128xf32>,
    %slice3A_2661 = vector.extract_strided_slice %get3A_2480 {offsets = [13, 0, 0], sizes = [1, 128, 128], strides = [1, 1, 1]} : vector<32x128x128xf32> to vector<1x128x128xf32>
    %squeeze3A_2662 = vector.shape_cast %slice3A_2661 : vector<1x128x128xf32> to vector<128x128xf32>
    %broadcast_in_dim3A_2663 = vector.shape_cast %squeeze3A_2662 : vector<128x128xf32> to vector<1x128x128xf32>
    %sub3A_2664 = vector.broadcast %broadcast_in_dim3A_2663 : vector<1x128x128xf32> to vector<32x128x128xf32>
    %sub3A_2665 = arith.subf %get3A_2480, %sub3A_2664 : vector<32x128x128xf32>
    %mul3A_2666 = arith.mulf %sub3A_2665, %sub3A_2665 : vector<32x128x128xf32>
    %reduce_sum3A_2667 = arith.constant dense<0.000000e+00> : vector<32x128xf32>
    %reduce_sum3A_2668 = vector.multi_reduction <add>, %mul3A_2666, %reduce_sum3A_2667 [1] : vector<32x128x128xf32> to vector<32x128xf32>
    %swap3A_2669 = arith.constant 13 : index
    %swap3A_2670 = arith.constant 0 : index
    %swap3A_2671 = arith.constant 0 : index
    %swap3A_2672 = vector.load %arg13[%swap3A_2669, %swap3A_2670, %swap3A_2671] : memref<32x32x128xf32, #tpu.memory_space<vmem>>, vector<1x32x128xf32>
    %swap3A_2673 = vector.shape_cast %swap3A_2672 : vector<1x32x128xf32> to vector<32x128xf32>
    %swap3A_2674 = vector.shape_cast %reduce_sum3A_2668 : vector<32x128xf32> to vector<1x32x128xf32>
    tpu.vector_store %arg13[%swap3A_2669, %swap3A_2670, %swap3A_2671], %swap3A_2674 {strides = array<i32>} : memref<32x32x128xf32, #tpu.memory_space<vmem>>, vector<1x32x128xf32>,
    %slice3A_2675 = vector.extract_strided_slice %get3A_2480 {offsets = [14, 0, 0], sizes = [1, 128, 128], strides = [1, 1, 1]} : vector<32x128x128xf32> to vector<1x128x128xf32>
    %squeeze3A_2676 = vector.shape_cast %slice3A_2675 : vector<1x128x128xf32> to vector<128x128xf32>
    %broadcast_in_dim3A_2677 = vector.shape_cast %squeeze3A_2676 : vector<128x128xf32> to vector<1x128x128xf32>
    %sub3A_2678 = vector.broadcast %broadcast_in_dim3A_2677 : vector<1x128x128xf32> to vector<32x128x128xf32>
    %sub3A_2679 = arith.subf %get3A_2480, %sub3A_2678 : vector<32x128x128xf32>
    %mul3A_2680 = arith.mulf %sub3A_2679, %sub3A_2679 : vector<32x128x128xf32>
    %reduce_sum3A_2681 = arith.constant dense<0.000000e+00> : vector<32x128xf32>
    %reduce_sum3A_2682 = vector.multi_reduction <add>, %mul3A_2680, %reduce_sum3A_2681 [1] : vector<32x128x128xf32> to vector<32x128xf32>
    %swap3A_2683 = arith.constant 14 : index
    %swap3A_2684 = arith.constant 0 : index
    %swap3A_2685 = arith.constant 0 : index
    %swap3A_2686 = vector.load %arg13[%swap3A_2683, %swap3A_2684, %swap3A_2685] : memref<32x32x128xf32, #tpu.memory_space<vmem>>, vector<1x32x128xf32>
    %swap3A_2687 = vector.shape_cast %swap3A_2686 : vector<1x32x128xf32> to vector<32x128xf32>
    %swap3A_2688 = vector.shape_cast %reduce_sum3A_2682 : vector<32x128xf32> to vector<1x32x128xf32>
    tpu.vector_store %arg13[%swap3A_2683, %swap3A_2684, %swap3A_2685], %swap3A_2688 {strides = array<i32>} : memref<32x32x128xf32, #tpu.memory_space<vmem>>, vector<1x32x128xf32>,
    %slice3A_2689 = vector.extract_strided_slice %get3A_2480 {offsets = [15, 0, 0], sizes = [1, 128, 128], strides = [1, 1, 1]} : vector<32x128x128xf32> to vector<1x128x128xf32>
    %squeeze3A_2690 = vector.shape_cast %slice3A_2689 : vector<1x128x128xf32> to vector<128x128xf32>
    %broadcast_in_dim3A_2691 = vector.shape_cast %squeeze3A_2690 : vector<128x128xf32> to vector<1x128x128xf32>
    %sub3A_2692 = vector.broadcast %broadcast_in_dim3A_2691 : vector<1x128x128xf32> to vector<32x128x128xf32>
    %sub3A_2693 = arith.subf %get3A_2480, %sub3A_2692 : vector<32x128x128xf32>
    %mul3A_2694 = arith.mulf %sub3A_2693, %sub3A_2693 : vector<32x128x128xf32>
    %reduce_sum3A_2695 = arith.constant dense<0.000000e+00> : vector<32x128xf32>
    %reduce_sum3A_2696 = vector.multi_reduction <add>, %mul3A_2694, %reduce_sum3A_2695 [1] : vector<32x128x128xf32> to vector<32x128xf32>
    %swap3A_2697 = arith.constant 15 : index
    %swap3A_2698 = arith.constant 0 : index
    %swap3A_2699 = arith.constant 0 : index
    %swap3A_2700 = vector.load %arg13[%swap3A_2697, %swap3A_2698, %swap3A_2699] : memref<32x32x128xf32, #tpu.memory_space<vmem>>, vector<1x32x128xf32>
    %swap3A_2701 = vector.shape_cast %swap3A_2700 : vector<1x32x128xf32> to vector<32x128xf32>
    %swap3A_2702 = vector.shape_cast %reduce_sum3A_2696 : vector<32x128xf32> to vector<1x32x128xf32>
    tpu.vector_store %arg13[%swap3A_2697, %swap3A_2698, %swap3A_2699], %swap3A_2702 {strides = array<i32>} : memref<32x32x128xf32, #tpu.memory_space<vmem>>, vector<1x32x128xf32>,
    %slice3A_2703 = vector.extract_strided_slice %get3A_2480 {offsets = [16, 0, 0], sizes = [1, 128, 128], strides = [1, 1, 1]} : vector<32x128x128xf32> to vector<1x128x128xf32>
    %squeeze3A_2704 = vector.shape_cast %slice3A_2703 : vector<1x128x128xf32> to vector<128x128xf32>
    %broadcast_in_dim3A_2705 = vector.shape_cast %squeeze3A_2704 : vector<128x128xf32> to vector<1x128x128xf32>
    %sub3A_2706 = vector.broadcast %broadcast_in_dim3A_2705 : vector<1x128x128xf32> to vector<32x128x128xf32>
    %sub3A_2707 = arith.subf %get3A_2480, %sub3A_2706 : vector<32x128x128xf32>
    %mul3A_2708 = arith.mulf %sub3A_2707, %sub3A_2707 : vector<32x128x128xf32>
    %reduce_sum3A_2709 = arith.constant dense<0.000000e+00> : vector<32x128xf32>
    %reduce_sum3A_2710 = vector.multi_reduction <add>, %mul3A_2708, %reduce_sum3A_2709 [1] : vector<32x128x128xf32> to vector<32x128xf32>
    %swap3A_2711 = arith.constant 16 : index
    %swap3A_2712 = arith.constant 0 : index
    %swap3A_2713 = arith.constant 0 : index
    %swap3A_2714 = vector.load %arg13[%swap3A_2711, %swap3A_2712, %swap3A_2713] : memref<32x32x128xf32, #tpu.memory_space<vmem>>, vector<1x32x128xf32>
    %swap3A_2715 = vector.shape_cast %swap3A_2714 : vector<1x32x128xf32> to vector<32x128xf32>
    %swap3A_2716 = vector.shape_cast %reduce_sum3A_2710 : vector<32x128xf32> to vector<1x32x128xf32>
    tpu.vector_store %arg13[%swap3A_2711, %swap3A_2712, %swap3A_2713], %swap3A_2716 {strides = array<i32>} : memref<32x32x128xf32, #tpu.memory_space<vmem>>, vector<1x32x128xf32>,
    %slice3A_2717 = vector.extract_strided_slice %get3A_2480 {offsets = [17, 0, 0], sizes = [1, 128, 128], strides = [1, 1, 1]} : vector<32x128x128xf32> to vector<1x128x128xf32>
    %squeeze3A_2718 = vector.shape_cast %slice3A_2717 : vector<1x128x128xf32> to vector<128x128xf32>
    %broadcast_in_dim3A_2719 = vector.shape_cast %squeeze3A_2718 : vector<128x128xf32> to vector<1x128x128xf32>
    %sub3A_2720 = vector.broadcast %broadcast_in_dim3A_2719 : vector<1x128x128xf32> to vector<32x128x128xf32>
    %sub3A_2721 = arith.subf %get3A_2480, %sub3A_2720 : vector<32x128x128xf32>
    %mul3A_2722 = arith.mulf %sub3A_2721, %sub3A_2721 : vector<32x128x128xf32>
    %reduce_sum3A_2723 = arith.constant dense<0.000000e+00> : vector<32x128xf32>
    %reduce_sum3A_2724 = vector.multi_reduction <add>, %mul3A_2722, %reduce_sum3A_2723 [1] : vector<32x128x128xf32> to vector<32x128xf32>
    %swap3A_2725 = arith.constant 17 : index
    %swap3A_2726 = arith.constant 0 : index
    %swap3A_2727 = arith.constant 0 : index
    %swap3A_2728 = vector.load %arg13[%swap3A_2725, %swap3A_2726, %swap3A_2727] : memref<32x32x128xf32, #tpu.memory_space<vmem>>, vector<1x32x128xf32>
    %swap3A_2729 = vector.shape_cast %swap3A_2728 : vector<1x32x128xf32> to vector<32x128xf32>
    %swap3A_2730 = vector.shape_cast %reduce_sum3A_2724 : vector<32x128xf32> to vector<1x32x128xf32>
    tpu.vector_store %arg13[%swap3A_2725, %swap3A_2726, %swap3A_2727], %swap3A_2730 {strides = array<i32>} : memref<32x32x128xf32, #tpu.memory_space<vmem>>, vector<1x32x128xf32>,
    %slice3A_2731 = vector.extract_strided_slice %get3A_2480 {offsets = [18, 0, 0], sizes = [1, 128, 128], strides = [1, 1, 1]} : vector<32x128x128xf32> to vector<1x128x128xf32>
    %squeeze3A_2732 = vector.shape_cast %slice3A_2731 : vector<1x128x128xf32> to vector<128x128xf32>
    %broadcast_in_dim3A_2733 = vector.shape_cast %squeeze3A_2732 : vector<128x128xf32> to vector<1x128x128xf32>
    %sub3A_2734 = vector.broadcast %broadcast_in_dim3A_2733 : vector<1x128x128xf32> to vector<32x128x128xf32>
    %sub3A_2735 = arith.subf %get3A_2480, %sub3A_2734 : vector<32x128x128xf32>
    %mul3A_2736 = arith.mulf %sub3A_2735, %sub3A_2735 : vector<32x128x128xf32>
    %reduce_sum3A_2737 = arith.constant dense<0.000000e+00> : vector<32x128xf32>
    %reduce_sum3A_2738 = vector.multi_reduction <add>, %mul3A_2736, %reduce_sum3A_2737 [1] : vector<32x128x128xf32> to vector<32x128xf32>
    %swap3A_2739 = arith.constant 18 : index
    %swap3A_2740 = arith.constant 0 : index
    %swap3A_2741 = arith.constant 0 : index
    %swap3A_2742 = vector.load %arg13[%swap3A_2739, %swap3A_2740, %swap3A_2741] : memref<32x32x128xf32, #tpu.memory_space<vmem>>, vector<1x32x128xf32>
    %swap3A_2743 = vector.shape_cast %swap3A_2742 : vector<1x32x128xf32> to vector<32x128xf32>
    %swap3A_2744 = vector.shape_cast %reduce_sum3A_2738 : vector<32x128xf32> to vector<1x32x128xf32>
    tpu.vector_store %arg13[%swap3A_2739, %swap3A_2740, %swap3A_2741], %swap3A_2744 {strides = array<i32>} : memref<32x32x128xf32, #tpu.memory_space<vmem>>, vector<1x32x128xf32>,
    %slice3A_2745 = vector.extract_strided_slice %get3A_2480 {offsets = [19, 0, 0], sizes = [1, 128, 128], strides = [1, 1, 1]} : vector<32x128x128xf32> to vector<1x128x128xf32>
    %squeeze3A_2746 = vector.shape_cast %slice3A_2745 : vector<1x128x128xf32> to vector<128x128xf32>
    %broadcast_in_dim3A_2747 = vector.shape_cast %squeeze3A_2746 : vector<128x128xf32> to vector<1x128x128xf32>
    %sub3A_2748 = vector.broadcast %broadcast_in_dim3A_2747 : vector<1x128x128xf32> to vector<32x128x128xf32>
    %sub3A_2749 = arith.subf %get3A_2480, %sub3A_2748 : vector<32x128x128xf32>
    %mul3A_2750 = arith.mulf %sub3A_2749, %sub3A_2749 : vector<32x128x128xf32>
    %reduce_sum3A_2751 = arith.constant dense<0.000000e+00> : vector<32x128xf32>
    %reduce_sum3A_2752 = vector.multi_reduction <add>, %mul3A_2750, %reduce_sum3A_2751 [1] : vector<32x128x128xf32> to vector<32x128xf32>
    %swap3A_2753 = arith.constant 19 : index
    %swap3A_2754 = arith.constant 0 : index
    %swap3A_2755 = arith.constant 0 : index
    %swap3A_2756 = vector.load %arg13[%swap3A_2753, %swap3A_2754, %swap3A_2755] : memref<32x32x128xf32, #tpu.memory_space<vmem>>, vector<1x32x128xf32>
    %swap3A_2757 = vector.shape_cast %swap3A_2756 : vector<1x32x128xf32> to vector<32x128xf32>
    %swap3A_2758 = vector.shape_cast %reduce_sum3A_2752 : vector<32x128xf32> to vector<1x32x128xf32>
    tpu.vector_store %arg13[%swap3A_2753, %swap3A_2754, %swap3A_2755], %swap3A_2758 {strides = array<i32>} : memref<32x32x128xf32, #tpu.memory_space<vmem>>, vector<1x32x128xf32>,
    %slice3A_2759 = vector.extract_strided_slice %get3A_2480 {offsets = [20, 0, 0], sizes = [1, 128, 128], strides = [1, 1, 1]} : vector<32x128x128xf32> to vector<1x128x128xf32>
    %squeeze3A_2760 = vector.shape_cast %slice3A_2759 : vector<1x128x128xf32> to vector<128x128xf32>
    %broadcast_in_dim3A_2761 = vector.shape_cast %squeeze3A_2760 : vector<128x128xf32> to vector<1x128x128xf32>
    %sub3A_2762 = vector.broadcast %broadcast_in_dim3A_2761 : vector<1x128x128xf32> to vector<32x128x128xf32>
    %sub3A_2763 = arith.subf %get3A_2480, %sub3A_2762 : vector<32x128x128xf32>
    %mul3A_2764 = arith.mulf %sub3A_2763, %sub3A_2763 : vector<32x128x128xf32>
    %reduce_sum3A_2765 = arith.constant dense<0.000000e+00> : vector<32x128xf32>
    %reduce_sum3A_2766 = vector.multi_reduction <add>, %mul3A_2764, %reduce_sum3A_2765 [1] : vector<32x128x128xf32> to vector<32x128xf32>
    %swap3A_2767 = arith.constant 20 : index
    %swap3A_2768 = arith.constant 0 : index
    %swap3A_2769 = arith.constant 0 : index
    %swap3A_2770 = vector.load %arg13[%swap3A_2767, %swap3A_2768, %swap3A_2769] : memref<32x32x128xf32, #tpu.memory_space<vmem>>, vector<1x32x128xf32>
    %swap3A_2771 = vector.shape_cast %swap3A_2770 : vector<1x32x128xf32> to vector<32x128xf32>
    %swap3A_2772 = vector.shape_cast %reduce_sum3A_2766 : vector<32x128xf32> to vector<1x32x128xf32>
    tpu.vector_store %arg13[%swap3A_2767, %swap3A_2768, %swap3A_2769], %swap3A_2772 {strides = array<i32>} : memref<32x32x128xf32, #tpu.memory_space<vmem>>, vector<1x32x128xf32>,
    %slice3A_2773 = vector.extract_strided_slice %get3A_2480 {offsets = [21, 0, 0], sizes = [1, 128, 128], strides = [1, 1, 1]} : vector<32x128x128xf32> to vector<1x128x128xf32>
    %squeeze3A_2774 = vector.shape_cast %slice3A_2773 : vector<1x128x128xf32> to vector<128x128xf32>
    %broadcast_in_dim3A_2775 = vector.shape_cast %squeeze3A_2774 : vector<128x128xf32> to vector<1x128x128xf32>
    %sub3A_2776 = vector.broadcast %broadcast_in_dim3A_2775 : vector<1x128x128xf32> to vector<32x128x128xf32>
    %sub3A_2777 = arith.subf %get3A_2480, %sub3A_2776 : vector<32x128x128xf32>
    %mul3A_2778 = arith.mulf %sub3A_2777, %sub3A_2777 : vector<32x128x128xf32>
    %reduce_sum3A_2779 = arith.constant dense<0.000000e+00> : vector<32x128xf32>
    %reduce_sum3A_2780 = vector.multi_reduction <add>, %mul3A_2778, %reduce_sum3A_2779 [1] : vector<32x128x128xf32> to vector<32x128xf32>
    %swap3A_2781 = arith.constant 21 : index
    %swap3A_2782 = arith.constant 0 : index
    %swap3A_2783 = arith.constant 0 : index
    %swap3A_2784 = vector.load %arg13[%swap3A_2781, %swap3A_2782, %swap3A_2783] : memref<32x32x128xf32, #tpu.memory_space<vmem>>, vector<1x32x128xf32>
    %swap3A_2785 = vector.shape_cast %swap3A_2784 : vector<1x32x128xf32> to vector<32x128xf32>
    %swap3A_2786 = vector.shape_cast %reduce_sum3A_2780 : vector<32x128xf32> to vector<1x32x128xf32>
    tpu.vector_store %arg13[%swap3A_2781, %swap3A_2782, %swap3A_2783], %swap3A_2786 {strides = array<i32>} : memref<32x32x128xf32, #tpu.memory_space<vmem>>, vector<1x32x128xf32>,
    %slice3A_2787 = vector.extract_strided_slice %get3A_2480 {offsets = [22, 0, 0], sizes = [1, 128, 128], strides = [1, 1, 1]} : vector<32x128x128xf32> to vector<1x128x128xf32>
    %squeeze3A_2788 = vector.shape_cast %slice3A_2787 : vector<1x128x128xf32> to vector<128x128xf32>
    %broadcast_in_dim3A_2789 = vector.shape_cast %squeeze3A_2788 : vector<128x128xf32> to vector<1x128x128xf32>
    %sub3A_2790 = vector.broadcast %broadcast_in_dim3A_2789 : vector<1x128x128xf32> to vector<32x128x128xf32>
    %sub3A_2791 = arith.subf %get3A_2480, %sub3A_2790 : vector<32x128x128xf32>
    %mul3A_2792 = arith.mulf %sub3A_2791, %sub3A_2791 : vector<32x128x128xf32>
    %reduce_sum3A_2793 = arith.constant dense<0.000000e+00> : vector<32x128xf32>
    %reduce_sum3A_2794 = vector.multi_reduction <add>, %mul3A_2792, %reduce_sum3A_2793 [1] : vector<32x128x128xf32> to vector<32x128xf32>
    %swap3A_2795 = arith.constant 22 : index
    %swap3A_2796 = arith.constant 0 : index
    %swap3A_2797 = arith.constant 0 : index
    %swap3A_2798 = vector.load %arg13[%swap3A_2795, %swap3A_2796, %swap3A_2797] : memref<32x32x128xf32, #tpu.memory_space<vmem>>, vector<1x32x128xf32>
    %swap3A_2799 = vector.shape_cast %swap3A_2798 : vector<1x32x128xf32> to vector<32x128xf32>
    %swap3A_2800 = vector.shape_cast %reduce_sum3A_2794 : vector<32x128xf32> to vector<1x32x128xf32>
    tpu.vector_store %arg13[%swap3A_2795, %swap3A_2796, %swap3A_2797], %swap3A_2800 {strides = array<i32>} : memref<32x32x128xf32, #tpu.memory_space<vmem>>, vector<1x32x128xf32>,
    %slice3A_2801 = vector.extract_strided_slice %get3A_2480 {offsets = [23, 0, 0], sizes = [1, 128, 128], strides = [1, 1, 1]} : vector<32x128x128xf32> to vector<1x128x128xf32>
    %squeeze3A_2802 = vector.shape_cast %slice3A_2801 : vector<1x128x128xf32> to vector<128x128xf32>
    %broadcast_in_dim3A_2803 = vector.shape_cast %squeeze3A_2802 : vector<128x128xf32> to vector<1x128x128xf32>
    %sub3A_2804 = vector.broadcast %broadcast_in_dim3A_2803 : vector<1x128x128xf32> to vector<32x128x128xf32>
    %sub3A_2805 = arith.subf %get3A_2480, %sub3A_2804 : vector<32x128x128xf32>
    %mul3A_2806 = arith.mulf %sub3A_2805, %sub3A_2805 : vector<32x128x128xf32>
    %reduce_sum3A_2807 = arith.constant dense<0.000000e+00> : vector<32x128xf32>
    %reduce_sum3A_2808 = vector.multi_reduction <add>, %mul3A_2806, %reduce_sum3A_2807 [1] : vector<32x128x128xf32> to vector<32x128xf32>
    %swap3A_2809 = arith.constant 23 : index
    %swap3A_2810 = arith.constant 0 : index
    %swap3A_2811 = arith.constant 0 : index
    %swap3A_2812 = vector.load %arg13[%swap3A_2809, %swap3A_2810, %swap3A_2811] : memref<32x32x128xf32, #tpu.memory_space<vmem>>, vector<1x32x128xf32>
    %swap3A_2813 = vector.shape_cast %swap3A_2812 : vector<1x32x128xf32> to vector<32x128xf32>
    %swap3A_2814 = vector.shape_cast %reduce_sum3A_2808 : vector<32x128xf32> to vector<1x32x128xf32>
    tpu.vector_store %arg13[%swap3A_2809, %swap3A_2810, %swap3A_2811], %swap3A_2814 {strides = array<i32>} : memref<32x32x128xf32, #tpu.memory_space<vmem>>, vector<1x32x128xf32>,
    %slice3A_2815 = vector.extract_strided_slice %get3A_2480 {offsets = [24, 0, 0], sizes = [1, 128, 128], strides = [1, 1, 1]} : vector<32x128x128xf32> to vector<1x128x128xf32>
    %squeeze3A_2816 = vector.shape_cast %slice3A_2815 : vector<1x128x128xf32> to vector<128x128xf32>
    %broadcast_in_dim3A_2817 = vector.shape_cast %squeeze3A_2816 : vector<128x128xf32> to vector<1x128x128xf32>
    %sub3A_2818 = vector.broadcast %broadcast_in_dim3A_2817 : vector<1x128x128xf32> to vector<32x128x128xf32>
    %sub3A_2819 = arith.subf %get3A_2480, %sub3A_2818 : vector<32x128x128xf32>
    %mul3A_2820 = arith.mulf %sub3A_2819, %sub3A_2819 : vector<32x128x128xf32>
    %reduce_sum3A_2821 = arith.constant dense<0.000000e+00> : vector<32x128xf32>
    %reduce_sum3A_2822 = vector.multi_reduction <add>, %mul3A_2820, %reduce_sum3A_2821 [1] : vector<32x128x128xf32> to vector<32x128xf32>
    %swap3A_2823 = arith.constant 24 : index
    %swap3A_2824 = arith.constant 0 : index
    %swap3A_2825 = arith.constant 0 : index
    %swap3A_2826 = vector.load %arg13[%swap3A_2823, %swap3A_2824, %swap3A_2825] : memref<32x32x128xf32, #tpu.memory_space<vmem>>, vector<1x32x128xf32>
    %swap3A_2827 = vector.shape_cast %swap3A_2826 : vector<1x32x128xf32> to vector<32x128xf32>
    %swap3A_2828 = vector.shape_cast %reduce_sum3A_2822 : vector<32x128xf32> to vector<1x32x128xf32>
    tpu.vector_store %arg13[%swap3A_2823, %swap3A_2824, %swap3A_2825], %swap3A_2828 {strides = array<i32>} : memref<32x32x128xf32, #tpu.memory_space<vmem>>, vector<1x32x128xf32>,
    %slice3A_2829 = vector.extract_strided_slice %get3A_2480 {offsets = [25, 0, 0], sizes = [1, 128, 128], strides = [1, 1, 1]} : vector<32x128x128xf32> to vector<1x128x128xf32>
    %squeeze3A_2830 = vector.shape_cast %slice3A_2829 : vector<1x128x128xf32> to vector<128x128xf32>
    %broadcast_in_dim3A_2831 = vector.shape_cast %squeeze3A_2830 : vector<128x128xf32> to vector<1x128x128xf32>
    %sub3A_2832 = vector.broadcast %broadcast_in_dim3A_2831 : vector<1x128x128xf32> to vector<32x128x128xf32>
    %sub3A_2833 = arith.subf %get3A_2480, %sub3A_2832 : vector<32x128x128xf32>
    %mul3A_2834 = arith.mulf %sub3A_2833, %sub3A_2833 : vector<32x128x128xf32>
    %reduce_sum3A_2835 = arith.constant dense<0.000000e+00> : vector<32x128xf32>
    %reduce_sum3A_2836 = vector.multi_reduction <add>, %mul3A_2834, %reduce_sum3A_2835 [1] : vector<32x128x128xf32> to vector<32x128xf32>
    %swap3A_2837 = arith.constant 25 : index
    %swap3A_2838 = arith.constant 0 : index
    %swap3A_2839 = arith.constant 0 : index
    %swap3A_2840 = vector.load %arg13[%swap3A_2837, %swap3A_2838, %swap3A_2839] : memref<32x32x128xf32, #tpu.memory_space<vmem>>, vector<1x32x128xf32>
    %swap3A_2841 = vector.shape_cast %swap3A_2840 : vector<1x32x128xf32> to vector<32x128xf32>
    %swap3A_2842 = vector.shape_cast %reduce_sum3A_2836 : vector<32x128xf32> to vector<1x32x128xf32>
    tpu.vector_store %arg13[%swap3A_2837, %swap3A_2838, %swap3A_2839], %swap3A_2842 {strides = array<i32>} : memref<32x32x128xf32, #tpu.memory_space<vmem>>, vector<1x32x128xf32>,
    %slice3A_2843 = vector.extract_strided_slice %get3A_2480 {offsets = [26, 0, 0], sizes = [1, 128, 128], strides = [1, 1, 1]} : vector<32x128x128xf32> to vector<1x128x128xf32>
    %squeeze3A_2844 = vector.shape_cast %slice3A_2843 : vector<1x128x128xf32> to vector<128x128xf32>
    %broadcast_in_dim3A_2845 = vector.shape_cast %squeeze3A_2844 : vector<128x128xf32> to vector<1x128x128xf32>
    %sub3A_2846 = vector.broadcast %broadcast_in_dim3A_2845 : vector<1x128x128xf32> to vector<32x128x128xf32>
    %sub3A_2847 = arith.subf %get3A_2480, %sub3A_2846 : vector<32x128x128xf32>
    %mul3A_2848 = arith.mulf %sub3A_2847, %sub3A_2847 : vector<32x128x128xf32>
    %reduce_sum3A_2849 = arith.constant dense<0.000000e+00> : vector<32x128xf32>
    %reduce_sum3A_2850 = vector.multi_reduction <add>, %mul3A_2848, %reduce_sum3A_2849 [1] : vector<32x128x128xf32> to vector<32x128xf32>
    %swap3A_2851 = arith.constant 26 : index
    %swap3A_2852 = arith.constant 0 : index
    %swap3A_2853 = arith.constant 0 : index
    %swap3A_2854 = vector.load %arg13[%swap3A_2851, %swap3A_2852, %swap3A_2853] : memref<32x32x128xf32, #tpu.memory_space<vmem>>, vector<1x32x128xf32>
    %swap3A_2855 = vector.shape_cast %swap3A_2854 : vector<1x32x128xf32> to vector<32x128xf32>
    %swap3A_2856 = vector.shape_cast %reduce_sum3A_2850 : vector<32x128xf32> to vector<1x32x128xf32>
    tpu.vector_store %arg13[%swap3A_2851, %swap3A_2852, %swap3A_2853], %swap3A_2856 {strides = array<i32>} : memref<32x32x128xf32, #tpu.memory_space<vmem>>, vector<1x32x128xf32>,
    %slice3A_2857 = vector.extract_strided_slice %get3A_2480 {offsets = [27, 0, 0], sizes = [1, 128, 128], strides = [1, 1, 1]} : vector<32x128x128xf32> to vector<1x128x128xf32>
    %squeeze3A_2858 = vector.shape_cast %slice3A_2857 : vector<1x128x128xf32> to vector<128x128xf32>
    %broadcast_in_dim3A_2859 = vector.shape_cast %squeeze3A_2858 : vector<128x128xf32> to vector<1x128x128xf32>
    %sub3A_2860 = vector.broadcast %broadcast_in_dim3A_2859 : vector<1x128x128xf32> to vector<32x128x128xf32>
    %sub3A_2861 = arith.subf %get3A_2480, %sub3A_2860 : vector<32x128x128xf32>
    %mul3A_2862 = arith.mulf %sub3A_2861, %sub3A_2861 : vector<32x128x128xf32>
    %reduce_sum3A_2863 = arith.constant dense<0.000000e+00> : vector<32x128xf32>
    %reduce_sum3A_2864 = vector.multi_reduction <add>, %mul3A_2862, %reduce_sum3A_2863 [1] : vector<32x128x128xf32> to vector<32x128xf32>
    %swap3A_2865 = arith.constant 27 : index
    %swap3A_2866 = arith.constant 0 : index
    %swap3A_2867 = arith.constant 0 : index
    %swap3A_2868 = vector.load %arg13[%swap3A_2865, %swap3A_2866, %swap3A_2867] : memref<32x32x128xf32, #tpu.memory_space<vmem>>, vector<1x32x128xf32>
    %swap3A_2869 = vector.shape_cast %swap3A_2868 : vector<1x32x128xf32> to vector<32x128xf32>
    %swap3A_2870 = vector.shape_cast %reduce_sum3A_2864 : vector<32x128xf32> to vector<1x32x128xf32>
    tpu.vector_store %arg13[%swap3A_2865, %swap3A_2866, %swap3A_2867], %swap3A_2870 {strides = array<i32>} : memref<32x32x128xf32, #tpu.memory_space<vmem>>, vector<1x32x128xf32>,
    %slice3A_2871 = vector.extract_strided_slice %get3A_2480 {offsets = [28, 0, 0], sizes = [1, 128, 128], strides = [1, 1, 1]} : vector<32x128x128xf32> to vector<1x128x128xf32>
    %squeeze3A_2872 = vector.shape_cast %slice3A_2871 : vector<1x128x128xf32> to vector<128x128xf32>
    %broadcast_in_dim3A_2873 = vector.shape_cast %squeeze3A_2872 : vector<128x128xf32> to vector<1x128x128xf32>
    %sub3A_2874 = vector.broadcast %broadcast_in_dim3A_2873 : vector<1x128x128xf32> to vector<32x128x128xf32>
    %sub3A_2875 = arith.subf %get3A_2480, %sub3A_2874 : vector<32x128x128xf32>
    %mul3A_2876 = arith.mulf %sub3A_2875, %sub3A_2875 : vector<32x128x128xf32>
    %reduce_sum3A_2877 = arith.constant dense<0.000000e+00> : vector<32x128xf32>
    %reduce_sum3A_2878 = vector.multi_reduction <add>, %mul3A_2876, %reduce_sum3A_2877 [1] : vector<32x128x128xf32> to vector<32x128xf32>
    %swap3A_2879 = arith.constant 28 : index
    %swap3A_2880 = arith.constant 0 : index
    %swap3A_2881 = arith.constant 0 : index
    %swap3A_2882 = vector.load %arg13[%swap3A_2879, %swap3A_2880, %swap3A_2881] : memref<32x32x128xf32, #tpu.memory_space<vmem>>, vector<1x32x128xf32>
    %swap3A_2883 = vector.shape_cast %swap3A_2882 : vector<1x32x128xf32> to vector<32x128xf32>
    %swap3A_2884 = vector.shape_cast %reduce_sum3A_2878 : vector<32x128xf32> to vector<1x32x128xf32>
    tpu.vector_store %arg13[%swap3A_2879, %swap3A_2880, %swap3A_2881], %swap3A_2884 {strides = array<i32>} : memref<32x32x128xf32, #tpu.memory_space<vmem>>, vector<1x32x128xf32>,
    %slice3A_2885 = vector.extract_strided_slice %get3A_2480 {offsets = [29, 0, 0], sizes = [1, 128, 128], strides = [1, 1, 1]} : vector<32x128x128xf32> to vector<1x128x128xf32>
    %squeeze3A_2886 = vector.shape_cast %slice3A_2885 : vector<1x128x128xf32> to vector<128x128xf32>
    %broadcast_in_dim3A_2887 = vector.shape_cast %squeeze3A_2886 : vector<128x128xf32> to vector<1x128x128xf32>
    %sub3A_2888 = vector.broadcast %broadcast_in_dim3A_2887 : vector<1x128x128xf32> to vector<32x128x128xf32>
    %sub3A_2889 = arith.subf %get3A_2480, %sub3A_2888 : vector<32x128x128xf32>
    %mul3A_2890 = arith.mulf %sub3A_2889, %sub3A_2889 : vector<32x128x128xf32>
    %reduce_sum3A_2891 = arith.constant dense<0.000000e+00> : vector<32x128xf32>
    %reduce_sum3A_2892 = vector.multi_reduction <add>, %mul3A_2890, %reduce_sum3A_2891 [1] : vector<32x128x128xf32> to vector<32x128xf32>
    %swap3A_2893 = arith.constant 29 : index
    %swap3A_2894 = arith.constant 0 : index
    %swap3A_2895 = arith.constant 0 : index
    %swap3A_2896 = vector.load %arg13[%swap3A_2893, %swap3A_2894, %swap3A_2895] : memref<32x32x128xf32, #tpu.memory_space<vmem>>, vector<1x32x128xf32>
    %swap3A_2897 = vector.shape_cast %swap3A_2896 : vector<1x32x128xf32> to vector<32x128xf32>
    %swap3A_2898 = vector.shape_cast %reduce_sum3A_2892 : vector<32x128xf32> to vector<1x32x128xf32>
    tpu.vector_store %arg13[%swap3A_2893, %swap3A_2894, %swap3A_2895], %swap3A_2898 {strides = array<i32>} : memref<32x32x128xf32, #tpu.memory_space<vmem>>, vector<1x32x128xf32>,
    %slice3A_2899 = vector.extract_strided_slice %get3A_2480 {offsets = [30, 0, 0], sizes = [1, 128, 128], strides = [1, 1, 1]} : vector<32x128x128xf32> to vector<1x128x128xf32>
    %squeeze3A_2900 = vector.shape_cast %slice3A_2899 : vector<1x128x128xf32> to vector<128x128xf32>
    %broadcast_in_dim3A_2901 = vector.shape_cast %squeeze3A_2900 : vector<128x128xf32> to vector<1x128x128xf32>
    %sub3A_2902 = vector.broadcast %broadcast_in_dim3A_2901 : vector<1x128x128xf32> to vector<32x128x128xf32>
    %sub3A_2903 = arith.subf %get3A_2480, %sub3A_2902 : vector<32x128x128xf32>
    %mul3A_2904 = arith.mulf %sub3A_2903, %sub3A_2903 : vector<32x128x128xf32>
    %reduce_sum3A_2905 = arith.constant dense<0.000000e+00> : vector<32x128xf32>
    %reduce_sum3A_2906 = vector.multi_reduction <add>, %mul3A_2904, %reduce_sum3A_2905 [1] : vector<32x128x128xf32> to vector<32x128xf32>
    %swap3A_2907 = arith.constant 30 : index
    %swap3A_2908 = arith.constant 0 : index
    %swap3A_2909 = arith.constant 0 : index
    %swap3A_2910 = vector.load %arg13[%swap3A_2907, %swap3A_2908, %swap3A_2909] : memref<32x32x128xf32, #tpu.memory_space<vmem>>, vector<1x32x128xf32>
    %swap3A_2911 = vector.shape_cast %swap3A_2910 : vector<1x32x128xf32> to vector<32x128xf32>
    %swap3A_2912 = vector.shape_cast %reduce_sum3A_2906 : vector<32x128xf32> to vector<1x32x128xf32>
    tpu.vector_store %arg13[%swap3A_2907, %swap3A_2908, %swap3A_2909], %swap3A_2912 {strides = array<i32>} : memref<32x32x128xf32, #tpu.memory_space<vmem>>, vector<1x32x128xf32>,
    %slice3A_2913 = vector.extract_strided_slice %get3A_2480 {offsets = [31, 0, 0], sizes = [1, 128, 128], strides = [1, 1, 1]} : vector<32x128x128xf32> to vector<1x128x128xf32>
    %squeeze3A_2914 = vector.shape_cast %slice3A_2913 : vector<1x128x128xf32> to vector<128x128xf32>
    %broadcast_in_dim3A_2915 = vector.shape_cast %squeeze3A_2914 : vector<128x128xf32> to vector<1x128x128xf32>
    %sub3A_2916 = vector.broadcast %broadcast_in_dim3A_2915 : vector<1x128x128xf32> to vector<32x128x128xf32>
    %sub3A_2917 = arith.subf %get3A_2480, %sub3A_2916 : vector<32x128x128xf32>
    %mul3A_2918 = arith.mulf %sub3A_2917, %sub3A_2917 : vector<32x128x128xf32>
    %reduce_sum3A_2919 = arith.constant dense<0.000000e+00> : vector<32x128xf32>
    %reduce_sum3A_2920 = vector.multi_reduction <add>, %mul3A_2918, %reduce_sum3A_2919 [1] : vector<32x128x128xf32> to vector<32x128xf32>
    %swap3A_2921 = arith.constant 31 : index
    %swap3A_2922 = arith.constant 0 : index
    %swap3A_2923 = arith.constant 0 : index
    %swap3A_2924 = vector.load %arg13[%swap3A_2921, %swap3A_2922, %swap3A_2923] : memref<32x32x128xf32, #tpu.memory_space<vmem>>, vector<1x32x128xf32>
    %swap3A_2925 = vector.shape_cast %swap3A_2924 : vector<1x32x128xf32> to vector<32x128xf32>
    %swap3A_2926 = vector.shape_cast %reduce_sum3A_2920 : vector<32x128xf32> to vector<1x32x128xf32>
    tpu.vector_store %arg13[%swap3A_2921, %swap3A_2922, %swap3A_2923], %swap3A_2926 {strides = array<i32>} : memref<32x32x128xf32, #tpu.memory_space<vmem>>, vector<1x32x128xf32>,
    %get3A_2927 = arith.constant 0 : index
    %get3A_2928 = arith.constant 0 : index
    %get3A_2929 = arith.constant 0 : index
    %get3A_2930 = vector.load %arg13[%get3A_2927, %get3A_2928, %get3A_2929] : memref<32x32x128xf32, #tpu.memory_space<vmem>>, vector<32x32x128xf32>
    %bitcast_convert_type3A = tpu.bitcast %get3A_2930 : vector<32x32x128xf32> -> vector<32x32x128xi32>
    %broadcast_in_dim3A_2931 = arith.constant 0 : i32
    %broadcast_in_dim3A_2932 = vector.broadcast %broadcast_in_dim3A_2931 : i32 to vector<128xi32>
    %broadcast_in_dim3A_2933 = arith.constant 2139095040 : i32
    %broadcast_in_dim3A_2934 = vector.broadcast %broadcast_in_dim3A_2933 : i32 to vector<128xi32>
    %scan3A = arith.constant 0 : i32
    %scan3A_2935 = arith.constant 31 : i32
    %scan3A_2936 = arith.addi %scan3A, %scan3A_2935 : i32
    %scan3A_2937 = arith.constant 1 : i32
    %scan3A_2938:2 = scf.for %scan3A_3039 = %scan3A to %scan3A_2936 step %scan3A_2937 iter_args(%scan3A_3040 = %broadcast_in_dim3A_2932, %scan3A_3041 = %broadcast_in_dim3A_2934) -> (vector<128xi32>, vector<128xi32>)  : i32 {
      %sub3A_3042 = arith.subi %scan3A_3041, %scan3A_3040 : vector<128xi32>
      %div3A_3043 = arith.constant 2 : i32
      %div3A_3044 = vector.broadcast %div3A_3043 : i32 to vector<128xi32>
      %div3A_3045 = arith.divsi %sub3A_3042, %div3A_3044 : vector<128xi32>
      %add3A_3046 = arith.addi %scan3A_3040, %div3A_3045 : vector<128xi32>
      %broadcast_in_dim3A_3047 = vector.shape_cast %add3A_3046 : vector<128xi32> to vector<1x1x128xi32>
      %le3A = vector.broadcast %broadcast_in_dim3A_3047 : vector<1x1x128xi32> to vector<32x32x128xi32>
      %le3A_3048 = arith.cmpi sle, %bitcast_convert_type3A, %le3A : vector<32x32x128xi32>
      %convert_element_type3A_3049 = arith.extui %le3A_3048 : vector<32x32x128xi1> to vector<32x32x128xi32>
      %reduce_sum3A_3050 = arith.constant dense<0> : vector<128xi32>
      %reduce_sum3A_3051 = vector.multi_reduction <add>, %convert_element_type3A_3049, %reduce_sum3A_3050 [0, 1] : vector<32x32x128xi32> to vector<128xi32>
      %ge3A = arith.constant 512 : i32
      %ge3A_3052 = vector.broadcast %ge3A : i32 to vector<128xi32>
      %ge3A_3053 = arith.cmpi sge, %reduce_sum3A_3051, %ge3A_3052 : vector<128xi32>
      %add3A_3054 = arith.constant 1 : i32
      %add3A_3055 = vector.broadcast %add3A_3054 : i32 to vector<128xi32>
      %add3A_3056 = arith.addi %add3A_3046, %add3A_3055 : vector<128xi32>
      %select_n3A_3057 = arith.select %ge3A_3053, %scan3A_3040, %add3A_3056 : vector<128xi1>, vector<128xi32>
      %select_n3A_3058 = arith.select %ge3A_3053, %add3A_3046, %scan3A_3041 : vector<128xi1>, vector<128xi32>
      scf.yield %select_n3A_3057, %select_n3A_3058 : vector<128xi32>, vector<128xi32>
    }
    %bitcast_convert_type3A_2939 = tpu.bitcast %scan3A_2938#0 : vector<128xi32> -> vector<128xf32>
    %broadcast_in_dim3A_2940 = arith.constant 0 : i32
    %broadcast_in_dim3A_2941 = vector.broadcast %broadcast_in_dim3A_2940 : i32 to vector<128xi32>
    %broadcast_in_dim3A_2942 = arith.constant 2139095040 : i32
    %broadcast_in_dim3A_2943 = vector.broadcast %broadcast_in_dim3A_2942 : i32 to vector<128xi32>
    %scan3A_2944 = arith.constant 0 : i32
    %scan3A_2945 = arith.constant 31 : i32
    %scan3A_2946 = arith.addi %scan3A_2944, %scan3A_2945 : i32
    %scan3A_2947 = arith.constant 1 : i32
    %scan3A_2948:2 = scf.for %scan3A_3039 = %scan3A_2944 to %scan3A_2946 step %scan3A_2947 iter_args(%scan3A_3040 = %broadcast_in_dim3A_2941, %scan3A_3041 = %broadcast_in_dim3A_2943) -> (vector<128xi32>, vector<128xi32>)  : i32 {
      %sub3A_3042 = arith.subi %scan3A_3041, %scan3A_3040 : vector<128xi32>
      %div3A_3043 = arith.constant 2 : i32
      %div3A_3044 = vector.broadcast %div3A_3043 : i32 to vector<128xi32>
      %div3A_3045 = arith.divsi %sub3A_3042, %div3A_3044 : vector<128xi32>
      %add3A_3046 = arith.addi %scan3A_3040, %div3A_3045 : vector<128xi32>
      %broadcast_in_dim3A_3047 = vector.shape_cast %add3A_3046 : vector<128xi32> to vector<1x1x128xi32>
      %le3A = vector.broadcast %broadcast_in_dim3A_3047 : vector<1x1x128xi32> to vector<32x32x128xi32>
      %le3A_3048 = arith.cmpi sle, %bitcast_convert_type3A, %le3A : vector<32x32x128xi32>
      %convert_element_type3A_3049 = arith.extui %le3A_3048 : vector<32x32x128xi1> to vector<32x32x128xi32>
      %reduce_sum3A_3050 = arith.constant dense<0> : vector<128xi32>
      %reduce_sum3A_3051 = vector.multi_reduction <add>, %convert_element_type3A_3049, %reduce_sum3A_3050 [0, 1] : vector<32x32x128xi32> to vector<128xi32>
      %ge3A = arith.constant 513 : i32
      %ge3A_3052 = vector.broadcast %ge3A : i32 to vector<128xi32>
      %ge3A_3053 = arith.cmpi sge, %reduce_sum3A_3051, %ge3A_3052 : vector<128xi32>
      %add3A_3054 = arith.constant 1 : i32
      %add3A_3055 = vector.broadcast %add3A_3054 : i32 to vector<128xi32>
      %add3A_3056 = arith.addi %add3A_3046, %add3A_3055 : vector<128xi32>
      %select_n3A_3057 = arith.select %ge3A_3053, %scan3A_3040, %add3A_3056 : vector<128xi1>, vector<128xi32>
      %select_n3A_3058 = arith.select %ge3A_3053, %add3A_3046, %scan3A_3041 : vector<128xi1>, vector<128xi32>
      scf.yield %select_n3A_3057, %select_n3A_3058 : vector<128xi32>, vector<128xi32>
    }
    %bitcast_convert_type3A_2949 = tpu.bitcast %scan3A_2948#0 : vector<128xi32> -> vector<128xf32>
    %add3A_2950 = arith.addf %bitcast_convert_type3A_2939, %bitcast_convert_type3A_2949 : vector<128xf32>
    %mul3A_2951 = arith.constant 5.000000e-01 : f32
    %mul3A_2952 = vector.broadcast %mul3A_2951 : f32 to vector<128xf32>
    %mul3A_2953 = arith.mulf %add3A_2950, %mul3A_2952 : vector<128xf32>
    %broadcast_in_dim3A_2954 = vector.shape_cast %mul3A_2953 : vector<128xf32> to vector<1x1x128xf32>
    %add3A_2955 = arith.constant 9.99999993E-9 : f32
    %add3A_2956 = vector.broadcast %add3A_2955 : f32 to vector<1x1x128xf32>
    %add3A_2957 = arith.addf %broadcast_in_dim3A_2954, %add3A_2956 : vector<1x1x128xf32>
    %div3A_2958 = vector.broadcast %add3A_2957 : vector<1x1x128xf32> to vector<32x32x128xf32>
    %div3A_2959 = arith.divf %get3A_2930, %div3A_2958 : vector<32x32x128xf32>
    %neg3A_2960 = arith.constant 0.000000e+00 : f32
    %neg3A_2961 = vector.broadcast %neg3A_2960 : f32 to vector<32x32x128xf32>
    %neg3A_2962 = arith.subf %neg3A_2961, %div3A_2959 : vector<32x32x128xf32>
    %div3A_2963 = arith.constant 5.000000e-02 : f32
    %div3A_2964 = vector.broadcast %div3A_2963 : f32 to vector<32x32x128xf32>
    %div3A_2965 = arith.divf %neg3A_2962, %div3A_2964 : vector<32x32x128xf32>
    %exp3A_2966 = math.exp %div3A_2965 : vector<32x32x128xf32>
    %swap3A_2967 = arith.constant 0 : index
    %swap3A_2968 = arith.constant 0 : index
    %swap3A_2969 = arith.constant 0 : index
    %swap3A_2970 = vector.load %arg14[%swap3A_2967, %swap3A_2968, %swap3A_2969] : memref<32x32x128xf32, #tpu.memory_space<vmem>>, vector<32x32x128xf32>
    tpu.vector_store %arg14[%swap3A_2967, %swap3A_2968, %swap3A_2969], %exp3A_2966 {strides = array<i32>} : memref<32x32x128xf32, #tpu.memory_space<vmem>>, vector<32x32x128xf32>,
    %get3A_2971 = arith.constant 0 : index
    %get3A_2972 = arith.constant 0 : index
    %get3A_2973 = arith.constant 0 : index
    %get3A_2974 = vector.load %arg14[%get3A_2971, %get3A_2972, %get3A_2973] : memref<32x32x128xf32, #tpu.memory_space<vmem>>, vector<32x32x128xf32>
    %broadcast_in_dim3A_2975 = arith.constant 1.000000e+00 : f32
    %broadcast_in_dim3A_2976 = vector.broadcast %broadcast_in_dim3A_2975 : f32 to vector<32x128xf32>
    %scan3A_2977 = arith.constant 0 : i32
    %scan3A_2978 = arith.constant 50 : i32
    %scan3A_2979 = arith.addi %scan3A_2977, %scan3A_2978 : i32
    %scan3A_2980 = arith.constant 1 : i32
    %scan3A_2981:2 = scf.for %scan3A_3039 = %scan3A_2977 to %scan3A_2979 step %scan3A_2980 iter_args(%scan3A_3040 = %broadcast_in_dim3A_2976, %scan3A_3041 = %broadcast_in_dim3A_2976) -> (vector<32x128xf32>, vector<32x128xf32>)  : i32 {
      %broadcast_in_dim3A_3042 = vector.shape_cast %scan3A_3041 : vector<32x128xf32> to vector<1x32x128xf32>
      %mul3A_3043 = vector.broadcast %broadcast_in_dim3A_3042 : vector<1x32x128xf32> to vector<32x32x128xf32>
      %mul3A_3044 = arith.mulf %get3A_2974, %mul3A_3043 : vector<32x32x128xf32>
      %reduce_sum3A_3045 = arith.constant dense<0.000000e+00> : vector<32x128xf32>
      %reduce_sum3A_3046 = vector.multi_reduction <add>, %mul3A_3044, %reduce_sum3A_3045 [1] : vector<32x32x128xf32> to vector<32x128xf32>
      %add3A_3047 = arith.constant 1.000000e-16 : f32
      %add3A_3048 = vector.broadcast %add3A_3047 : f32 to vector<32x128xf32>
      %add3A_3049 = arith.addf %reduce_sum3A_3046, %add3A_3048 : vector<32x128xf32>
      %div3A_3050 = arith.divf %add3A_1168, %add3A_3049 : vector<32x128xf32>
      %broadcast_in_dim3A_3051 = vector.shape_cast %div3A_3050 : vector<32x128xf32> to vector<32x1x128xf32>
      %mul3A_3052 = vector.broadcast %broadcast_in_dim3A_3051 : vector<32x1x128xf32> to vector<32x32x128xf32>
      %mul3A_3053 = arith.mulf %get3A_2974, %mul3A_3052 : vector<32x32x128xf32>
      %reduce_sum3A_3054 = arith.constant dense<0.000000e+00> : vector<32x128xf32>
      %reduce_sum3A_3055 = vector.multi_reduction <add>, %mul3A_3053, %reduce_sum3A_3054 [0] : vector<32x32x128xf32> to vector<32x128xf32>
      %add3A_3056 = arith.constant 1.000000e-16 : f32
      %add3A_3057 = vector.broadcast %add3A_3056 : f32 to vector<32x128xf32>
      %add3A_3058 = arith.addf %reduce_sum3A_3055, %add3A_3057 : vector<32x128xf32>
      %div3A_3059 = arith.divf %add3A_1197, %add3A_3058 : vector<32x128xf32>
      scf.yield %div3A_3050, %div3A_3059 : vector<32x128xf32>, vector<32x128xf32>
    }
    %broadcast_in_dim3A_2982 = vector.shape_cast %scan3A_2981#0 : vector<32x128xf32> to vector<32x1x128xf32>
    %mul3A_2983 = vector.broadcast %broadcast_in_dim3A_2982 : vector<32x1x128xf32> to vector<32x32x128xf32>
    %mul3A_2984 = arith.mulf %mul3A_2983, %get3A_2974 : vector<32x32x128xf32>
    %mul3A_2985 = arith.mulf %mul3A_2984, %div3A_2959 : vector<32x32x128xf32>
    %broadcast_in_dim3A_2986 = vector.shape_cast %scan3A_2981#1 : vector<32x128xf32> to vector<1x32x128xf32>
    %mul3A_2987 = vector.broadcast %broadcast_in_dim3A_2986 : vector<1x32x128xf32> to vector<32x32x128xf32>
    %mul3A_2988 = arith.mulf %mul3A_2985, %mul3A_2987 : vector<32x32x128xf32>
    %reduce_sum3A_2989 = arith.constant dense<0.000000e+00> : vector<128xf32>
    %reduce_sum3A_2990 = vector.multi_reduction <add>, %mul3A_2988, %reduce_sum3A_2989 [0, 1] : vector<32x32x128xf32> to vector<128xf32>
    %reduce_sum3A_2991 = vector.shape_cast %reduce_sum3A_2990 : vector<128xf32> to vector<1x128xf32>
    %reduce_sum3A_2992 = arith.constant dense<0.000000e+00> : vector<1xf32>
    %reduce_sum3A_2993 = vector.multi_reduction <add>, %reduce_sum3A_2991, %reduce_sum3A_2992 [1] : vector<1x128xf32> to vector<1xf32>
    %reduce_sum3A_2994 = vector.shape_cast %reduce_sum3A_2993 : vector<1xf32> to vector<1x1xf32>
    %reduce_sum3A_2995 = vector.extract %reduce_sum3A_2994[0, 0] : f32 from vector<1x1xf32>
    %div3A_2996 = arith.constant 1.280000e+02 : f32
    %div3A_2997 = arith.divf %reduce_sum3A_2995, %div3A_2996 : f32
    %get3A_2998 = arith.constant 0 : index
    %get3A_2999 = arith.constant 0 : index
    %get3A_3000 = vector.load %arg8[%get3A_2998, %get3A_2999] : memref<128x128xf32, #tpu.memory_space<vmem>>, vector<128x128xf32>
    %integer_pow3A_3001 = arith.mulf %get3A_3000, %get3A_3000 : vector<128x128xf32>
    %reduce_sum3A_3002 = vector.shape_cast %integer_pow3A_3001 : vector<128x128xf32> to vector<1x128x128xf32>
    %reduce_sum3A_3003 = arith.constant dense<0.000000e+00> : vector<1xf32>
    %reduce_sum3A_3004 = vector.multi_reduction <add>, %reduce_sum3A_3002, %reduce_sum3A_3003 [1, 2] : vector<1x128x128xf32> to vector<1xf32>
    %reduce_sum3A_3005 = vector.shape_cast %reduce_sum3A_3004 : vector<1xf32> to vector<1x1x1xf32>
    %reduce_sum3A_3006 = vector.extract %reduce_sum3A_3005[0, 0, 0] : f32 from vector<1x1x1xf32>
    %get3A_3007 = arith.constant 0 : index
    %get3A_3008 = arith.constant 0 : index
    %get3A_3009 = vector.load %arg9[%get3A_3007, %get3A_3008] : memref<1x128xf32, #tpu.memory_space<vmem>>, vector<1x128xf32>
    %integer_pow3A_3010 = arith.mulf %get3A_3009, %get3A_3009 : vector<1x128xf32>
    %reduce_sum3A_3011 = vector.shape_cast %integer_pow3A_3010 : vector<1x128xf32> to vector<1x1x128xf32>
    %reduce_sum3A_3012 = arith.constant dense<0.000000e+00> : vector<1xf32>
    %reduce_sum3A_3013 = vector.multi_reduction <add>, %reduce_sum3A_3011, %reduce_sum3A_3012 [1, 2] : vector<1x1x128xf32> to vector<1xf32>
    %reduce_sum3A_3014 = vector.shape_cast %reduce_sum3A_3013 : vector<1xf32> to vector<1x1x1xf32>
    %reduce_sum3A_3015 = vector.extract %reduce_sum3A_3014[0, 0, 0] : f32 from vector<1x1x1xf32>
    %add3A_3016 = arith.addf %reduce_sum3A_3006, %reduce_sum3A_3015 : f32
    %mul3A_3017 = arith.constant 5.000000e-01 : f32
    %mul3A_3018 = arith.mulf %add3A_3016, %mul3A_3017 : f32
    %mul3A_3019 = arith.constant 1.000000e+00 : f32
    %mul3A_3020 = arith.mulf %mul3A_3019, %add3A_1049 : f32
    %mul3A_3021 = arith.constant 1.000000e+00 : f32
    %mul3A_3022 = arith.mulf %mul3A_3021, %div3A_2997 : f32
    %add3A_3023 = arith.addf %mul3A_3020, %mul3A_3022 : f32
    %mul3A_3024 = arith.constant 9.99999974E-5 : f32
    %mul3A_3025 = arith.mulf %mul3A_3024, %mul3A_3018 : f32
    %add3A_3026 = arith.addf %add3A_3023, %mul3A_3025 : f32
    %broadcast_in_dim3A_3027 = vector.broadcast %add3A_3026 : f32 to vector<1x1xf32>
    %swap3A_3028 = arith.constant 0 : index
    %swap3A_3029 = arith.constant 0 : index
    %swap3A_3030 = vector.load %arg10[%swap3A_3028, %swap3A_3029] : memref<1x1xf32, #tpu.memory_space<vmem>>, vector<1x1xf32>
    tpu.vector_store %arg10[%swap3A_3028, %swap3A_3029], %broadcast_in_dim3A_3027 {strides = array<i32>} : memref<1x1xf32, #tpu.memory_space<vmem>>, vector<1x1xf32>,
    %broadcast_in_dim3A_3031 = vector.broadcast %add3A_1049 : f32 to vector<1x1xf32>
    %swap3A_3032 = arith.constant 0 : index
    %swap3A_3033 = arith.constant 0 : index
    %swap3A_3034 = vector.load %arg11[%swap3A_3032, %swap3A_3033] : memref<1x1xf32, #tpu.memory_space<vmem>>, vector<1x1xf32>
    tpu.vector_store %arg11[%swap3A_3032, %swap3A_3033], %broadcast_in_dim3A_3031 {strides = array<i32>} : memref<1x1xf32, #tpu.memory_space<vmem>>, vector<1x1xf32>,
    %broadcast_in_dim3A_3035 = vector.broadcast %div3A_2997 : f32 to vector<1x1xf32>
    %swap3A_3036 = arith.constant 0 : index
    %swap3A_3037 = arith.constant 0 : index
    %swap3A_3038 = vector.load %arg12[%swap3A_3036, %swap3A_3037] : memref<1x1xf32, #tpu.memory_space<vmem>>, vector<1x1xf32>
    tpu.vector_store %arg12[%swap3A_3036, %swap3A_3037], %broadcast_in_dim3A_3035 {strides = array<i32>} : memref<1x1xf32, #tpu.memory_space<vmem>>, vector<1x1xf32>,
    return
  }
}

</mosaic_0001>

<sc_bundles>
// kernel: kernel.6.cloned.1.call-start
scs
__scs_entry_jumppad:
0x0: {  	(pc) =	sbr.rel $0x88, $3  }
0x1: {  	(tag) =	ssettag $0x0;
	lr =	simm.s32 $0x1  }
0x2: {  	[smem:$0x3F9A] =	sst lr;
	_ =	strace $0xD0000000  }
0x3: {  	_ = 	snop  }
0x4: {  	_ = 	snop  }
0x5: {  	_ = 	snop  }
0x6: {  	_ = 	snop  }
0x7: {  	_ = 	snop  }
__scs_overlays_trampoline_lowered:
0x8: {  	[smem:$0x3FA9] =	sst s0  }
0x9: {  	[smem:$0x3FAA] =	sst s1  }
0xa: {  	[smem:$0x3FAB] =	sst s2  }
0xb: {  	[smem:$0x3FAC] =	sst s3  }
0xc: {  	[smem:$0x3FAD] =	sst s4  }
0xd: {  	[smem:$0x3FAE] =	sst s5  }
0xe: {  	[smem:$0x3FAF] =	sst s6  }
0xf: {  	[smem:$0x3FB0] =	sst s7  }
0x10: {  	[smem:$0x3FB1] =	sst s8  }
0x11: {  	[smem:$0x3FB2] =	sst s9;
	s0 =	simm.s32 @!p0 $0x0  }
0x12: {  	s1 =	sld [smem:$0x3F98];
	s0 =	simm.s32 @p0 $0x1  }
0x13: {  	[smem:$0x3FB3] =	sst s0;
	s0 =	simm.s32 @!p1 $0x0  }
0x14: {  	s2 =	sld [smem:$0x3F97];
	s0 =	simm.s32 @p1 $0x1  }
0x15: {  	[smem:$0x3FB4] =	sst s0;
	s0 =	simm.s32 @!p2 $0x0  }
0x16: {  	s3 =	sld [smem:$0x3FDB];
	s0 =	simm.s32 @p2 $0x1  }
0x17: {  	s4 =	simm.s32 $0x1BF5;
	[smem:$0x3FB6] =	sst s0  }
0x18: {  	s0 =	sld [smem:$0x3F99];
	_ =	swait.ge [sflag:s4], $0x0  }
0x19: {  	s7 =	sld [smem:$0x3F9A]  }
0x1a: {  	s8 =	sadd.s32 $0xFFFFE003, lr  }
0x1b: {  	s9 =	sadd.s32 $0xFFFFFEF7, lr;
	s5 =	simm.s32 $0xFFFFFFFF;
	p2 =	slt.u32 s8, $0xFFFFF086  }
0x1c: {  	p1 =	slt.u32 s9, $0xF7A;
	s5 =	simm.s32 @!p2 $0x0  }
0x1d: {  	s5 =	simm.s32 @p1 $0x1;
	p0 =	seq.s32 s7, s2  }
0x1e: {  	s7 =	smul.u32 @!p0 $0xF7A, s2;
	p2 =	seq.s32 @!p0 s5, $0x0  }
0x1f: {  	s9 =	smul.u32 $0xF7A, s1;
	s8 =	simm.s32 @!p0 $0x1BF5;
	p2 =	por !p2, p0  }
0x20: {  	[sflag:s8] =	ssyncset.s32 @!p0 $0xFFFFF086;
	s6 =	sadd.s32 @!p0 s3, s7;
	s7 =	simm.s32 @!p0 $0x108  }
0x21: {  	s3 =	sadd.s32 s3, s9;
	s6 =	sadd.s32 @!p0 $0x88, s6;
	s7 =	simm.s32 @p2 $0x1082  }
0x22: {  	[simem:s7], [sflag:s8] =	dma.local @!p0 [hbm:s6], $0xF7A  }
0x23: {  	s9 =	sor.u32 $0xD0000000, s2;
	s6 =	simm.s32 $0x108;
	_ =	swait.ge @!p0 [sflag:s8], $0x0  }
0x24: {  	s3 =	sadd.s32 $0x88, s3;
	s6 =	simm.s32 @!p1 $0x1082;
	[sflag:s4] =	ssyncset.s32 $0xFFFFF086  }
0x25: {  	[simem:s6], [sflag:s4] =	dma.local [hbm:s3], $0xF7A  }
0x26: {  	[smem:$0x3F9A] =	sst s1;
	(tag) =	ssettag s2;
	_ =	strace s9  }
0x27: {  	s1 =	sld [smem:$0x3FAA]  }
0x28: {  	s2 =	sld [smem:$0x3FAB]  }
0x29: {  	s4 =	sld [smem:$0x3FAD]  }
0x2a: {  	p0 =	seq.s32 s5, $0x0;
	s5 =	sld [smem:$0x3FAE]  }
0x2b: {  	s6 =	sld [smem:$0x3FAF]  }
0x2c: {  	s7 =	sld [smem:$0x3FB0]  }
0x2d: {  	s3 =	simm.s32 $0x108;
	s8 =	sld [smem:$0x3FB1]  }
0x2e: {  	s3 =	simm.s32 @!p0 $0x1082;
	s9 =	sld [smem:$0x3FB2]  }
0x2f: {  	lr =	sadd.s32 s0, s3;
	s0 =	sld [smem:$0x3FA9]  }
0x30: {  	s3 =	sld [smem:$0x3FAC]  }
0x31: {  	[smem:$0x3FB5] =	sst s10  }
0x32: {  	s10 =	sld [smem:$0x3FB3];
	_ =	sdelay $0x3  }
0x33: {  	p0 =	seq.s32 s10, $0x1;
	s10 =	sld [smem:$0x3FB5];
	_ =	sdelay $0x3  }
0x34: {  	[smem:$0x3FB5] =	sst s10  }
0x35: {  	s10 =	sld [smem:$0x3FB4];
	_ =	sdelay $0x3  }
0x36: {  	p1 =	seq.s32 s10, $0x1;
	s10 =	sld [smem:$0x3FB5];
	_ =	sdelay $0x3  }
0x37: {  	[smem:$0x3FB5] =	sst s10  }
0x38: {  	s10 =	sld [smem:$0x3FB6]  }
0x39: {  	_ = 	snop;
	(pc) =	sbr.ind lr, $3  }
0x3a: {  	_ = 	snop  }
0x3b: {  	_ = 	snop  }
0x3c: {  	p2 =	seq.s32 s10, $0x1;
	s10 =	sld [smem:$0x3FB5]  }
0x3d: {  	_ =	shalt  }
0x3e: {  	_ =	shalt  }
0x3f: {  	_ =	shalt  }
0x40: {  	_ =	shalt  }
0x41: {  	_ =	shalt  }
0x42: {  	_ =	shalt  }
0x43: {  	_ =	shalt  }
0x44: {  	_ =	shalt  }
0x45: {  	_ =	shalt  }
0x46: {  	_ =	shalt  }
0x47: {  	_ =	shalt  }
0x48: {  	_ =	shalt  }
0x49: {  	_ =	shalt  }
0x4a: {  	_ =	shalt  }
0x4b: {  	_ =	shalt  }
0x4c: {  	_ =	shalt  }
0x4d: {  	_ =	shalt  }
0x4e: {  	_ =	shalt  }
0x4f: {  	_ =	shalt  }
0x50: {  	_ =	shalt  }
0x51: {  	_ =	shalt  }
0x52: {  	_ =	shalt  }
0x53: {  	_ =	shalt  }
0x54: {  	_ =	shalt  }
0x55: {  	_ =	shalt  }
0x56: {  	_ =	shalt  }
0x57: {  	_ =	shalt  }
0x58: {  	_ =	shalt  }
0x59: {  	_ =	shalt  }
0x5a: {  	_ =	shalt  }
0x5b: {  	_ =	shalt  }
0x5c: {  	_ =	shalt  }
0x5d: {  	_ =	shalt  }
0x5e: {  	_ =	shalt  }
0x5f: {  	_ =	shalt  }
0x60: {  	_ =	shalt  }
0x61: {  	_ =	shalt  }
0x62: {  	_ =	shalt  }
0x63: {  	_ =	shalt  }
0x64: {  	_ =	shalt  }
0x65: {  	_ =	shalt  }
0x66: {  	_ =	shalt  }
0x67: {  	_ =	shalt  }
0x68: {  	_ =	shalt  }
0x69: {  	_ =	shalt  }
0x6a: {  	_ =	shalt  }
0x6b: {  	_ =	shalt  }
0x6c: {  	_ =	shalt  }
0x6d: {  	_ =	shalt  }
0x6e: {  	_ =	shalt  }
0x6f: {  	_ =	shalt  }
0x70: {  	_ =	shalt  }
0x71: {  	_ =	shalt  }
0x72: {  	_ =	shalt  }
0x73: {  	_ =	shalt  }
0x74: {  	_ =	shalt  }
0x75: {  	_ =	shalt  }
0x76: {  	_ =	shalt  }
0x77: {  	_ =	shalt  }
0x78: {  	_ =	shalt  }
0x79: {  	_ =	shalt  }
0x7a: {  	_ =	shalt  }
0x7b: {  	_ =	shalt  }
0x7c: {  	_ =	shalt  }
0x7d: {  	_ =	shalt  }
0x7e: {  	_ =	shalt  }
0x7f: {  	_ =	shalt  }
0x80: {  	_ =	shalt  }
0x81: {  	_ =	shalt  }
0x82: {  	_ =	shalt  }
0x83: {  	_ =	shalt  }
0x84: {  	_ =	shalt  }
0x85: {  	_ =	shalt  }
0x86: {  	_ =	shalt  }
0x87: {  	_ =	shalt  }
.Lfunc_end0:
.L_simem_size_0:
called_computation_lowered:
.L_overlay_start_0:
0x88: {  	s2 =	sld [smem:$0x3FD9]  }
0x89: {  	s3 =	sld [smem:$0x3FFE];
	_ =	sdelay $0x1  }
0x8a: {  	s1 =	srdreg.scid  }
0x8b: {  	s0 =	sand.u32 $0x1, s1  }
0x8c: {  	s17 =	sshll.u32 s0, $0xA;
	s2 =	sadd.s32 s3, s2  }
0x8d: {  	s2 =	sadd.s32 s2, s17  }
0x8e: {  	[smem:$0x3FC1] =	sst s2  }
0x8f: {  	_ = 	snop  }
0x90: {  	s2 =	sld [smem:$0x3FC8];
	(tm) =	ssettm $0x1  }
0x91: {  	s18 =	sld [smem:$0x3FFB];
	_ =	sdelay $0x3  }
0x92: {  	_ =	strace s18  }
0x93: {  	s3 =	sld [smem:$0x3FFC];
	_ =	sdelay $0x3  }
0x94: {  	_ =	strace s3  }
0x95: {  	s3 =	sld [smem:$0x3FFD];
	_ =	sdelay $0x3  }
0x96: {  	_ =	strace s3  }
0x97: {  	_ =	strace $0x8FFFFFFF  }
0x98: {  	s19 =	sld [smem:$0x3FDB];
	_ =	sdelay $0x1  }
0x99: {  	s4 =	simm.s32 $_scs_section_size  }
0x9a: {  	s5 =	simm.s32 $_size__tile_overlayer_lowered;
	s6 =	simm.s32 $_tile_overlayer_lowered  }
0x9b: {  	s22 =	simm.s32 $0x1BFF;
	s21 =	sshll.u32 s6, $0x1;
	s3 =	sadd.s32 s4, s19  }
0x9c: {  	s7 =	simm.s32 $0x0;
	s20 =	sshll.u32 s5, $0x1;
	s5 =	sadd.s32 s21, s3  }
0x9d: {  	[timem:s7], [sflag:s22] =	dma.local [hbm:s5], s20  }
0x9e: {  	_ =	swait.ge [sflag:s22], s20  }
0x9f: {  	s4 =	ssub.s32 $0x0, s20;
	[sflag:s22] =	ssyncset.done $0x0  }
0xa0: {  	[sflag:s22] =	ssyncadd.s32 s4;
	_ =	sdelay $0x1  }
0xa1: {  	s23 =	simm.s32 $0x1B8B  }
0xa2: {  	_ =	swait.ge [sflag:s23], $0x1  }
0xa3: {  	[sflag:s23] =	ssyncset.done $0x0  }
0xa4: {  	s25 =	simm.s32 $0x1B8E;
	s24 =	sld [smem:$0x3FFE];
	[sflag:s23] =	ssyncadd.s32 $0xFFFFFFFF  }
0xa5: {  	s26 =	simm.s32 $execute0_lowered;
	[smem:$0x3FD2] =	sst s25  }
0xa6: {  	s5 =	sshll.u32 s26, $0x1;
	_ =	strace $0x80000046;
	[dreg:$0x1] =	wrdreg $0xFFFFFFFF  }
0xa7: {  	s28 =	simm.s32 $_size_execute0_lowered;
	s3 =	sadd.s32 s3, s5;
	[dreg:$0x0] =	wrdreg $0x0  }
0xa8: {  	s5 =	sshll.u32 s28, $0x1;
	[dreg:$0x2] =	wrdreg s3  }
0xa9: {  	[dreg:$0x3] =	wrdreg s5  }
0xaa: {  	[dreg:$0x4] =	wrdreg $0xC0  }
0xab: {  	_ =	task [dreg:s7], $0x5FFFF  }
0xac: {  	[dreg:$0x1] =	wrdreg $0xFFFFFFFF  }
0xad: {  	[dreg:$0x0] =	wrdreg $0x60  }
0xae: {  	[dreg:$0x2] =	wrdreg s2  }
0xaf: {  	[dreg:$0x3] =	wrdreg s24  }
0xb0: {  	[dreg:$0x4] =	wrdreg $0x9  }
0xb1: {  	_ =	task.clear_ibuf [dreg:s7], $0x5FFFF;
	_ =	strace $0x90000046  }
0xb2: {  	s29 =	simm.s32 $0x9;
	_ =	strace $0x80000048  }
0xb3: {  	_ =	swait.ge [sflag:s29], $0x1  }
0xb4: {  	[sflag:s29] =	ssyncadd.s32 $0xFFFFFFFF  }
0xb5: {  	_ =	strace $0x90000048  }
0xb6: {  	_ =	sfence  }
0xb7: {  	s30 =	sld [smem:$0x0];
	_ =	sdelay $0x2  }
0xb8: {  	s31 =	sshll.u32 s1, $0xD;
	s1 =	sshrl.u32 s1, $0x2  }
0xb9: {  	s3 =	sand.u32 $0x4000, s31;
	s1 =	sadd.s32 s1, s30  }
0xba: {  	s0 =	sor.u32 s3, s0;
	s1 =	sshll.u32 s1, $0x11  }
0xbb: {  	s0 =	sor.u32 s1, s0  }
0xbc: {  	s0 =	sadd.s32 $0x8F2B, s0  }
0xbd: {  	[sflag:s0] =	ssyncadd.remote.s32 $0x1  }
0xbe: {  	_ =	sfence.sel $0xFFFF  }
0xbf: {  	[dreg:$0x0] =	wrdreg $0xFFFFFFFF;
	(pc) =	sbr.abs _section_cstart, $3  }
0xc0: {  	[dreg:$0x1] =	wrdreg $0xFFFFFFFF  }
0xc1: {  	_ =	task.clear_ibuf [dreg:s7], $0x2FFFF;
	_ =	strace $0x9FFFFFFF  }
0xc2: {  	(tm) =	ssettm $0x7FFFFFFF  }
0xc3: {  	_ =	shalt  }
tec
execute0_lowered:
.L_overlay_start_1:
0x0: {  	(tag) =	ssettag $0x1  }
0x1: {  	s1 =	stileid.u32  }
0x2: {  	p0 =	sgt.u32 s1, $0x3  }
.Ltmp0:
0x3: {  	_ = 	snop;
	(pc) =	sbr.rel @p0 .LBB2_4-.Ltmp0, $4  }
0x4: {  	s3 =	rddreg [dreg:$0x0]  }
0x5: {  	s12 =	rddreg [dreg:$0x1];
	s2 =	simm.s32 $0x0  }
0x6: {  	[smem:$0x7FF] =	sst s2  }
0x7: {  	s0 =	rddreg [dreg:$0x2];
	_ =	strace $0x80000047  }
0x8: {  	s4 =	srdreg.scid  }
0x9: {  	s30 =	sshll.u32 s1, $0x1;
	s13 =	sand.u32 $0x1, s4  }
0xa: {  	s14 =	sor.u32 s13, s30  }
0xb: {  	s4 =	sshll.u32 s14, $0x1  }
0xc: {  	s4 =	sadd.s32 s3, s4;
	s3 =	simm.s32 $0x2  }
0xd: {  	[tilespmem:s2], [sflag:$0x2] =	stream.linear.gather [hbm4b:s4+s2], $0x10, $0x38;
	[tilespmem:$0x1100] =	vst v63  }
0xe: {  	_ =	swait.ge [sflag:s3], $0x10  }
0xf: {  	[sflag:s3] =	ssyncset.done $0x0  }
0x10: {  	[sflag:s3] =	ssyncadd.s32 $0xFFFFFFF0  }
0x11: {  	v0 =	vld [tilespmem:$0x0];
	_ =	sdelay $0x4  }
0x12: {  	v1 =	vshra.s32 v0, $0x1F  }
0x13: {  	v1 =	vshrl.u32 v1, $0x1D  }
0x14: {  	v0 =	vadd.s32 v1, v0  }
0x15: {  	s5 =	sadd.s32 $0x1E00, s12;
	s6 =	simm.s32 $0x10;
	v0 =	vshra.s32 v0, $0x3  }
0x16: {  	s7 =	simm.s32 $0x80;
	s8 =	simm.s32 $0x100;
	s9 =	simm.s32 $0x1;
	[tilespmem:$0x80] =	vst v0  }
0x17: {  	[tilespmem:s8], [sflag:$0x1] =	stream.indirect.gather [hbm4b:s5+s6], $0x80, s7, s6, $0xb8;
	[tilespmem:$0x1100] =	vst v63  }
0x18: {  	_ =	swait.ge [sflag:s9], $0x800  }
0x19: {  	s10 =	sadd.s32 $0x3E00, s12;
	[sflag:s9] =	ssyncset.done $0x0  }
0x1a: {  	s11 =	simm.s32 $0x900;
	s13 =	ssub.s32 $0x2, s13;
	[sflag:s9] =	ssyncadd.s32 $0xFFFFF800  }
0x1b: {  	[tilespmem:s11], [sflag:$0x1] =	stream.indirect.gather [hbm4b:s10+s6], $0x80, s7, s6, $0xb8;
	[tilespmem:$0x1100] =	vst v63  }
0x1c: {  	s14 =	sshll.u32 s14, $0x8;
	s15 =	sshrl.u32 s13, $0x1;
	_ =	swait.ge [sflag:s9], $0x800  }
0x1d: {  	s14 =	sadd.s32 s14, s12;
	s15 =	ssub.s32 s13, s15;
	[sflag:s9] =	ssyncset.done $0x0  }
0x1e: {  	s12 =	sadd.s32 $0x5E00, s14;
	s31 =	smax.u32 s15, $0x1;
	[sflag:s9] =	ssyncadd.s32 $0xFFFFF800  }
0x1f: {  	[hbm4b:s12+s2] =	stream.linear.scatter [tilespmem:s8], [sflag:$0x2], $0x800, $0x38;
	[tilespmem:$0x1100] =	vst v63  }
0x20: {  	p0 =	sne.s32 s31, $0x1;
	_ =	swait.ge [sflag:s3], $0x800  }
.Ltmp1:
0x21: {  	[sflag:s3] =	ssyncset.done $0x0;
	(pc) =	sbr.rel @!p0 .LBB2_3-.Ltmp1, $4  }
0x22: {  	s13 =	sadd.s32 $0x6600, s14;
	[sflag:s3] =	ssyncadd.s32 $0xFFFFF800  }
0x23: {  	[hbm4b:s13+s2] =	stream.linear.scatter [tilespmem:s11], [sflag:$0x2], $0x800, $0x38;
	[tilespmem:$0x1100] =	vst v63  }
0x24: {  	_ =	swait.ge [sflag:s3], $0x800  }
0x25: {  	s14 =	sadd.s32 $0xFFFFFFFF, s31;
	[sflag:s3] =	ssyncset.done $0x0  }
.LBB2_2:
0x26: {  	p0 =	sne.s32 s14, $0x1;
	s14 =	sadd.s32 $0xFFFFFFFF, s14;
	[sflag:s3] =	ssyncadd.s32 $0xFFFFF800  }
0x27: {  	[tilespmem:s2], [sflag:$0x2] =	stream.linear.gather [hbm4b:s4+s2], $0x10, $0x38;
	[tilespmem:$0x1100] =	vst v63  }
0x28: {  	_ =	swait.ge [sflag:s3], $0x10  }
0x29: {  	[sflag:s3] =	ssyncset.done $0x0  }
0x2a: {  	[sflag:s3] =	ssyncadd.s32 $0xFFFFFFF0  }
0x2b: {  	v0 =	vld [tilespmem:$0x0];
	_ =	sdelay $0x4  }
0x2c: {  	v1 =	vshra.s32 v0, $0x1F  }
0x2d: {  	v1 =	vshrl.u32 v1, $0x1D  }
0x2e: {  	v0 =	vadd.s32 v1, v0  }
0x2f: {  	v0 =	vshra.s32 v0, $0x3  }
0x30: {  	[tilespmem:$0x80] =	vst v0  }
0x31: {  	[tilespmem:s8], [sflag:$0x1] =	stream.indirect.gather [hbm4b:s5+s6], $0x80, s7, s6, $0xb8;
	[tilespmem:$0x1100] =	vst v63  }
0x32: {  	_ =	swait.ge [sflag:s9], $0x800  }
0x33: {  	[sflag:s9] =	ssyncset.done $0x0  }
0x34: {  	[sflag:s9] =	ssyncadd.s32 $0xFFFFF800  }
0x35: {  	[tilespmem:s11], [sflag:$0x1] =	stream.indirect.gather [hbm4b:s10+s6], $0x80, s7, s6, $0xb8;
	[tilespmem:$0x1100] =	vst v63  }
0x36: {  	_ =	swait.ge [sflag:s9], $0x800  }
0x37: {  	[sflag:s9] =	ssyncset.done $0x0  }
0x38: {  	[sflag:s9] =	ssyncadd.s32 $0xFFFFF800  }
0x39: {  	[hbm4b:s12+s2] =	stream.linear.scatter [tilespmem:s8], [sflag:$0x2], $0x800, $0x38;
	[tilespmem:$0x1100] =	vst v63  }
0x3a: {  	_ =	swait.ge [sflag:s3], $0x800  }
.Ltmp2:
0x3b: {  	[sflag:s3] =	ssyncset.done $0x0;
	(pc) =	sbr.rel @p0 .LBB2_2-.Ltmp2, $4  }
0x3c: {  	[sflag:s3] =	ssyncadd.s32 $0xFFFFF800  }
0x3d: {  	[hbm4b:s13+s2] =	stream.linear.scatter [tilespmem:s11], [sflag:$0x2], $0x800, $0x38;
	[tilespmem:$0x1100] =	vst v63  }
0x3e: {  	_ =	swait.ge [sflag:s3], $0x800  }
0x3f: {  	[sflag:s3] =	ssyncset.done $0x0  }
.LBB2_3:
0x40: {  	[sflag:s3] =	ssyncadd.s32 $0xFFFFF800  }
.LBB2_4:
0x41: {  	_ =	sfence.sel $0x180000  }
0x42: {  	[bflag:$0x0] =	sbarrier.arrive $0xFFFF  }
0x43: {  	p0 =	sne.s32 s1, $0x0;
	_ =	strace $0x90000047  }
0x44: {  	s0 =	sadd.s32 @!p0 $0x100000, s0;
	[bflag:$0x2] =	sbarrier.arrive $0xFFFF  }
0x45: {  	[sflag:s0] =	ssyncadd.tile.s32 @!p0 $0x1;
	_ =	shalt  }
.Lfunc_end2:
_tile_overlayer_lowered:
.L_overlay_start_2:
0x46: {  	(tag) =	ssettag $0x2  }
0x47: {  	s0 =	rddreg [dreg:$0x0];
	s2 =	stileid.u32  }
0x48: {  	s1 =	rddreg [dreg:$0x1];
	p0 =	sne.s32 s2, $0x0  }
0x49: {  	s3 =	rddreg [dreg:$0x2];
	[bflag:$0x3] =	sbarrier.arrive $0xFFFF;
	s2 =	simm.s32 @!p0 $0x1C02  }
0x4a: {  	[timem:s3], [sflag:s2] =	dma.local @!p0 [hbm:s0], s1  }
0x4b: {  	s0 =	simm.s32 @!p0 $0x2  }
0x4c: {  	_ =	swait.ge @!p0 [sflag:s0], s1  }
0x4d: {  	s1 =	ssub.s32 @!p0 $0x0, s1;
	[sflag:s0] =	ssyncset.done @!p0 $0x0  }
0x4e: {  	[sflag:s0] =	ssyncadd.s32 @!p0 s1  }
0x4f: {  	[bflag:$0x3] =	sbarrier.arrive $0xFFFF  }
0x50: {  	_ =	shalt  }

// kernel: kernel.9.cloned.1.call-start
scs
__scs_entry_jumppad:
0x0: {  	(pc) =	sbr.rel $0x88, $3  }
0x1: {  	(tag) =	ssettag $0x0;
	lr =	simm.s32 $0x1  }
0x2: {  	[smem:$0x3F9A] =	sst lr;
	_ =	strace $0xD0000000  }
0x3: {  	_ = 	snop  }
0x4: {  	_ = 	snop  }
0x5: {  	_ = 	snop  }
0x6: {  	_ = 	snop  }
0x7: {  	_ = 	snop  }
__scs_overlays_trampoline_lowered:
0x8: {  	[smem:$0x3FA9] =	sst s0  }
0x9: {  	[smem:$0x3FAA] =	sst s1  }
0xa: {  	[smem:$0x3FAB] =	sst s2  }
0xb: {  	[smem:$0x3FAC] =	sst s3  }
0xc: {  	[smem:$0x3FAD] =	sst s4  }
0xd: {  	[smem:$0x3FAE] =	sst s5  }
0xe: {  	[smem:$0x3FAF] =	sst s6  }
0xf: {  	[smem:$0x3FB0] =	sst s7  }
0x10: {  	[smem:$0x3FB1] =	sst s8  }
0x11: {  	[smem:$0x3FB2] =	sst s9;
	s0 =	simm.s32 @!p0 $0x0  }
0x12: {  	s1 =	sld [smem:$0x3F98];
	s0 =	simm.s32 @p0 $0x1  }
0x13: {  	[smem:$0x3FB3] =	sst s0;
	s0 =	simm.s32 @!p1 $0x0  }
0x14: {  	s2 =	sld [smem:$0x3F97];
	s0 =	simm.s32 @p1 $0x1  }
0x15: {  	[smem:$0x3FB4] =	sst s0;
	s0 =	simm.s32 @!p2 $0x0  }
0x16: {  	s3 =	sld [smem:$0x3FDB];
	s0 =	simm.s32 @p2 $0x1  }
0x17: {  	s4 =	simm.s32 $0x1BF5;
	[smem:$0x3FB6] =	sst s0  }
0x18: {  	s0 =	sld [smem:$0x3F99];
	_ =	swait.ge [sflag:s4], $0x0  }
0x19: {  	s7 =	sld [smem:$0x3F9A]  }
0x1a: {  	s8 =	sadd.s32 $0xFFFFE003, lr  }
0x1b: {  	s9 =	sadd.s32 $0xFFFFFEF7, lr;
	s5 =	simm.s32 $0xFFFFFFFF;
	p2 =	slt.u32 s8, $0xFFFFF086  }
0x1c: {  	p1 =	slt.u32 s9, $0xF7A;
	s5 =	simm.s32 @!p2 $0x0  }
0x1d: {  	s5 =	simm.s32 @p1 $0x1;
	p0 =	seq.s32 s7, s2  }
0x1e: {  	s7 =	smul.u32 @!p0 $0xF7A, s2;
	p2 =	seq.s32 @!p0 s5, $0x0  }
0x1f: {  	s9 =	smul.u32 $0xF7A, s1;
	s8 =	simm.s32 @!p0 $0x1BF5;
	p2 =	por !p2, p0  }
0x20: {  	[sflag:s8] =	ssyncset.s32 @!p0 $0xFFFFF086;
	s6 =	sadd.s32 @!p0 s3, s7;
	s7 =	simm.s32 @!p0 $0x108  }
0x21: {  	s3 =	sadd.s32 s3, s9;
	s6 =	sadd.s32 @!p0 $0x88, s6;
	s7 =	simm.s32 @p2 $0x1082  }
0x22: {  	[simem:s7], [sflag:s8] =	dma.local @!p0 [hbm:s6], $0xF7A  }
0x23: {  	s9 =	sor.u32 $0xD0000000, s2;
	s6 =	simm.s32 $0x108;
	_ =	swait.ge @!p0 [sflag:s8], $0x0  }
0x24: {  	s3 =	sadd.s32 $0x88, s3;
	s6 =	simm.s32 @!p1 $0x1082;
	[sflag:s4] =	ssyncset.s32 $0xFFFFF086  }
0x25: {  	[simem:s6], [sflag:s4] =	dma.local [hbm:s3], $0xF7A  }
0x26: {  	[smem:$0x3F9A] =	sst s1;
	(tag) =	ssettag s2;
	_ =	strace s9  }
0x27: {  	s1 =	sld [smem:$0x3FAA]  }
0x28: {  	s2 =	sld [smem:$0x3FAB]  }
0x29: {  	s4 =	sld [smem:$0x3FAD]  }
0x2a: {  	p0 =	seq.s32 s5, $0x0;
	s5 =	sld [smem:$0x3FAE]  }
0x2b: {  	s6 =	sld [smem:$0x3FAF]  }
0x2c: {  	s7 =	sld [smem:$0x3FB0]  }
0x2d: {  	s3 =	simm.s32 $0x108;
	s8 =	sld [smem:$0x3FB1]  }
0x2e: {  	s3 =	simm.s32 @!p0 $0x1082;
	s9 =	sld [smem:$0x3FB2]  }
0x2f: {  	lr =	sadd.s32 s0, s3;
	s0 =	sld [smem:$0x3FA9]  }
0x30: {  	s3 =	sld [smem:$0x3FAC]  }
0x31: {  	[smem:$0x3FB5] =	sst s10  }
0x32: {  	s10 =	sld [smem:$0x3FB3];
	_ =	sdelay $0x3  }
0x33: {  	p0 =	seq.s32 s10, $0x1;
	s10 =	sld [smem:$0x3FB5];
	_ =	sdelay $0x3  }
0x34: {  	[smem:$0x3FB5] =	sst s10  }
0x35: {  	s10 =	sld [smem:$0x3FB4];
	_ =	sdelay $0x3  }
0x36: {  	p1 =	seq.s32 s10, $0x1;
	s10 =	sld [smem:$0x3FB5];
	_ =	sdelay $0x3  }
0x37: {  	[smem:$0x3FB5] =	sst s10  }
0x38: {  	s10 =	sld [smem:$0x3FB6]  }
0x39: {  	_ = 	snop;
	(pc) =	sbr.ind lr, $3  }
0x3a: {  	_ = 	snop  }
0x3b: {  	_ = 	snop  }
0x3c: {  	p2 =	seq.s32 s10, $0x1;
	s10 =	sld [smem:$0x3FB5]  }
0x3d: {  	_ =	shalt  }
0x3e: {  	_ =	shalt  }
0x3f: {  	_ =	shalt  }
0x40: {  	_ =	shalt  }
0x41: {  	_ =	shalt  }
0x42: {  	_ =	shalt  }
0x43: {  	_ =	shalt  }
0x44: {  	_ =	shalt  }
0x45: {  	_ =	shalt  }
0x46: {  	_ =	shalt  }
0x47: {  	_ =	shalt  }
0x48: {  	_ =	shalt  }
0x49: {  	_ =	shalt  }
0x4a: {  	_ =	shalt  }
0x4b: {  	_ =	shalt  }
0x4c: {  	_ =	shalt  }
0x4d: {  	_ =	shalt  }
0x4e: {  	_ =	shalt  }
0x4f: {  	_ =	shalt  }
0x50: {  	_ =	shalt  }
0x51: {  	_ =	shalt  }
0x52: {  	_ =	shalt  }
0x53: {  	_ =	shalt  }
0x54: {  	_ =	shalt  }
0x55: {  	_ =	shalt  }
0x56: {  	_ =	shalt  }
0x57: {  	_ =	shalt  }
0x58: {  	_ =	shalt  }
0x59: {  	_ =	shalt  }
0x5a: {  	_ =	shalt  }
0x5b: {  	_ =	shalt  }
0x5c: {  	_ =	shalt  }
0x5d: {  	_ =	shalt  }
0x5e: {  	_ =	shalt  }
0x5f: {  	_ =	shalt  }
0x60: {  	_ =	shalt  }
0x61: {  	_ =	shalt  }
0x62: {  	_ =	shalt  }
0x63: {  	_ =	shalt  }
0x64: {  	_ =	shalt  }
0x65: {  	_ =	shalt  }
0x66: {  	_ =	shalt  }
0x67: {  	_ =	shalt  }
0x68: {  	_ =	shalt  }
0x69: {  	_ =	shalt  }
0x6a: {  	_ =	shalt  }
0x6b: {  	_ =	shalt  }
0x6c: {  	_ =	shalt  }
0x6d: {  	_ =	shalt  }
0x6e: {  	_ =	shalt  }
0x6f: {  	_ =	shalt  }
0x70: {  	_ =	shalt  }
0x71: {  	_ =	shalt  }
0x72: {  	_ =	shalt  }
0x73: {  	_ =	shalt  }
0x74: {  	_ =	shalt  }
0x75: {  	_ =	shalt  }
0x76: {  	_ =	shalt  }
0x77: {  	_ =	shalt  }
0x78: {  	_ =	shalt  }
0x79: {  	_ =	shalt  }
0x7a: {  	_ =	shalt  }
0x7b: {  	_ =	shalt  }
0x7c: {  	_ =	shalt  }
0x7d: {  	_ =	shalt  }
0x7e: {  	_ =	shalt  }
0x7f: {  	_ =	shalt  }
0x80: {  	_ =	shalt  }
0x81: {  	_ =	shalt  }
0x82: {  	_ =	shalt  }
0x83: {  	_ =	shalt  }
0x84: {  	_ =	shalt  }
0x85: {  	_ =	shalt  }
0x86: {  	_ =	shalt  }
0x87: {  	_ =	shalt  }
.Lfunc_end0:
.L_simem_size_0:
called_computation.1_lowered:
.L_overlay_start_0:
0x88: {  	s2 =	sld [smem:$0x3FD9]  }
0x89: {  	s3 =	sld [smem:$0x3FFE];
	_ =	sdelay $0x1  }
0x8a: {  	s1 =	srdreg.scid  }
0x8b: {  	s0 =	sand.u32 $0x1, s1  }
0x8c: {  	s17 =	sshll.u32 s0, $0xA;
	s2 =	sadd.s32 s3, s2  }
0x8d: {  	s2 =	sadd.s32 s2, s17  }
0x8e: {  	[smem:$0x3FC1] =	sst s2  }
0x8f: {  	_ = 	snop  }
0x90: {  	s2 =	sld [smem:$0x3FC7];
	(tm) =	ssettm $0x1  }
0x91: {  	s18 =	sld [smem:$0x3FFB];
	_ =	sdelay $0x3  }
0x92: {  	_ =	strace s18  }
0x93: {  	s3 =	sld [smem:$0x3FFC];
	_ =	sdelay $0x3  }
0x94: {  	_ =	strace s3  }
0x95: {  	s3 =	sld [smem:$0x3FFD];
	_ =	sdelay $0x3  }
0x96: {  	_ =	strace s3  }
0x97: {  	_ =	strace $0x8FFFFFFF  }
0x98: {  	s19 =	sld [smem:$0x3FDB];
	_ =	sdelay $0x1  }
0x99: {  	s4 =	simm.s32 $_scs_section_size  }
0x9a: {  	s5 =	simm.s32 $_size__tile_overlayer_lowered;
	s6 =	simm.s32 $_tile_overlayer_lowered  }
0x9b: {  	s22 =	simm.s32 $0x1BFF;
	s21 =	sshll.u32 s6, $0x1;
	s3 =	sadd.s32 s4, s19  }
0x9c: {  	s7 =	simm.s32 $0x0;
	s20 =	sshll.u32 s5, $0x1;
	s5 =	sadd.s32 s21, s3  }
0x9d: {  	[timem:s7], [sflag:s22] =	dma.local [hbm:s5], s20  }
0x9e: {  	_ =	swait.ge [sflag:s22], s20  }
0x9f: {  	s4 =	ssub.s32 $0x0, s20;
	[sflag:s22] =	ssyncset.done $0x0  }
0xa0: {  	[sflag:s22] =	ssyncadd.s32 s4;
	_ =	sdelay $0x1  }
0xa1: {  	s23 =	simm.s32 $0x1B8B  }
0xa2: {  	_ =	swait.ge [sflag:s23], $0x1  }
0xa3: {  	[sflag:s23] =	ssyncset.done $0x0  }
0xa4: {  	s25 =	simm.s32 $0x1B8E;
	s24 =	sld [smem:$0x3FFE];
	[sflag:s23] =	ssyncadd.s32 $0xFFFFFFFF  }
0xa5: {  	s26 =	simm.s32 $execute0_lowered;
	[smem:$0x3FD2] =	sst s25  }
0xa6: {  	s5 =	sshll.u32 s26, $0x1;
	_ =	strace $0x80000049;
	[dreg:$0x1] =	wrdreg $0xFFFFFFFF  }
0xa7: {  	s28 =	simm.s32 $_size_execute0_lowered;
	s3 =	sadd.s32 s3, s5;
	[dreg:$0x0] =	wrdreg $0x0  }
0xa8: {  	s5 =	sshll.u32 s28, $0x1;
	[dreg:$0x2] =	wrdreg s3  }
0xa9: {  	[dreg:$0x3] =	wrdreg s5  }
0xaa: {  	[dreg:$0x4] =	wrdreg $0xC0  }
0xab: {  	_ =	task [dreg:s7], $0x5FFFF  }
0xac: {  	[dreg:$0x1] =	wrdreg $0xFFFFFFFF  }
0xad: {  	[dreg:$0x0] =	wrdreg $0x60  }
0xae: {  	[dreg:$0x2] =	wrdreg s2  }
0xaf: {  	[dreg:$0x3] =	wrdreg s24  }
0xb0: {  	[dreg:$0x4] =	wrdreg $0x9  }
0xb1: {  	_ =	task.clear_ibuf [dreg:s7], $0x5FFFF;
	_ =	strace $0x90000049  }
0xb2: {  	s29 =	simm.s32 $0x9;
	_ =	strace $0x8000004B  }
0xb3: {  	_ =	swait.ge [sflag:s29], $0x1  }
0xb4: {  	[sflag:s29] =	ssyncadd.s32 $0xFFFFFFFF  }
0xb5: {  	_ =	strace $0x9000004B  }
0xb6: {  	_ =	sfence  }
0xb7: {  	s30 =	sld [smem:$0x0];
	_ =	sdelay $0x2  }
0xb8: {  	s31 =	sshll.u32 s1, $0xD;
	s1 =	sshrl.u32 s1, $0x2  }
0xb9: {  	s3 =	sand.u32 $0x4000, s31;
	s1 =	sadd.s32 s1, s30  }
0xba: {  	s0 =	sor.u32 s3, s0;
	s1 =	sshll.u32 s1, $0x11  }
0xbb: {  	s0 =	sor.u32 s1, s0  }
0xbc: {  	s0 =	sadd.s32 $0x8F2B, s0  }
0xbd: {  	[sflag:s0] =	ssyncadd.remote.s32 $0x1  }
0xbe: {  	_ =	sfence.sel $0xFFFF  }
0xbf: {  	[dreg:$0x0] =	wrdreg $0xFFFFFFFF;
	(pc) =	sbr.abs _section_cstart, $3  }
0xc0: {  	[dreg:$0x1] =	wrdreg $0xFFFFFFFF  }
0xc1: {  	_ =	task.clear_ibuf [dreg:s7], $0x2FFFF;
	_ =	strace $0x9FFFFFFF  }
0xc2: {  	(tm) =	ssettm $0x7FFFFFFF  }
0xc3: {  	_ =	shalt  }
tec
execute0_lowered:
.L_overlay_start_1:
0x0: {  	(tag) =	ssettag $0x1  }
0x1: {  	s1 =	srdreg.scid;
	s0 =	stileid.u32  }
0x2: {  	s13 =	sand.u32 $0x1, s1;
	s30 =	sshll.u32 s0, $0x1  }
0x3: {  	s2 =	rddreg [dreg:$0x0];
	s12 =	sor.u32 s13, s30  }
0x4: {  	s14 =	rddreg [dreg:$0x1];
	s6 =	smul.u32 $0xC0, s12  }
0x5: {  	s3 =	simm.s32 $0x0;
	s1 =	rddreg [dreg:$0x2]  }
0x6: {  	[smem:$0x7FF] =	sst s3;
	s7 =	sadd.s32 $0x1E00, s14;
	s4 =	sshrl.u32 s6, $0x3  }
0x7: {  	_ =	strace $0x8000004A;
	s5 =	sadd.s32 s7, s4;
	s4 =	simm.s32 $0x3  }
0x8: {  	[tilespmem:s3], [sflag:$0x3] =	stream.linear.gather [hbm4b:s5+s3], $0x60, $0x38;
	[tilespmem:$0x6100] =	vst v63  }
0x9: {  	s15 =	sadd.s32 $0x60, s6;
	_ =	swait.ge [sflag:s4], $0x60  }
0xa: {  	s6 =	sshrl.u32 s15, $0x3;
	[sflag:s4] =	ssyncset.done $0x0  }
0xb: {  	s6 =	sadd.s32 s7, s6;
	s7 =	simm.s32 $0x80;
	[sflag:s4] =	ssyncadd.s32 $0xFFFFFFA0  }
0xc: {  	[tilespmem:s7], [sflag:$0x3] =	stream.linear.gather [hbm4b:s6+s3], $0x60, $0x38;
	[tilespmem:$0x6100] =	vst v63  }
0xd: {  	_ =	swait.ge [sflag:s4], $0x60  }
0xe: {  	[sflag:s4] =	ssyncset.done $0x0  }
0xf: {  	s8 =	simm.s32 $0x60;
	s9 =	simm.s32 $0x100;
	[sflag:s4] =	ssyncadd.s32 $0xFFFFFFA0  }
0x10: {  	[tilespmem:s9], [sflag:$0x1] =	stream.indirect.gather [hbm4b:s2+s8], $0x80, s3, s8, $0xb8;
	[tilespmem:$0x6100] =	vst v63  }
0x11: {  	s10 =	simm.s32 $0x3100;
	s11 =	simm.s32 $0x1  }
0x12: {  	[tilespmem:s10], [sflag:$0x2] =	stream.indirect.gather [hbm4b:s2+s8], $0x80, s7, s8, $0xb8;
	[tilespmem:$0x6100] =	vst v63  }
0x13: {  	s12 =	smul.u32 $0xC00, s12;
	_ =	swait.ge [sflag:s11], $0x3000  }
0x14: {  	s14 =	sadd.s32 $0x2200, s14;
	[sflag:s11] =	ssyncset.done $0x0  }
0x15: {  	s16 =	ssub.s32 $0x2, s13;
	s12 =	sadd.s32 s14, s12;
	[sflag:s11] =	ssyncadd.s32 $0xFFFFD000  }
0x16: {  	[hbm4b:s12+s3] =	stream.linear.scatter [tilespmem:s9], [sflag:$0x3], $0x3000, $0x38;
	[tilespmem:$0x6100] =	vst v63  }
0x17: {  	s17 =	sshrl.u32 s16, $0x1;
	_ =	swait.ge [sflag:s4], $0x3000  }
0x18: {  	s16 =	ssub.s32 s16, s17;
	[sflag:s4] =	ssyncset.done $0x0  }
0x19: {  	s13 =	simm.s32 $0x2;
	s31 =	smax.u32 s16, $0x1;
	[sflag:s4] =	ssyncadd.s32 $0xFFFFD000  }
0x1a: {  	p0 =	sne.s32 s31, $0x1;
	_ =	swait.ge [sflag:s13], $0x3000  }
.Ltmp0:
0x1b: {  	s15 =	sshll.u32 s15, $0x4;
	[sflag:s13] =	ssyncset.done $0x0;
	(pc) =	sbr.rel @!p0 .LBB2_2-.Ltmp0, $4  }
0x1c: {  	s14 =	sadd.s32 s14, s15;
	[sflag:s13] =	ssyncadd.s32 $0xFFFFD000  }
0x1d: {  	[hbm4b:s14+s3] =	stream.linear.scatter [tilespmem:s10], [sflag:$0x3], $0x3000, $0x38;
	[tilespmem:$0x6100] =	vst v63  }
0x1e: {  	_ =	swait.ge [sflag:s4], $0x3000  }
0x1f: {  	s15 =	sadd.s32 $0xFFFFFFFF, s31;
	[sflag:s4] =	ssyncset.done $0x0  }
.LBB2_1:
0x20: {  	p0 =	sne.s32 s15, $0x1;
	s15 =	sadd.s32 $0xFFFFFFFF, s15;
	[sflag:s4] =	ssyncadd.s32 $0xFFFFD000  }
0x21: {  	[tilespmem:s3], [sflag:$0x3] =	stream.linear.gather [hbm4b:s5+s3], $0x60, $0x38;
	[tilespmem:$0x6100] =	vst v63  }
0x22: {  	_ =	swait.ge [sflag:s4], $0x60  }
0x23: {  	[sflag:s4] =	ssyncset.done $0x0  }
0x24: {  	[sflag:s4] =	ssyncadd.s32 $0xFFFFFFA0  }
0x25: {  	[tilespmem:s7], [sflag:$0x3] =	stream.linear.gather [hbm4b:s6+s3], $0x60, $0x38;
	[tilespmem:$0x6100] =	vst v63  }
0x26: {  	_ =	swait.ge [sflag:s4], $0x60  }
0x27: {  	[sflag:s4] =	ssyncset.done $0x0  }
0x28: {  	[sflag:s4] =	ssyncadd.s32 $0xFFFFFFA0  }
0x29: {  	[tilespmem:s9], [sflag:$0x1] =	stream.indirect.gather [hbm4b:s2+s8], $0x80, s3, s8, $0xb8;
	[tilespmem:$0x6100] =	vst v63  }
0x2a: {  	_ = 	snop  }
0x2b: {  	[tilespmem:s10], [sflag:$0x2] =	stream.indirect.gather [hbm4b:s2+s8], $0x80, s7, s8, $0xb8;
	[tilespmem:$0x6100] =	vst v63  }
0x2c: {  	_ =	swait.ge [sflag:s11], $0x3000  }
0x2d: {  	[sflag:s11] =	ssyncset.done $0x0  }
0x2e: {  	[sflag:s11] =	ssyncadd.s32 $0xFFFFD000  }
0x2f: {  	[hbm4b:s12+s3] =	stream.linear.scatter [tilespmem:s9], [sflag:$0x3], $0x3000, $0x38;
	[tilespmem:$0x6100] =	vst v63  }
0x30: {  	_ =	swait.ge [sflag:s4], $0x3000  }
0x31: {  	[sflag:s4] =	ssyncset.done $0x0  }
0x32: {  	[sflag:s4] =	ssyncadd.s32 $0xFFFFD000  }
0x33: {  	_ =	swait.ge [sflag:s13], $0x3000  }
.Ltmp1:
0x34: {  	[sflag:s13] =	ssyncset.done $0x0;
	(pc) =	sbr.rel @p0 .LBB2_1-.Ltmp1, $4  }
0x35: {  	[sflag:s13] =	ssyncadd.s32 $0xFFFFD000  }
0x36: {  	[hbm4b:s14+s3] =	stream.linear.scatter [tilespmem:s10], [sflag:$0x3], $0x3000, $0x38;
	[tilespmem:$0x6100] =	vst v63  }
0x37: {  	_ =	swait.ge [sflag:s4], $0x3000  }
0x38: {  	[sflag:s4] =	ssyncset.done $0x0  }
.LBB2_2:
0x39: {  	[sflag:s4] =	ssyncadd.s32 $0xFFFFD000  }
0x3a: {  	_ =	sfence.sel $0x180000  }
0x3b: {  	[bflag:$0x0] =	sbarrier.arrive $0xFFFF  }
0x3c: {  	p0 =	sne.s32 s0, $0x0;
	_ =	strace $0x9000004A  }
0x3d: {  	s0 =	sadd.s32 @!p0 $0x100000, s1;
	[bflag:$0x2] =	sbarrier.arrive $0xFFFF  }
0x3e: {  	[sflag:s0] =	ssyncadd.tile.s32 @!p0 $0x1;
	_ =	shalt  }
.Lfunc_end2:
_tile_overlayer_lowered:
.L_overlay_start_2:
0x3f: {  	(tag) =	ssettag $0x2  }
0x40: {  	s0 =	rddreg [dreg:$0x0];
	s2 =	stileid.u32  }
0x41: {  	s1 =	rddreg [dreg:$0x1];
	p0 =	sne.s32 s2, $0x0  }
0x42: {  	s3 =	rddreg [dreg:$0x2];
	[bflag:$0x3] =	sbarrier.arrive $0xFFFF;
	s2 =	simm.s32 @!p0 $0x1C03  }
0x43: {  	[timem:s3], [sflag:s2] =	dma.local @!p0 [hbm:s0], s1  }
0x44: {  	s0 =	simm.s32 @!p0 $0x3  }
0x45: {  	_ =	swait.ge @!p0 [sflag:s0], s1  }
0x46: {  	s1 =	ssub.s32 @!p0 $0x0, s1;
	[sflag:s0] =	ssyncset.done @!p0 $0x0  }
0x47: {  	[sflag:s0] =	ssyncadd.s32 @!p0 s1  }
0x48: {  	[bflag:$0x3] =	sbarrier.arrive $0xFFFF  }
0x49: {  	_ =	shalt  }

</sc_bundles>
